<compile_context>
chip_gen: v7x
topology: tpu7x:2x2x1
jax: 0.10.2.dev20260603
libtpu: 0.0.44.dev20260713+nightly
codegen_flags: <defaults>
</compile_context>

<pallas_src>
import functools

import jax
import jax.numpy as jnp
from jax import lax
from jax.experimental import pallas as pl
from jax.experimental.pallas import tpu as pltpu
from jax.experimental.pallas import tpu_sc as plsc

N_NODES = 10000
D_FEAT = 128
N_EDGES = 320000

N_CORES = 2
N_TILES = 16
N_WORKERS = N_CORES * N_TILES

N_PAD = 10240
CHUNK = 80
EDGES_PER_TILE = N_EDGES // N_WORKERS
N_CHUNKS = EDGES_PER_TILE // CHUNK
SEG = 25
N_SEGS = N_CHUNKS // SEG
RING_TRIPS = (SEG - 4) // 3
ROWS_PER_TILE = N_PAD // N_TILES


def _sc_partials(x, idx5):
    mesh = plsc.VectorSubcoreMesh(core_axis_name="c", subcore_axis_name="s")

    @functools.partial(
        pl.kernel,
        mesh=mesh,
        out_type=jax.ShapeDtypeStruct((N_CORES, N_PAD, D_FEAT), jnp.float32),
        scratch_types=[
            pltpu.VMEM((SEG, CHUNK), jnp.int32),
            pltpu.VMEM((SEG, CHUNK), jnp.int32),
            pltpu.VMEM((CHUNK, D_FEAT), jnp.float32),
            pltpu.VMEM((CHUNK, D_FEAT), jnp.float32),
            pltpu.VMEM((CHUNK, D_FEAT), jnp.float32),
            pltpu.VMEM_SHARED((N_PAD, D_FEAT), jnp.float32),
            pltpu.SemaphoreType.DMA,
            pltpu.SemaphoreType.DMA,
            pltpu.SemaphoreType.DMA,
            pltpu.SemaphoreType.DMA,
            pltpu.SemaphoreType.DMA,
            pltpu.SemaphoreType.DMA,
        ],
    )
    def k(
        x_hbm, idx_hbm, out_hbm,
        src_t, dst_t, r0, r1, r2, acc,
        gs0, gs1, gs2, ss0, ss1, ss2,
    ):
        c = lax.axis_index("c")
        s = lax.axis_index("s")
        wid = s * N_CORES + c
        rows = (r0, r1, r2)
        gs = (gs0, gs1, gs2)
        ss = (ss0, ss1, ss2)

        def fire_gather(j, b):
            pltpu.async_copy(x_hbm.at[src_t.at[j]], rows[b], gs[b])

        def wait_gather(j, b):
            pltpu.make_async_copy(x_hbm.at[src_t.at[j]], rows[b], gs[b]).wait()

        def fire_scatter(j, b):
            pltpu.async_copy(rows[b], acc.at[dst_t.at[j]], ss[b], add=True)

        def wait_scatter(j, b):
            pltpu.make_async_copy(rows[b], acc.at[dst_t.at[j]], ss[b]).wait()

        pltpu.sync_copy(idx_hbm.at[0, wid, 0], src_t)
        pltpu.sync_copy(idx_hbm.at[1, wid, 0], dst_t)
        fire_gather(0, 0)
        fire_gather(1, 1)

        zv = jnp.zeros((16,), jnp.float32)

        def zbody(i, carry):
            for kk in range(8):
                r2[i, pl.ds(kk * 16, 16)] = zv
            return carry

        lax.fori_loop(0, CHUNK, zbody, 0)
        for kk in range(ROWS_PER_TILE // CHUNK):
            pltpu.sync_copy(
                r2, acc.at[pl.ds(s * ROWS_PER_TILE + kk * CHUNK, CHUNK)]
            )
        plsc.subcore_barrier()

        for seg in range(N_SEGS):
            if seg > 0:
                pltpu.sync_copy(idx_hbm.at[0, wid, seg], src_t)
                pltpu.sync_copy(idx_hbm.at[1, wid, seg], dst_t)

                fire_gather(0, 0)
                fire_gather(1, 1)

            def body(t, carry):
                for kk in range(3):
                    j = 3 * t + kk
                    wait_gather(j, kk)
                    fire_scatter(j, kk)
                    prev = (kk + 2) % 3
                    if kk == 0:
                        @pl.when(t > 0)
                        def _():
                            wait_scatter(j - 1, prev)
                    else:
                        wait_scatter(j - 1, prev)
                    fire_gather(j + 2, prev)
                return carry

            lax.fori_loop(0, RING_TRIPS, body, 0)

            for j in range(SEG - 4, SEG):
                b = j % 3
                prev = (b + 2) % 3
                wait_gather(j, b)
                fire_scatter(j, b)
                wait_scatter(j - 1, prev)
                if j + 2 < SEG:
                    fire_gather(j + 2, prev)
            wait_scatter(SEG - 1, (SEG - 1) % 3)

        plsc.subcore_barrier()
        pltpu.sync_copy(
            acc.at[pl.ds(s * ROWS_PER_TILE, ROWS_PER_TILE)],
            out_hbm.at[c, pl.ds(s * ROWS_PER_TILE, ROWS_PER_TILE)],
        )

    return k(x, idx5)


COMB_ROWS = N_PAD // N_WORKERS
COMB_PIECE = 80


def _combine(partials):
    mesh = plsc.VectorSubcoreMesh(core_axis_name="c", subcore_axis_name="s")

    @functools.partial(
        pl.kernel,
        mesh=mesh,
        out_type=jax.ShapeDtypeStruct((N_NODES, D_FEAT), jnp.float32),
        scratch_types=[
            pltpu.VMEM((COMB_ROWS, D_FEAT), jnp.float32),
            pltpu.VMEM((COMB_ROWS, D_FEAT), jnp.float32),
            pltpu.SemaphoreType.DMA,
            pltpu.SemaphoreType.DMA,
            pltpu.SemaphoreType.DMA,
        ],
    )
    def k(p_hbm, out_hbm, a0, a1, sem0, sem1, sem2):
        c = lax.axis_index("c")
        s = lax.axis_index("s")
        wid = s * N_CORES + c
        base = wid * COMB_ROWS
        np = COMB_ROWS // COMB_PIECE
        last_w = wid == N_WORKERS - 1

        def piece(p):
            sl = pl.ds(p * COMB_PIECE, COMB_PIECE)
            hsl = pl.ds(base + p * COMB_PIECE, COMB_PIECE)
            return sl, hsl

        for p in range(np):
            sl, hsl = piece(p)
            pltpu.async_copy(p_hbm.at[0, hsl], a0.at[sl], sem0)
            pltpu.async_copy(p_hbm.at[1, hsl], a1.at[sl], sem1)

        for p in range(np):
            sl, hsl = piece(p)
            pltpu.make_async_copy(p_hbm.at[0, hsl], a0.at[sl], sem0).wait()
            pltpu.make_async_copy(p_hbm.at[1, hsl], a1.at[sl], sem1).wait()

            def body(i, carry):
                for kk in range(8):
                    vsl = pl.ds(kk * 16, 16)
                    row = p * COMB_PIECE + i
                    a0[row, vsl] = a0[row, vsl] + a1[row, vsl]
                return carry

            lax.fori_loop(0, COMB_PIECE, body, 0)

            if p == 0:
                pltpu.async_copy(a0.at[sl], out_hbm.at[hsl], sem2)
            else:
                @pl.when(jnp.logical_not(last_w))
                def _():
                    pltpu.async_copy(a0.at[sl], out_hbm.at[hsl], sem2)

        for p in range(np):
            sl, hsl = piece(p)
            if p == 0:
                pltpu.make_async_copy(a0.at[sl], out_hbm.at[hsl], sem2).wait()
            else:
                @pl.when(jnp.logical_not(last_w))
                def _():
                    pltpu.make_async_copy(
                        a0.at[sl], out_hbm.at[hsl], sem2
                    ).wait()

    return k(partials)


def kernel(x, edge_index):
    idx5 = edge_index.reshape(2, N_WORKERS, N_SEGS, SEG, CHUNK)
    partials = _sc_partials(x, idx5)
    return _combine(partials)

# --- scband reference (transcript-rebuilt; emitter-appended) ---
"""Pipeline reference for scband-message-passing-62826781605910 (READ-ONLY COPY).

The authoritative reference and input builder live on the scoring server;
editing this copy changes nothing except your own understanding.
"""

import jax, jax.numpy as jnp
import numpy as np

N_NODES = 10000
D_FEAT = 128
N_EDGES = 320000


def setup_inputs(seed: int = 0) -> dict:
    key = jax.random.key(seed)
    k1, k2 = jax.random.split(key)
    x = jax.random.normal(k1, (N_NODES, D_FEAT), dtype=jnp.float32)
    edge_index = jax.random.randint(k2, (2, N_EDGES), 0, N_NODES, dtype=jnp.int32)
    return {"x": x, "edge_index": edge_index}


def reference(x, edge_index):
    # MessagePassing.propagate with flow='source_to_target', aggr='add':
    #   j = edge_index[0] (source), i = edge_index[1] (target)
    #   message(x_j) = x_j  -> gather along node_dim=-2
    #   aggregate: scatter-add of messages into index i, dim_size = N
    #   update: identity
    src = edge_index[0]
    dst = edge_index[1]
    msgs = jnp.take(x, src, axis=0)  # x_j, shape [E, d]
    out = jax.ops.segment_sum(msgs, dst, num_segments=x.shape[0])
    return out

if __name__ == "__main__":
    import jax
    _d = setup_inputs()
    print(jax.jit(kernel)(*tuple(_d.values())))

</pallas_src>

<mosaic_0001>
#map = affine_map<(d0, d1) -> (0, 0)>
#map1 = affine_map<(d0, d1) -> (0, 0, 0, 0, 0)>
#map2 = affine_map<(d0, d1) -> (0, 0, 0)>
module attributes {stable_mosaic.version = 14 : i64} {
  func.func @k(%arg0: i32, %arg1: i32, %arg2: memref<10000x128xf32, #tpu.memory_space<hbm>>, %arg3: memref<2x32x5x25x80xi32, #tpu.memory_space<hbm>>, %arg4: memref<2x10240x128xf32, #tpu.memory_space<hbm>>, %arg5: memref<25x80xi32, #tpu.memory_space<vmem>>, %arg6: memref<25x80xi32, #tpu.memory_space<vmem>>, %arg7: memref<80x128xf32, #tpu.memory_space<vmem>>, %arg8: memref<80x128xf32, #tpu.memory_space<vmem>>, %arg9: memref<80x128xf32, #tpu.memory_space<vmem>>, %arg10: memref<10240x128xf32, #tpu.memory_space<vmem_shared>>, %arg11: memref<!tpu.dma_semaphore, #tpu.memory_space<semaphore_mem>>, %arg12: memref<!tpu.dma_semaphore, #tpu.memory_space<semaphore_mem>>, %arg13: memref<!tpu.dma_semaphore, #tpu.memory_space<semaphore_mem>>, %arg14: memref<!tpu.dma_semaphore, #tpu.memory_space<semaphore_mem>>, %arg15: memref<!tpu.dma_semaphore, #tpu.memory_space<semaphore_mem>>, %arg16: memref<!tpu.dma_semaphore, #tpu.memory_space<semaphore_mem>>) attributes {dimension_semantics = [#tpu.dimension_semantics<core_parallel>, #tpu.dimension_semantics<subcore_parallel>], iteration_bounds = array<i64: 2, 16>, scalar_prefetch = 0 : i64, scratch_operands = 12 : i64, tpu.core_type = #tpu.core_type<sc_vector_subcore>, window_params = [{transform_indices = #map}, {transform_indices = #map1}, {transform_indices = #map2}]} {
    %mul3A = arith.constant 2 : i32
    %mul3A_0 = arith.muli %arg1, %mul3A : i32
    %add3A = arith.addi %mul3A_0, %arg0 : i32
    %run_scoped3A = arith.constant 0 : i32
    %run_scoped3A_1 = arith.constant 0 : i32
    "tpu.region"() ({
      %run_scoped3A_686 = tpu.sem_alloc : memref<!tpu.dma_semaphore, #tpu.memory_space<semaphore_mem>>
      %dma_start3A_687 = arith.constant 0 : i32
      %dma_start3A_688 = arith.constant 0 : i32
      %dma_start3A_689 = tpu.memref_slice %arg3[%run_scoped3A, %add3A, %run_scoped3A_1, %dma_start3A_687, %dma_start3A_688] : memref<2x32x5x25x80xi32, #tpu.memory_space<hbm>> -> memref<1x1x1x25x80xi32, #tpu.memory_space<hbm>>
      %dma_start3A_690 = tpu.memref_squeeze %dma_start3A_689 : memref<1x1x1x25x80xi32, #tpu.memory_space<hbm>> -> memref<25x80xi32, #tpu.memory_space<hbm>>
      %dma_start3A_691 = arith.constant 0 : i32
      %dma_start3A_692 = arith.constant 0 : i32
      %dma_start3A_693 = tpu.memref_slice %arg3[%run_scoped3A, %add3A, %run_scoped3A_1, %dma_start3A_691, %dma_start3A_692] : memref<2x32x5x25x80xi32, #tpu.memory_space<hbm>> -> memref<1x1x1x25x80xi32, #tpu.memory_space<hbm>>
      %dma_start3A_694 = tpu.memref_squeeze %dma_start3A_693 : memref<1x1x1x25x80xi32, #tpu.memory_space<hbm>> -> memref<25x80xi32, #tpu.memory_space<hbm>>
      tpu.enqueue_dma source(%dma_start3A_694 : memref<25x80xi32, #tpu.memory_space<hbm>>) target(%arg5 : memref<25x80xi32, #tpu.memory_space<vmem>>) target_semaphore(%run_scoped3A_686 : memref<!tpu.dma_semaphore, #tpu.memory_space<semaphore_mem>>)
      %dma_wait3A_695 = arith.constant 0 : i32
      %dma_wait3A_696 = arith.constant 0 : i32
      %dma_wait3A_697 = tpu.memref_slice %arg3[%run_scoped3A, %add3A, %run_scoped3A_1, %dma_wait3A_695, %dma_wait3A_696] : memref<2x32x5x25x80xi32, #tpu.memory_space<hbm>> -> memref<1x1x1x25x80xi32, #tpu.memory_space<hbm>>
      %dma_wait3A_698 = tpu.memref_squeeze %dma_wait3A_697 : memref<1x1x1x25x80xi32, #tpu.memory_space<hbm>> -> memref<25x80xi32, #tpu.memory_space<hbm>>
      %dma_wait3A_699 = arith.constant 0 : i32
      %dma_wait3A_700 = arith.constant 0 : i32
      %dma_wait3A_701 = tpu.memref_slice %arg3[%run_scoped3A, %add3A, %run_scoped3A_1, %dma_wait3A_699, %dma_wait3A_700] : memref<2x32x5x25x80xi32, #tpu.memory_space<hbm>> -> memref<1x1x1x25x80xi32, #tpu.memory_space<hbm>>
      %dma_wait3A_702 = tpu.memref_squeeze %dma_wait3A_701 : memref<1x1x1x25x80xi32, #tpu.memory_space<hbm>> -> memref<25x80xi32, #tpu.memory_space<hbm>>
      tpu.wait_dma2 semaphore(%run_scoped3A_686 : memref<!tpu.dma_semaphore, #tpu.memory_space<semaphore_mem>>) src(%dma_wait3A_702 : memref<25x80xi32, #tpu.memory_space<hbm>>) dst(%arg5 : memref<25x80xi32, #tpu.memory_space<vmem>>)
      tpu.yield
    }) : () -> ()
    %run_scoped3A_2 = arith.constant 1 : i32
    %run_scoped3A_3 = arith.constant 0 : i32
    "tpu.region"() ({
      %run_scoped3A_686 = tpu.sem_alloc : memref<!tpu.dma_semaphore, #tpu.memory_space<semaphore_mem>>
      %dma_start3A_687 = arith.constant 0 : i32
      %dma_start3A_688 = arith.constant 0 : i32
      %dma_start3A_689 = tpu.memref_slice %arg3[%run_scoped3A_2, %add3A, %run_scoped3A_3, %dma_start3A_687, %dma_start3A_688] : memref<2x32x5x25x80xi32, #tpu.memory_space<hbm>> -> memref<1x1x1x25x80xi32, #tpu.memory_space<hbm>>
      %dma_start3A_690 = tpu.memref_squeeze %dma_start3A_689 : memref<1x1x1x25x80xi32, #tpu.memory_space<hbm>> -> memref<25x80xi32, #tpu.memory_space<hbm>>
      %dma_start3A_691 = arith.constant 0 : i32
      %dma_start3A_692 = arith.constant 0 : i32
      %dma_start3A_693 = tpu.memref_slice %arg3[%run_scoped3A_2, %add3A, %run_scoped3A_3, %dma_start3A_691, %dma_start3A_692] : memref<2x32x5x25x80xi32, #tpu.memory_space<hbm>> -> memref<1x1x1x25x80xi32, #tpu.memory_space<hbm>>
      %dma_start3A_694 = tpu.memref_squeeze %dma_start3A_693 : memref<1x1x1x25x80xi32, #tpu.memory_space<hbm>> -> memref<25x80xi32, #tpu.memory_space<hbm>>
      tpu.enqueue_dma source(%dma_start3A_694 : memref<25x80xi32, #tpu.memory_space<hbm>>) target(%arg6 : memref<25x80xi32, #tpu.memory_space<vmem>>) target_semaphore(%run_scoped3A_686 : memref<!tpu.dma_semaphore, #tpu.memory_space<semaphore_mem>>)
      %dma_wait3A_695 = arith.constant 0 : i32
      %dma_wait3A_696 = arith.constant 0 : i32
      %dma_wait3A_697 = tpu.memref_slice %arg3[%run_scoped3A_2, %add3A, %run_scoped3A_3, %dma_wait3A_695, %dma_wait3A_696] : memref<2x32x5x25x80xi32, #tpu.memory_space<hbm>> -> memref<1x1x1x25x80xi32, #tpu.memory_space<hbm>>
      %dma_wait3A_698 = tpu.memref_squeeze %dma_wait3A_697 : memref<1x1x1x25x80xi32, #tpu.memory_space<hbm>> -> memref<25x80xi32, #tpu.memory_space<hbm>>
      %dma_wait3A_699 = arith.constant 0 : i32
      %dma_wait3A_700 = arith.constant 0 : i32
      %dma_wait3A_701 = tpu.memref_slice %arg3[%run_scoped3A_2, %add3A, %run_scoped3A_3, %dma_wait3A_699, %dma_wait3A_700] : memref<2x32x5x25x80xi32, #tpu.memory_space<hbm>> -> memref<1x1x1x25x80xi32, #tpu.memory_space<hbm>>
      %dma_wait3A_702 = tpu.memref_squeeze %dma_wait3A_701 : memref<1x1x1x25x80xi32, #tpu.memory_space<hbm>> -> memref<25x80xi32, #tpu.memory_space<hbm>>
      tpu.wait_dma2 semaphore(%run_scoped3A_686 : memref<!tpu.dma_semaphore, #tpu.memory_space<semaphore_mem>>) src(%dma_wait3A_702 : memref<25x80xi32, #tpu.memory_space<hbm>>) dst(%arg6 : memref<25x80xi32, #tpu.memory_space<vmem>>)
      tpu.yield
    }) : () -> ()
    %dma_start3A = arith.constant 0 : i32
    %dma_start3A_4 = arith.constant 0 : i32
    %dma_start3A_5 = tpu.memref_slice %arg5[%dma_start3A, %dma_start3A_4] : memref<25x80xi32, #tpu.memory_space<vmem>> -> memref<1x80xi32, #tpu.memory_space<vmem>>
    %dma_start3A_6 = tpu.memref_squeeze %dma_start3A_5 : memref<1x80xi32, #tpu.memory_space<vmem>> -> memref<80xi32, #tpu.memory_space<vmem>>
    %dma_start3A_7 = arith.constant 0 : i32
    %dma_start3A_8 = arith.constant 0 : i32
    %dma_start3A_9 = tpu.memref_slice %arg2[%dma_start3A_7, %dma_start3A_8] : memref<10000x128xf32, #tpu.memory_space<hbm>> -> memref<10000x128xf32, #tpu.memory_space<hbm>>
    tpu.enqueue_indirect_dma source(%dma_start3A_9 : memref<10000x128xf32, #tpu.memory_space<hbm>>) target(%arg7 : memref<80x128xf32, #tpu.memory_space<vmem>>) offsets(%dma_start3A_6 : memref<80xi32, #tpu.memory_space<vmem>>) semaphore(%arg11 : memref<!tpu.dma_semaphore, #tpu.memory_space<semaphore_mem>>)
    %dma_start3A_10 = arith.constant 1 : i32
    %dma_start3A_11 = arith.constant 0 : i32
    %dma_start3A_12 = tpu.memref_slice %arg5[%dma_start3A_10, %dma_start3A_11] : memref<25x80xi32, #tpu.memory_space<vmem>> -> memref<1x80xi32, #tpu.memory_space<vmem>>
    %dma_start3A_13 = tpu.memref_squeeze %dma_start3A_12 : memref<1x80xi32, #tpu.memory_space<vmem>> -> memref<80xi32, #tpu.memory_space<vmem>>
    %dma_start3A_14 = arith.constant 0 : i32
    %dma_start3A_15 = arith.constant 0 : i32
    %dma_start3A_16 = tpu.memref_slice %arg2[%dma_start3A_14, %dma_start3A_15] : memref<10000x128xf32, #tpu.memory_space<hbm>> -> memref<10000x128xf32, #tpu.memory_space<hbm>>
    tpu.enqueue_indirect_dma source(%dma_start3A_16 : memref<10000x128xf32, #tpu.memory_space<hbm>>) target(%arg8 : memref<80x128xf32, #tpu.memory_space<vmem>>) offsets(%dma_start3A_13 : memref<80xi32, #tpu.memory_space<vmem>>) semaphore(%arg12 : memref<!tpu.dma_semaphore, #tpu.memory_space<semaphore_mem>>)
    %broadcast_in_dim3A = arith.constant 0.000000e+00 : f32
    %broadcast_in_dim3A_17 = vector.broadcast %broadcast_in_dim3A : f32 to vector<16xf32>
    %scan3A = arith.constant 0 : i32
    %scan3A_18 = arith.constant 0 : i32
    %scan3A_19 = arith.constant 80 : i32
    %scan3A_20 = arith.addi %scan3A_18, %scan3A_19 : i32
    %scan3A_21 = arith.constant 1 : i32
    scf.for %scan3A_686 = %scan3A_18 to %scan3A_20 step %scan3A_21  : i32 {
      %swap3A = arith.index_cast %scan3A_686 : i32 to index
      %swap3A_687 = arith.constant 0 : index
      %swap3A_688 = tpu.vector_load %arg9[%swap3A, %swap3A_687] {strides = array<i32>} : memref<80x128xf32, #tpu.memory_space<vmem>>, vector<1x16xf32>,
      %swap3A_689 = vector.shape_cast %swap3A_688 : vector<1x16xf32> to vector<16xf32>
      %swap3A_690 = vector.shape_cast %broadcast_in_dim3A_17 : vector<16xf32> to vector<1x16xf32>
      tpu.vector_store %arg9[%swap3A, %swap3A_687], %swap3A_690 {strides = array<i32>} : memref<80x128xf32, #tpu.memory_space<vmem>>, vector<1x16xf32>,
      %swap3A_691 = arith.index_cast %scan3A_686 : i32 to index
      %swap3A_692 = arith.constant 16 : index
      %swap3A_693 = tpu.vector_load %arg9[%swap3A_691, %swap3A_692] {strides = array<i32>} : memref<80x128xf32, #tpu.memory_space<vmem>>, vector<1x16xf32>,
      %swap3A_694 = vector.shape_cast %swap3A_693 : vector<1x16xf32> to vector<16xf32>
      %swap3A_695 = vector.shape_cast %broadcast_in_dim3A_17 : vector<16xf32> to vector<1x16xf32>
      tpu.vector_store %arg9[%swap3A_691, %swap3A_692], %swap3A_695 {strides = array<i32>} : memref<80x128xf32, #tpu.memory_space<vmem>>, vector<1x16xf32>,
      %swap3A_696 = arith.index_cast %scan3A_686 : i32 to index
      %swap3A_697 = arith.constant 32 : index
      %swap3A_698 = tpu.vector_load %arg9[%swap3A_696, %swap3A_697] {strides = array<i32>} : memref<80x128xf32, #tpu.memory_space<vmem>>, vector<1x16xf32>,
      %swap3A_699 = vector.shape_cast %swap3A_698 : vector<1x16xf32> to vector<16xf32>
      %swap3A_700 = vector.shape_cast %broadcast_in_dim3A_17 : vector<16xf32> to vector<1x16xf32>
      tpu.vector_store %arg9[%swap3A_696, %swap3A_697], %swap3A_700 {strides = array<i32>} : memref<80x128xf32, #tpu.memory_space<vmem>>, vector<1x16xf32>,
      %swap3A_701 = arith.index_cast %scan3A_686 : i32 to index
      %swap3A_702 = arith.constant 48 : index
      %swap3A_703 = tpu.vector_load %arg9[%swap3A_701, %swap3A_702] {strides = array<i32>} : memref<80x128xf32, #tpu.memory_space<vmem>>, vector<1x16xf32>,
      %swap3A_704 = vector.shape_cast %swap3A_703 : vector<1x16xf32> to vector<16xf32>
      %swap3A_705 = vector.shape_cast %broadcast_in_dim3A_17 : vector<16xf32> to vector<1x16xf32>
      tpu.vector_store %arg9[%swap3A_701, %swap3A_702], %swap3A_705 {strides = array<i32>} : memref<80x128xf32, #tpu.memory_space<vmem>>, vector<1x16xf32>,
      %swap3A_706 = arith.index_cast %scan3A_686 : i32 to index
      %swap3A_707 = arith.constant 64 : index
      %swap3A_708 = tpu.vector_load %arg9[%swap3A_706, %swap3A_707] {strides = array<i32>} : memref<80x128xf32, #tpu.memory_space<vmem>>, vector<1x16xf32>,
      %swap3A_709 = vector.shape_cast %swap3A_708 : vector<1x16xf32> to vector<16xf32>
      %swap3A_710 = vector.shape_cast %broadcast_in_dim3A_17 : vector<16xf32> to vector<1x16xf32>
      tpu.vector_store %arg9[%swap3A_706, %swap3A_707], %swap3A_710 {strides = array<i32>} : memref<80x128xf32, #tpu.memory_space<vmem>>, vector<1x16xf32>,
      %swap3A_711 = arith.index_cast %scan3A_686 : i32 to index
      %swap3A_712 = arith.constant 80 : index
      %swap3A_713 = tpu.vector_load %arg9[%swap3A_711, %swap3A_712] {strides = array<i32>} : memref<80x128xf32, #tpu.memory_space<vmem>>, vector<1x16xf32>,
      %swap3A_714 = vector.shape_cast %swap3A_713 : vector<1x16xf32> to vector<16xf32>
      %swap3A_715 = vector.shape_cast %broadcast_in_dim3A_17 : vector<16xf32> to vector<1x16xf32>
      tpu.vector_store %arg9[%swap3A_711, %swap3A_712], %swap3A_715 {strides = array<i32>} : memref<80x128xf32, #tpu.memory_space<vmem>>, vector<1x16xf32>,
      %swap3A_716 = arith.index_cast %scan3A_686 : i32 to index
      %swap3A_717 = arith.constant 96 : index
      %swap3A_718 = tpu.vector_load %arg9[%swap3A_716, %swap3A_717] {strides = array<i32>} : memref<80x128xf32, #tpu.memory_space<vmem>>, vector<1x16xf32>,
      %swap3A_719 = vector.shape_cast %swap3A_718 : vector<1x16xf32> to vector<16xf32>
      %swap3A_720 = vector.shape_cast %broadcast_in_dim3A_17 : vector<16xf32> to vector<1x16xf32>
      tpu.vector_store %arg9[%swap3A_716, %swap3A_717], %swap3A_720 {strides = array<i32>} : memref<80x128xf32, #tpu.memory_space<vmem>>, vector<1x16xf32>,
      %swap3A_721 = arith.index_cast %scan3A_686 : i32 to index
      %swap3A_722 = arith.constant 112 : index
      %swap3A_723 = tpu.vector_load %arg9[%swap3A_721, %swap3A_722] {strides = array<i32>} : memref<80x128xf32, #tpu.memory_space<vmem>>, vector<1x16xf32>,
      %swap3A_724 = vector.shape_cast %swap3A_723 : vector<1x16xf32> to vector<16xf32>
      %swap3A_725 = vector.shape_cast %broadcast_in_dim3A_17 : vector<16xf32> to vector<1x16xf32>
      tpu.vector_store %arg9[%swap3A_721, %swap3A_722], %swap3A_725 {strides = array<i32>} : memref<80x128xf32, #tpu.memory_space<vmem>>, vector<1x16xf32>,
    }
    %scan3A_22 = arith.constant 80 : i32
    %mul3A_23 = arith.constant 640 : i32
    %mul3A_24 = arith.muli %arg1, %mul3A_23 : i32
    %add3A_25 = arith.constant 0 : i32
    %add3A_26 = arith.addi %mul3A_24, %add3A_25 : i32
    "tpu.region"() ({
      %run_scoped3A_686 = tpu.sem_alloc : memref<!tpu.dma_semaphore, #tpu.memory_space<semaphore_mem>>
      %dma_start3A_687 = arith.constant 0 : i32
      %dma_start3A_688 = tpu.memref_slice %arg10[%add3A_26, %dma_start3A_687] : memref<10240x128xf32, #tpu.memory_space<vmem_shared>> -> memref<80x128xf32, #tpu.memory_space<vmem_shared>>
      %dma_start3A_689 = arith.constant 0 : i32
      %dma_start3A_690 = tpu.memref_slice %arg10[%add3A_26, %dma_start3A_689] : memref<10240x128xf32, #tpu.memory_space<vmem_shared>> -> memref<80x128xf32, #tpu.memory_space<vmem_shared>>
      tpu.enqueue_dma source(%arg9 : memref<80x128xf32, #tpu.memory_space<vmem>>) target(%dma_start3A_690 : memref<80x128xf32, #tpu.memory_space<vmem_shared>>) target_semaphore(%run_scoped3A_686 : memref<!tpu.dma_semaphore, #tpu.memory_space<semaphore_mem>>)
      %dma_wait3A_691 = arith.constant 0 : i32
      %dma_wait3A_692 = tpu.memref_slice %arg10[%add3A_26, %dma_wait3A_691] : memref<10240x128xf32, #tpu.memory_space<vmem_shared>> -> memref<80x128xf32, #tpu.memory_space<vmem_shared>>
      %dma_wait3A_693 = arith.constant 0 : i32
      %dma_wait3A_694 = tpu.memref_slice %arg10[%add3A_26, %dma_wait3A_693] : memref<10240x128xf32, #tpu.memory_space<vmem_shared>> -> memref<80x128xf32, #tpu.memory_space<vmem_shared>>
      tpu.wait_dma2 semaphore(%run_scoped3A_686 : memref<!tpu.dma_semaphore, #tpu.memory_space<semaphore_mem>>) src(%arg9 : memref<80x128xf32, #tpu.memory_space<vmem>>) dst(%dma_wait3A_694 : memref<80x128xf32, #tpu.memory_space<vmem_shared>>)
      tpu.yield
    }) : () -> ()
    %mul3A_27 = arith.constant 640 : i32
    %mul3A_28 = arith.muli %arg1, %mul3A_27 : i32
    %add3A_29 = arith.constant 80 : i32
    %add3A_30 = arith.addi %mul3A_28, %add3A_29 : i32
    "tpu.region"() ({
      %run_scoped3A_686 = tpu.sem_alloc : memref<!tpu.dma_semaphore, #tpu.memory_space<semaphore_mem>>
      %dma_start3A_687 = arith.constant 0 : i32
      %dma_start3A_688 = tpu.memref_slice %arg10[%add3A_30, %dma_start3A_687] : memref<10240x128xf32, #tpu.memory_space<vmem_shared>> -> memref<80x128xf32, #tpu.memory_space<vmem_shared>>
      %dma_start3A_689 = arith.constant 0 : i32
      %dma_start3A_690 = tpu.memref_slice %arg10[%add3A_30, %dma_start3A_689] : memref<10240x128xf32, #tpu.memory_space<vmem_shared>> -> memref<80x128xf32, #tpu.memory_space<vmem_shared>>
      tpu.enqueue_dma source(%arg9 : memref<80x128xf32, #tpu.memory_space<vmem>>) target(%dma_start3A_690 : memref<80x128xf32, #tpu.memory_space<vmem_shared>>) target_semaphore(%run_scoped3A_686 : memref<!tpu.dma_semaphore, #tpu.memory_space<semaphore_mem>>)
      %dma_wait3A_691 = arith.constant 0 : i32
      %dma_wait3A_692 = tpu.memref_slice %arg10[%add3A_30, %dma_wait3A_691] : memref<10240x128xf32, #tpu.memory_space<vmem_shared>> -> memref<80x128xf32, #tpu.memory_space<vmem_shared>>
      %dma_wait3A_693 = arith.constant 0 : i32
      %dma_wait3A_694 = tpu.memref_slice %arg10[%add3A_30, %dma_wait3A_693] : memref<10240x128xf32, #tpu.memory_space<vmem_shared>> -> memref<80x128xf32, #tpu.memory_space<vmem_shared>>
      tpu.wait_dma2 semaphore(%run_scoped3A_686 : memref<!tpu.dma_semaphore, #tpu.memory_space<semaphore_mem>>) src(%arg9 : memref<80x128xf32, #tpu.memory_space<vmem>>) dst(%dma_wait3A_694 : memref<80x128xf32, #tpu.memory_space<vmem_shared>>)
      tpu.yield
    }) : () -> ()
    %mul3A_31 = arith.constant 640 : i32
    %mul3A_32 = arith.muli %arg1, %mul3A_31 : i32
    %add3A_33 = arith.constant 160 : i32
    %add3A_34 = arith.addi %mul3A_32, %add3A_33 : i32
    "tpu.region"() ({
      %run_scoped3A_686 = tpu.sem_alloc : memref<!tpu.dma_semaphore, #tpu.memory_space<semaphore_mem>>
      %dma_start3A_687 = arith.constant 0 : i32
      %dma_start3A_688 = tpu.memref_slice %arg10[%add3A_34, %dma_start3A_687] : memref<10240x128xf32, #tpu.memory_space<vmem_shared>> -> memref<80x128xf32, #tpu.memory_space<vmem_shared>>
      %dma_start3A_689 = arith.constant 0 : i32
      %dma_start3A_690 = tpu.memref_slice %arg10[%add3A_34, %dma_start3A_689] : memref<10240x128xf32, #tpu.memory_space<vmem_shared>> -> memref<80x128xf32, #tpu.memory_space<vmem_shared>>
      tpu.enqueue_dma source(%arg9 : memref<80x128xf32, #tpu.memory_space<vmem>>) target(%dma_start3A_690 : memref<80x128xf32, #tpu.memory_space<vmem_shared>>) target_semaphore(%run_scoped3A_686 : memref<!tpu.dma_semaphore, #tpu.memory_space<semaphore_mem>>)
      %dma_wait3A_691 = arith.constant 0 : i32
      %dma_wait3A_692 = tpu.memref_slice %arg10[%add3A_34, %dma_wait3A_691] : memref<10240x128xf32, #tpu.memory_space<vmem_shared>> -> memref<80x128xf32, #tpu.memory_space<vmem_shared>>
      %dma_wait3A_693 = arith.constant 0 : i32
      %dma_wait3A_694 = tpu.memref_slice %arg10[%add3A_34, %dma_wait3A_693] : memref<10240x128xf32, #tpu.memory_space<vmem_shared>> -> memref<80x128xf32, #tpu.memory_space<vmem_shared>>
      tpu.wait_dma2 semaphore(%run_scoped3A_686 : memref<!tpu.dma_semaphore, #tpu.memory_space<semaphore_mem>>) src(%arg9 : memref<80x128xf32, #tpu.memory_space<vmem>>) dst(%dma_wait3A_694 : memref<80x128xf32, #tpu.memory_space<vmem_shared>>)
      tpu.yield
    }) : () -> ()
    %mul3A_35 = arith.constant 640 : i32
    %mul3A_36 = arith.muli %arg1, %mul3A_35 : i32
    %add3A_37 = arith.constant 240 : i32
    %add3A_38 = arith.addi %mul3A_36, %add3A_37 : i32
    "tpu.region"() ({
      %run_scoped3A_686 = tpu.sem_alloc : memref<!tpu.dma_semaphore, #tpu.memory_space<semaphore_mem>>
      %dma_start3A_687 = arith.constant 0 : i32
      %dma_start3A_688 = tpu.memref_slice %arg10[%add3A_38, %dma_start3A_687] : memref<10240x128xf32, #tpu.memory_space<vmem_shared>> -> memref<80x128xf32, #tpu.memory_space<vmem_shared>>
      %dma_start3A_689 = arith.constant 0 : i32
      %dma_start3A_690 = tpu.memref_slice %arg10[%add3A_38, %dma_start3A_689] : memref<10240x128xf32, #tpu.memory_space<vmem_shared>> -> memref<80x128xf32, #tpu.memory_space<vmem_shared>>
      tpu.enqueue_dma source(%arg9 : memref<80x128xf32, #tpu.memory_space<vmem>>) target(%dma_start3A_690 : memref<80x128xf32, #tpu.memory_space<vmem_shared>>) target_semaphore(%run_scoped3A_686 : memref<!tpu.dma_semaphore, #tpu.memory_space<semaphore_mem>>)
      %dma_wait3A_691 = arith.constant 0 : i32
      %dma_wait3A_692 = tpu.memref_slice %arg10[%add3A_38, %dma_wait3A_691] : memref<10240x128xf32, #tpu.memory_space<vmem_shared>> -> memref<80x128xf32, #tpu.memory_space<vmem_shared>>
      %dma_wait3A_693 = arith.constant 0 : i32
      %dma_wait3A_694 = tpu.memref_slice %arg10[%add3A_38, %dma_wait3A_693] : memref<10240x128xf32, #tpu.memory_space<vmem_shared>> -> memref<80x128xf32, #tpu.memory_space<vmem_shared>>
      tpu.wait_dma2 semaphore(%run_scoped3A_686 : memref<!tpu.dma_semaphore, #tpu.memory_space<semaphore_mem>>) src(%arg9 : memref<80x128xf32, #tpu.memory_space<vmem>>) dst(%dma_wait3A_694 : memref<80x128xf32, #tpu.memory_space<vmem_shared>>)
      tpu.yield
    }) : () -> ()
    %mul3A_39 = arith.constant 640 : i32
    %mul3A_40 = arith.muli %arg1, %mul3A_39 : i32
    %add3A_41 = arith.constant 320 : i32
    %add3A_42 = arith.addi %mul3A_40, %add3A_41 : i32
    "tpu.region"() ({
      %run_scoped3A_686 = tpu.sem_alloc : memref<!tpu.dma_semaphore, #tpu.memory_space<semaphore_mem>>
      %dma_start3A_687 = arith.constant 0 : i32
      %dma_start3A_688 = tpu.memref_slice %arg10[%add3A_42, %dma_start3A_687] : memref<10240x128xf32, #tpu.memory_space<vmem_shared>> -> memref<80x128xf32, #tpu.memory_space<vmem_shared>>
      %dma_start3A_689 = arith.constant 0 : i32
      %dma_start3A_690 = tpu.memref_slice %arg10[%add3A_42, %dma_start3A_689] : memref<10240x128xf32, #tpu.memory_space<vmem_shared>> -> memref<80x128xf32, #tpu.memory_space<vmem_shared>>
      tpu.enqueue_dma source(%arg9 : memref<80x128xf32, #tpu.memory_space<vmem>>) target(%dma_start3A_690 : memref<80x128xf32, #tpu.memory_space<vmem_shared>>) target_semaphore(%run_scoped3A_686 : memref<!tpu.dma_semaphore, #tpu.memory_space<semaphore_mem>>)
      %dma_wait3A_691 = arith.constant 0 : i32
      %dma_wait3A_692 = tpu.memref_slice %arg10[%add3A_42, %dma_wait3A_691] : memref<10240x128xf32, #tpu.memory_space<vmem_shared>> -> memref<80x128xf32, #tpu.memory_space<vmem_shared>>
      %dma_wait3A_693 = arith.constant 0 : i32
      %dma_wait3A_694 = tpu.memref_slice %arg10[%add3A_42, %dma_wait3A_693] : memref<10240x128xf32, #tpu.memory_space<vmem_shared>> -> memref<80x128xf32, #tpu.memory_space<vmem_shared>>
      tpu.wait_dma2 semaphore(%run_scoped3A_686 : memref<!tpu.dma_semaphore, #tpu.memory_space<semaphore_mem>>) src(%arg9 : memref<80x128xf32, #tpu.memory_space<vmem>>) dst(%dma_wait3A_694 : memref<80x128xf32, #tpu.memory_space<vmem_shared>>)
      tpu.yield
    }) : () -> ()
    %mul3A_43 = arith.constant 640 : i32
    %mul3A_44 = arith.muli %arg1, %mul3A_43 : i32
    %add3A_45 = arith.constant 400 : i32
    %add3A_46 = arith.addi %mul3A_44, %add3A_45 : i32
    "tpu.region"() ({
      %run_scoped3A_686 = tpu.sem_alloc : memref<!tpu.dma_semaphore, #tpu.memory_space<semaphore_mem>>
      %dma_start3A_687 = arith.constant 0 : i32
      %dma_start3A_688 = tpu.memref_slice %arg10[%add3A_46, %dma_start3A_687] : memref<10240x128xf32, #tpu.memory_space<vmem_shared>> -> memref<80x128xf32, #tpu.memory_space<vmem_shared>>
      %dma_start3A_689 = arith.constant 0 : i32
      %dma_start3A_690 = tpu.memref_slice %arg10[%add3A_46, %dma_start3A_689] : memref<10240x128xf32, #tpu.memory_space<vmem_shared>> -> memref<80x128xf32, #tpu.memory_space<vmem_shared>>
      tpu.enqueue_dma source(%arg9 : memref<80x128xf32, #tpu.memory_space<vmem>>) target(%dma_start3A_690 : memref<80x128xf32, #tpu.memory_space<vmem_shared>>) target_semaphore(%run_scoped3A_686 : memref<!tpu.dma_semaphore, #tpu.memory_space<semaphore_mem>>)
      %dma_wait3A_691 = arith.constant 0 : i32
      %dma_wait3A_692 = tpu.memref_slice %arg10[%add3A_46, %dma_wait3A_691] : memref<10240x128xf32, #tpu.memory_space<vmem_shared>> -> memref<80x128xf32, #tpu.memory_space<vmem_shared>>
      %dma_wait3A_693 = arith.constant 0 : i32
      %dma_wait3A_694 = tpu.memref_slice %arg10[%add3A_46, %dma_wait3A_693] : memref<10240x128xf32, #tpu.memory_space<vmem_shared>> -> memref<80x128xf32, #tpu.memory_space<vmem_shared>>
      tpu.wait_dma2 semaphore(%run_scoped3A_686 : memref<!tpu.dma_semaphore, #tpu.memory_space<semaphore_mem>>) src(%arg9 : memref<80x128xf32, #tpu.memory_space<vmem>>) dst(%dma_wait3A_694 : memref<80x128xf32, #tpu.memory_space<vmem_shared>>)
      tpu.yield
    }) : () -> ()
    %mul3A_47 = arith.constant 640 : i32
    %mul3A_48 = arith.muli %arg1, %mul3A_47 : i32
    %add3A_49 = arith.constant 480 : i32
    %add3A_50 = arith.addi %mul3A_48, %add3A_49 : i32
    "tpu.region"() ({
      %run_scoped3A_686 = tpu.sem_alloc : memref<!tpu.dma_semaphore, #tpu.memory_space<semaphore_mem>>
      %dma_start3A_687 = arith.constant 0 : i32
      %dma_start3A_688 = tpu.memref_slice %arg10[%add3A_50, %dma_start3A_687] : memref<10240x128xf32, #tpu.memory_space<vmem_shared>> -> memref<80x128xf32, #tpu.memory_space<vmem_shared>>
      %dma_start3A_689 = arith.constant 0 : i32
      %dma_start3A_690 = tpu.memref_slice %arg10[%add3A_50, %dma_start3A_689] : memref<10240x128xf32, #tpu.memory_space<vmem_shared>> -> memref<80x128xf32, #tpu.memory_space<vmem_shared>>
      tpu.enqueue_dma source(%arg9 : memref<80x128xf32, #tpu.memory_space<vmem>>) target(%dma_start3A_690 : memref<80x128xf32, #tpu.memory_space<vmem_shared>>) target_semaphore(%run_scoped3A_686 : memref<!tpu.dma_semaphore, #tpu.memory_space<semaphore_mem>>)
      %dma_wait3A_691 = arith.constant 0 : i32
      %dma_wait3A_692 = tpu.memref_slice %arg10[%add3A_50, %dma_wait3A_691] : memref<10240x128xf32, #tpu.memory_space<vmem_shared>> -> memref<80x128xf32, #tpu.memory_space<vmem_shared>>
      %dma_wait3A_693 = arith.constant 0 : i32
      %dma_wait3A_694 = tpu.memref_slice %arg10[%add3A_50, %dma_wait3A_693] : memref<10240x128xf32, #tpu.memory_space<vmem_shared>> -> memref<80x128xf32, #tpu.memory_space<vmem_shared>>
      tpu.wait_dma2 semaphore(%run_scoped3A_686 : memref<!tpu.dma_semaphore, #tpu.memory_space<semaphore_mem>>) src(%arg9 : memref<80x128xf32, #tpu.memory_space<vmem>>) dst(%dma_wait3A_694 : memref<80x128xf32, #tpu.memory_space<vmem_shared>>)
      tpu.yield
    }) : () -> ()
    %mul3A_51 = arith.constant 640 : i32
    %mul3A_52 = arith.muli %arg1, %mul3A_51 : i32
    %add3A_53 = arith.constant 560 : i32
    %add3A_54 = arith.addi %mul3A_52, %add3A_53 : i32
    "tpu.region"() ({
      %run_scoped3A_686 = tpu.sem_alloc : memref<!tpu.dma_semaphore, #tpu.memory_space<semaphore_mem>>
      %dma_start3A_687 = arith.constant 0 : i32
      %dma_start3A_688 = tpu.memref_slice %arg10[%add3A_54, %dma_start3A_687] : memref<10240x128xf32, #tpu.memory_space<vmem_shared>> -> memref<80x128xf32, #tpu.memory_space<vmem_shared>>
      %dma_start3A_689 = arith.constant 0 : i32
      %dma_start3A_690 = tpu.memref_slice %arg10[%add3A_54, %dma_start3A_689] : memref<10240x128xf32, #tpu.memory_space<vmem_shared>> -> memref<80x128xf32, #tpu.memory_space<vmem_shared>>
      tpu.enqueue_dma source(%arg9 : memref<80x128xf32, #tpu.memory_space<vmem>>) target(%dma_start3A_690 : memref<80x128xf32, #tpu.memory_space<vmem_shared>>) target_semaphore(%run_scoped3A_686 : memref<!tpu.dma_semaphore, #tpu.memory_space<semaphore_mem>>)
      %dma_wait3A_691 = arith.constant 0 : i32
      %dma_wait3A_692 = tpu.memref_slice %arg10[%add3A_54, %dma_wait3A_691] : memref<10240x128xf32, #tpu.memory_space<vmem_shared>> -> memref<80x128xf32, #tpu.memory_space<vmem_shared>>
      %dma_wait3A_693 = arith.constant 0 : i32
      %dma_wait3A_694 = tpu.memref_slice %arg10[%add3A_54, %dma_wait3A_693] : memref<10240x128xf32, #tpu.memory_space<vmem_shared>> -> memref<80x128xf32, #tpu.memory_space<vmem_shared>>
      tpu.wait_dma2 semaphore(%run_scoped3A_686 : memref<!tpu.dma_semaphore, #tpu.memory_space<semaphore_mem>>) src(%arg9 : memref<80x128xf32, #tpu.memory_space<vmem>>) dst(%dma_wait3A_694 : memref<80x128xf32, #tpu.memory_space<vmem_shared>>)
      tpu.yield
    }) : () -> ()
    %barrier3A = arith.constant 0 : index
    tpu.barrier barrier_id(%barrier3A)
    %scan3A_55 = arith.constant 0 : i32
    %scan3A_56 = arith.constant 0 : i32
    %scan3A_57 = arith.constant 7 : i32
    %scan3A_58 = arith.addi %scan3A_56, %scan3A_57 : i32
    %scan3A_59 = arith.constant 1 : i32
    scf.for %scan3A_686 = %scan3A_56 to %scan3A_58 step %scan3A_59  : i32 {
      %mul3A_687 = arith.constant 3 : i32
      %mul3A_688 = arith.muli %mul3A_687, %scan3A_686 : i32
      %add3A_689 = arith.constant 0 : i32
      %add3A_690 = arith.addi %mul3A_688, %add3A_689 : i32
      %dma_wait3A_691 = arith.constant 0 : i32
      %dma_wait3A_692 = tpu.memref_slice %arg5[%add3A_690, %dma_wait3A_691] : memref<25x80xi32, #tpu.memory_space<vmem>> -> memref<1x80xi32, #tpu.memory_space<vmem>>
      %dma_wait3A_693 = tpu.memref_squeeze %dma_wait3A_692 : memref<1x80xi32, #tpu.memory_space<vmem>> -> memref<80xi32, #tpu.memory_space<vmem>>
      %dma_wait3A_694 = arith.constant 0 : i32
      %dma_wait3A_695 = arith.constant 0 : i32
      %dma_wait3A_696 = tpu.memref_slice %arg2[%dma_wait3A_694, %dma_wait3A_695] : memref<10000x128xf32, #tpu.memory_space<hbm>> -> memref<10000x128xf32, #tpu.memory_space<hbm>>
      tpu.wait_indirect_dma semaphore(%arg11 : memref<!tpu.dma_semaphore, #tpu.memory_space<semaphore_mem>>) src(%dma_wait3A_696 : memref<10000x128xf32, #tpu.memory_space<hbm>>) dst(%arg7 : memref<80x128xf32, #tpu.memory_space<vmem>>)
      %dma_start3A_697 = arith.constant 0 : i32
      %dma_start3A_698 = tpu.memref_slice %arg6[%add3A_690, %dma_start3A_697] : memref<25x80xi32, #tpu.memory_space<vmem>> -> memref<1x80xi32, #tpu.memory_space<vmem>>
      %dma_start3A_699 = tpu.memref_squeeze %dma_start3A_698 : memref<1x80xi32, #tpu.memory_space<vmem>> -> memref<80xi32, #tpu.memory_space<vmem>>
      %dma_start3A_700 = arith.constant 0 : i32
      %dma_start3A_701 = arith.constant 0 : i32
      %dma_start3A_702 = tpu.memref_slice %arg10[%dma_start3A_700, %dma_start3A_701] : memref<10240x128xf32, #tpu.memory_space<vmem_shared>> -> memref<10240x128xf32, #tpu.memory_space<vmem_shared>>
      tpu.enqueue_indirect_dma source(%arg7 : memref<80x128xf32, #tpu.memory_space<vmem>>) target(%dma_start3A_702 : memref<10240x128xf32, #tpu.memory_space<vmem_shared>>) offsets(%dma_start3A_699 : memref<80xi32, #tpu.memory_space<vmem>>) semaphore(%arg14 : memref<!tpu.dma_semaphore, #tpu.memory_space<semaphore_mem>>) {add = true}
      %gt3A = arith.constant 0 : i32
      %gt3A_703 = arith.cmpi sgt, %scan3A_686, %gt3A : i32
      %convert_element_type3A = arith.extui %gt3A_703 : i1 to i32
      %cond3A = arith.constant 0 : i32
      %cond3A_704 = arith.cmpi ne, %convert_element_type3A, %cond3A : i32
      scf.if %cond3A_704 {
        %sub3A_776 = arith.constant 1 : i32
        %sub3A_777 = arith.subi %add3A_690, %sub3A_776 : i32
        %dma_wait3A_778 = arith.constant 0 : i32
        %dma_wait3A_779 = tpu.memref_slice %arg6[%sub3A_777, %dma_wait3A_778] : memref<25x80xi32, #tpu.memory_space<vmem>> -> memref<1x80xi32, #tpu.memory_space<vmem>>
        %dma_wait3A_780 = tpu.memref_squeeze %dma_wait3A_779 : memref<1x80xi32, #tpu.memory_space<vmem>> -> memref<80xi32, #tpu.memory_space<vmem>>
        %dma_wait3A_781 = arith.constant 0 : i32
        %dma_wait3A_782 = arith.constant 0 : i32
        %dma_wait3A_783 = tpu.memref_slice %arg10[%dma_wait3A_781, %dma_wait3A_782] : memref<10240x128xf32, #tpu.memory_space<vmem_shared>> -> memref<10240x128xf32, #tpu.memory_space<vmem_shared>>
        tpu.wait_indirect_dma semaphore(%arg16 : memref<!tpu.dma_semaphore, #tpu.memory_space<semaphore_mem>>) src(%arg9 : memref<80x128xf32, #tpu.memory_space<vmem>>) dst(%dma_wait3A_783 : memref<10240x128xf32, #tpu.memory_space<vmem_shared>>)
      } else {
      }
      %add3A_705 = arith.constant 2 : i32
      %add3A_706 = arith.addi %add3A_690, %add3A_705 : i32
      %dma_start3A_707 = arith.constant 0 : i32
      %dma_start3A_708 = tpu.memref_slice %arg5[%add3A_706, %dma_start3A_707] : memref<25x80xi32, #tpu.memory_space<vmem>> -> memref<1x80xi32, #tpu.memory_space<vmem>>
      %dma_start3A_709 = tpu.memref_squeeze %dma_start3A_708 : memref<1x80xi32, #tpu.memory_space<vmem>> -> memref<80xi32, #tpu.memory_space<vmem>>
      %dma_start3A_710 = arith.constant 0 : i32
      %dma_start3A_711 = arith.constant 0 : i32
      %dma_start3A_712 = tpu.memref_slice %arg2[%dma_start3A_710, %dma_start3A_711] : memref<10000x128xf32, #tpu.memory_space<hbm>> -> memref<10000x128xf32, #tpu.memory_space<hbm>>
      tpu.enqueue_indirect_dma source(%dma_start3A_712 : memref<10000x128xf32, #tpu.memory_space<hbm>>) target(%arg9 : memref<80x128xf32, #tpu.memory_space<vmem>>) offsets(%dma_start3A_709 : memref<80xi32, #tpu.memory_space<vmem>>) semaphore(%arg13 : memref<!tpu.dma_semaphore, #tpu.memory_space<semaphore_mem>>)
      %mul3A_713 = arith.constant 3 : i32
      %mul3A_714 = arith.muli %mul3A_713, %scan3A_686 : i32
      %add3A_715 = arith.constant 1 : i32
      %add3A_716 = arith.addi %mul3A_714, %add3A_715 : i32
      %dma_wait3A_717 = arith.constant 0 : i32
      %dma_wait3A_718 = tpu.memref_slice %arg5[%add3A_716, %dma_wait3A_717] : memref<25x80xi32, #tpu.memory_space<vmem>> -> memref<1x80xi32, #tpu.memory_space<vmem>>
      %dma_wait3A_719 = tpu.memref_squeeze %dma_wait3A_718 : memref<1x80xi32, #tpu.memory_space<vmem>> -> memref<80xi32, #tpu.memory_space<vmem>>
      %dma_wait3A_720 = arith.constant 0 : i32
      %dma_wait3A_721 = arith.constant 0 : i32
      %dma_wait3A_722 = tpu.memref_slice %arg2[%dma_wait3A_720, %dma_wait3A_721] : memref<10000x128xf32, #tpu.memory_space<hbm>> -> memref<10000x128xf32, #tpu.memory_space<hbm>>
      tpu.wait_indirect_dma semaphore(%arg12 : memref<!tpu.dma_semaphore, #tpu.memory_space<semaphore_mem>>) src(%dma_wait3A_722 : memref<10000x128xf32, #tpu.memory_space<hbm>>) dst(%arg8 : memref<80x128xf32, #tpu.memory_space<vmem>>)
      %dma_start3A_723 = arith.constant 0 : i32
      %dma_start3A_724 = tpu.memref_slice %arg6[%add3A_716, %dma_start3A_723] : memref<25x80xi32, #tpu.memory_space<vmem>> -> memref<1x80xi32, #tpu.memory_space<vmem>>
      %dma_start3A_725 = tpu.memref_squeeze %dma_start3A_724 : memref<1x80xi32, #tpu.memory_space<vmem>> -> memref<80xi32, #tpu.memory_space<vmem>>
      %dma_start3A_726 = arith.constant 0 : i32
      %dma_start3A_727 = arith.constant 0 : i32
      %dma_start3A_728 = tpu.memref_slice %arg10[%dma_start3A_726, %dma_start3A_727] : memref<10240x128xf32, #tpu.memory_space<vmem_shared>> -> memref<10240x128xf32, #tpu.memory_space<vmem_shared>>
      tpu.enqueue_indirect_dma source(%arg8 : memref<80x128xf32, #tpu.memory_space<vmem>>) target(%dma_start3A_728 : memref<10240x128xf32, #tpu.memory_space<vmem_shared>>) offsets(%dma_start3A_725 : memref<80xi32, #tpu.memory_space<vmem>>) semaphore(%arg15 : memref<!tpu.dma_semaphore, #tpu.memory_space<semaphore_mem>>) {add = true}
      %sub3A = arith.constant 1 : i32
      %sub3A_729 = arith.subi %add3A_716, %sub3A : i32
      %dma_wait3A_730 = arith.constant 0 : i32
      %dma_wait3A_731 = tpu.memref_slice %arg6[%sub3A_729, %dma_wait3A_730] : memref<25x80xi32, #tpu.memory_space<vmem>> -> memref<1x80xi32, #tpu.memory_space<vmem>>
      %dma_wait3A_732 = tpu.memref_squeeze %dma_wait3A_731 : memref<1x80xi32, #tpu.memory_space<vmem>> -> memref<80xi32, #tpu.memory_space<vmem>>
      %dma_wait3A_733 = arith.constant 0 : i32
      %dma_wait3A_734 = arith.constant 0 : i32
      %dma_wait3A_735 = tpu.memref_slice %arg10[%dma_wait3A_733, %dma_wait3A_734] : memref<10240x128xf32, #tpu.memory_space<vmem_shared>> -> memref<10240x128xf32, #tpu.memory_space<vmem_shared>>
      tpu.wait_indirect_dma semaphore(%arg14 : memref<!tpu.dma_semaphore, #tpu.memory_space<semaphore_mem>>) src(%arg7 : memref<80x128xf32, #tpu.memory_space<vmem>>) dst(%dma_wait3A_735 : memref<10240x128xf32, #tpu.memory_space<vmem_shared>>)
      %add3A_736 = arith.constant 2 : i32
      %add3A_737 = arith.addi %add3A_716, %add3A_736 : i32
      %dma_start3A_738 = arith.constant 0 : i32
      %dma_start3A_739 = tpu.memref_slice %arg5[%add3A_737, %dma_start3A_738] : memref<25x80xi32, #tpu.memory_space<vmem>> -> memref<1x80xi32, #tpu.memory_space<vmem>>
      %dma_start3A_740 = tpu.memref_squeeze %dma_start3A_739 : memref<1x80xi32, #tpu.memory_space<vmem>> -> memref<80xi32, #tpu.memory_space<vmem>>
      %dma_start3A_741 = arith.constant 0 : i32
      %dma_start3A_742 = arith.constant 0 : i32
      %dma_start3A_743 = tpu.memref_slice %arg2[%dma_start3A_741, %dma_start3A_742] : memref<10000x128xf32, #tpu.memory_space<hbm>> -> memref<10000x128xf32, #tpu.memory_space<hbm>>
      tpu.enqueue_indirect_dma source(%dma_start3A_743 : memref<10000x128xf32, #tpu.memory_space<hbm>>) target(%arg7 : memref<80x128xf32, #tpu.memory_space<vmem>>) offsets(%dma_start3A_740 : memref<80xi32, #tpu.memory_space<vmem>>) semaphore(%arg11 : memref<!tpu.dma_semaphore, #tpu.memory_space<semaphore_mem>>)
      %mul3A_744 = arith.constant 3 : i32
      %mul3A_745 = arith.muli %mul3A_744, %scan3A_686 : i32
      %add3A_746 = arith.constant 2 : i32
      %add3A_747 = arith.addi %mul3A_745, %add3A_746 : i32
      %dma_wait3A_748 = arith.constant 0 : i32
      %dma_wait3A_749 = tpu.memref_slice %arg5[%add3A_747, %dma_wait3A_748] : memref<25x80xi32, #tpu.memory_space<vmem>> -> memref<1x80xi32, #tpu.memory_space<vmem>>
      %dma_wait3A_750 = tpu.memref_squeeze %dma_wait3A_749 : memref<1x80xi32, #tpu.memory_space<vmem>> -> memref<80xi32, #tpu.memory_space<vmem>>
      %dma_wait3A_751 = arith.constant 0 : i32
      %dma_wait3A_752 = arith.constant 0 : i32
      %dma_wait3A_753 = tpu.memref_slice %arg2[%dma_wait3A_751, %dma_wait3A_752] : memref<10000x128xf32, #tpu.memory_space<hbm>> -> memref<10000x128xf32, #tpu.memory_space<hbm>>
      tpu.wait_indirect_dma semaphore(%arg13 : memref<!tpu.dma_semaphore, #tpu.memory_space<semaphore_mem>>) src(%dma_wait3A_753 : memref<10000x128xf32, #tpu.memory_space<hbm>>) dst(%arg9 : memref<80x128xf32, #tpu.memory_space<vmem>>)
      %dma_start3A_754 = arith.constant 0 : i32
      %dma_start3A_755 = tpu.memref_slice %arg6[%add3A_747, %dma_start3A_754] : memref<25x80xi32, #tpu.memory_space<vmem>> -> memref<1x80xi32, #tpu.memory_space<vmem>>
      %dma_start3A_756 = tpu.memref_squeeze %dma_start3A_755 : memref<1x80xi32, #tpu.memory_space<vmem>> -> memref<80xi32, #tpu.memory_space<vmem>>
      %dma_start3A_757 = arith.constant 0 : i32
      %dma_start3A_758 = arith.constant 0 : i32
      %dma_start3A_759 = tpu.memref_slice %arg10[%dma_start3A_757, %dma_start3A_758] : memref<10240x128xf32, #tpu.memory_space<vmem_shared>> -> memref<10240x128xf32, #tpu.memory_space<vmem_shared>>
      tpu.enqueue_indirect_dma source(%arg9 : memref<80x128xf32, #tpu.memory_space<vmem>>) target(%dma_start3A_759 : memref<10240x128xf32, #tpu.memory_space<vmem_shared>>) offsets(%dma_start3A_756 : memref<80xi32, #tpu.memory_space<vmem>>) semaphore(%arg16 : memref<!tpu.dma_semaphore, #tpu.memory_space<semaphore_mem>>) {add = true}
      %sub3A_760 = arith.constant 1 : i32
      %sub3A_761 = arith.subi %add3A_747, %sub3A_760 : i32
      %dma_wait3A_762 = arith.constant 0 : i32
      %dma_wait3A_763 = tpu.memref_slice %arg6[%sub3A_761, %dma_wait3A_762] : memref<25x80xi32, #tpu.memory_space<vmem>> -> memref<1x80xi32, #tpu.memory_space<vmem>>
      %dma_wait3A_764 = tpu.memref_squeeze %dma_wait3A_763 : memref<1x80xi32, #tpu.memory_space<vmem>> -> memref<80xi32, #tpu.memory_space<vmem>>
      %dma_wait3A_765 = arith.constant 0 : i32
      %dma_wait3A_766 = arith.constant 0 : i32
      %dma_wait3A_767 = tpu.memref_slice %arg10[%dma_wait3A_765, %dma_wait3A_766] : memref<10240x128xf32, #tpu.memory_space<vmem_shared>> -> memref<10240x128xf32, #tpu.memory_space<vmem_shared>>
      tpu.wait_indirect_dma semaphore(%arg15 : memref<!tpu.dma_semaphore, #tpu.memory_space<semaphore_mem>>) src(%arg8 : memref<80x128xf32, #tpu.memory_space<vmem>>) dst(%dma_wait3A_767 : memref<10240x128xf32, #tpu.memory_space<vmem_shared>>)
      %add3A_768 = arith.constant 2 : i32
      %add3A_769 = arith.addi %add3A_747, %add3A_768 : i32
      %dma_start3A_770 = arith.constant 0 : i32
      %dma_start3A_771 = tpu.memref_slice %arg5[%add3A_769, %dma_start3A_770] : memref<25x80xi32, #tpu.memory_space<vmem>> -> memref<1x80xi32, #tpu.memory_space<vmem>>
      %dma_start3A_772 = tpu.memref_squeeze %dma_start3A_771 : memref<1x80xi32, #tpu.memory_space<vmem>> -> memref<80xi32, #tpu.memory_space<vmem>>
      %dma_start3A_773 = arith.constant 0 : i32
      %dma_start3A_774 = arith.constant 0 : i32
      %dma_start3A_775 = tpu.memref_slice %arg2[%dma_start3A_773, %dma_start3A_774] : memref<10000x128xf32, #tpu.memory_space<hbm>> -> memref<10000x128xf32, #tpu.memory_space<hbm>>
      tpu.enqueue_indirect_dma source(%dma_start3A_775 : memref<10000x128xf32, #tpu.memory_space<hbm>>) target(%arg8 : memref<80x128xf32, #tpu.memory_space<vmem>>) offsets(%dma_start3A_772 : memref<80xi32, #tpu.memory_space<vmem>>) semaphore(%arg12 : memref<!tpu.dma_semaphore, #tpu.memory_space<semaphore_mem>>)
    }
    %scan3A_60 = arith.constant 7 : i32
    %dma_wait3A = arith.constant 21 : i32
    %dma_wait3A_61 = arith.constant 0 : i32
    %dma_wait3A_62 = tpu.memref_slice %arg5[%dma_wait3A, %dma_wait3A_61] : memref<25x80xi32, #tpu.memory_space<vmem>> -> memref<1x80xi32, #tpu.memory_space<vmem>>
    %dma_wait3A_63 = tpu.memref_squeeze %dma_wait3A_62 : memref<1x80xi32, #tpu.memory_space<vmem>> -> memref<80xi32, #tpu.memory_space<vmem>>
    %dma_wait3A_64 = arith.constant 0 : i32
    %dma_wait3A_65 = arith.constant 0 : i32
    %dma_wait3A_66 = tpu.memref_slice %arg2[%dma_wait3A_64, %dma_wait3A_65] : memref<10000x128xf32, #tpu.memory_space<hbm>> -> memref<10000x128xf32, #tpu.memory_space<hbm>>
    tpu.wait_indirect_dma semaphore(%arg11 : memref<!tpu.dma_semaphore, #tpu.memory_space<semaphore_mem>>) src(%dma_wait3A_66 : memref<10000x128xf32, #tpu.memory_space<hbm>>) dst(%arg7 : memref<80x128xf32, #tpu.memory_space<vmem>>)
    %dma_start3A_67 = arith.constant 21 : i32
    %dma_start3A_68 = arith.constant 0 : i32
    %dma_start3A_69 = tpu.memref_slice %arg6[%dma_start3A_67, %dma_start3A_68] : memref<25x80xi32, #tpu.memory_space<vmem>> -> memref<1x80xi32, #tpu.memory_space<vmem>>
    %dma_start3A_70 = tpu.memref_squeeze %dma_start3A_69 : memref<1x80xi32, #tpu.memory_space<vmem>> -> memref<80xi32, #tpu.memory_space<vmem>>
    %dma_start3A_71 = arith.constant 0 : i32
    %dma_start3A_72 = arith.constant 0 : i32
    %dma_start3A_73 = tpu.memref_slice %arg10[%dma_start3A_71, %dma_start3A_72] : memref<10240x128xf32, #tpu.memory_space<vmem_shared>> -> memref<10240x128xf32, #tpu.memory_space<vmem_shared>>
    tpu.enqueue_indirect_dma source(%arg7 : memref<80x128xf32, #tpu.memory_space<vmem>>) target(%dma_start3A_73 : memref<10240x128xf32, #tpu.memory_space<vmem_shared>>) offsets(%dma_start3A_70 : memref<80xi32, #tpu.memory_space<vmem>>) semaphore(%arg14 : memref<!tpu.dma_semaphore, #tpu.memory_space<semaphore_mem>>) {add = true}
    %dma_wait3A_74 = arith.constant 20 : i32
    %dma_wait3A_75 = arith.constant 0 : i32
    %dma_wait3A_76 = tpu.memref_slice %arg6[%dma_wait3A_74, %dma_wait3A_75] : memref<25x80xi32, #tpu.memory_space<vmem>> -> memref<1x80xi32, #tpu.memory_space<vmem>>
    %dma_wait3A_77 = tpu.memref_squeeze %dma_wait3A_76 : memref<1x80xi32, #tpu.memory_space<vmem>> -> memref<80xi32, #tpu.memory_space<vmem>>
    %dma_wait3A_78 = arith.constant 0 : i32
    %dma_wait3A_79 = arith.constant 0 : i32
    %dma_wait3A_80 = tpu.memref_slice %arg10[%dma_wait3A_78, %dma_wait3A_79] : memref<10240x128xf32, #tpu.memory_space<vmem_shared>> -> memref<10240x128xf32, #tpu.memory_space<vmem_shared>>
    tpu.wait_indirect_dma semaphore(%arg16 : memref<!tpu.dma_semaphore, #tpu.memory_space<semaphore_mem>>) src(%arg9 : memref<80x128xf32, #tpu.memory_space<vmem>>) dst(%dma_wait3A_80 : memref<10240x128xf32, #tpu.memory_space<vmem_shared>>)
    %dma_start3A_81 = arith.constant 23 : i32
    %dma_start3A_82 = arith.constant 0 : i32
    %dma_start3A_83 = tpu.memref_slice %arg5[%dma_start3A_81, %dma_start3A_82] : memref<25x80xi32, #tpu.memory_space<vmem>> -> memref<1x80xi32, #tpu.memory_space<vmem>>
    %dma_start3A_84 = tpu.memref_squeeze %dma_start3A_83 : memref<1x80xi32, #tpu.memory_space<vmem>> -> memref<80xi32, #tpu.memory_space<vmem>>
    %dma_start3A_85 = arith.constant 0 : i32
    %dma_start3A_86 = arith.constant 0 : i32
    %dma_start3A_87 = tpu.memref_slice %arg2[%dma_start3A_85, %dma_start3A_86] : memref<10000x128xf32, #tpu.memory_space<hbm>> -> memref<10000x128xf32, #tpu.memory_space<hbm>>
    tpu.enqueue_indirect_dma source(%dma_start3A_87 : memref<10000x128xf32, #tpu.memory_space<hbm>>) target(%arg9 : memref<80x128xf32, #tpu.memory_space<vmem>>) offsets(%dma_start3A_84 : memref<80xi32, #tpu.memory_space<vmem>>) semaphore(%arg13 : memref<!tpu.dma_semaphore, #tpu.memory_space<semaphore_mem>>)
    %dma_wait3A_88 = arith.constant 22 : i32
    %dma_wait3A_89 = arith.constant 0 : i32
    %dma_wait3A_90 = tpu.memref_slice %arg5[%dma_wait3A_88, %dma_wait3A_89] : memref<25x80xi32, #tpu.memory_space<vmem>> -> memref<1x80xi32, #tpu.memory_space<vmem>>
    %dma_wait3A_91 = tpu.memref_squeeze %dma_wait3A_90 : memref<1x80xi32, #tpu.memory_space<vmem>> -> memref<80xi32, #tpu.memory_space<vmem>>
    %dma_wait3A_92 = arith.constant 0 : i32
    %dma_wait3A_93 = arith.constant 0 : i32
    %dma_wait3A_94 = tpu.memref_slice %arg2[%dma_wait3A_92, %dma_wait3A_93] : memref<10000x128xf32, #tpu.memory_space<hbm>> -> memref<10000x128xf32, #tpu.memory_space<hbm>>
    tpu.wait_indirect_dma semaphore(%arg12 : memref<!tpu.dma_semaphore, #tpu.memory_space<semaphore_mem>>) src(%dma_wait3A_94 : memref<10000x128xf32, #tpu.memory_space<hbm>>) dst(%arg8 : memref<80x128xf32, #tpu.memory_space<vmem>>)
    %dma_start3A_95 = arith.constant 22 : i32
    %dma_start3A_96 = arith.constant 0 : i32
    %dma_start3A_97 = tpu.memref_slice %arg6[%dma_start3A_95, %dma_start3A_96] : memref<25x80xi32, #tpu.memory_space<vmem>> -> memref<1x80xi32, #tpu.memory_space<vmem>>
    %dma_start3A_98 = tpu.memref_squeeze %dma_start3A_97 : memref<1x80xi32, #tpu.memory_space<vmem>> -> memref<80xi32, #tpu.memory_space<vmem>>
    %dma_start3A_99 = arith.constant 0 : i32
    %dma_start3A_100 = arith.constant 0 : i32
    %dma_start3A_101 = tpu.memref_slice %arg10[%dma_start3A_99, %dma_start3A_100] : memref<10240x128xf32, #tpu.memory_space<vmem_shared>> -> memref<10240x128xf32, #tpu.memory_space<vmem_shared>>
    tpu.enqueue_indirect_dma source(%arg8 : memref<80x128xf32, #tpu.memory_space<vmem>>) target(%dma_start3A_101 : memref<10240x128xf32, #tpu.memory_space<vmem_shared>>) offsets(%dma_start3A_98 : memref<80xi32, #tpu.memory_space<vmem>>) semaphore(%arg15 : memref<!tpu.dma_semaphore, #tpu.memory_space<semaphore_mem>>) {add = true}
    %dma_wait3A_102 = arith.constant 21 : i32
    %dma_wait3A_103 = arith.constant 0 : i32
    %dma_wait3A_104 = tpu.memref_slice %arg6[%dma_wait3A_102, %dma_wait3A_103] : memref<25x80xi32, #tpu.memory_space<vmem>> -> memref<1x80xi32, #tpu.memory_space<vmem>>
    %dma_wait3A_105 = tpu.memref_squeeze %dma_wait3A_104 : memref<1x80xi32, #tpu.memory_space<vmem>> -> memref<80xi32, #tpu.memory_space<vmem>>
    %dma_wait3A_106 = arith.constant 0 : i32
    %dma_wait3A_107 = arith.constant 0 : i32
    %dma_wait3A_108 = tpu.memref_slice %arg10[%dma_wait3A_106, %dma_wait3A_107] : memref<10240x128xf32, #tpu.memory_space<vmem_shared>> -> memref<10240x128xf32, #tpu.memory_space<vmem_shared>>
    tpu.wait_indirect_dma semaphore(%arg14 : memref<!tpu.dma_semaphore, #tpu.memory_space<semaphore_mem>>) src(%arg7 : memref<80x128xf32, #tpu.memory_space<vmem>>) dst(%dma_wait3A_108 : memref<10240x128xf32, #tpu.memory_space<vmem_shared>>)
    %dma_start3A_109 = arith.constant 24 : i32
    %dma_start3A_110 = arith.constant 0 : i32
    %dma_start3A_111 = tpu.memref_slice %arg5[%dma_start3A_109, %dma_start3A_110] : memref<25x80xi32, #tpu.memory_space<vmem>> -> memref<1x80xi32, #tpu.memory_space<vmem>>
    %dma_start3A_112 = tpu.memref_squeeze %dma_start3A_111 : memref<1x80xi32, #tpu.memory_space<vmem>> -> memref<80xi32, #tpu.memory_space<vmem>>
    %dma_start3A_113 = arith.constant 0 : i32
    %dma_start3A_114 = arith.constant 0 : i32
    %dma_start3A_115 = tpu.memref_slice %arg2[%dma_start3A_113, %dma_start3A_114] : memref<10000x128xf32, #tpu.memory_space<hbm>> -> memref<10000x128xf32, #tpu.memory_space<hbm>>
    tpu.enqueue_indirect_dma source(%dma_start3A_115 : memref<10000x128xf32, #tpu.memory_space<hbm>>) target(%arg7 : memref<80x128xf32, #tpu.memory_space<vmem>>) offsets(%dma_start3A_112 : memref<80xi32, #tpu.memory_space<vmem>>) semaphore(%arg11 : memref<!tpu.dma_semaphore, #tpu.memory_space<semaphore_mem>>)
    %dma_wait3A_116 = arith.constant 23 : i32
    %dma_wait3A_117 = arith.constant 0 : i32
    %dma_wait3A_118 = tpu.memref_slice %arg5[%dma_wait3A_116, %dma_wait3A_117] : memref<25x80xi32, #tpu.memory_space<vmem>> -> memref<1x80xi32, #tpu.memory_space<vmem>>
    %dma_wait3A_119 = tpu.memref_squeeze %dma_wait3A_118 : memref<1x80xi32, #tpu.memory_space<vmem>> -> memref<80xi32, #tpu.memory_space<vmem>>
    %dma_wait3A_120 = arith.constant 0 : i32
    %dma_wait3A_121 = arith.constant 0 : i32
    %dma_wait3A_122 = tpu.memref_slice %arg2[%dma_wait3A_120, %dma_wait3A_121] : memref<10000x128xf32, #tpu.memory_space<hbm>> -> memref<10000x128xf32, #tpu.memory_space<hbm>>
    tpu.wait_indirect_dma semaphore(%arg13 : memref<!tpu.dma_semaphore, #tpu.memory_space<semaphore_mem>>) src(%dma_wait3A_122 : memref<10000x128xf32, #tpu.memory_space<hbm>>) dst(%arg9 : memref<80x128xf32, #tpu.memory_space<vmem>>)
    %dma_start3A_123 = arith.constant 23 : i32
    %dma_start3A_124 = arith.constant 0 : i32
    %dma_start3A_125 = tpu.memref_slice %arg6[%dma_start3A_123, %dma_start3A_124] : memref<25x80xi32, #tpu.memory_space<vmem>> -> memref<1x80xi32, #tpu.memory_space<vmem>>
    %dma_start3A_126 = tpu.memref_squeeze %dma_start3A_125 : memref<1x80xi32, #tpu.memory_space<vmem>> -> memref<80xi32, #tpu.memory_space<vmem>>
    %dma_start3A_127 = arith.constant 0 : i32
    %dma_start3A_128 = arith.constant 0 : i32
    %dma_start3A_129 = tpu.memref_slice %arg10[%dma_start3A_127, %dma_start3A_128] : memref<10240x128xf32, #tpu.memory_space<vmem_shared>> -> memref<10240x128xf32, #tpu.memory_space<vmem_shared>>
    tpu.enqueue_indirect_dma source(%arg9 : memref<80x128xf32, #tpu.memory_space<vmem>>) target(%dma_start3A_129 : memref<10240x128xf32, #tpu.memory_space<vmem_shared>>) offsets(%dma_start3A_126 : memref<80xi32, #tpu.memory_space<vmem>>) semaphore(%arg16 : memref<!tpu.dma_semaphore, #tpu.memory_space<semaphore_mem>>) {add = true}
    %dma_wait3A_130 = arith.constant 22 : i32
    %dma_wait3A_131 = arith.constant 0 : i32
    %dma_wait3A_132 = tpu.memref_slice %arg6[%dma_wait3A_130, %dma_wait3A_131] : memref<25x80xi32, #tpu.memory_space<vmem>> -> memref<1x80xi32, #tpu.memory_space<vmem>>
    %dma_wait3A_133 = tpu.memref_squeeze %dma_wait3A_132 : memref<1x80xi32, #tpu.memory_space<vmem>> -> memref<80xi32, #tpu.memory_space<vmem>>
    %dma_wait3A_134 = arith.constant 0 : i32
    %dma_wait3A_135 = arith.constant 0 : i32
    %dma_wait3A_136 = tpu.memref_slice %arg10[%dma_wait3A_134, %dma_wait3A_135] : memref<10240x128xf32, #tpu.memory_space<vmem_shared>> -> memref<10240x128xf32, #tpu.memory_space<vmem_shared>>
    tpu.wait_indirect_dma semaphore(%arg15 : memref<!tpu.dma_semaphore, #tpu.memory_space<semaphore_mem>>) src(%arg8 : memref<80x128xf32, #tpu.memory_space<vmem>>) dst(%dma_wait3A_136 : memref<10240x128xf32, #tpu.memory_space<vmem_shared>>)
    %dma_wait3A_137 = arith.constant 24 : i32
    %dma_wait3A_138 = arith.constant 0 : i32
    %dma_wait3A_139 = tpu.memref_slice %arg5[%dma_wait3A_137, %dma_wait3A_138] : memref<25x80xi32, #tpu.memory_space<vmem>> -> memref<1x80xi32, #tpu.memory_space<vmem>>
    %dma_wait3A_140 = tpu.memref_squeeze %dma_wait3A_139 : memref<1x80xi32, #tpu.memory_space<vmem>> -> memref<80xi32, #tpu.memory_space<vmem>>
    %dma_wait3A_141 = arith.constant 0 : i32
    %dma_wait3A_142 = arith.constant 0 : i32
    %dma_wait3A_143 = tpu.memref_slice %arg2[%dma_wait3A_141, %dma_wait3A_142] : memref<10000x128xf32, #tpu.memory_space<hbm>> -> memref<10000x128xf32, #tpu.memory_space<hbm>>
    tpu.wait_indirect_dma semaphore(%arg11 : memref<!tpu.dma_semaphore, #tpu.memory_space<semaphore_mem>>) src(%dma_wait3A_143 : memref<10000x128xf32, #tpu.memory_space<hbm>>) dst(%arg7 : memref<80x128xf32, #tpu.memory_space<vmem>>)
    %dma_start3A_144 = arith.constant 24 : i32
    %dma_start3A_145 = arith.constant 0 : i32
    %dma_start3A_146 = tpu.memref_slice %arg6[%dma_start3A_144, %dma_start3A_145] : memref<25x80xi32, #tpu.memory_space<vmem>> -> memref<1x80xi32, #tpu.memory_space<vmem>>
    %dma_start3A_147 = tpu.memref_squeeze %dma_start3A_146 : memref<1x80xi32, #tpu.memory_space<vmem>> -> memref<80xi32, #tpu.memory_space<vmem>>
    %dma_start3A_148 = arith.constant 0 : i32
    %dma_start3A_149 = arith.constant 0 : i32
    %dma_start3A_150 = tpu.memref_slice %arg10[%dma_start3A_148, %dma_start3A_149] : memref<10240x128xf32, #tpu.memory_space<vmem_shared>> -> memref<10240x128xf32, #tpu.memory_space<vmem_shared>>
    tpu.enqueue_indirect_dma source(%arg7 : memref<80x128xf32, #tpu.memory_space<vmem>>) target(%dma_start3A_150 : memref<10240x128xf32, #tpu.memory_space<vmem_shared>>) offsets(%dma_start3A_147 : memref<80xi32, #tpu.memory_space<vmem>>) semaphore(%arg14 : memref<!tpu.dma_semaphore, #tpu.memory_space<semaphore_mem>>) {add = true}
    %dma_wait3A_151 = arith.constant 23 : i32
    %dma_wait3A_152 = arith.constant 0 : i32
    %dma_wait3A_153 = tpu.memref_slice %arg6[%dma_wait3A_151, %dma_wait3A_152] : memref<25x80xi32, #tpu.memory_space<vmem>> -> memref<1x80xi32, #tpu.memory_space<vmem>>
    %dma_wait3A_154 = tpu.memref_squeeze %dma_wait3A_153 : memref<1x80xi32, #tpu.memory_space<vmem>> -> memref<80xi32, #tpu.memory_space<vmem>>
    %dma_wait3A_155 = arith.constant 0 : i32
    %dma_wait3A_156 = arith.constant 0 : i32
    %dma_wait3A_157 = tpu.memref_slice %arg10[%dma_wait3A_155, %dma_wait3A_156] : memref<10240x128xf32, #tpu.memory_space<vmem_shared>> -> memref<10240x128xf32, #tpu.memory_space<vmem_shared>>
    tpu.wait_indirect_dma semaphore(%arg16 : memref<!tpu.dma_semaphore, #tpu.memory_space<semaphore_mem>>) src(%arg9 : memref<80x128xf32, #tpu.memory_space<vmem>>) dst(%dma_wait3A_157 : memref<10240x128xf32, #tpu.memory_space<vmem_shared>>)
    %dma_wait3A_158 = arith.constant 24 : i32
    %dma_wait3A_159 = arith.constant 0 : i32
    %dma_wait3A_160 = tpu.memref_slice %arg6[%dma_wait3A_158, %dma_wait3A_159] : memref<25x80xi32, #tpu.memory_space<vmem>> -> memref<1x80xi32, #tpu.memory_space<vmem>>
    %dma_wait3A_161 = tpu.memref_squeeze %dma_wait3A_160 : memref<1x80xi32, #tpu.memory_space<vmem>> -> memref<80xi32, #tpu.memory_space<vmem>>
    %dma_wait3A_162 = arith.constant 0 : i32
    %dma_wait3A_163 = arith.constant 0 : i32
    %dma_wait3A_164 = tpu.memref_slice %arg10[%dma_wait3A_162, %dma_wait3A_163] : memref<10240x128xf32, #tpu.memory_space<vmem_shared>> -> memref<10240x128xf32, #tpu.memory_space<vmem_shared>>
    tpu.wait_indirect_dma semaphore(%arg14 : memref<!tpu.dma_semaphore, #tpu.memory_space<semaphore_mem>>) src(%arg7 : memref<80x128xf32, #tpu.memory_space<vmem>>) dst(%dma_wait3A_164 : memref<10240x128xf32, #tpu.memory_space<vmem_shared>>)
    %run_scoped3A_165 = arith.constant 0 : i32
    %run_scoped3A_166 = arith.constant 1 : i32
    "tpu.region"() ({
      %run_scoped3A_686 = tpu.sem_alloc : memref<!tpu.dma_semaphore, #tpu.memory_space<semaphore_mem>>
      %dma_start3A_687 = arith.constant 0 : i32
      %dma_start3A_688 = arith.constant 0 : i32
      %dma_start3A_689 = tpu.memref_slice %arg3[%run_scoped3A_165, %add3A, %run_scoped3A_166, %dma_start3A_687, %dma_start3A_688] : memref<2x32x5x25x80xi32, #tpu.memory_space<hbm>> -> memref<1x1x1x25x80xi32, #tpu.memory_space<hbm>>
      %dma_start3A_690 = tpu.memref_squeeze %dma_start3A_689 : memref<1x1x1x25x80xi32, #tpu.memory_space<hbm>> -> memref<25x80xi32, #tpu.memory_space<hbm>>
      %dma_start3A_691 = arith.constant 0 : i32
      %dma_start3A_692 = arith.constant 0 : i32
      %dma_start3A_693 = tpu.memref_slice %arg3[%run_scoped3A_165, %add3A, %run_scoped3A_166, %dma_start3A_691, %dma_start3A_692] : memref<2x32x5x25x80xi32, #tpu.memory_space<hbm>> -> memref<1x1x1x25x80xi32, #tpu.memory_space<hbm>>
      %dma_start3A_694 = tpu.memref_squeeze %dma_start3A_693 : memref<1x1x1x25x80xi32, #tpu.memory_space<hbm>> -> memref<25x80xi32, #tpu.memory_space<hbm>>
      tpu.enqueue_dma source(%dma_start3A_694 : memref<25x80xi32, #tpu.memory_space<hbm>>) target(%arg5 : memref<25x80xi32, #tpu.memory_space<vmem>>) target_semaphore(%run_scoped3A_686 : memref<!tpu.dma_semaphore, #tpu.memory_space<semaphore_mem>>)
      %dma_wait3A_695 = arith.constant 0 : i32
      %dma_wait3A_696 = arith.constant 0 : i32
      %dma_wait3A_697 = tpu.memref_slice %arg3[%run_scoped3A_165, %add3A, %run_scoped3A_166, %dma_wait3A_695, %dma_wait3A_696] : memref<2x32x5x25x80xi32, #tpu.memory_space<hbm>> -> memref<1x1x1x25x80xi32, #tpu.memory_space<hbm>>
      %dma_wait3A_698 = tpu.memref_squeeze %dma_wait3A_697 : memref<1x1x1x25x80xi32, #tpu.memory_space<hbm>> -> memref<25x80xi32, #tpu.memory_space<hbm>>
      %dma_wait3A_699 = arith.constant 0 : i32
      %dma_wait3A_700 = arith.constant 0 : i32
      %dma_wait3A_701 = tpu.memref_slice %arg3[%run_scoped3A_165, %add3A, %run_scoped3A_166, %dma_wait3A_699, %dma_wait3A_700] : memref<2x32x5x25x80xi32, #tpu.memory_space<hbm>> -> memref<1x1x1x25x80xi32, #tpu.memory_space<hbm>>
      %dma_wait3A_702 = tpu.memref_squeeze %dma_wait3A_701 : memref<1x1x1x25x80xi32, #tpu.memory_space<hbm>> -> memref<25x80xi32, #tpu.memory_space<hbm>>
      tpu.wait_dma2 semaphore(%run_scoped3A_686 : memref<!tpu.dma_semaphore, #tpu.memory_space<semaphore_mem>>) src(%dma_wait3A_702 : memref<25x80xi32, #tpu.memory_space<hbm>>) dst(%arg5 : memref<25x80xi32, #tpu.memory_space<vmem>>)
      tpu.yield
    }) : () -> ()
    %run_scoped3A_167 = arith.constant 1 : i32
    %run_scoped3A_168 = arith.constant 1 : i32
    "tpu.region"() ({
      %run_scoped3A_686 = tpu.sem_alloc : memref<!tpu.dma_semaphore, #tpu.memory_space<semaphore_mem>>
      %dma_start3A_687 = arith.constant 0 : i32
      %dma_start3A_688 = arith.constant 0 : i32
      %dma_start3A_689 = tpu.memref_slice %arg3[%run_scoped3A_167, %add3A, %run_scoped3A_168, %dma_start3A_687, %dma_start3A_688] : memref<2x32x5x25x80xi32, #tpu.memory_space<hbm>> -> memref<1x1x1x25x80xi32, #tpu.memory_space<hbm>>
      %dma_start3A_690 = tpu.memref_squeeze %dma_start3A_689 : memref<1x1x1x25x80xi32, #tpu.memory_space<hbm>> -> memref<25x80xi32, #tpu.memory_space<hbm>>
      %dma_start3A_691 = arith.constant 0 : i32
      %dma_start3A_692 = arith.constant 0 : i32
      %dma_start3A_693 = tpu.memref_slice %arg3[%run_scoped3A_167, %add3A, %run_scoped3A_168, %dma_start3A_691, %dma_start3A_692] : memref<2x32x5x25x80xi32, #tpu.memory_space<hbm>> -> memref<1x1x1x25x80xi32, #tpu.memory_space<hbm>>
      %dma_start3A_694 = tpu.memref_squeeze %dma_start3A_693 : memref<1x1x1x25x80xi32, #tpu.memory_space<hbm>> -> memref<25x80xi32, #tpu.memory_space<hbm>>
      tpu.enqueue_dma source(%dma_start3A_694 : memref<25x80xi32, #tpu.memory_space<hbm>>) target(%arg6 : memref<25x80xi32, #tpu.memory_space<vmem>>) target_semaphore(%run_scoped3A_686 : memref<!tpu.dma_semaphore, #tpu.memory_space<semaphore_mem>>)
      %dma_wait3A_695 = arith.constant 0 : i32
      %dma_wait3A_696 = arith.constant 0 : i32
      %dma_wait3A_697 = tpu.memref_slice %arg3[%run_scoped3A_167, %add3A, %run_scoped3A_168, %dma_wait3A_695, %dma_wait3A_696] : memref<2x32x5x25x80xi32, #tpu.memory_space<hbm>> -> memref<1x1x1x25x80xi32, #tpu.memory_space<hbm>>
      %dma_wait3A_698 = tpu.memref_squeeze %dma_wait3A_697 : memref<1x1x1x25x80xi32, #tpu.memory_space<hbm>> -> memref<25x80xi32, #tpu.memory_space<hbm>>
      %dma_wait3A_699 = arith.constant 0 : i32
      %dma_wait3A_700 = arith.constant 0 : i32
      %dma_wait3A_701 = tpu.memref_slice %arg3[%run_scoped3A_167, %add3A, %run_scoped3A_168, %dma_wait3A_699, %dma_wait3A_700] : memref<2x32x5x25x80xi32, #tpu.memory_space<hbm>> -> memref<1x1x1x25x80xi32, #tpu.memory_space<hbm>>
      %dma_wait3A_702 = tpu.memref_squeeze %dma_wait3A_701 : memref<1x1x1x25x80xi32, #tpu.memory_space<hbm>> -> memref<25x80xi32, #tpu.memory_space<hbm>>
      tpu.wait_dma2 semaphore(%run_scoped3A_686 : memref<!tpu.dma_semaphore, #tpu.memory_space<semaphore_mem>>) src(%dma_wait3A_702 : memref<25x80xi32, #tpu.memory_space<hbm>>) dst(%arg6 : memref<25x80xi32, #tpu.memory_space<vmem>>)
      tpu.yield
    }) : () -> ()
    %dma_start3A_169 = arith.constant 0 : i32
    %dma_start3A_170 = arith.constant 0 : i32
    %dma_start3A_171 = tpu.memref_slice %arg5[%dma_start3A_169, %dma_start3A_170] : memref<25x80xi32, #tpu.memory_space<vmem>> -> memref<1x80xi32, #tpu.memory_space<vmem>>
    %dma_start3A_172 = tpu.memref_squeeze %dma_start3A_171 : memref<1x80xi32, #tpu.memory_space<vmem>> -> memref<80xi32, #tpu.memory_space<vmem>>
    %dma_start3A_173 = arith.constant 0 : i32
    %dma_start3A_174 = arith.constant 0 : i32
    %dma_start3A_175 = tpu.memref_slice %arg2[%dma_start3A_173, %dma_start3A_174] : memref<10000x128xf32, #tpu.memory_space<hbm>> -> memref<10000x128xf32, #tpu.memory_space<hbm>>
    tpu.enqueue_indirect_dma source(%dma_start3A_175 : memref<10000x128xf32, #tpu.memory_space<hbm>>) target(%arg7 : memref<80x128xf32, #tpu.memory_space<vmem>>) offsets(%dma_start3A_172 : memref<80xi32, #tpu.memory_space<vmem>>) semaphore(%arg11 : memref<!tpu.dma_semaphore, #tpu.memory_space<semaphore_mem>>)
    %dma_start3A_176 = arith.constant 1 : i32
    %dma_start3A_177 = arith.constant 0 : i32
    %dma_start3A_178 = tpu.memref_slice %arg5[%dma_start3A_176, %dma_start3A_177] : memref<25x80xi32, #tpu.memory_space<vmem>> -> memref<1x80xi32, #tpu.memory_space<vmem>>
    %dma_start3A_179 = tpu.memref_squeeze %dma_start3A_178 : memref<1x80xi32, #tpu.memory_space<vmem>> -> memref<80xi32, #tpu.memory_space<vmem>>
    %dma_start3A_180 = arith.constant 0 : i32
    %dma_start3A_181 = arith.constant 0 : i32
    %dma_start3A_182 = tpu.memref_slice %arg2[%dma_start3A_180, %dma_start3A_181] : memref<10000x128xf32, #tpu.memory_space<hbm>> -> memref<10000x128xf32, #tpu.memory_space<hbm>>
    tpu.enqueue_indirect_dma source(%dma_start3A_182 : memref<10000x128xf32, #tpu.memory_space<hbm>>) target(%arg8 : memref<80x128xf32, #tpu.memory_space<vmem>>) offsets(%dma_start3A_179 : memref<80xi32, #tpu.memory_space<vmem>>) semaphore(%arg12 : memref<!tpu.dma_semaphore, #tpu.memory_space<semaphore_mem>>)
    %scan3A_183 = arith.constant 0 : i32
    %scan3A_184 = arith.constant 0 : i32
    %scan3A_185 = arith.constant 7 : i32
    %scan3A_186 = arith.addi %scan3A_184, %scan3A_185 : i32
    %scan3A_187 = arith.constant 1 : i32
    scf.for %scan3A_686 = %scan3A_184 to %scan3A_186 step %scan3A_187  : i32 {
      %mul3A_687 = arith.constant 3 : i32
      %mul3A_688 = arith.muli %mul3A_687, %scan3A_686 : i32
      %add3A_689 = arith.constant 0 : i32
      %add3A_690 = arith.addi %mul3A_688, %add3A_689 : i32
      %dma_wait3A_691 = arith.constant 0 : i32
      %dma_wait3A_692 = tpu.memref_slice %arg5[%add3A_690, %dma_wait3A_691] : memref<25x80xi32, #tpu.memory_space<vmem>> -> memref<1x80xi32, #tpu.memory_space<vmem>>
      %dma_wait3A_693 = tpu.memref_squeeze %dma_wait3A_692 : memref<1x80xi32, #tpu.memory_space<vmem>> -> memref<80xi32, #tpu.memory_space<vmem>>
      %dma_wait3A_694 = arith.constant 0 : i32
      %dma_wait3A_695 = arith.constant 0 : i32
      %dma_wait3A_696 = tpu.memref_slice %arg2[%dma_wait3A_694, %dma_wait3A_695] : memref<10000x128xf32, #tpu.memory_space<hbm>> -> memref<10000x128xf32, #tpu.memory_space<hbm>>
      tpu.wait_indirect_dma semaphore(%arg11 : memref<!tpu.dma_semaphore, #tpu.memory_space<semaphore_mem>>) src(%dma_wait3A_696 : memref<10000x128xf32, #tpu.memory_space<hbm>>) dst(%arg7 : memref<80x128xf32, #tpu.memory_space<vmem>>)
      %dma_start3A_697 = arith.constant 0 : i32
      %dma_start3A_698 = tpu.memref_slice %arg6[%add3A_690, %dma_start3A_697] : memref<25x80xi32, #tpu.memory_space<vmem>> -> memref<1x80xi32, #tpu.memory_space<vmem>>
      %dma_start3A_699 = tpu.memref_squeeze %dma_start3A_698 : memref<1x80xi32, #tpu.memory_space<vmem>> -> memref<80xi32, #tpu.memory_space<vmem>>
      %dma_start3A_700 = arith.constant 0 : i32
      %dma_start3A_701 = arith.constant 0 : i32
      %dma_start3A_702 = tpu.memref_slice %arg10[%dma_start3A_700, %dma_start3A_701] : memref<10240x128xf32, #tpu.memory_space<vmem_shared>> -> memref<10240x128xf32, #tpu.memory_space<vmem_shared>>
      tpu.enqueue_indirect_dma source(%arg7 : memref<80x128xf32, #tpu.memory_space<vmem>>) target(%dma_start3A_702 : memref<10240x128xf32, #tpu.memory_space<vmem_shared>>) offsets(%dma_start3A_699 : memref<80xi32, #tpu.memory_space<vmem>>) semaphore(%arg14 : memref<!tpu.dma_semaphore, #tpu.memory_space<semaphore_mem>>) {add = true}
      %gt3A = arith.constant 0 : i32
      %gt3A_703 = arith.cmpi sgt, %scan3A_686, %gt3A : i32
      %convert_element_type3A = arith.extui %gt3A_703 : i1 to i32
      %cond3A = arith.constant 0 : i32
      %cond3A_704 = arith.cmpi ne, %convert_element_type3A, %cond3A : i32
      scf.if %cond3A_704 {
        %sub3A_776 = arith.constant 1 : i32
        %sub3A_777 = arith.subi %add3A_690, %sub3A_776 : i32
        %dma_wait3A_778 = arith.constant 0 : i32
        %dma_wait3A_779 = tpu.memref_slice %arg6[%sub3A_777, %dma_wait3A_778] : memref<25x80xi32, #tpu.memory_space<vmem>> -> memref<1x80xi32, #tpu.memory_space<vmem>>
        %dma_wait3A_780 = tpu.memref_squeeze %dma_wait3A_779 : memref<1x80xi32, #tpu.memory_space<vmem>> -> memref<80xi32, #tpu.memory_space<vmem>>
        %dma_wait3A_781 = arith.constant 0 : i32
        %dma_wait3A_782 = arith.constant 0 : i32
        %dma_wait3A_783 = tpu.memref_slice %arg10[%dma_wait3A_781, %dma_wait3A_782] : memref<10240x128xf32, #tpu.memory_space<vmem_shared>> -> memref<10240x128xf32, #tpu.memory_space<vmem_shared>>
        tpu.wait_indirect_dma semaphore(%arg16 : memref<!tpu.dma_semaphore, #tpu.memory_space<semaphore_mem>>) src(%arg9 : memref<80x128xf32, #tpu.memory_space<vmem>>) dst(%dma_wait3A_783 : memref<10240x128xf32, #tpu.memory_space<vmem_shared>>)
      } else {
      }
      %add3A_705 = arith.constant 2 : i32
      %add3A_706 = arith.addi %add3A_690, %add3A_705 : i32
      %dma_start3A_707 = arith.constant 0 : i32
      %dma_start3A_708 = tpu.memref_slice %arg5[%add3A_706, %dma_start3A_707] : memref<25x80xi32, #tpu.memory_space<vmem>> -> memref<1x80xi32, #tpu.memory_space<vmem>>
      %dma_start3A_709 = tpu.memref_squeeze %dma_start3A_708 : memref<1x80xi32, #tpu.memory_space<vmem>> -> memref<80xi32, #tpu.memory_space<vmem>>
      %dma_start3A_710 = arith.constant 0 : i32
      %dma_start3A_711 = arith.constant 0 : i32
      %dma_start3A_712 = tpu.memref_slice %arg2[%dma_start3A_710, %dma_start3A_711] : memref<10000x128xf32, #tpu.memory_space<hbm>> -> memref<10000x128xf32, #tpu.memory_space<hbm>>
      tpu.enqueue_indirect_dma source(%dma_start3A_712 : memref<10000x128xf32, #tpu.memory_space<hbm>>) target(%arg9 : memref<80x128xf32, #tpu.memory_space<vmem>>) offsets(%dma_start3A_709 : memref<80xi32, #tpu.memory_space<vmem>>) semaphore(%arg13 : memref<!tpu.dma_semaphore, #tpu.memory_space<semaphore_mem>>)
      %mul3A_713 = arith.constant 3 : i32
      %mul3A_714 = arith.muli %mul3A_713, %scan3A_686 : i32
      %add3A_715 = arith.constant 1 : i32
      %add3A_716 = arith.addi %mul3A_714, %add3A_715 : i32
      %dma_wait3A_717 = arith.constant 0 : i32
      %dma_wait3A_718 = tpu.memref_slice %arg5[%add3A_716, %dma_wait3A_717] : memref<25x80xi32, #tpu.memory_space<vmem>> -> memref<1x80xi32, #tpu.memory_space<vmem>>
      %dma_wait3A_719 = tpu.memref_squeeze %dma_wait3A_718 : memref<1x80xi32, #tpu.memory_space<vmem>> -> memref<80xi32, #tpu.memory_space<vmem>>
      %dma_wait3A_720 = arith.constant 0 : i32
      %dma_wait3A_721 = arith.constant 0 : i32
      %dma_wait3A_722 = tpu.memref_slice %arg2[%dma_wait3A_720, %dma_wait3A_721] : memref<10000x128xf32, #tpu.memory_space<hbm>> -> memref<10000x128xf32, #tpu.memory_space<hbm>>
      tpu.wait_indirect_dma semaphore(%arg12 : memref<!tpu.dma_semaphore, #tpu.memory_space<semaphore_mem>>) src(%dma_wait3A_722 : memref<10000x128xf32, #tpu.memory_space<hbm>>) dst(%arg8 : memref<80x128xf32, #tpu.memory_space<vmem>>)
      %dma_start3A_723 = arith.constant 0 : i32
      %dma_start3A_724 = tpu.memref_slice %arg6[%add3A_716, %dma_start3A_723] : memref<25x80xi32, #tpu.memory_space<vmem>> -> memref<1x80xi32, #tpu.memory_space<vmem>>
      %dma_start3A_725 = tpu.memref_squeeze %dma_start3A_724 : memref<1x80xi32, #tpu.memory_space<vmem>> -> memref<80xi32, #tpu.memory_space<vmem>>
      %dma_start3A_726 = arith.constant 0 : i32
      %dma_start3A_727 = arith.constant 0 : i32
      %dma_start3A_728 = tpu.memref_slice %arg10[%dma_start3A_726, %dma_start3A_727] : memref<10240x128xf32, #tpu.memory_space<vmem_shared>> -> memref<10240x128xf32, #tpu.memory_space<vmem_shared>>
      tpu.enqueue_indirect_dma source(%arg8 : memref<80x128xf32, #tpu.memory_space<vmem>>) target(%dma_start3A_728 : memref<10240x128xf32, #tpu.memory_space<vmem_shared>>) offsets(%dma_start3A_725 : memref<80xi32, #tpu.memory_space<vmem>>) semaphore(%arg15 : memref<!tpu.dma_semaphore, #tpu.memory_space<semaphore_mem>>) {add = true}
      %sub3A = arith.constant 1 : i32
      %sub3A_729 = arith.subi %add3A_716, %sub3A : i32
      %dma_wait3A_730 = arith.constant 0 : i32
      %dma_wait3A_731 = tpu.memref_slice %arg6[%sub3A_729, %dma_wait3A_730] : memref<25x80xi32, #tpu.memory_space<vmem>> -> memref<1x80xi32, #tpu.memory_space<vmem>>
      %dma_wait3A_732 = tpu.memref_squeeze %dma_wait3A_731 : memref<1x80xi32, #tpu.memory_space<vmem>> -> memref<80xi32, #tpu.memory_space<vmem>>
      %dma_wait3A_733 = arith.constant 0 : i32
      %dma_wait3A_734 = arith.constant 0 : i32
      %dma_wait3A_735 = tpu.memref_slice %arg10[%dma_wait3A_733, %dma_wait3A_734] : memref<10240x128xf32, #tpu.memory_space<vmem_shared>> -> memref<10240x128xf32, #tpu.memory_space<vmem_shared>>
      tpu.wait_indirect_dma semaphore(%arg14 : memref<!tpu.dma_semaphore, #tpu.memory_space<semaphore_mem>>) src(%arg7 : memref<80x128xf32, #tpu.memory_space<vmem>>) dst(%dma_wait3A_735 : memref<10240x128xf32, #tpu.memory_space<vmem_shared>>)
      %add3A_736 = arith.constant 2 : i32
      %add3A_737 = arith.addi %add3A_716, %add3A_736 : i32
      %dma_start3A_738 = arith.constant 0 : i32
      %dma_start3A_739 = tpu.memref_slice %arg5[%add3A_737, %dma_start3A_738] : memref<25x80xi32, #tpu.memory_space<vmem>> -> memref<1x80xi32, #tpu.memory_space<vmem>>
      %dma_start3A_740 = tpu.memref_squeeze %dma_start3A_739 : memref<1x80xi32, #tpu.memory_space<vmem>> -> memref<80xi32, #tpu.memory_space<vmem>>
      %dma_start3A_741 = arith.constant 0 : i32
      %dma_start3A_742 = arith.constant 0 : i32
      %dma_start3A_743 = tpu.memref_slice %arg2[%dma_start3A_741, %dma_start3A_742] : memref<10000x128xf32, #tpu.memory_space<hbm>> -> memref<10000x128xf32, #tpu.memory_space<hbm>>
      tpu.enqueue_indirect_dma source(%dma_start3A_743 : memref<10000x128xf32, #tpu.memory_space<hbm>>) target(%arg7 : memref<80x128xf32, #tpu.memory_space<vmem>>) offsets(%dma_start3A_740 : memref<80xi32, #tpu.memory_space<vmem>>) semaphore(%arg11 : memref<!tpu.dma_semaphore, #tpu.memory_space<semaphore_mem>>)
      %mul3A_744 = arith.constant 3 : i32
      %mul3A_745 = arith.muli %mul3A_744, %scan3A_686 : i32
      %add3A_746 = arith.constant 2 : i32
      %add3A_747 = arith.addi %mul3A_745, %add3A_746 : i32
      %dma_wait3A_748 = arith.constant 0 : i32
      %dma_wait3A_749 = tpu.memref_slice %arg5[%add3A_747, %dma_wait3A_748] : memref<25x80xi32, #tpu.memory_space<vmem>> -> memref<1x80xi32, #tpu.memory_space<vmem>>
      %dma_wait3A_750 = tpu.memref_squeeze %dma_wait3A_749 : memref<1x80xi32, #tpu.memory_space<vmem>> -> memref<80xi32, #tpu.memory_space<vmem>>
      %dma_wait3A_751 = arith.constant 0 : i32
      %dma_wait3A_752 = arith.constant 0 : i32
      %dma_wait3A_753 = tpu.memref_slice %arg2[%dma_wait3A_751, %dma_wait3A_752] : memref<10000x128xf32, #tpu.memory_space<hbm>> -> memref<10000x128xf32, #tpu.memory_space<hbm>>
      tpu.wait_indirect_dma semaphore(%arg13 : memref<!tpu.dma_semaphore, #tpu.memory_space<semaphore_mem>>) src(%dma_wait3A_753 : memref<10000x128xf32, #tpu.memory_space<hbm>>) dst(%arg9 : memref<80x128xf32, #tpu.memory_space<vmem>>)
      %dma_start3A_754 = arith.constant 0 : i32
      %dma_start3A_755 = tpu.memref_slice %arg6[%add3A_747, %dma_start3A_754] : memref<25x80xi32, #tpu.memory_space<vmem>> -> memref<1x80xi32, #tpu.memory_space<vmem>>
      %dma_start3A_756 = tpu.memref_squeeze %dma_start3A_755 : memref<1x80xi32, #tpu.memory_space<vmem>> -> memref<80xi32, #tpu.memory_space<vmem>>
      %dma_start3A_757 = arith.constant 0 : i32
      %dma_start3A_758 = arith.constant 0 : i32
      %dma_start3A_759 = tpu.memref_slice %arg10[%dma_start3A_757, %dma_start3A_758] : memref<10240x128xf32, #tpu.memory_space<vmem_shared>> -> memref<10240x128xf32, #tpu.memory_space<vmem_shared>>
      tpu.enqueue_indirect_dma source(%arg9 : memref<80x128xf32, #tpu.memory_space<vmem>>) target(%dma_start3A_759 : memref<10240x128xf32, #tpu.memory_space<vmem_shared>>) offsets(%dma_start3A_756 : memref<80xi32, #tpu.memory_space<vmem>>) semaphore(%arg16 : memref<!tpu.dma_semaphore, #tpu.memory_space<semaphore_mem>>) {add = true}
      %sub3A_760 = arith.constant 1 : i32
      %sub3A_761 = arith.subi %add3A_747, %sub3A_760 : i32
      %dma_wait3A_762 = arith.constant 0 : i32
      %dma_wait3A_763 = tpu.memref_slice %arg6[%sub3A_761, %dma_wait3A_762] : memref<25x80xi32, #tpu.memory_space<vmem>> -> memref<1x80xi32, #tpu.memory_space<vmem>>
      %dma_wait3A_764 = tpu.memref_squeeze %dma_wait3A_763 : memref<1x80xi32, #tpu.memory_space<vmem>> -> memref<80xi32, #tpu.memory_space<vmem>>
      %dma_wait3A_765 = arith.constant 0 : i32
      %dma_wait3A_766 = arith.constant 0 : i32
      %dma_wait3A_767 = tpu.memref_slice %arg10[%dma_wait3A_765, %dma_wait3A_766] : memref<10240x128xf32, #tpu.memory_space<vmem_shared>> -> memref<10240x128xf32, #tpu.memory_space<vmem_shared>>
      tpu.wait_indirect_dma semaphore(%arg15 : memref<!tpu.dma_semaphore, #tpu.memory_space<semaphore_mem>>) src(%arg8 : memref<80x128xf32, #tpu.memory_space<vmem>>) dst(%dma_wait3A_767 : memref<10240x128xf32, #tpu.memory_space<vmem_shared>>)
      %add3A_768 = arith.constant 2 : i32
      %add3A_769 = arith.addi %add3A_747, %add3A_768 : i32
      %dma_start3A_770 = arith.constant 0 : i32
      %dma_start3A_771 = tpu.memref_slice %arg5[%add3A_769, %dma_start3A_770] : memref<25x80xi32, #tpu.memory_space<vmem>> -> memref<1x80xi32, #tpu.memory_space<vmem>>
      %dma_start3A_772 = tpu.memref_squeeze %dma_start3A_771 : memref<1x80xi32, #tpu.memory_space<vmem>> -> memref<80xi32, #tpu.memory_space<vmem>>
      %dma_start3A_773 = arith.constant 0 : i32
      %dma_start3A_774 = arith.constant 0 : i32
      %dma_start3A_775 = tpu.memref_slice %arg2[%dma_start3A_773, %dma_start3A_774] : memref<10000x128xf32, #tpu.memory_space<hbm>> -> memref<10000x128xf32, #tpu.memory_space<hbm>>
      tpu.enqueue_indirect_dma source(%dma_start3A_775 : memref<10000x128xf32, #tpu.memory_space<hbm>>) target(%arg8 : memref<80x128xf32, #tpu.memory_space<vmem>>) offsets(%dma_start3A_772 : memref<80xi32, #tpu.memory_space<vmem>>) semaphore(%arg12 : memref<!tpu.dma_semaphore, #tpu.memory_space<semaphore_mem>>)
    }
    %scan3A_188 = arith.constant 7 : i32
    %dma_wait3A_189 = arith.constant 21 : i32
    %dma_wait3A_190 = arith.constant 0 : i32
    %dma_wait3A_191 = tpu.memref_slice %arg5[%dma_wait3A_189, %dma_wait3A_190] : memref<25x80xi32, #tpu.memory_space<vmem>> -> memref<1x80xi32, #tpu.memory_space<vmem>>
    %dma_wait3A_192 = tpu.memref_squeeze %dma_wait3A_191 : memref<1x80xi32, #tpu.memory_space<vmem>> -> memref<80xi32, #tpu.memory_space<vmem>>
    %dma_wait3A_193 = arith.constant 0 : i32
    %dma_wait3A_194 = arith.constant 0 : i32
    %dma_wait3A_195 = tpu.memref_slice %arg2[%dma_wait3A_193, %dma_wait3A_194] : memref<10000x128xf32, #tpu.memory_space<hbm>> -> memref<10000x128xf32, #tpu.memory_space<hbm>>
    tpu.wait_indirect_dma semaphore(%arg11 : memref<!tpu.dma_semaphore, #tpu.memory_space<semaphore_mem>>) src(%dma_wait3A_195 : memref<10000x128xf32, #tpu.memory_space<hbm>>) dst(%arg7 : memref<80x128xf32, #tpu.memory_space<vmem>>)
    %dma_start3A_196 = arith.constant 21 : i32
    %dma_start3A_197 = arith.constant 0 : i32
    %dma_start3A_198 = tpu.memref_slice %arg6[%dma_start3A_196, %dma_start3A_197] : memref<25x80xi32, #tpu.memory_space<vmem>> -> memref<1x80xi32, #tpu.memory_space<vmem>>
    %dma_start3A_199 = tpu.memref_squeeze %dma_start3A_198 : memref<1x80xi32, #tpu.memory_space<vmem>> -> memref<80xi32, #tpu.memory_space<vmem>>
    %dma_start3A_200 = arith.constant 0 : i32
    %dma_start3A_201 = arith.constant 0 : i32
    %dma_start3A_202 = tpu.memref_slice %arg10[%dma_start3A_200, %dma_start3A_201] : memref<10240x128xf32, #tpu.memory_space<vmem_shared>> -> memref<10240x128xf32, #tpu.memory_space<vmem_shared>>
    tpu.enqueue_indirect_dma source(%arg7 : memref<80x128xf32, #tpu.memory_space<vmem>>) target(%dma_start3A_202 : memref<10240x128xf32, #tpu.memory_space<vmem_shared>>) offsets(%dma_start3A_199 : memref<80xi32, #tpu.memory_space<vmem>>) semaphore(%arg14 : memref<!tpu.dma_semaphore, #tpu.memory_space<semaphore_mem>>) {add = true}
    %dma_wait3A_203 = arith.constant 20 : i32
    %dma_wait3A_204 = arith.constant 0 : i32
    %dma_wait3A_205 = tpu.memref_slice %arg6[%dma_wait3A_203, %dma_wait3A_204] : memref<25x80xi32, #tpu.memory_space<vmem>> -> memref<1x80xi32, #tpu.memory_space<vmem>>
    %dma_wait3A_206 = tpu.memref_squeeze %dma_wait3A_205 : memref<1x80xi32, #tpu.memory_space<vmem>> -> memref<80xi32, #tpu.memory_space<vmem>>
    %dma_wait3A_207 = arith.constant 0 : i32
    %dma_wait3A_208 = arith.constant 0 : i32
    %dma_wait3A_209 = tpu.memref_slice %arg10[%dma_wait3A_207, %dma_wait3A_208] : memref<10240x128xf32, #tpu.memory_space<vmem_shared>> -> memref<10240x128xf32, #tpu.memory_space<vmem_shared>>
    tpu.wait_indirect_dma semaphore(%arg16 : memref<!tpu.dma_semaphore, #tpu.memory_space<semaphore_mem>>) src(%arg9 : memref<80x128xf32, #tpu.memory_space<vmem>>) dst(%dma_wait3A_209 : memref<10240x128xf32, #tpu.memory_space<vmem_shared>>)
    %dma_start3A_210 = arith.constant 23 : i32
    %dma_start3A_211 = arith.constant 0 : i32
    %dma_start3A_212 = tpu.memref_slice %arg5[%dma_start3A_210, %dma_start3A_211] : memref<25x80xi32, #tpu.memory_space<vmem>> -> memref<1x80xi32, #tpu.memory_space<vmem>>
    %dma_start3A_213 = tpu.memref_squeeze %dma_start3A_212 : memref<1x80xi32, #tpu.memory_space<vmem>> -> memref<80xi32, #tpu.memory_space<vmem>>
    %dma_start3A_214 = arith.constant 0 : i32
    %dma_start3A_215 = arith.constant 0 : i32
    %dma_start3A_216 = tpu.memref_slice %arg2[%dma_start3A_214, %dma_start3A_215] : memref<10000x128xf32, #tpu.memory_space<hbm>> -> memref<10000x128xf32, #tpu.memory_space<hbm>>
    tpu.enqueue_indirect_dma source(%dma_start3A_216 : memref<10000x128xf32, #tpu.memory_space<hbm>>) target(%arg9 : memref<80x128xf32, #tpu.memory_space<vmem>>) offsets(%dma_start3A_213 : memref<80xi32, #tpu.memory_space<vmem>>) semaphore(%arg13 : memref<!tpu.dma_semaphore, #tpu.memory_space<semaphore_mem>>)
    %dma_wait3A_217 = arith.constant 22 : i32
    %dma_wait3A_218 = arith.constant 0 : i32
    %dma_wait3A_219 = tpu.memref_slice %arg5[%dma_wait3A_217, %dma_wait3A_218] : memref<25x80xi32, #tpu.memory_space<vmem>> -> memref<1x80xi32, #tpu.memory_space<vmem>>
    %dma_wait3A_220 = tpu.memref_squeeze %dma_wait3A_219 : memref<1x80xi32, #tpu.memory_space<vmem>> -> memref<80xi32, #tpu.memory_space<vmem>>
    %dma_wait3A_221 = arith.constant 0 : i32
    %dma_wait3A_222 = arith.constant 0 : i32
    %dma_wait3A_223 = tpu.memref_slice %arg2[%dma_wait3A_221, %dma_wait3A_222] : memref<10000x128xf32, #tpu.memory_space<hbm>> -> memref<10000x128xf32, #tpu.memory_space<hbm>>
    tpu.wait_indirect_dma semaphore(%arg12 : memref<!tpu.dma_semaphore, #tpu.memory_space<semaphore_mem>>) src(%dma_wait3A_223 : memref<10000x128xf32, #tpu.memory_space<hbm>>) dst(%arg8 : memref<80x128xf32, #tpu.memory_space<vmem>>)
    %dma_start3A_224 = arith.constant 22 : i32
    %dma_start3A_225 = arith.constant 0 : i32
    %dma_start3A_226 = tpu.memref_slice %arg6[%dma_start3A_224, %dma_start3A_225] : memref<25x80xi32, #tpu.memory_space<vmem>> -> memref<1x80xi32, #tpu.memory_space<vmem>>
    %dma_start3A_227 = tpu.memref_squeeze %dma_start3A_226 : memref<1x80xi32, #tpu.memory_space<vmem>> -> memref<80xi32, #tpu.memory_space<vmem>>
    %dma_start3A_228 = arith.constant 0 : i32
    %dma_start3A_229 = arith.constant 0 : i32
    %dma_start3A_230 = tpu.memref_slice %arg10[%dma_start3A_228, %dma_start3A_229] : memref<10240x128xf32, #tpu.memory_space<vmem_shared>> -> memref<10240x128xf32, #tpu.memory_space<vmem_shared>>
    tpu.enqueue_indirect_dma source(%arg8 : memref<80x128xf32, #tpu.memory_space<vmem>>) target(%dma_start3A_230 : memref<10240x128xf32, #tpu.memory_space<vmem_shared>>) offsets(%dma_start3A_227 : memref<80xi32, #tpu.memory_space<vmem>>) semaphore(%arg15 : memref<!tpu.dma_semaphore, #tpu.memory_space<semaphore_mem>>) {add = true}
    %dma_wait3A_231 = arith.constant 21 : i32
    %dma_wait3A_232 = arith.constant 0 : i32
    %dma_wait3A_233 = tpu.memref_slice %arg6[%dma_wait3A_231, %dma_wait3A_232] : memref<25x80xi32, #tpu.memory_space<vmem>> -> memref<1x80xi32, #tpu.memory_space<vmem>>
    %dma_wait3A_234 = tpu.memref_squeeze %dma_wait3A_233 : memref<1x80xi32, #tpu.memory_space<vmem>> -> memref<80xi32, #tpu.memory_space<vmem>>
    %dma_wait3A_235 = arith.constant 0 : i32
    %dma_wait3A_236 = arith.constant 0 : i32
    %dma_wait3A_237 = tpu.memref_slice %arg10[%dma_wait3A_235, %dma_wait3A_236] : memref<10240x128xf32, #tpu.memory_space<vmem_shared>> -> memref<10240x128xf32, #tpu.memory_space<vmem_shared>>
    tpu.wait_indirect_dma semaphore(%arg14 : memref<!tpu.dma_semaphore, #tpu.memory_space<semaphore_mem>>) src(%arg7 : memref<80x128xf32, #tpu.memory_space<vmem>>) dst(%dma_wait3A_237 : memref<10240x128xf32, #tpu.memory_space<vmem_shared>>)
    %dma_start3A_238 = arith.constant 24 : i32
    %dma_start3A_239 = arith.constant 0 : i32
    %dma_start3A_240 = tpu.memref_slice %arg5[%dma_start3A_238, %dma_start3A_239] : memref<25x80xi32, #tpu.memory_space<vmem>> -> memref<1x80xi32, #tpu.memory_space<vmem>>
    %dma_start3A_241 = tpu.memref_squeeze %dma_start3A_240 : memref<1x80xi32, #tpu.memory_space<vmem>> -> memref<80xi32, #tpu.memory_space<vmem>>
    %dma_start3A_242 = arith.constant 0 : i32
    %dma_start3A_243 = arith.constant 0 : i32
    %dma_start3A_244 = tpu.memref_slice %arg2[%dma_start3A_242, %dma_start3A_243] : memref<10000x128xf32, #tpu.memory_space<hbm>> -> memref<10000x128xf32, #tpu.memory_space<hbm>>
    tpu.enqueue_indirect_dma source(%dma_start3A_244 : memref<10000x128xf32, #tpu.memory_space<hbm>>) target(%arg7 : memref<80x128xf32, #tpu.memory_space<vmem>>) offsets(%dma_start3A_241 : memref<80xi32, #tpu.memory_space<vmem>>) semaphore(%arg11 : memref<!tpu.dma_semaphore, #tpu.memory_space<semaphore_mem>>)
    %dma_wait3A_245 = arith.constant 23 : i32
    %dma_wait3A_246 = arith.constant 0 : i32
    %dma_wait3A_247 = tpu.memref_slice %arg5[%dma_wait3A_245, %dma_wait3A_246] : memref<25x80xi32, #tpu.memory_space<vmem>> -> memref<1x80xi32, #tpu.memory_space<vmem>>
    %dma_wait3A_248 = tpu.memref_squeeze %dma_wait3A_247 : memref<1x80xi32, #tpu.memory_space<vmem>> -> memref<80xi32, #tpu.memory_space<vmem>>
    %dma_wait3A_249 = arith.constant 0 : i32
    %dma_wait3A_250 = arith.constant 0 : i32
    %dma_wait3A_251 = tpu.memref_slice %arg2[%dma_wait3A_249, %dma_wait3A_250] : memref<10000x128xf32, #tpu.memory_space<hbm>> -> memref<10000x128xf32, #tpu.memory_space<hbm>>
    tpu.wait_indirect_dma semaphore(%arg13 : memref<!tpu.dma_semaphore, #tpu.memory_space<semaphore_mem>>) src(%dma_wait3A_251 : memref<10000x128xf32, #tpu.memory_space<hbm>>) dst(%arg9 : memref<80x128xf32, #tpu.memory_space<vmem>>)
    %dma_start3A_252 = arith.constant 23 : i32
    %dma_start3A_253 = arith.constant 0 : i32
    %dma_start3A_254 = tpu.memref_slice %arg6[%dma_start3A_252, %dma_start3A_253] : memref<25x80xi32, #tpu.memory_space<vmem>> -> memref<1x80xi32, #tpu.memory_space<vmem>>
    %dma_start3A_255 = tpu.memref_squeeze %dma_start3A_254 : memref<1x80xi32, #tpu.memory_space<vmem>> -> memref<80xi32, #tpu.memory_space<vmem>>
    %dma_start3A_256 = arith.constant 0 : i32
    %dma_start3A_257 = arith.constant 0 : i32
    %dma_start3A_258 = tpu.memref_slice %arg10[%dma_start3A_256, %dma_start3A_257] : memref<10240x128xf32, #tpu.memory_space<vmem_shared>> -> memref<10240x128xf32, #tpu.memory_space<vmem_shared>>
    tpu.enqueue_indirect_dma source(%arg9 : memref<80x128xf32, #tpu.memory_space<vmem>>) target(%dma_start3A_258 : memref<10240x128xf32, #tpu.memory_space<vmem_shared>>) offsets(%dma_start3A_255 : memref<80xi32, #tpu.memory_space<vmem>>) semaphore(%arg16 : memref<!tpu.dma_semaphore, #tpu.memory_space<semaphore_mem>>) {add = true}
    %dma_wait3A_259 = arith.constant 22 : i32
    %dma_wait3A_260 = arith.constant 0 : i32
    %dma_wait3A_261 = tpu.memref_slice %arg6[%dma_wait3A_259, %dma_wait3A_260] : memref<25x80xi32, #tpu.memory_space<vmem>> -> memref<1x80xi32, #tpu.memory_space<vmem>>
    %dma_wait3A_262 = tpu.memref_squeeze %dma_wait3A_261 : memref<1x80xi32, #tpu.memory_space<vmem>> -> memref<80xi32, #tpu.memory_space<vmem>>
    %dma_wait3A_263 = arith.constant 0 : i32
    %dma_wait3A_264 = arith.constant 0 : i32
    %dma_wait3A_265 = tpu.memref_slice %arg10[%dma_wait3A_263, %dma_wait3A_264] : memref<10240x128xf32, #tpu.memory_space<vmem_shared>> -> memref<10240x128xf32, #tpu.memory_space<vmem_shared>>
    tpu.wait_indirect_dma semaphore(%arg15 : memref<!tpu.dma_semaphore, #tpu.memory_space<semaphore_mem>>) src(%arg8 : memref<80x128xf32, #tpu.memory_space<vmem>>) dst(%dma_wait3A_265 : memref<10240x128xf32, #tpu.memory_space<vmem_shared>>)
    %dma_wait3A_266 = arith.constant 24 : i32
    %dma_wait3A_267 = arith.constant 0 : i32
    %dma_wait3A_268 = tpu.memref_slice %arg5[%dma_wait3A_266, %dma_wait3A_267] : memref<25x80xi32, #tpu.memory_space<vmem>> -> memref<1x80xi32, #tpu.memory_space<vmem>>
    %dma_wait3A_269 = tpu.memref_squeeze %dma_wait3A_268 : memref<1x80xi32, #tpu.memory_space<vmem>> -> memref<80xi32, #tpu.memory_space<vmem>>
    %dma_wait3A_270 = arith.constant 0 : i32
    %dma_wait3A_271 = arith.constant 0 : i32
    %dma_wait3A_272 = tpu.memref_slice %arg2[%dma_wait3A_270, %dma_wait3A_271] : memref<10000x128xf32, #tpu.memory_space<hbm>> -> memref<10000x128xf32, #tpu.memory_space<hbm>>
    tpu.wait_indirect_dma semaphore(%arg11 : memref<!tpu.dma_semaphore, #tpu.memory_space<semaphore_mem>>) src(%dma_wait3A_272 : memref<10000x128xf32, #tpu.memory_space<hbm>>) dst(%arg7 : memref<80x128xf32, #tpu.memory_space<vmem>>)
    %dma_start3A_273 = arith.constant 24 : i32
    %dma_start3A_274 = arith.constant 0 : i32
    %dma_start3A_275 = tpu.memref_slice %arg6[%dma_start3A_273, %dma_start3A_274] : memref<25x80xi32, #tpu.memory_space<vmem>> -> memref<1x80xi32, #tpu.memory_space<vmem>>
    %dma_start3A_276 = tpu.memref_squeeze %dma_start3A_275 : memref<1x80xi32, #tpu.memory_space<vmem>> -> memref<80xi32, #tpu.memory_space<vmem>>
    %dma_start3A_277 = arith.constant 0 : i32
    %dma_start3A_278 = arith.constant 0 : i32
    %dma_start3A_279 = tpu.memref_slice %arg10[%dma_start3A_277, %dma_start3A_278] : memref<10240x128xf32, #tpu.memory_space<vmem_shared>> -> memref<10240x128xf32, #tpu.memory_space<vmem_shared>>
    tpu.enqueue_indirect_dma source(%arg7 : memref<80x128xf32, #tpu.memory_space<vmem>>) target(%dma_start3A_279 : memref<10240x128xf32, #tpu.memory_space<vmem_shared>>) offsets(%dma_start3A_276 : memref<80xi32, #tpu.memory_space<vmem>>) semaphore(%arg14 : memref<!tpu.dma_semaphore, #tpu.memory_space<semaphore_mem>>) {add = true}
    %dma_wait3A_280 = arith.constant 23 : i32
    %dma_wait3A_281 = arith.constant 0 : i32
    %dma_wait3A_282 = tpu.memref_slice %arg6[%dma_wait3A_280, %dma_wait3A_281] : memref<25x80xi32, #tpu.memory_space<vmem>> -> memref<1x80xi32, #tpu.memory_space<vmem>>
    %dma_wait3A_283 = tpu.memref_squeeze %dma_wait3A_282 : memref<1x80xi32, #tpu.memory_space<vmem>> -> memref<80xi32, #tpu.memory_space<vmem>>
    %dma_wait3A_284 = arith.constant 0 : i32
    %dma_wait3A_285 = arith.constant 0 : i32
    %dma_wait3A_286 = tpu.memref_slice %arg10[%dma_wait3A_284, %dma_wait3A_285] : memref<10240x128xf32, #tpu.memory_space<vmem_shared>> -> memref<10240x128xf32, #tpu.memory_space<vmem_shared>>
    tpu.wait_indirect_dma semaphore(%arg16 : memref<!tpu.dma_semaphore, #tpu.memory_space<semaphore_mem>>) src(%arg9 : memref<80x128xf32, #tpu.memory_space<vmem>>) dst(%dma_wait3A_286 : memref<10240x128xf32, #tpu.memory_space<vmem_shared>>)
    %dma_wait3A_287 = arith.constant 24 : i32
    %dma_wait3A_288 = arith.constant 0 : i32
    %dma_wait3A_289 = tpu.memref_slice %arg6[%dma_wait3A_287, %dma_wait3A_288] : memref<25x80xi32, #tpu.memory_space<vmem>> -> memref<1x80xi32, #tpu.memory_space<vmem>>
    %dma_wait3A_290 = tpu.memref_squeeze %dma_wait3A_289 : memref<1x80xi32, #tpu.memory_space<vmem>> -> memref<80xi32, #tpu.memory_space<vmem>>
    %dma_wait3A_291 = arith.constant 0 : i32
    %dma_wait3A_292 = arith.constant 0 : i32
    %dma_wait3A_293 = tpu.memref_slice %arg10[%dma_wait3A_291, %dma_wait3A_292] : memref<10240x128xf32, #tpu.memory_space<vmem_shared>> -> memref<10240x128xf32, #tpu.memory_space<vmem_shared>>
    tpu.wait_indirect_dma semaphore(%arg14 : memref<!tpu.dma_semaphore, #tpu.memory_space<semaphore_mem>>) src(%arg7 : memref<80x128xf32, #tpu.memory_space<vmem>>) dst(%dma_wait3A_293 : memref<10240x128xf32, #tpu.memory_space<vmem_shared>>)
    %run_scoped3A_294 = arith.constant 0 : i32
    %run_scoped3A_295 = arith.constant 2 : i32
    "tpu.region"() ({
      %run_scoped3A_686 = tpu.sem_alloc : memref<!tpu.dma_semaphore, #tpu.memory_space<semaphore_mem>>
      %dma_start3A_687 = arith.constant 0 : i32
      %dma_start3A_688 = arith.constant 0 : i32
      %dma_start3A_689 = tpu.memref_slice %arg3[%run_scoped3A_294, %add3A, %run_scoped3A_295, %dma_start3A_687, %dma_start3A_688] : memref<2x32x5x25x80xi32, #tpu.memory_space<hbm>> -> memref<1x1x1x25x80xi32, #tpu.memory_space<hbm>>
      %dma_start3A_690 = tpu.memref_squeeze %dma_start3A_689 : memref<1x1x1x25x80xi32, #tpu.memory_space<hbm>> -> memref<25x80xi32, #tpu.memory_space<hbm>>
      %dma_start3A_691 = arith.constant 0 : i32
      %dma_start3A_692 = arith.constant 0 : i32
      %dma_start3A_693 = tpu.memref_slice %arg3[%run_scoped3A_294, %add3A, %run_scoped3A_295, %dma_start3A_691, %dma_start3A_692] : memref<2x32x5x25x80xi32, #tpu.memory_space<hbm>> -> memref<1x1x1x25x80xi32, #tpu.memory_space<hbm>>
      %dma_start3A_694 = tpu.memref_squeeze %dma_start3A_693 : memref<1x1x1x25x80xi32, #tpu.memory_space<hbm>> -> memref<25x80xi32, #tpu.memory_space<hbm>>
      tpu.enqueue_dma source(%dma_start3A_694 : memref<25x80xi32, #tpu.memory_space<hbm>>) target(%arg5 : memref<25x80xi32, #tpu.memory_space<vmem>>) target_semaphore(%run_scoped3A_686 : memref<!tpu.dma_semaphore, #tpu.memory_space<semaphore_mem>>)
      %dma_wait3A_695 = arith.constant 0 : i32
      %dma_wait3A_696 = arith.constant 0 : i32
      %dma_wait3A_697 = tpu.memref_slice %arg3[%run_scoped3A_294, %add3A, %run_scoped3A_295, %dma_wait3A_695, %dma_wait3A_696] : memref<2x32x5x25x80xi32, #tpu.memory_space<hbm>> -> memref<1x1x1x25x80xi32, #tpu.memory_space<hbm>>
      %dma_wait3A_698 = tpu.memref_squeeze %dma_wait3A_697 : memref<1x1x1x25x80xi32, #tpu.memory_space<hbm>> -> memref<25x80xi32, #tpu.memory_space<hbm>>
      %dma_wait3A_699 = arith.constant 0 : i32
      %dma_wait3A_700 = arith.constant 0 : i32
      %dma_wait3A_701 = tpu.memref_slice %arg3[%run_scoped3A_294, %add3A, %run_scoped3A_295, %dma_wait3A_699, %dma_wait3A_700] : memref<2x32x5x25x80xi32, #tpu.memory_space<hbm>> -> memref<1x1x1x25x80xi32, #tpu.memory_space<hbm>>
      %dma_wait3A_702 = tpu.memref_squeeze %dma_wait3A_701 : memref<1x1x1x25x80xi32, #tpu.memory_space<hbm>> -> memref<25x80xi32, #tpu.memory_space<hbm>>
      tpu.wait_dma2 semaphore(%run_scoped3A_686 : memref<!tpu.dma_semaphore, #tpu.memory_space<semaphore_mem>>) src(%dma_wait3A_702 : memref<25x80xi32, #tpu.memory_space<hbm>>) dst(%arg5 : memref<25x80xi32, #tpu.memory_space<vmem>>)
      tpu.yield
    }) : () -> ()
    %run_scoped3A_296 = arith.constant 1 : i32
    %run_scoped3A_297 = arith.constant 2 : i32
    "tpu.region"() ({
      %run_scoped3A_686 = tpu.sem_alloc : memref<!tpu.dma_semaphore, #tpu.memory_space<semaphore_mem>>
      %dma_start3A_687 = arith.constant 0 : i32
      %dma_start3A_688 = arith.constant 0 : i32
      %dma_start3A_689 = tpu.memref_slice %arg3[%run_scoped3A_296, %add3A, %run_scoped3A_297, %dma_start3A_687, %dma_start3A_688] : memref<2x32x5x25x80xi32, #tpu.memory_space<hbm>> -> memref<1x1x1x25x80xi32, #tpu.memory_space<hbm>>
      %dma_start3A_690 = tpu.memref_squeeze %dma_start3A_689 : memref<1x1x1x25x80xi32, #tpu.memory_space<hbm>> -> memref<25x80xi32, #tpu.memory_space<hbm>>
      %dma_start3A_691 = arith.constant 0 : i32
      %dma_start3A_692 = arith.constant 0 : i32
      %dma_start3A_693 = tpu.memref_slice %arg3[%run_scoped3A_296, %add3A, %run_scoped3A_297, %dma_start3A_691, %dma_start3A_692] : memref<2x32x5x25x80xi32, #tpu.memory_space<hbm>> -> memref<1x1x1x25x80xi32, #tpu.memory_space<hbm>>
      %dma_start3A_694 = tpu.memref_squeeze %dma_start3A_693 : memref<1x1x1x25x80xi32, #tpu.memory_space<hbm>> -> memref<25x80xi32, #tpu.memory_space<hbm>>
      tpu.enqueue_dma source(%dma_start3A_694 : memref<25x80xi32, #tpu.memory_space<hbm>>) target(%arg6 : memref<25x80xi32, #tpu.memory_space<vmem>>) target_semaphore(%run_scoped3A_686 : memref<!tpu.dma_semaphore, #tpu.memory_space<semaphore_mem>>)
      %dma_wait3A_695 = arith.constant 0 : i32
      %dma_wait3A_696 = arith.constant 0 : i32
      %dma_wait3A_697 = tpu.memref_slice %arg3[%run_scoped3A_296, %add3A, %run_scoped3A_297, %dma_wait3A_695, %dma_wait3A_696] : memref<2x32x5x25x80xi32, #tpu.memory_space<hbm>> -> memref<1x1x1x25x80xi32, #tpu.memory_space<hbm>>
      %dma_wait3A_698 = tpu.memref_squeeze %dma_wait3A_697 : memref<1x1x1x25x80xi32, #tpu.memory_space<hbm>> -> memref<25x80xi32, #tpu.memory_space<hbm>>
      %dma_wait3A_699 = arith.constant 0 : i32
      %dma_wait3A_700 = arith.constant 0 : i32
      %dma_wait3A_701 = tpu.memref_slice %arg3[%run_scoped3A_296, %add3A, %run_scoped3A_297, %dma_wait3A_699, %dma_wait3A_700] : memref<2x32x5x25x80xi32, #tpu.memory_space<hbm>> -> memref<1x1x1x25x80xi32, #tpu.memory_space<hbm>>
      %dma_wait3A_702 = tpu.memref_squeeze %dma_wait3A_701 : memref<1x1x1x25x80xi32, #tpu.memory_space<hbm>> -> memref<25x80xi32, #tpu.memory_space<hbm>>
      tpu.wait_dma2 semaphore(%run_scoped3A_686 : memref<!tpu.dma_semaphore, #tpu.memory_space<semaphore_mem>>) src(%dma_wait3A_702 : memref<25x80xi32, #tpu.memory_space<hbm>>) dst(%arg6 : memref<25x80xi32, #tpu.memory_space<vmem>>)
      tpu.yield
    }) : () -> ()
    %dma_start3A_298 = arith.constant 0 : i32
    %dma_start3A_299 = arith.constant 0 : i32
    %dma_start3A_300 = tpu.memref_slice %arg5[%dma_start3A_298, %dma_start3A_299] : memref<25x80xi32, #tpu.memory_space<vmem>> -> memref<1x80xi32, #tpu.memory_space<vmem>>
    %dma_start3A_301 = tpu.memref_squeeze %dma_start3A_300 : memref<1x80xi32, #tpu.memory_space<vmem>> -> memref<80xi32, #tpu.memory_space<vmem>>
    %dma_start3A_302 = arith.constant 0 : i32
    %dma_start3A_303 = arith.constant 0 : i32
    %dma_start3A_304 = tpu.memref_slice %arg2[%dma_start3A_302, %dma_start3A_303] : memref<10000x128xf32, #tpu.memory_space<hbm>> -> memref<10000x128xf32, #tpu.memory_space<hbm>>
    tpu.enqueue_indirect_dma source(%dma_start3A_304 : memref<10000x128xf32, #tpu.memory_space<hbm>>) target(%arg7 : memref<80x128xf32, #tpu.memory_space<vmem>>) offsets(%dma_start3A_301 : memref<80xi32, #tpu.memory_space<vmem>>) semaphore(%arg11 : memref<!tpu.dma_semaphore, #tpu.memory_space<semaphore_mem>>)
    %dma_start3A_305 = arith.constant 1 : i32
    %dma_start3A_306 = arith.constant 0 : i32
    %dma_start3A_307 = tpu.memref_slice %arg5[%dma_start3A_305, %dma_start3A_306] : memref<25x80xi32, #tpu.memory_space<vmem>> -> memref<1x80xi32, #tpu.memory_space<vmem>>
    %dma_start3A_308 = tpu.memref_squeeze %dma_start3A_307 : memref<1x80xi32, #tpu.memory_space<vmem>> -> memref<80xi32, #tpu.memory_space<vmem>>
    %dma_start3A_309 = arith.constant 0 : i32
    %dma_start3A_310 = arith.constant 0 : i32
    %dma_start3A_311 = tpu.memref_slice %arg2[%dma_start3A_309, %dma_start3A_310] : memref<10000x128xf32, #tpu.memory_space<hbm>> -> memref<10000x128xf32, #tpu.memory_space<hbm>>
    tpu.enqueue_indirect_dma source(%dma_start3A_311 : memref<10000x128xf32, #tpu.memory_space<hbm>>) target(%arg8 : memref<80x128xf32, #tpu.memory_space<vmem>>) offsets(%dma_start3A_308 : memref<80xi32, #tpu.memory_space<vmem>>) semaphore(%arg12 : memref<!tpu.dma_semaphore, #tpu.memory_space<semaphore_mem>>)
    %scan3A_312 = arith.constant 0 : i32
    %scan3A_313 = arith.constant 0 : i32
    %scan3A_314 = arith.constant 7 : i32
    %scan3A_315 = arith.addi %scan3A_313, %scan3A_314 : i32
    %scan3A_316 = arith.constant 1 : i32
    scf.for %scan3A_686 = %scan3A_313 to %scan3A_315 step %scan3A_316  : i32 {
      %mul3A_687 = arith.constant 3 : i32
      %mul3A_688 = arith.muli %mul3A_687, %scan3A_686 : i32
      %add3A_689 = arith.constant 0 : i32
      %add3A_690 = arith.addi %mul3A_688, %add3A_689 : i32
      %dma_wait3A_691 = arith.constant 0 : i32
      %dma_wait3A_692 = tpu.memref_slice %arg5[%add3A_690, %dma_wait3A_691] : memref<25x80xi32, #tpu.memory_space<vmem>> -> memref<1x80xi32, #tpu.memory_space<vmem>>
      %dma_wait3A_693 = tpu.memref_squeeze %dma_wait3A_692 : memref<1x80xi32, #tpu.memory_space<vmem>> -> memref<80xi32, #tpu.memory_space<vmem>>
      %dma_wait3A_694 = arith.constant 0 : i32
      %dma_wait3A_695 = arith.constant 0 : i32
      %dma_wait3A_696 = tpu.memref_slice %arg2[%dma_wait3A_694, %dma_wait3A_695] : memref<10000x128xf32, #tpu.memory_space<hbm>> -> memref<10000x128xf32, #tpu.memory_space<hbm>>
      tpu.wait_indirect_dma semaphore(%arg11 : memref<!tpu.dma_semaphore, #tpu.memory_space<semaphore_mem>>) src(%dma_wait3A_696 : memref<10000x128xf32, #tpu.memory_space<hbm>>) dst(%arg7 : memref<80x128xf32, #tpu.memory_space<vmem>>)
      %dma_start3A_697 = arith.constant 0 : i32
      %dma_start3A_698 = tpu.memref_slice %arg6[%add3A_690, %dma_start3A_697] : memref<25x80xi32, #tpu.memory_space<vmem>> -> memref<1x80xi32, #tpu.memory_space<vmem>>
      %dma_start3A_699 = tpu.memref_squeeze %dma_start3A_698 : memref<1x80xi32, #tpu.memory_space<vmem>> -> memref<80xi32, #tpu.memory_space<vmem>>
      %dma_start3A_700 = arith.constant 0 : i32
      %dma_start3A_701 = arith.constant 0 : i32
      %dma_start3A_702 = tpu.memref_slice %arg10[%dma_start3A_700, %dma_start3A_701] : memref<10240x128xf32, #tpu.memory_space<vmem_shared>> -> memref<10240x128xf32, #tpu.memory_space<vmem_shared>>
      tpu.enqueue_indirect_dma source(%arg7 : memref<80x128xf32, #tpu.memory_space<vmem>>) target(%dma_start3A_702 : memref<10240x128xf32, #tpu.memory_space<vmem_shared>>) offsets(%dma_start3A_699 : memref<80xi32, #tpu.memory_space<vmem>>) semaphore(%arg14 : memref<!tpu.dma_semaphore, #tpu.memory_space<semaphore_mem>>) {add = true}
      %gt3A = arith.constant 0 : i32
      %gt3A_703 = arith.cmpi sgt, %scan3A_686, %gt3A : i32
      %convert_element_type3A = arith.extui %gt3A_703 : i1 to i32
      %cond3A = arith.constant 0 : i32
      %cond3A_704 = arith.cmpi ne, %convert_element_type3A, %cond3A : i32
      scf.if %cond3A_704 {
        %sub3A_776 = arith.constant 1 : i32
        %sub3A_777 = arith.subi %add3A_690, %sub3A_776 : i32
        %dma_wait3A_778 = arith.constant 0 : i32
        %dma_wait3A_779 = tpu.memref_slice %arg6[%sub3A_777, %dma_wait3A_778] : memref<25x80xi32, #tpu.memory_space<vmem>> -> memref<1x80xi32, #tpu.memory_space<vmem>>
        %dma_wait3A_780 = tpu.memref_squeeze %dma_wait3A_779 : memref<1x80xi32, #tpu.memory_space<vmem>> -> memref<80xi32, #tpu.memory_space<vmem>>
        %dma_wait3A_781 = arith.constant 0 : i32
        %dma_wait3A_782 = arith.constant 0 : i32
        %dma_wait3A_783 = tpu.memref_slice %arg10[%dma_wait3A_781, %dma_wait3A_782] : memref<10240x128xf32, #tpu.memory_space<vmem_shared>> -> memref<10240x128xf32, #tpu.memory_space<vmem_shared>>
        tpu.wait_indirect_dma semaphore(%arg16 : memref<!tpu.dma_semaphore, #tpu.memory_space<semaphore_mem>>) src(%arg9 : memref<80x128xf32, #tpu.memory_space<vmem>>) dst(%dma_wait3A_783 : memref<10240x128xf32, #tpu.memory_space<vmem_shared>>)
      } else {
      }
      %add3A_705 = arith.constant 2 : i32
      %add3A_706 = arith.addi %add3A_690, %add3A_705 : i32
      %dma_start3A_707 = arith.constant 0 : i32
      %dma_start3A_708 = tpu.memref_slice %arg5[%add3A_706, %dma_start3A_707] : memref<25x80xi32, #tpu.memory_space<vmem>> -> memref<1x80xi32, #tpu.memory_space<vmem>>
      %dma_start3A_709 = tpu.memref_squeeze %dma_start3A_708 : memref<1x80xi32, #tpu.memory_space<vmem>> -> memref<80xi32, #tpu.memory_space<vmem>>
      %dma_start3A_710 = arith.constant 0 : i32
      %dma_start3A_711 = arith.constant 0 : i32
      %dma_start3A_712 = tpu.memref_slice %arg2[%dma_start3A_710, %dma_start3A_711] : memref<10000x128xf32, #tpu.memory_space<hbm>> -> memref<10000x128xf32, #tpu.memory_space<hbm>>
      tpu.enqueue_indirect_dma source(%dma_start3A_712 : memref<10000x128xf32, #tpu.memory_space<hbm>>) target(%arg9 : memref<80x128xf32, #tpu.memory_space<vmem>>) offsets(%dma_start3A_709 : memref<80xi32, #tpu.memory_space<vmem>>) semaphore(%arg13 : memref<!tpu.dma_semaphore, #tpu.memory_space<semaphore_mem>>)
      %mul3A_713 = arith.constant 3 : i32
      %mul3A_714 = arith.muli %mul3A_713, %scan3A_686 : i32
      %add3A_715 = arith.constant 1 : i32
      %add3A_716 = arith.addi %mul3A_714, %add3A_715 : i32
      %dma_wait3A_717 = arith.constant 0 : i32
      %dma_wait3A_718 = tpu.memref_slice %arg5[%add3A_716, %dma_wait3A_717] : memref<25x80xi32, #tpu.memory_space<vmem>> -> memref<1x80xi32, #tpu.memory_space<vmem>>
      %dma_wait3A_719 = tpu.memref_squeeze %dma_wait3A_718 : memref<1x80xi32, #tpu.memory_space<vmem>> -> memref<80xi32, #tpu.memory_space<vmem>>
      %dma_wait3A_720 = arith.constant 0 : i32
      %dma_wait3A_721 = arith.constant 0 : i32
      %dma_wait3A_722 = tpu.memref_slice %arg2[%dma_wait3A_720, %dma_wait3A_721] : memref<10000x128xf32, #tpu.memory_space<hbm>> -> memref<10000x128xf32, #tpu.memory_space<hbm>>
      tpu.wait_indirect_dma semaphore(%arg12 : memref<!tpu.dma_semaphore, #tpu.memory_space<semaphore_mem>>) src(%dma_wait3A_722 : memref<10000x128xf32, #tpu.memory_space<hbm>>) dst(%arg8 : memref<80x128xf32, #tpu.memory_space<vmem>>)
      %dma_start3A_723 = arith.constant 0 : i32
      %dma_start3A_724 = tpu.memref_slice %arg6[%add3A_716, %dma_start3A_723] : memref<25x80xi32, #tpu.memory_space<vmem>> -> memref<1x80xi32, #tpu.memory_space<vmem>>
      %dma_start3A_725 = tpu.memref_squeeze %dma_start3A_724 : memref<1x80xi32, #tpu.memory_space<vmem>> -> memref<80xi32, #tpu.memory_space<vmem>>
      %dma_start3A_726 = arith.constant 0 : i32
      %dma_start3A_727 = arith.constant 0 : i32
      %dma_start3A_728 = tpu.memref_slice %arg10[%dma_start3A_726, %dma_start3A_727] : memref<10240x128xf32, #tpu.memory_space<vmem_shared>> -> memref<10240x128xf32, #tpu.memory_space<vmem_shared>>
      tpu.enqueue_indirect_dma source(%arg8 : memref<80x128xf32, #tpu.memory_space<vmem>>) target(%dma_start3A_728 : memref<10240x128xf32, #tpu.memory_space<vmem_shared>>) offsets(%dma_start3A_725 : memref<80xi32, #tpu.memory_space<vmem>>) semaphore(%arg15 : memref<!tpu.dma_semaphore, #tpu.memory_space<semaphore_mem>>) {add = true}
      %sub3A = arith.constant 1 : i32
      %sub3A_729 = arith.subi %add3A_716, %sub3A : i32
      %dma_wait3A_730 = arith.constant 0 : i32
      %dma_wait3A_731 = tpu.memref_slice %arg6[%sub3A_729, %dma_wait3A_730] : memref<25x80xi32, #tpu.memory_space<vmem>> -> memref<1x80xi32, #tpu.memory_space<vmem>>
      %dma_wait3A_732 = tpu.memref_squeeze %dma_wait3A_731 : memref<1x80xi32, #tpu.memory_space<vmem>> -> memref<80xi32, #tpu.memory_space<vmem>>
      %dma_wait3A_733 = arith.constant 0 : i32
      %dma_wait3A_734 = arith.constant 0 : i32
      %dma_wait3A_735 = tpu.memref_slice %arg10[%dma_wait3A_733, %dma_wait3A_734] : memref<10240x128xf32, #tpu.memory_space<vmem_shared>> -> memref<10240x128xf32, #tpu.memory_space<vmem_shared>>
      tpu.wait_indirect_dma semaphore(%arg14 : memref<!tpu.dma_semaphore, #tpu.memory_space<semaphore_mem>>) src(%arg7 : memref<80x128xf32, #tpu.memory_space<vmem>>) dst(%dma_wait3A_735 : memref<10240x128xf32, #tpu.memory_space<vmem_shared>>)
      %add3A_736 = arith.constant 2 : i32
      %add3A_737 = arith.addi %add3A_716, %add3A_736 : i32
      %dma_start3A_738 = arith.constant 0 : i32
      %dma_start3A_739 = tpu.memref_slice %arg5[%add3A_737, %dma_start3A_738] : memref<25x80xi32, #tpu.memory_space<vmem>> -> memref<1x80xi32, #tpu.memory_space<vmem>>
      %dma_start3A_740 = tpu.memref_squeeze %dma_start3A_739 : memref<1x80xi32, #tpu.memory_space<vmem>> -> memref<80xi32, #tpu.memory_space<vmem>>
      %dma_start3A_741 = arith.constant 0 : i32
      %dma_start3A_742 = arith.constant 0 : i32
      %dma_start3A_743 = tpu.memref_slice %arg2[%dma_start3A_741, %dma_start3A_742] : memref<10000x128xf32, #tpu.memory_space<hbm>> -> memref<10000x128xf32, #tpu.memory_space<hbm>>
      tpu.enqueue_indirect_dma source(%dma_start3A_743 : memref<10000x128xf32, #tpu.memory_space<hbm>>) target(%arg7 : memref<80x128xf32, #tpu.memory_space<vmem>>) offsets(%dma_start3A_740 : memref<80xi32, #tpu.memory_space<vmem>>) semaphore(%arg11 : memref<!tpu.dma_semaphore, #tpu.memory_space<semaphore_mem>>)
      %mul3A_744 = arith.constant 3 : i32
      %mul3A_745 = arith.muli %mul3A_744, %scan3A_686 : i32
      %add3A_746 = arith.constant 2 : i32
      %add3A_747 = arith.addi %mul3A_745, %add3A_746 : i32
      %dma_wait3A_748 = arith.constant 0 : i32
      %dma_wait3A_749 = tpu.memref_slice %arg5[%add3A_747, %dma_wait3A_748] : memref<25x80xi32, #tpu.memory_space<vmem>> -> memref<1x80xi32, #tpu.memory_space<vmem>>
      %dma_wait3A_750 = tpu.memref_squeeze %dma_wait3A_749 : memref<1x80xi32, #tpu.memory_space<vmem>> -> memref<80xi32, #tpu.memory_space<vmem>>
      %dma_wait3A_751 = arith.constant 0 : i32
      %dma_wait3A_752 = arith.constant 0 : i32
      %dma_wait3A_753 = tpu.memref_slice %arg2[%dma_wait3A_751, %dma_wait3A_752] : memref<10000x128xf32, #tpu.memory_space<hbm>> -> memref<10000x128xf32, #tpu.memory_space<hbm>>
      tpu.wait_indirect_dma semaphore(%arg13 : memref<!tpu.dma_semaphore, #tpu.memory_space<semaphore_mem>>) src(%dma_wait3A_753 : memref<10000x128xf32, #tpu.memory_space<hbm>>) dst(%arg9 : memref<80x128xf32, #tpu.memory_space<vmem>>)
      %dma_start3A_754 = arith.constant 0 : i32
      %dma_start3A_755 = tpu.memref_slice %arg6[%add3A_747, %dma_start3A_754] : memref<25x80xi32, #tpu.memory_space<vmem>> -> memref<1x80xi32, #tpu.memory_space<vmem>>
      %dma_start3A_756 = tpu.memref_squeeze %dma_start3A_755 : memref<1x80xi32, #tpu.memory_space<vmem>> -> memref<80xi32, #tpu.memory_space<vmem>>
      %dma_start3A_757 = arith.constant 0 : i32
      %dma_start3A_758 = arith.constant 0 : i32
      %dma_start3A_759 = tpu.memref_slice %arg10[%dma_start3A_757, %dma_start3A_758] : memref<10240x128xf32, #tpu.memory_space<vmem_shared>> -> memref<10240x128xf32, #tpu.memory_space<vmem_shared>>
      tpu.enqueue_indirect_dma source(%arg9 : memref<80x128xf32, #tpu.memory_space<vmem>>) target(%dma_start3A_759 : memref<10240x128xf32, #tpu.memory_space<vmem_shared>>) offsets(%dma_start3A_756 : memref<80xi32, #tpu.memory_space<vmem>>) semaphore(%arg16 : memref<!tpu.dma_semaphore, #tpu.memory_space<semaphore_mem>>) {add = true}
      %sub3A_760 = arith.constant 1 : i32
      %sub3A_761 = arith.subi %add3A_747, %sub3A_760 : i32
      %dma_wait3A_762 = arith.constant 0 : i32
      %dma_wait3A_763 = tpu.memref_slice %arg6[%sub3A_761, %dma_wait3A_762] : memref<25x80xi32, #tpu.memory_space<vmem>> -> memref<1x80xi32, #tpu.memory_space<vmem>>
      %dma_wait3A_764 = tpu.memref_squeeze %dma_wait3A_763 : memref<1x80xi32, #tpu.memory_space<vmem>> -> memref<80xi32, #tpu.memory_space<vmem>>
      %dma_wait3A_765 = arith.constant 0 : i32
      %dma_wait3A_766 = arith.constant 0 : i32
      %dma_wait3A_767 = tpu.memref_slice %arg10[%dma_wait3A_765, %dma_wait3A_766] : memref<10240x128xf32, #tpu.memory_space<vmem_shared>> -> memref<10240x128xf32, #tpu.memory_space<vmem_shared>>
      tpu.wait_indirect_dma semaphore(%arg15 : memref<!tpu.dma_semaphore, #tpu.memory_space<semaphore_mem>>) src(%arg8 : memref<80x128xf32, #tpu.memory_space<vmem>>) dst(%dma_wait3A_767 : memref<10240x128xf32, #tpu.memory_space<vmem_shared>>)
      %add3A_768 = arith.constant 2 : i32
      %add3A_769 = arith.addi %add3A_747, %add3A_768 : i32
      %dma_start3A_770 = arith.constant 0 : i32
      %dma_start3A_771 = tpu.memref_slice %arg5[%add3A_769, %dma_start3A_770] : memref<25x80xi32, #tpu.memory_space<vmem>> -> memref<1x80xi32, #tpu.memory_space<vmem>>
      %dma_start3A_772 = tpu.memref_squeeze %dma_start3A_771 : memref<1x80xi32, #tpu.memory_space<vmem>> -> memref<80xi32, #tpu.memory_space<vmem>>
      %dma_start3A_773 = arith.constant 0 : i32
      %dma_start3A_774 = arith.constant 0 : i32
      %dma_start3A_775 = tpu.memref_slice %arg2[%dma_start3A_773, %dma_start3A_774] : memref<10000x128xf32, #tpu.memory_space<hbm>> -> memref<10000x128xf32, #tpu.memory_space<hbm>>
      tpu.enqueue_indirect_dma source(%dma_start3A_775 : memref<10000x128xf32, #tpu.memory_space<hbm>>) target(%arg8 : memref<80x128xf32, #tpu.memory_space<vmem>>) offsets(%dma_start3A_772 : memref<80xi32, #tpu.memory_space<vmem>>) semaphore(%arg12 : memref<!tpu.dma_semaphore, #tpu.memory_space<semaphore_mem>>)
    }
    %scan3A_317 = arith.constant 7 : i32
    %dma_wait3A_318 = arith.constant 21 : i32
    %dma_wait3A_319 = arith.constant 0 : i32
    %dma_wait3A_320 = tpu.memref_slice %arg5[%dma_wait3A_318, %dma_wait3A_319] : memref<25x80xi32, #tpu.memory_space<vmem>> -> memref<1x80xi32, #tpu.memory_space<vmem>>
    %dma_wait3A_321 = tpu.memref_squeeze %dma_wait3A_320 : memref<1x80xi32, #tpu.memory_space<vmem>> -> memref<80xi32, #tpu.memory_space<vmem>>
    %dma_wait3A_322 = arith.constant 0 : i32
    %dma_wait3A_323 = arith.constant 0 : i32
    %dma_wait3A_324 = tpu.memref_slice %arg2[%dma_wait3A_322, %dma_wait3A_323] : memref<10000x128xf32, #tpu.memory_space<hbm>> -> memref<10000x128xf32, #tpu.memory_space<hbm>>
    tpu.wait_indirect_dma semaphore(%arg11 : memref<!tpu.dma_semaphore, #tpu.memory_space<semaphore_mem>>) src(%dma_wait3A_324 : memref<10000x128xf32, #tpu.memory_space<hbm>>) dst(%arg7 : memref<80x128xf32, #tpu.memory_space<vmem>>)
    %dma_start3A_325 = arith.constant 21 : i32
    %dma_start3A_326 = arith.constant 0 : i32
    %dma_start3A_327 = tpu.memref_slice %arg6[%dma_start3A_325, %dma_start3A_326] : memref<25x80xi32, #tpu.memory_space<vmem>> -> memref<1x80xi32, #tpu.memory_space<vmem>>
    %dma_start3A_328 = tpu.memref_squeeze %dma_start3A_327 : memref<1x80xi32, #tpu.memory_space<vmem>> -> memref<80xi32, #tpu.memory_space<vmem>>
    %dma_start3A_329 = arith.constant 0 : i32
    %dma_start3A_330 = arith.constant 0 : i32
    %dma_start3A_331 = tpu.memref_slice %arg10[%dma_start3A_329, %dma_start3A_330] : memref<10240x128xf32, #tpu.memory_space<vmem_shared>> -> memref<10240x128xf32, #tpu.memory_space<vmem_shared>>
    tpu.enqueue_indirect_dma source(%arg7 : memref<80x128xf32, #tpu.memory_space<vmem>>) target(%dma_start3A_331 : memref<10240x128xf32, #tpu.memory_space<vmem_shared>>) offsets(%dma_start3A_328 : memref<80xi32, #tpu.memory_space<vmem>>) semaphore(%arg14 : memref<!tpu.dma_semaphore, #tpu.memory_space<semaphore_mem>>) {add = true}
    %dma_wait3A_332 = arith.constant 20 : i32
    %dma_wait3A_333 = arith.constant 0 : i32
    %dma_wait3A_334 = tpu.memref_slice %arg6[%dma_wait3A_332, %dma_wait3A_333] : memref<25x80xi32, #tpu.memory_space<vmem>> -> memref<1x80xi32, #tpu.memory_space<vmem>>
    %dma_wait3A_335 = tpu.memref_squeeze %dma_wait3A_334 : memref<1x80xi32, #tpu.memory_space<vmem>> -> memref<80xi32, #tpu.memory_space<vmem>>
    %dma_wait3A_336 = arith.constant 0 : i32
    %dma_wait3A_337 = arith.constant 0 : i32
    %dma_wait3A_338 = tpu.memref_slice %arg10[%dma_wait3A_336, %dma_wait3A_337] : memref<10240x128xf32, #tpu.memory_space<vmem_shared>> -> memref<10240x128xf32, #tpu.memory_space<vmem_shared>>
    tpu.wait_indirect_dma semaphore(%arg16 : memref<!tpu.dma_semaphore, #tpu.memory_space<semaphore_mem>>) src(%arg9 : memref<80x128xf32, #tpu.memory_space<vmem>>) dst(%dma_wait3A_338 : memref<10240x128xf32, #tpu.memory_space<vmem_shared>>)
    %dma_start3A_339 = arith.constant 23 : i32
    %dma_start3A_340 = arith.constant 0 : i32
    %dma_start3A_341 = tpu.memref_slice %arg5[%dma_start3A_339, %dma_start3A_340] : memref<25x80xi32, #tpu.memory_space<vmem>> -> memref<1x80xi32, #tpu.memory_space<vmem>>
    %dma_start3A_342 = tpu.memref_squeeze %dma_start3A_341 : memref<1x80xi32, #tpu.memory_space<vmem>> -> memref<80xi32, #tpu.memory_space<vmem>>
    %dma_start3A_343 = arith.constant 0 : i32
    %dma_start3A_344 = arith.constant 0 : i32
    %dma_start3A_345 = tpu.memref_slice %arg2[%dma_start3A_343, %dma_start3A_344] : memref<10000x128xf32, #tpu.memory_space<hbm>> -> memref<10000x128xf32, #tpu.memory_space<hbm>>
    tpu.enqueue_indirect_dma source(%dma_start3A_345 : memref<10000x128xf32, #tpu.memory_space<hbm>>) target(%arg9 : memref<80x128xf32, #tpu.memory_space<vmem>>) offsets(%dma_start3A_342 : memref<80xi32, #tpu.memory_space<vmem>>) semaphore(%arg13 : memref<!tpu.dma_semaphore, #tpu.memory_space<semaphore_mem>>)
    %dma_wait3A_346 = arith.constant 22 : i32
    %dma_wait3A_347 = arith.constant 0 : i32
    %dma_wait3A_348 = tpu.memref_slice %arg5[%dma_wait3A_346, %dma_wait3A_347] : memref<25x80xi32, #tpu.memory_space<vmem>> -> memref<1x80xi32, #tpu.memory_space<vmem>>
    %dma_wait3A_349 = tpu.memref_squeeze %dma_wait3A_348 : memref<1x80xi32, #tpu.memory_space<vmem>> -> memref<80xi32, #tpu.memory_space<vmem>>
    %dma_wait3A_350 = arith.constant 0 : i32
    %dma_wait3A_351 = arith.constant 0 : i32
    %dma_wait3A_352 = tpu.memref_slice %arg2[%dma_wait3A_350, %dma_wait3A_351] : memref<10000x128xf32, #tpu.memory_space<hbm>> -> memref<10000x128xf32, #tpu.memory_space<hbm>>
    tpu.wait_indirect_dma semaphore(%arg12 : memref<!tpu.dma_semaphore, #tpu.memory_space<semaphore_mem>>) src(%dma_wait3A_352 : memref<10000x128xf32, #tpu.memory_space<hbm>>) dst(%arg8 : memref<80x128xf32, #tpu.memory_space<vmem>>)
    %dma_start3A_353 = arith.constant 22 : i32
    %dma_start3A_354 = arith.constant 0 : i32
    %dma_start3A_355 = tpu.memref_slice %arg6[%dma_start3A_353, %dma_start3A_354] : memref<25x80xi32, #tpu.memory_space<vmem>> -> memref<1x80xi32, #tpu.memory_space<vmem>>
    %dma_start3A_356 = tpu.memref_squeeze %dma_start3A_355 : memref<1x80xi32, #tpu.memory_space<vmem>> -> memref<80xi32, #tpu.memory_space<vmem>>
    %dma_start3A_357 = arith.constant 0 : i32
    %dma_start3A_358 = arith.constant 0 : i32
    %dma_start3A_359 = tpu.memref_slice %arg10[%dma_start3A_357, %dma_start3A_358] : memref<10240x128xf32, #tpu.memory_space<vmem_shared>> -> memref<10240x128xf32, #tpu.memory_space<vmem_shared>>
    tpu.enqueue_indirect_dma source(%arg8 : memref<80x128xf32, #tpu.memory_space<vmem>>) target(%dma_start3A_359 : memref<10240x128xf32, #tpu.memory_space<vmem_shared>>) offsets(%dma_start3A_356 : memref<80xi32, #tpu.memory_space<vmem>>) semaphore(%arg15 : memref<!tpu.dma_semaphore, #tpu.memory_space<semaphore_mem>>) {add = true}
    %dma_wait3A_360 = arith.constant 21 : i32
    %dma_wait3A_361 = arith.constant 0 : i32
    %dma_wait3A_362 = tpu.memref_slice %arg6[%dma_wait3A_360, %dma_wait3A_361] : memref<25x80xi32, #tpu.memory_space<vmem>> -> memref<1x80xi32, #tpu.memory_space<vmem>>
    %dma_wait3A_363 = tpu.memref_squeeze %dma_wait3A_362 : memref<1x80xi32, #tpu.memory_space<vmem>> -> memref<80xi32, #tpu.memory_space<vmem>>
    %dma_wait3A_364 = arith.constant 0 : i32
    %dma_wait3A_365 = arith.constant 0 : i32
    %dma_wait3A_366 = tpu.memref_slice %arg10[%dma_wait3A_364, %dma_wait3A_365] : memref<10240x128xf32, #tpu.memory_space<vmem_shared>> -> memref<10240x128xf32, #tpu.memory_space<vmem_shared>>
    tpu.wait_indirect_dma semaphore(%arg14 : memref<!tpu.dma_semaphore, #tpu.memory_space<semaphore_mem>>) src(%arg7 : memref<80x128xf32, #tpu.memory_space<vmem>>) dst(%dma_wait3A_366 : memref<10240x128xf32, #tpu.memory_space<vmem_shared>>)
    %dma_start3A_367 = arith.constant 24 : i32
    %dma_start3A_368 = arith.constant 0 : i32
    %dma_start3A_369 = tpu.memref_slice %arg5[%dma_start3A_367, %dma_start3A_368] : memref<25x80xi32, #tpu.memory_space<vmem>> -> memref<1x80xi32, #tpu.memory_space<vmem>>
    %dma_start3A_370 = tpu.memref_squeeze %dma_start3A_369 : memref<1x80xi32, #tpu.memory_space<vmem>> -> memref<80xi32, #tpu.memory_space<vmem>>
    %dma_start3A_371 = arith.constant 0 : i32
    %dma_start3A_372 = arith.constant 0 : i32
    %dma_start3A_373 = tpu.memref_slice %arg2[%dma_start3A_371, %dma_start3A_372] : memref<10000x128xf32, #tpu.memory_space<hbm>> -> memref<10000x128xf32, #tpu.memory_space<hbm>>
    tpu.enqueue_indirect_dma source(%dma_start3A_373 : memref<10000x128xf32, #tpu.memory_space<hbm>>) target(%arg7 : memref<80x128xf32, #tpu.memory_space<vmem>>) offsets(%dma_start3A_370 : memref<80xi32, #tpu.memory_space<vmem>>) semaphore(%arg11 : memref<!tpu.dma_semaphore, #tpu.memory_space<semaphore_mem>>)
    %dma_wait3A_374 = arith.constant 23 : i32
    %dma_wait3A_375 = arith.constant 0 : i32
    %dma_wait3A_376 = tpu.memref_slice %arg5[%dma_wait3A_374, %dma_wait3A_375] : memref<25x80xi32, #tpu.memory_space<vmem>> -> memref<1x80xi32, #tpu.memory_space<vmem>>
    %dma_wait3A_377 = tpu.memref_squeeze %dma_wait3A_376 : memref<1x80xi32, #tpu.memory_space<vmem>> -> memref<80xi32, #tpu.memory_space<vmem>>
    %dma_wait3A_378 = arith.constant 0 : i32
    %dma_wait3A_379 = arith.constant 0 : i32
    %dma_wait3A_380 = tpu.memref_slice %arg2[%dma_wait3A_378, %dma_wait3A_379] : memref<10000x128xf32, #tpu.memory_space<hbm>> -> memref<10000x128xf32, #tpu.memory_space<hbm>>
    tpu.wait_indirect_dma semaphore(%arg13 : memref<!tpu.dma_semaphore, #tpu.memory_space<semaphore_mem>>) src(%dma_wait3A_380 : memref<10000x128xf32, #tpu.memory_space<hbm>>) dst(%arg9 : memref<80x128xf32, #tpu.memory_space<vmem>>)
    %dma_start3A_381 = arith.constant 23 : i32
    %dma_start3A_382 = arith.constant 0 : i32
    %dma_start3A_383 = tpu.memref_slice %arg6[%dma_start3A_381, %dma_start3A_382] : memref<25x80xi32, #tpu.memory_space<vmem>> -> memref<1x80xi32, #tpu.memory_space<vmem>>
    %dma_start3A_384 = tpu.memref_squeeze %dma_start3A_383 : memref<1x80xi32, #tpu.memory_space<vmem>> -> memref<80xi32, #tpu.memory_space<vmem>>
    %dma_start3A_385 = arith.constant 0 : i32
    %dma_start3A_386 = arith.constant 0 : i32
    %dma_start3A_387 = tpu.memref_slice %arg10[%dma_start3A_385, %dma_start3A_386] : memref<10240x128xf32, #tpu.memory_space<vmem_shared>> -> memref<10240x128xf32, #tpu.memory_space<vmem_shared>>
    tpu.enqueue_indirect_dma source(%arg9 : memref<80x128xf32, #tpu.memory_space<vmem>>) target(%dma_start3A_387 : memref<10240x128xf32, #tpu.memory_space<vmem_shared>>) offsets(%dma_start3A_384 : memref<80xi32, #tpu.memory_space<vmem>>) semaphore(%arg16 : memref<!tpu.dma_semaphore, #tpu.memory_space<semaphore_mem>>) {add = true}
    %dma_wait3A_388 = arith.constant 22 : i32
    %dma_wait3A_389 = arith.constant 0 : i32
    %dma_wait3A_390 = tpu.memref_slice %arg6[%dma_wait3A_388, %dma_wait3A_389] : memref<25x80xi32, #tpu.memory_space<vmem>> -> memref<1x80xi32, #tpu.memory_space<vmem>>
    %dma_wait3A_391 = tpu.memref_squeeze %dma_wait3A_390 : memref<1x80xi32, #tpu.memory_space<vmem>> -> memref<80xi32, #tpu.memory_space<vmem>>
    %dma_wait3A_392 = arith.constant 0 : i32
    %dma_wait3A_393 = arith.constant 0 : i32
    %dma_wait3A_394 = tpu.memref_slice %arg10[%dma_wait3A_392, %dma_wait3A_393] : memref<10240x128xf32, #tpu.memory_space<vmem_shared>> -> memref<10240x128xf32, #tpu.memory_space<vmem_shared>>
    tpu.wait_indirect_dma semaphore(%arg15 : memref<!tpu.dma_semaphore, #tpu.memory_space<semaphore_mem>>) src(%arg8 : memref<80x128xf32, #tpu.memory_space<vmem>>) dst(%dma_wait3A_394 : memref<10240x128xf32, #tpu.memory_space<vmem_shared>>)
    %dma_wait3A_395 = arith.constant 24 : i32
    %dma_wait3A_396 = arith.constant 0 : i32
    %dma_wait3A_397 = tpu.memref_slice %arg5[%dma_wait3A_395, %dma_wait3A_396] : memref<25x80xi32, #tpu.memory_space<vmem>> -> memref<1x80xi32, #tpu.memory_space<vmem>>
    %dma_wait3A_398 = tpu.memref_squeeze %dma_wait3A_397 : memref<1x80xi32, #tpu.memory_space<vmem>> -> memref<80xi32, #tpu.memory_space<vmem>>
    %dma_wait3A_399 = arith.constant 0 : i32
    %dma_wait3A_400 = arith.constant 0 : i32
    %dma_wait3A_401 = tpu.memref_slice %arg2[%dma_wait3A_399, %dma_wait3A_400] : memref<10000x128xf32, #tpu.memory_space<hbm>> -> memref<10000x128xf32, #tpu.memory_space<hbm>>
    tpu.wait_indirect_dma semaphore(%arg11 : memref<!tpu.dma_semaphore, #tpu.memory_space<semaphore_mem>>) src(%dma_wait3A_401 : memref<10000x128xf32, #tpu.memory_space<hbm>>) dst(%arg7 : memref<80x128xf32, #tpu.memory_space<vmem>>)
    %dma_start3A_402 = arith.constant 24 : i32
    %dma_start3A_403 = arith.constant 0 : i32
    %dma_start3A_404 = tpu.memref_slice %arg6[%dma_start3A_402, %dma_start3A_403] : memref<25x80xi32, #tpu.memory_space<vmem>> -> memref<1x80xi32, #tpu.memory_space<vmem>>
    %dma_start3A_405 = tpu.memref_squeeze %dma_start3A_404 : memref<1x80xi32, #tpu.memory_space<vmem>> -> memref<80xi32, #tpu.memory_space<vmem>>
    %dma_start3A_406 = arith.constant 0 : i32
    %dma_start3A_407 = arith.constant 0 : i32
    %dma_start3A_408 = tpu.memref_slice %arg10[%dma_start3A_406, %dma_start3A_407] : memref<10240x128xf32, #tpu.memory_space<vmem_shared>> -> memref<10240x128xf32, #tpu.memory_space<vmem_shared>>
    tpu.enqueue_indirect_dma source(%arg7 : memref<80x128xf32, #tpu.memory_space<vmem>>) target(%dma_start3A_408 : memref<10240x128xf32, #tpu.memory_space<vmem_shared>>) offsets(%dma_start3A_405 : memref<80xi32, #tpu.memory_space<vmem>>) semaphore(%arg14 : memref<!tpu.dma_semaphore, #tpu.memory_space<semaphore_mem>>) {add = true}
    %dma_wait3A_409 = arith.constant 23 : i32
    %dma_wait3A_410 = arith.constant 0 : i32
    %dma_wait3A_411 = tpu.memref_slice %arg6[%dma_wait3A_409, %dma_wait3A_410] : memref<25x80xi32, #tpu.memory_space<vmem>> -> memref<1x80xi32, #tpu.memory_space<vmem>>
    %dma_wait3A_412 = tpu.memref_squeeze %dma_wait3A_411 : memref<1x80xi32, #tpu.memory_space<vmem>> -> memref<80xi32, #tpu.memory_space<vmem>>
    %dma_wait3A_413 = arith.constant 0 : i32
    %dma_wait3A_414 = arith.constant 0 : i32
    %dma_wait3A_415 = tpu.memref_slice %arg10[%dma_wait3A_413, %dma_wait3A_414] : memref<10240x128xf32, #tpu.memory_space<vmem_shared>> -> memref<10240x128xf32, #tpu.memory_space<vmem_shared>>
    tpu.wait_indirect_dma semaphore(%arg16 : memref<!tpu.dma_semaphore, #tpu.memory_space<semaphore_mem>>) src(%arg9 : memref<80x128xf32, #tpu.memory_space<vmem>>) dst(%dma_wait3A_415 : memref<10240x128xf32, #tpu.memory_space<vmem_shared>>)
    %dma_wait3A_416 = arith.constant 24 : i32
    %dma_wait3A_417 = arith.constant 0 : i32
    %dma_wait3A_418 = tpu.memref_slice %arg6[%dma_wait3A_416, %dma_wait3A_417] : memref<25x80xi32, #tpu.memory_space<vmem>> -> memref<1x80xi32, #tpu.memory_space<vmem>>
    %dma_wait3A_419 = tpu.memref_squeeze %dma_wait3A_418 : memref<1x80xi32, #tpu.memory_space<vmem>> -> memref<80xi32, #tpu.memory_space<vmem>>
    %dma_wait3A_420 = arith.constant 0 : i32
    %dma_wait3A_421 = arith.constant 0 : i32
    %dma_wait3A_422 = tpu.memref_slice %arg10[%dma_wait3A_420, %dma_wait3A_421] : memref<10240x128xf32, #tpu.memory_space<vmem_shared>> -> memref<10240x128xf32, #tpu.memory_space<vmem_shared>>
    tpu.wait_indirect_dma semaphore(%arg14 : memref<!tpu.dma_semaphore, #tpu.memory_space<semaphore_mem>>) src(%arg7 : memref<80x128xf32, #tpu.memory_space<vmem>>) dst(%dma_wait3A_422 : memref<10240x128xf32, #tpu.memory_space<vmem_shared>>)
    %run_scoped3A_423 = arith.constant 0 : i32
    %run_scoped3A_424 = arith.constant 3 : i32
    "tpu.region"() ({
      %run_scoped3A_686 = tpu.sem_alloc : memref<!tpu.dma_semaphore, #tpu.memory_space<semaphore_mem>>
      %dma_start3A_687 = arith.constant 0 : i32
      %dma_start3A_688 = arith.constant 0 : i32
      %dma_start3A_689 = tpu.memref_slice %arg3[%run_scoped3A_423, %add3A, %run_scoped3A_424, %dma_start3A_687, %dma_start3A_688] : memref<2x32x5x25x80xi32, #tpu.memory_space<hbm>> -> memref<1x1x1x25x80xi32, #tpu.memory_space<hbm>>
      %dma_start3A_690 = tpu.memref_squeeze %dma_start3A_689 : memref<1x1x1x25x80xi32, #tpu.memory_space<hbm>> -> memref<25x80xi32, #tpu.memory_space<hbm>>
      %dma_start3A_691 = arith.constant 0 : i32
      %dma_start3A_692 = arith.constant 0 : i32
      %dma_start3A_693 = tpu.memref_slice %arg3[%run_scoped3A_423, %add3A, %run_scoped3A_424, %dma_start3A_691, %dma_start3A_692] : memref<2x32x5x25x80xi32, #tpu.memory_space<hbm>> -> memref<1x1x1x25x80xi32, #tpu.memory_space<hbm>>
      %dma_start3A_694 = tpu.memref_squeeze %dma_start3A_693 : memref<1x1x1x25x80xi32, #tpu.memory_space<hbm>> -> memref<25x80xi32, #tpu.memory_space<hbm>>
      tpu.enqueue_dma source(%dma_start3A_694 : memref<25x80xi32, #tpu.memory_space<hbm>>) target(%arg5 : memref<25x80xi32, #tpu.memory_space<vmem>>) target_semaphore(%run_scoped3A_686 : memref<!tpu.dma_semaphore, #tpu.memory_space<semaphore_mem>>)
      %dma_wait3A_695 = arith.constant 0 : i32
      %dma_wait3A_696 = arith.constant 0 : i32
      %dma_wait3A_697 = tpu.memref_slice %arg3[%run_scoped3A_423, %add3A, %run_scoped3A_424, %dma_wait3A_695, %dma_wait3A_696] : memref<2x32x5x25x80xi32, #tpu.memory_space<hbm>> -> memref<1x1x1x25x80xi32, #tpu.memory_space<hbm>>
      %dma_wait3A_698 = tpu.memref_squeeze %dma_wait3A_697 : memref<1x1x1x25x80xi32, #tpu.memory_space<hbm>> -> memref<25x80xi32, #tpu.memory_space<hbm>>
      %dma_wait3A_699 = arith.constant 0 : i32
      %dma_wait3A_700 = arith.constant 0 : i32
      %dma_wait3A_701 = tpu.memref_slice %arg3[%run_scoped3A_423, %add3A, %run_scoped3A_424, %dma_wait3A_699, %dma_wait3A_700] : memref<2x32x5x25x80xi32, #tpu.memory_space<hbm>> -> memref<1x1x1x25x80xi32, #tpu.memory_space<hbm>>
      %dma_wait3A_702 = tpu.memref_squeeze %dma_wait3A_701 : memref<1x1x1x25x80xi32, #tpu.memory_space<hbm>> -> memref<25x80xi32, #tpu.memory_space<hbm>>
      tpu.wait_dma2 semaphore(%run_scoped3A_686 : memref<!tpu.dma_semaphore, #tpu.memory_space<semaphore_mem>>) src(%dma_wait3A_702 : memref<25x80xi32, #tpu.memory_space<hbm>>) dst(%arg5 : memref<25x80xi32, #tpu.memory_space<vmem>>)
      tpu.yield
    }) : () -> ()
    %run_scoped3A_425 = arith.constant 1 : i32
    %run_scoped3A_426 = arith.constant 3 : i32
    "tpu.region"() ({
      %run_scoped3A_686 = tpu.sem_alloc : memref<!tpu.dma_semaphore, #tpu.memory_space<semaphore_mem>>
      %dma_start3A_687 = arith.constant 0 : i32
      %dma_start3A_688 = arith.constant 0 : i32
      %dma_start3A_689 = tpu.memref_slice %arg3[%run_scoped3A_425, %add3A, %run_scoped3A_426, %dma_start3A_687, %dma_start3A_688] : memref<2x32x5x25x80xi32, #tpu.memory_space<hbm>> -> memref<1x1x1x25x80xi32, #tpu.memory_space<hbm>>
      %dma_start3A_690 = tpu.memref_squeeze %dma_start3A_689 : memref<1x1x1x25x80xi32, #tpu.memory_space<hbm>> -> memref<25x80xi32, #tpu.memory_space<hbm>>
      %dma_start3A_691 = arith.constant 0 : i32
      %dma_start3A_692 = arith.constant 0 : i32
      %dma_start3A_693 = tpu.memref_slice %arg3[%run_scoped3A_425, %add3A, %run_scoped3A_426, %dma_start3A_691, %dma_start3A_692] : memref<2x32x5x25x80xi32, #tpu.memory_space<hbm>> -> memref<1x1x1x25x80xi32, #tpu.memory_space<hbm>>
      %dma_start3A_694 = tpu.memref_squeeze %dma_start3A_693 : memref<1x1x1x25x80xi32, #tpu.memory_space<hbm>> -> memref<25x80xi32, #tpu.memory_space<hbm>>
      tpu.enqueue_dma source(%dma_start3A_694 : memref<25x80xi32, #tpu.memory_space<hbm>>) target(%arg6 : memref<25x80xi32, #tpu.memory_space<vmem>>) target_semaphore(%run_scoped3A_686 : memref<!tpu.dma_semaphore, #tpu.memory_space<semaphore_mem>>)
      %dma_wait3A_695 = arith.constant 0 : i32
      %dma_wait3A_696 = arith.constant 0 : i32
      %dma_wait3A_697 = tpu.memref_slice %arg3[%run_scoped3A_425, %add3A, %run_scoped3A_426, %dma_wait3A_695, %dma_wait3A_696] : memref<2x32x5x25x80xi32, #tpu.memory_space<hbm>> -> memref<1x1x1x25x80xi32, #tpu.memory_space<hbm>>
      %dma_wait3A_698 = tpu.memref_squeeze %dma_wait3A_697 : memref<1x1x1x25x80xi32, #tpu.memory_space<hbm>> -> memref<25x80xi32, #tpu.memory_space<hbm>>
      %dma_wait3A_699 = arith.constant 0 : i32
      %dma_wait3A_700 = arith.constant 0 : i32
      %dma_wait3A_701 = tpu.memref_slice %arg3[%run_scoped3A_425, %add3A, %run_scoped3A_426, %dma_wait3A_699, %dma_wait3A_700] : memref<2x32x5x25x80xi32, #tpu.memory_space<hbm>> -> memref<1x1x1x25x80xi32, #tpu.memory_space<hbm>>
      %dma_wait3A_702 = tpu.memref_squeeze %dma_wait3A_701 : memref<1x1x1x25x80xi32, #tpu.memory_space<hbm>> -> memref<25x80xi32, #tpu.memory_space<hbm>>
      tpu.wait_dma2 semaphore(%run_scoped3A_686 : memref<!tpu.dma_semaphore, #tpu.memory_space<semaphore_mem>>) src(%dma_wait3A_702 : memref<25x80xi32, #tpu.memory_space<hbm>>) dst(%arg6 : memref<25x80xi32, #tpu.memory_space<vmem>>)
      tpu.yield
    }) : () -> ()
    %dma_start3A_427 = arith.constant 0 : i32
    %dma_start3A_428 = arith.constant 0 : i32
    %dma_start3A_429 = tpu.memref_slice %arg5[%dma_start3A_427, %dma_start3A_428] : memref<25x80xi32, #tpu.memory_space<vmem>> -> memref<1x80xi32, #tpu.memory_space<vmem>>
    %dma_start3A_430 = tpu.memref_squeeze %dma_start3A_429 : memref<1x80xi32, #tpu.memory_space<vmem>> -> memref<80xi32, #tpu.memory_space<vmem>>
    %dma_start3A_431 = arith.constant 0 : i32
    %dma_start3A_432 = arith.constant 0 : i32
    %dma_start3A_433 = tpu.memref_slice %arg2[%dma_start3A_431, %dma_start3A_432] : memref<10000x128xf32, #tpu.memory_space<hbm>> -> memref<10000x128xf32, #tpu.memory_space<hbm>>
    tpu.enqueue_indirect_dma source(%dma_start3A_433 : memref<10000x128xf32, #tpu.memory_space<hbm>>) target(%arg7 : memref<80x128xf32, #tpu.memory_space<vmem>>) offsets(%dma_start3A_430 : memref<80xi32, #tpu.memory_space<vmem>>) semaphore(%arg11 : memref<!tpu.dma_semaphore, #tpu.memory_space<semaphore_mem>>)
    %dma_start3A_434 = arith.constant 1 : i32
    %dma_start3A_435 = arith.constant 0 : i32
    %dma_start3A_436 = tpu.memref_slice %arg5[%dma_start3A_434, %dma_start3A_435] : memref<25x80xi32, #tpu.memory_space<vmem>> -> memref<1x80xi32, #tpu.memory_space<vmem>>
    %dma_start3A_437 = tpu.memref_squeeze %dma_start3A_436 : memref<1x80xi32, #tpu.memory_space<vmem>> -> memref<80xi32, #tpu.memory_space<vmem>>
    %dma_start3A_438 = arith.constant 0 : i32
    %dma_start3A_439 = arith.constant 0 : i32
    %dma_start3A_440 = tpu.memref_slice %arg2[%dma_start3A_438, %dma_start3A_439] : memref<10000x128xf32, #tpu.memory_space<hbm>> -> memref<10000x128xf32, #tpu.memory_space<hbm>>
    tpu.enqueue_indirect_dma source(%dma_start3A_440 : memref<10000x128xf32, #tpu.memory_space<hbm>>) target(%arg8 : memref<80x128xf32, #tpu.memory_space<vmem>>) offsets(%dma_start3A_437 : memref<80xi32, #tpu.memory_space<vmem>>) semaphore(%arg12 : memref<!tpu.dma_semaphore, #tpu.memory_space<semaphore_mem>>)
    %scan3A_441 = arith.constant 0 : i32
    %scan3A_442 = arith.constant 0 : i32
    %scan3A_443 = arith.constant 7 : i32
    %scan3A_444 = arith.addi %scan3A_442, %scan3A_443 : i32
    %scan3A_445 = arith.constant 1 : i32
    scf.for %scan3A_686 = %scan3A_442 to %scan3A_444 step %scan3A_445  : i32 {
      %mul3A_687 = arith.constant 3 : i32
      %mul3A_688 = arith.muli %mul3A_687, %scan3A_686 : i32
      %add3A_689 = arith.constant 0 : i32
      %add3A_690 = arith.addi %mul3A_688, %add3A_689 : i32
      %dma_wait3A_691 = arith.constant 0 : i32
      %dma_wait3A_692 = tpu.memref_slice %arg5[%add3A_690, %dma_wait3A_691] : memref<25x80xi32, #tpu.memory_space<vmem>> -> memref<1x80xi32, #tpu.memory_space<vmem>>
      %dma_wait3A_693 = tpu.memref_squeeze %dma_wait3A_692 : memref<1x80xi32, #tpu.memory_space<vmem>> -> memref<80xi32, #tpu.memory_space<vmem>>
      %dma_wait3A_694 = arith.constant 0 : i32
      %dma_wait3A_695 = arith.constant 0 : i32
      %dma_wait3A_696 = tpu.memref_slice %arg2[%dma_wait3A_694, %dma_wait3A_695] : memref<10000x128xf32, #tpu.memory_space<hbm>> -> memref<10000x128xf32, #tpu.memory_space<hbm>>
      tpu.wait_indirect_dma semaphore(%arg11 : memref<!tpu.dma_semaphore, #tpu.memory_space<semaphore_mem>>) src(%dma_wait3A_696 : memref<10000x128xf32, #tpu.memory_space<hbm>>) dst(%arg7 : memref<80x128xf32, #tpu.memory_space<vmem>>)
      %dma_start3A_697 = arith.constant 0 : i32
      %dma_start3A_698 = tpu.memref_slice %arg6[%add3A_690, %dma_start3A_697] : memref<25x80xi32, #tpu.memory_space<vmem>> -> memref<1x80xi32, #tpu.memory_space<vmem>>
      %dma_start3A_699 = tpu.memref_squeeze %dma_start3A_698 : memref<1x80xi32, #tpu.memory_space<vmem>> -> memref<80xi32, #tpu.memory_space<vmem>>
      %dma_start3A_700 = arith.constant 0 : i32
      %dma_start3A_701 = arith.constant 0 : i32
      %dma_start3A_702 = tpu.memref_slice %arg10[%dma_start3A_700, %dma_start3A_701] : memref<10240x128xf32, #tpu.memory_space<vmem_shared>> -> memref<10240x128xf32, #tpu.memory_space<vmem_shared>>
      tpu.enqueue_indirect_dma source(%arg7 : memref<80x128xf32, #tpu.memory_space<vmem>>) target(%dma_start3A_702 : memref<10240x128xf32, #tpu.memory_space<vmem_shared>>) offsets(%dma_start3A_699 : memref<80xi32, #tpu.memory_space<vmem>>) semaphore(%arg14 : memref<!tpu.dma_semaphore, #tpu.memory_space<semaphore_mem>>) {add = true}
      %gt3A = arith.constant 0 : i32
      %gt3A_703 = arith.cmpi sgt, %scan3A_686, %gt3A : i32
      %convert_element_type3A = arith.extui %gt3A_703 : i1 to i32
      %cond3A = arith.constant 0 : i32
      %cond3A_704 = arith.cmpi ne, %convert_element_type3A, %cond3A : i32
      scf.if %cond3A_704 {
        %sub3A_776 = arith.constant 1 : i32
        %sub3A_777 = arith.subi %add3A_690, %sub3A_776 : i32
        %dma_wait3A_778 = arith.constant 0 : i32
        %dma_wait3A_779 = tpu.memref_slice %arg6[%sub3A_777, %dma_wait3A_778] : memref<25x80xi32, #tpu.memory_space<vmem>> -> memref<1x80xi32, #tpu.memory_space<vmem>>
        %dma_wait3A_780 = tpu.memref_squeeze %dma_wait3A_779 : memref<1x80xi32, #tpu.memory_space<vmem>> -> memref<80xi32, #tpu.memory_space<vmem>>
        %dma_wait3A_781 = arith.constant 0 : i32
        %dma_wait3A_782 = arith.constant 0 : i32
        %dma_wait3A_783 = tpu.memref_slice %arg10[%dma_wait3A_781, %dma_wait3A_782] : memref<10240x128xf32, #tpu.memory_space<vmem_shared>> -> memref<10240x128xf32, #tpu.memory_space<vmem_shared>>
        tpu.wait_indirect_dma semaphore(%arg16 : memref<!tpu.dma_semaphore, #tpu.memory_space<semaphore_mem>>) src(%arg9 : memref<80x128xf32, #tpu.memory_space<vmem>>) dst(%dma_wait3A_783 : memref<10240x128xf32, #tpu.memory_space<vmem_shared>>)
      } else {
      }
      %add3A_705 = arith.constant 2 : i32
      %add3A_706 = arith.addi %add3A_690, %add3A_705 : i32
      %dma_start3A_707 = arith.constant 0 : i32
      %dma_start3A_708 = tpu.memref_slice %arg5[%add3A_706, %dma_start3A_707] : memref<25x80xi32, #tpu.memory_space<vmem>> -> memref<1x80xi32, #tpu.memory_space<vmem>>
      %dma_start3A_709 = tpu.memref_squeeze %dma_start3A_708 : memref<1x80xi32, #tpu.memory_space<vmem>> -> memref<80xi32, #tpu.memory_space<vmem>>
      %dma_start3A_710 = arith.constant 0 : i32
      %dma_start3A_711 = arith.constant 0 : i32
      %dma_start3A_712 = tpu.memref_slice %arg2[%dma_start3A_710, %dma_start3A_711] : memref<10000x128xf32, #tpu.memory_space<hbm>> -> memref<10000x128xf32, #tpu.memory_space<hbm>>
      tpu.enqueue_indirect_dma source(%dma_start3A_712 : memref<10000x128xf32, #tpu.memory_space<hbm>>) target(%arg9 : memref<80x128xf32, #tpu.memory_space<vmem>>) offsets(%dma_start3A_709 : memref<80xi32, #tpu.memory_space<vmem>>) semaphore(%arg13 : memref<!tpu.dma_semaphore, #tpu.memory_space<semaphore_mem>>)
      %mul3A_713 = arith.constant 3 : i32
      %mul3A_714 = arith.muli %mul3A_713, %scan3A_686 : i32
      %add3A_715 = arith.constant 1 : i32
      %add3A_716 = arith.addi %mul3A_714, %add3A_715 : i32
      %dma_wait3A_717 = arith.constant 0 : i32
      %dma_wait3A_718 = tpu.memref_slice %arg5[%add3A_716, %dma_wait3A_717] : memref<25x80xi32, #tpu.memory_space<vmem>> -> memref<1x80xi32, #tpu.memory_space<vmem>>
      %dma_wait3A_719 = tpu.memref_squeeze %dma_wait3A_718 : memref<1x80xi32, #tpu.memory_space<vmem>> -> memref<80xi32, #tpu.memory_space<vmem>>
      %dma_wait3A_720 = arith.constant 0 : i32
      %dma_wait3A_721 = arith.constant 0 : i32
      %dma_wait3A_722 = tpu.memref_slice %arg2[%dma_wait3A_720, %dma_wait3A_721] : memref<10000x128xf32, #tpu.memory_space<hbm>> -> memref<10000x128xf32, #tpu.memory_space<hbm>>
      tpu.wait_indirect_dma semaphore(%arg12 : memref<!tpu.dma_semaphore, #tpu.memory_space<semaphore_mem>>) src(%dma_wait3A_722 : memref<10000x128xf32, #tpu.memory_space<hbm>>) dst(%arg8 : memref<80x128xf32, #tpu.memory_space<vmem>>)
      %dma_start3A_723 = arith.constant 0 : i32
      %dma_start3A_724 = tpu.memref_slice %arg6[%add3A_716, %dma_start3A_723] : memref<25x80xi32, #tpu.memory_space<vmem>> -> memref<1x80xi32, #tpu.memory_space<vmem>>
      %dma_start3A_725 = tpu.memref_squeeze %dma_start3A_724 : memref<1x80xi32, #tpu.memory_space<vmem>> -> memref<80xi32, #tpu.memory_space<vmem>>
      %dma_start3A_726 = arith.constant 0 : i32
      %dma_start3A_727 = arith.constant 0 : i32
      %dma_start3A_728 = tpu.memref_slice %arg10[%dma_start3A_726, %dma_start3A_727] : memref<10240x128xf32, #tpu.memory_space<vmem_shared>> -> memref<10240x128xf32, #tpu.memory_space<vmem_shared>>
      tpu.enqueue_indirect_dma source(%arg8 : memref<80x128xf32, #tpu.memory_space<vmem>>) target(%dma_start3A_728 : memref<10240x128xf32, #tpu.memory_space<vmem_shared>>) offsets(%dma_start3A_725 : memref<80xi32, #tpu.memory_space<vmem>>) semaphore(%arg15 : memref<!tpu.dma_semaphore, #tpu.memory_space<semaphore_mem>>) {add = true}
      %sub3A = arith.constant 1 : i32
      %sub3A_729 = arith.subi %add3A_716, %sub3A : i32
      %dma_wait3A_730 = arith.constant 0 : i32
      %dma_wait3A_731 = tpu.memref_slice %arg6[%sub3A_729, %dma_wait3A_730] : memref<25x80xi32, #tpu.memory_space<vmem>> -> memref<1x80xi32, #tpu.memory_space<vmem>>
      %dma_wait3A_732 = tpu.memref_squeeze %dma_wait3A_731 : memref<1x80xi32, #tpu.memory_space<vmem>> -> memref<80xi32, #tpu.memory_space<vmem>>
      %dma_wait3A_733 = arith.constant 0 : i32
      %dma_wait3A_734 = arith.constant 0 : i32
      %dma_wait3A_735 = tpu.memref_slice %arg10[%dma_wait3A_733, %dma_wait3A_734] : memref<10240x128xf32, #tpu.memory_space<vmem_shared>> -> memref<10240x128xf32, #tpu.memory_space<vmem_shared>>
      tpu.wait_indirect_dma semaphore(%arg14 : memref<!tpu.dma_semaphore, #tpu.memory_space<semaphore_mem>>) src(%arg7 : memref<80x128xf32, #tpu.memory_space<vmem>>) dst(%dma_wait3A_735 : memref<10240x128xf32, #tpu.memory_space<vmem_shared>>)
      %add3A_736 = arith.constant 2 : i32
      %add3A_737 = arith.addi %add3A_716, %add3A_736 : i32
      %dma_start3A_738 = arith.constant 0 : i32
      %dma_start3A_739 = tpu.memref_slice %arg5[%add3A_737, %dma_start3A_738] : memref<25x80xi32, #tpu.memory_space<vmem>> -> memref<1x80xi32, #tpu.memory_space<vmem>>
      %dma_start3A_740 = tpu.memref_squeeze %dma_start3A_739 : memref<1x80xi32, #tpu.memory_space<vmem>> -> memref<80xi32, #tpu.memory_space<vmem>>
      %dma_start3A_741 = arith.constant 0 : i32
      %dma_start3A_742 = arith.constant 0 : i32
      %dma_start3A_743 = tpu.memref_slice %arg2[%dma_start3A_741, %dma_start3A_742] : memref<10000x128xf32, #tpu.memory_space<hbm>> -> memref<10000x128xf32, #tpu.memory_space<hbm>>
      tpu.enqueue_indirect_dma source(%dma_start3A_743 : memref<10000x128xf32, #tpu.memory_space<hbm>>) target(%arg7 : memref<80x128xf32, #tpu.memory_space<vmem>>) offsets(%dma_start3A_740 : memref<80xi32, #tpu.memory_space<vmem>>) semaphore(%arg11 : memref<!tpu.dma_semaphore, #tpu.memory_space<semaphore_mem>>)
      %mul3A_744 = arith.constant 3 : i32
      %mul3A_745 = arith.muli %mul3A_744, %scan3A_686 : i32
      %add3A_746 = arith.constant 2 : i32
      %add3A_747 = arith.addi %mul3A_745, %add3A_746 : i32
      %dma_wait3A_748 = arith.constant 0 : i32
      %dma_wait3A_749 = tpu.memref_slice %arg5[%add3A_747, %dma_wait3A_748] : memref<25x80xi32, #tpu.memory_space<vmem>> -> memref<1x80xi32, #tpu.memory_space<vmem>>
      %dma_wait3A_750 = tpu.memref_squeeze %dma_wait3A_749 : memref<1x80xi32, #tpu.memory_space<vmem>> -> memref<80xi32, #tpu.memory_space<vmem>>
      %dma_wait3A_751 = arith.constant 0 : i32
      %dma_wait3A_752 = arith.constant 0 : i32
      %dma_wait3A_753 = tpu.memref_slice %arg2[%dma_wait3A_751, %dma_wait3A_752] : memref<10000x128xf32, #tpu.memory_space<hbm>> -> memref<10000x128xf32, #tpu.memory_space<hbm>>
      tpu.wait_indirect_dma semaphore(%arg13 : memref<!tpu.dma_semaphore, #tpu.memory_space<semaphore_mem>>) src(%dma_wait3A_753 : memref<10000x128xf32, #tpu.memory_space<hbm>>) dst(%arg9 : memref<80x128xf32, #tpu.memory_space<vmem>>)
      %dma_start3A_754 = arith.constant 0 : i32
      %dma_start3A_755 = tpu.memref_slice %arg6[%add3A_747, %dma_start3A_754] : memref<25x80xi32, #tpu.memory_space<vmem>> -> memref<1x80xi32, #tpu.memory_space<vmem>>
      %dma_start3A_756 = tpu.memref_squeeze %dma_start3A_755 : memref<1x80xi32, #tpu.memory_space<vmem>> -> memref<80xi32, #tpu.memory_space<vmem>>
      %dma_start3A_757 = arith.constant 0 : i32
      %dma_start3A_758 = arith.constant 0 : i32
      %dma_start3A_759 = tpu.memref_slice %arg10[%dma_start3A_757, %dma_start3A_758] : memref<10240x128xf32, #tpu.memory_space<vmem_shared>> -> memref<10240x128xf32, #tpu.memory_space<vmem_shared>>
      tpu.enqueue_indirect_dma source(%arg9 : memref<80x128xf32, #tpu.memory_space<vmem>>) target(%dma_start3A_759 : memref<10240x128xf32, #tpu.memory_space<vmem_shared>>) offsets(%dma_start3A_756 : memref<80xi32, #tpu.memory_space<vmem>>) semaphore(%arg16 : memref<!tpu.dma_semaphore, #tpu.memory_space<semaphore_mem>>) {add = true}
      %sub3A_760 = arith.constant 1 : i32
      %sub3A_761 = arith.subi %add3A_747, %sub3A_760 : i32
      %dma_wait3A_762 = arith.constant 0 : i32
      %dma_wait3A_763 = tpu.memref_slice %arg6[%sub3A_761, %dma_wait3A_762] : memref<25x80xi32, #tpu.memory_space<vmem>> -> memref<1x80xi32, #tpu.memory_space<vmem>>
      %dma_wait3A_764 = tpu.memref_squeeze %dma_wait3A_763 : memref<1x80xi32, #tpu.memory_space<vmem>> -> memref<80xi32, #tpu.memory_space<vmem>>
      %dma_wait3A_765 = arith.constant 0 : i32
      %dma_wait3A_766 = arith.constant 0 : i32
      %dma_wait3A_767 = tpu.memref_slice %arg10[%dma_wait3A_765, %dma_wait3A_766] : memref<10240x128xf32, #tpu.memory_space<vmem_shared>> -> memref<10240x128xf32, #tpu.memory_space<vmem_shared>>
      tpu.wait_indirect_dma semaphore(%arg15 : memref<!tpu.dma_semaphore, #tpu.memory_space<semaphore_mem>>) src(%arg8 : memref<80x128xf32, #tpu.memory_space<vmem>>) dst(%dma_wait3A_767 : memref<10240x128xf32, #tpu.memory_space<vmem_shared>>)
      %add3A_768 = arith.constant 2 : i32
      %add3A_769 = arith.addi %add3A_747, %add3A_768 : i32
      %dma_start3A_770 = arith.constant 0 : i32
      %dma_start3A_771 = tpu.memref_slice %arg5[%add3A_769, %dma_start3A_770] : memref<25x80xi32, #tpu.memory_space<vmem>> -> memref<1x80xi32, #tpu.memory_space<vmem>>
      %dma_start3A_772 = tpu.memref_squeeze %dma_start3A_771 : memref<1x80xi32, #tpu.memory_space<vmem>> -> memref<80xi32, #tpu.memory_space<vmem>>
      %dma_start3A_773 = arith.constant 0 : i32
      %dma_start3A_774 = arith.constant 0 : i32
      %dma_start3A_775 = tpu.memref_slice %arg2[%dma_start3A_773, %dma_start3A_774] : memref<10000x128xf32, #tpu.memory_space<hbm>> -> memref<10000x128xf32, #tpu.memory_space<hbm>>
      tpu.enqueue_indirect_dma source(%dma_start3A_775 : memref<10000x128xf32, #tpu.memory_space<hbm>>) target(%arg8 : memref<80x128xf32, #tpu.memory_space<vmem>>) offsets(%dma_start3A_772 : memref<80xi32, #tpu.memory_space<vmem>>) semaphore(%arg12 : memref<!tpu.dma_semaphore, #tpu.memory_space<semaphore_mem>>)
    }
    %scan3A_446 = arith.constant 7 : i32
    %dma_wait3A_447 = arith.constant 21 : i32
    %dma_wait3A_448 = arith.constant 0 : i32
    %dma_wait3A_449 = tpu.memref_slice %arg5[%dma_wait3A_447, %dma_wait3A_448] : memref<25x80xi32, #tpu.memory_space<vmem>> -> memref<1x80xi32, #tpu.memory_space<vmem>>
    %dma_wait3A_450 = tpu.memref_squeeze %dma_wait3A_449 : memref<1x80xi32, #tpu.memory_space<vmem>> -> memref<80xi32, #tpu.memory_space<vmem>>
    %dma_wait3A_451 = arith.constant 0 : i32
    %dma_wait3A_452 = arith.constant 0 : i32
    %dma_wait3A_453 = tpu.memref_slice %arg2[%dma_wait3A_451, %dma_wait3A_452] : memref<10000x128xf32, #tpu.memory_space<hbm>> -> memref<10000x128xf32, #tpu.memory_space<hbm>>
    tpu.wait_indirect_dma semaphore(%arg11 : memref<!tpu.dma_semaphore, #tpu.memory_space<semaphore_mem>>) src(%dma_wait3A_453 : memref<10000x128xf32, #tpu.memory_space<hbm>>) dst(%arg7 : memref<80x128xf32, #tpu.memory_space<vmem>>)
    %dma_start3A_454 = arith.constant 21 : i32
    %dma_start3A_455 = arith.constant 0 : i32
    %dma_start3A_456 = tpu.memref_slice %arg6[%dma_start3A_454, %dma_start3A_455] : memref<25x80xi32, #tpu.memory_space<vmem>> -> memref<1x80xi32, #tpu.memory_space<vmem>>
    %dma_start3A_457 = tpu.memref_squeeze %dma_start3A_456 : memref<1x80xi32, #tpu.memory_space<vmem>> -> memref<80xi32, #tpu.memory_space<vmem>>
    %dma_start3A_458 = arith.constant 0 : i32
    %dma_start3A_459 = arith.constant 0 : i32
    %dma_start3A_460 = tpu.memref_slice %arg10[%dma_start3A_458, %dma_start3A_459] : memref<10240x128xf32, #tpu.memory_space<vmem_shared>> -> memref<10240x128xf32, #tpu.memory_space<vmem_shared>>
    tpu.enqueue_indirect_dma source(%arg7 : memref<80x128xf32, #tpu.memory_space<vmem>>) target(%dma_start3A_460 : memref<10240x128xf32, #tpu.memory_space<vmem_shared>>) offsets(%dma_start3A_457 : memref<80xi32, #tpu.memory_space<vmem>>) semaphore(%arg14 : memref<!tpu.dma_semaphore, #tpu.memory_space<semaphore_mem>>) {add = true}
    %dma_wait3A_461 = arith.constant 20 : i32
    %dma_wait3A_462 = arith.constant 0 : i32
    %dma_wait3A_463 = tpu.memref_slice %arg6[%dma_wait3A_461, %dma_wait3A_462] : memref<25x80xi32, #tpu.memory_space<vmem>> -> memref<1x80xi32, #tpu.memory_space<vmem>>
    %dma_wait3A_464 = tpu.memref_squeeze %dma_wait3A_463 : memref<1x80xi32, #tpu.memory_space<vmem>> -> memref<80xi32, #tpu.memory_space<vmem>>
    %dma_wait3A_465 = arith.constant 0 : i32
    %dma_wait3A_466 = arith.constant 0 : i32
    %dma_wait3A_467 = tpu.memref_slice %arg10[%dma_wait3A_465, %dma_wait3A_466] : memref<10240x128xf32, #tpu.memory_space<vmem_shared>> -> memref<10240x128xf32, #tpu.memory_space<vmem_shared>>
    tpu.wait_indirect_dma semaphore(%arg16 : memref<!tpu.dma_semaphore, #tpu.memory_space<semaphore_mem>>) src(%arg9 : memref<80x128xf32, #tpu.memory_space<vmem>>) dst(%dma_wait3A_467 : memref<10240x128xf32, #tpu.memory_space<vmem_shared>>)
    %dma_start3A_468 = arith.constant 23 : i32
    %dma_start3A_469 = arith.constant 0 : i32
    %dma_start3A_470 = tpu.memref_slice %arg5[%dma_start3A_468, %dma_start3A_469] : memref<25x80xi32, #tpu.memory_space<vmem>> -> memref<1x80xi32, #tpu.memory_space<vmem>>
    %dma_start3A_471 = tpu.memref_squeeze %dma_start3A_470 : memref<1x80xi32, #tpu.memory_space<vmem>> -> memref<80xi32, #tpu.memory_space<vmem>>
    %dma_start3A_472 = arith.constant 0 : i32
    %dma_start3A_473 = arith.constant 0 : i32
    %dma_start3A_474 = tpu.memref_slice %arg2[%dma_start3A_472, %dma_start3A_473] : memref<10000x128xf32, #tpu.memory_space<hbm>> -> memref<10000x128xf32, #tpu.memory_space<hbm>>
    tpu.enqueue_indirect_dma source(%dma_start3A_474 : memref<10000x128xf32, #tpu.memory_space<hbm>>) target(%arg9 : memref<80x128xf32, #tpu.memory_space<vmem>>) offsets(%dma_start3A_471 : memref<80xi32, #tpu.memory_space<vmem>>) semaphore(%arg13 : memref<!tpu.dma_semaphore, #tpu.memory_space<semaphore_mem>>)
    %dma_wait3A_475 = arith.constant 22 : i32
    %dma_wait3A_476 = arith.constant 0 : i32
    %dma_wait3A_477 = tpu.memref_slice %arg5[%dma_wait3A_475, %dma_wait3A_476] : memref<25x80xi32, #tpu.memory_space<vmem>> -> memref<1x80xi32, #tpu.memory_space<vmem>>
    %dma_wait3A_478 = tpu.memref_squeeze %dma_wait3A_477 : memref<1x80xi32, #tpu.memory_space<vmem>> -> memref<80xi32, #tpu.memory_space<vmem>>
    %dma_wait3A_479 = arith.constant 0 : i32
    %dma_wait3A_480 = arith.constant 0 : i32
    %dma_wait3A_481 = tpu.memref_slice %arg2[%dma_wait3A_479, %dma_wait3A_480] : memref<10000x128xf32, #tpu.memory_space<hbm>> -> memref<10000x128xf32, #tpu.memory_space<hbm>>
    tpu.wait_indirect_dma semaphore(%arg12 : memref<!tpu.dma_semaphore, #tpu.memory_space<semaphore_mem>>) src(%dma_wait3A_481 : memref<10000x128xf32, #tpu.memory_space<hbm>>) dst(%arg8 : memref<80x128xf32, #tpu.memory_space<vmem>>)
    %dma_start3A_482 = arith.constant 22 : i32
    %dma_start3A_483 = arith.constant 0 : i32
    %dma_start3A_484 = tpu.memref_slice %arg6[%dma_start3A_482, %dma_start3A_483] : memref<25x80xi32, #tpu.memory_space<vmem>> -> memref<1x80xi32, #tpu.memory_space<vmem>>
    %dma_start3A_485 = tpu.memref_squeeze %dma_start3A_484 : memref<1x80xi32, #tpu.memory_space<vmem>> -> memref<80xi32, #tpu.memory_space<vmem>>
    %dma_start3A_486 = arith.constant 0 : i32
    %dma_start3A_487 = arith.constant 0 : i32
    %dma_start3A_488 = tpu.memref_slice %arg10[%dma_start3A_486, %dma_start3A_487] : memref<10240x128xf32, #tpu.memory_space<vmem_shared>> -> memref<10240x128xf32, #tpu.memory_space<vmem_shared>>
    tpu.enqueue_indirect_dma source(%arg8 : memref<80x128xf32, #tpu.memory_space<vmem>>) target(%dma_start3A_488 : memref<10240x128xf32, #tpu.memory_space<vmem_shared>>) offsets(%dma_start3A_485 : memref<80xi32, #tpu.memory_space<vmem>>) semaphore(%arg15 : memref<!tpu.dma_semaphore, #tpu.memory_space<semaphore_mem>>) {add = true}
    %dma_wait3A_489 = arith.constant 21 : i32
    %dma_wait3A_490 = arith.constant 0 : i32
    %dma_wait3A_491 = tpu.memref_slice %arg6[%dma_wait3A_489, %dma_wait3A_490] : memref<25x80xi32, #tpu.memory_space<vmem>> -> memref<1x80xi32, #tpu.memory_space<vmem>>
    %dma_wait3A_492 = tpu.memref_squeeze %dma_wait3A_491 : memref<1x80xi32, #tpu.memory_space<vmem>> -> memref<80xi32, #tpu.memory_space<vmem>>
    %dma_wait3A_493 = arith.constant 0 : i32
    %dma_wait3A_494 = arith.constant 0 : i32
    %dma_wait3A_495 = tpu.memref_slice %arg10[%dma_wait3A_493, %dma_wait3A_494] : memref<10240x128xf32, #tpu.memory_space<vmem_shared>> -> memref<10240x128xf32, #tpu.memory_space<vmem_shared>>
    tpu.wait_indirect_dma semaphore(%arg14 : memref<!tpu.dma_semaphore, #tpu.memory_space<semaphore_mem>>) src(%arg7 : memref<80x128xf32, #tpu.memory_space<vmem>>) dst(%dma_wait3A_495 : memref<10240x128xf32, #tpu.memory_space<vmem_shared>>)
    %dma_start3A_496 = arith.constant 24 : i32
    %dma_start3A_497 = arith.constant 0 : i32
    %dma_start3A_498 = tpu.memref_slice %arg5[%dma_start3A_496, %dma_start3A_497] : memref<25x80xi32, #tpu.memory_space<vmem>> -> memref<1x80xi32, #tpu.memory_space<vmem>>
    %dma_start3A_499 = tpu.memref_squeeze %dma_start3A_498 : memref<1x80xi32, #tpu.memory_space<vmem>> -> memref<80xi32, #tpu.memory_space<vmem>>
    %dma_start3A_500 = arith.constant 0 : i32
    %dma_start3A_501 = arith.constant 0 : i32
    %dma_start3A_502 = tpu.memref_slice %arg2[%dma_start3A_500, %dma_start3A_501] : memref<10000x128xf32, #tpu.memory_space<hbm>> -> memref<10000x128xf32, #tpu.memory_space<hbm>>
    tpu.enqueue_indirect_dma source(%dma_start3A_502 : memref<10000x128xf32, #tpu.memory_space<hbm>>) target(%arg7 : memref<80x128xf32, #tpu.memory_space<vmem>>) offsets(%dma_start3A_499 : memref<80xi32, #tpu.memory_space<vmem>>) semaphore(%arg11 : memref<!tpu.dma_semaphore, #tpu.memory_space<semaphore_mem>>)
    %dma_wait3A_503 = arith.constant 23 : i32
    %dma_wait3A_504 = arith.constant 0 : i32
    %dma_wait3A_505 = tpu.memref_slice %arg5[%dma_wait3A_503, %dma_wait3A_504] : memref<25x80xi32, #tpu.memory_space<vmem>> -> memref<1x80xi32, #tpu.memory_space<vmem>>
    %dma_wait3A_506 = tpu.memref_squeeze %dma_wait3A_505 : memref<1x80xi32, #tpu.memory_space<vmem>> -> memref<80xi32, #tpu.memory_space<vmem>>
    %dma_wait3A_507 = arith.constant 0 : i32
    %dma_wait3A_508 = arith.constant 0 : i32
    %dma_wait3A_509 = tpu.memref_slice %arg2[%dma_wait3A_507, %dma_wait3A_508] : memref<10000x128xf32, #tpu.memory_space<hbm>> -> memref<10000x128xf32, #tpu.memory_space<hbm>>
    tpu.wait_indirect_dma semaphore(%arg13 : memref<!tpu.dma_semaphore, #tpu.memory_space<semaphore_mem>>) src(%dma_wait3A_509 : memref<10000x128xf32, #tpu.memory_space<hbm>>) dst(%arg9 : memref<80x128xf32, #tpu.memory_space<vmem>>)
    %dma_start3A_510 = arith.constant 23 : i32
    %dma_start3A_511 = arith.constant 0 : i32
    %dma_start3A_512 = tpu.memref_slice %arg6[%dma_start3A_510, %dma_start3A_511] : memref<25x80xi32, #tpu.memory_space<vmem>> -> memref<1x80xi32, #tpu.memory_space<vmem>>
    %dma_start3A_513 = tpu.memref_squeeze %dma_start3A_512 : memref<1x80xi32, #tpu.memory_space<vmem>> -> memref<80xi32, #tpu.memory_space<vmem>>
    %dma_start3A_514 = arith.constant 0 : i32
    %dma_start3A_515 = arith.constant 0 : i32
    %dma_start3A_516 = tpu.memref_slice %arg10[%dma_start3A_514, %dma_start3A_515] : memref<10240x128xf32, #tpu.memory_space<vmem_shared>> -> memref<10240x128xf32, #tpu.memory_space<vmem_shared>>
    tpu.enqueue_indirect_dma source(%arg9 : memref<80x128xf32, #tpu.memory_space<vmem>>) target(%dma_start3A_516 : memref<10240x128xf32, #tpu.memory_space<vmem_shared>>) offsets(%dma_start3A_513 : memref<80xi32, #tpu.memory_space<vmem>>) semaphore(%arg16 : memref<!tpu.dma_semaphore, #tpu.memory_space<semaphore_mem>>) {add = true}
    %dma_wait3A_517 = arith.constant 22 : i32
    %dma_wait3A_518 = arith.constant 0 : i32
    %dma_wait3A_519 = tpu.memref_slice %arg6[%dma_wait3A_517, %dma_wait3A_518] : memref<25x80xi32, #tpu.memory_space<vmem>> -> memref<1x80xi32, #tpu.memory_space<vmem>>
    %dma_wait3A_520 = tpu.memref_squeeze %dma_wait3A_519 : memref<1x80xi32, #tpu.memory_space<vmem>> -> memref<80xi32, #tpu.memory_space<vmem>>
    %dma_wait3A_521 = arith.constant 0 : i32
    %dma_wait3A_522 = arith.constant 0 : i32
    %dma_wait3A_523 = tpu.memref_slice %arg10[%dma_wait3A_521, %dma_wait3A_522] : memref<10240x128xf32, #tpu.memory_space<vmem_shared>> -> memref<10240x128xf32, #tpu.memory_space<vmem_shared>>
    tpu.wait_indirect_dma semaphore(%arg15 : memref<!tpu.dma_semaphore, #tpu.memory_space<semaphore_mem>>) src(%arg8 : memref<80x128xf32, #tpu.memory_space<vmem>>) dst(%dma_wait3A_523 : memref<10240x128xf32, #tpu.memory_space<vmem_shared>>)
    %dma_wait3A_524 = arith.constant 24 : i32
    %dma_wait3A_525 = arith.constant 0 : i32
    %dma_wait3A_526 = tpu.memref_slice %arg5[%dma_wait3A_524, %dma_wait3A_525] : memref<25x80xi32, #tpu.memory_space<vmem>> -> memref<1x80xi32, #tpu.memory_space<vmem>>
    %dma_wait3A_527 = tpu.memref_squeeze %dma_wait3A_526 : memref<1x80xi32, #tpu.memory_space<vmem>> -> memref<80xi32, #tpu.memory_space<vmem>>
    %dma_wait3A_528 = arith.constant 0 : i32
    %dma_wait3A_529 = arith.constant 0 : i32
    %dma_wait3A_530 = tpu.memref_slice %arg2[%dma_wait3A_528, %dma_wait3A_529] : memref<10000x128xf32, #tpu.memory_space<hbm>> -> memref<10000x128xf32, #tpu.memory_space<hbm>>
    tpu.wait_indirect_dma semaphore(%arg11 : memref<!tpu.dma_semaphore, #tpu.memory_space<semaphore_mem>>) src(%dma_wait3A_530 : memref<10000x128xf32, #tpu.memory_space<hbm>>) dst(%arg7 : memref<80x128xf32, #tpu.memory_space<vmem>>)
    %dma_start3A_531 = arith.constant 24 : i32
    %dma_start3A_532 = arith.constant 0 : i32
    %dma_start3A_533 = tpu.memref_slice %arg6[%dma_start3A_531, %dma_start3A_532] : memref<25x80xi32, #tpu.memory_space<vmem>> -> memref<1x80xi32, #tpu.memory_space<vmem>>
    %dma_start3A_534 = tpu.memref_squeeze %dma_start3A_533 : memref<1x80xi32, #tpu.memory_space<vmem>> -> memref<80xi32, #tpu.memory_space<vmem>>
    %dma_start3A_535 = arith.constant 0 : i32
    %dma_start3A_536 = arith.constant 0 : i32
    %dma_start3A_537 = tpu.memref_slice %arg10[%dma_start3A_535, %dma_start3A_536] : memref<10240x128xf32, #tpu.memory_space<vmem_shared>> -> memref<10240x128xf32, #tpu.memory_space<vmem_shared>>
    tpu.enqueue_indirect_dma source(%arg7 : memref<80x128xf32, #tpu.memory_space<vmem>>) target(%dma_start3A_537 : memref<10240x128xf32, #tpu.memory_space<vmem_shared>>) offsets(%dma_start3A_534 : memref<80xi32, #tpu.memory_space<vmem>>) semaphore(%arg14 : memref<!tpu.dma_semaphore, #tpu.memory_space<semaphore_mem>>) {add = true}
    %dma_wait3A_538 = arith.constant 23 : i32
    %dma_wait3A_539 = arith.constant 0 : i32
    %dma_wait3A_540 = tpu.memref_slice %arg6[%dma_wait3A_538, %dma_wait3A_539] : memref<25x80xi32, #tpu.memory_space<vmem>> -> memref<1x80xi32, #tpu.memory_space<vmem>>
    %dma_wait3A_541 = tpu.memref_squeeze %dma_wait3A_540 : memref<1x80xi32, #tpu.memory_space<vmem>> -> memref<80xi32, #tpu.memory_space<vmem>>
    %dma_wait3A_542 = arith.constant 0 : i32
    %dma_wait3A_543 = arith.constant 0 : i32
    %dma_wait3A_544 = tpu.memref_slice %arg10[%dma_wait3A_542, %dma_wait3A_543] : memref<10240x128xf32, #tpu.memory_space<vmem_shared>> -> memref<10240x128xf32, #tpu.memory_space<vmem_shared>>
    tpu.wait_indirect_dma semaphore(%arg16 : memref<!tpu.dma_semaphore, #tpu.memory_space<semaphore_mem>>) src(%arg9 : memref<80x128xf32, #tpu.memory_space<vmem>>) dst(%dma_wait3A_544 : memref<10240x128xf32, #tpu.memory_space<vmem_shared>>)
    %dma_wait3A_545 = arith.constant 24 : i32
    %dma_wait3A_546 = arith.constant 0 : i32
    %dma_wait3A_547 = tpu.memref_slice %arg6[%dma_wait3A_545, %dma_wait3A_546] : memref<25x80xi32, #tpu.memory_space<vmem>> -> memref<1x80xi32, #tpu.memory_space<vmem>>
    %dma_wait3A_548 = tpu.memref_squeeze %dma_wait3A_547 : memref<1x80xi32, #tpu.memory_space<vmem>> -> memref<80xi32, #tpu.memory_space<vmem>>
    %dma_wait3A_549 = arith.constant 0 : i32
    %dma_wait3A_550 = arith.constant 0 : i32
    %dma_wait3A_551 = tpu.memref_slice %arg10[%dma_wait3A_549, %dma_wait3A_550] : memref<10240x128xf32, #tpu.memory_space<vmem_shared>> -> memref<10240x128xf32, #tpu.memory_space<vmem_shared>>
    tpu.wait_indirect_dma semaphore(%arg14 : memref<!tpu.dma_semaphore, #tpu.memory_space<semaphore_mem>>) src(%arg7 : memref<80x128xf32, #tpu.memory_space<vmem>>) dst(%dma_wait3A_551 : memref<10240x128xf32, #tpu.memory_space<vmem_shared>>)
    %run_scoped3A_552 = arith.constant 0 : i32
    %run_scoped3A_553 = arith.constant 4 : i32
    "tpu.region"() ({
      %run_scoped3A_686 = tpu.sem_alloc : memref<!tpu.dma_semaphore, #tpu.memory_space<semaphore_mem>>
      %dma_start3A_687 = arith.constant 0 : i32
      %dma_start3A_688 = arith.constant 0 : i32
      %dma_start3A_689 = tpu.memref_slice %arg3[%run_scoped3A_552, %add3A, %run_scoped3A_553, %dma_start3A_687, %dma_start3A_688] : memref<2x32x5x25x80xi32, #tpu.memory_space<hbm>> -> memref<1x1x1x25x80xi32, #tpu.memory_space<hbm>>
      %dma_start3A_690 = tpu.memref_squeeze %dma_start3A_689 : memref<1x1x1x25x80xi32, #tpu.memory_space<hbm>> -> memref<25x80xi32, #tpu.memory_space<hbm>>
      %dma_start3A_691 = arith.constant 0 : i32
      %dma_start3A_692 = arith.constant 0 : i32
      %dma_start3A_693 = tpu.memref_slice %arg3[%run_scoped3A_552, %add3A, %run_scoped3A_553, %dma_start3A_691, %dma_start3A_692] : memref<2x32x5x25x80xi32, #tpu.memory_space<hbm>> -> memref<1x1x1x25x80xi32, #tpu.memory_space<hbm>>
      %dma_start3A_694 = tpu.memref_squeeze %dma_start3A_693 : memref<1x1x1x25x80xi32, #tpu.memory_space<hbm>> -> memref<25x80xi32, #tpu.memory_space<hbm>>
      tpu.enqueue_dma source(%dma_start3A_694 : memref<25x80xi32, #tpu.memory_space<hbm>>) target(%arg5 : memref<25x80xi32, #tpu.memory_space<vmem>>) target_semaphore(%run_scoped3A_686 : memref<!tpu.dma_semaphore, #tpu.memory_space<semaphore_mem>>)
      %dma_wait3A_695 = arith.constant 0 : i32
      %dma_wait3A_696 = arith.constant 0 : i32
      %dma_wait3A_697 = tpu.memref_slice %arg3[%run_scoped3A_552, %add3A, %run_scoped3A_553, %dma_wait3A_695, %dma_wait3A_696] : memref<2x32x5x25x80xi32, #tpu.memory_space<hbm>> -> memref<1x1x1x25x80xi32, #tpu.memory_space<hbm>>
      %dma_wait3A_698 = tpu.memref_squeeze %dma_wait3A_697 : memref<1x1x1x25x80xi32, #tpu.memory_space<hbm>> -> memref<25x80xi32, #tpu.memory_space<hbm>>
      %dma_wait3A_699 = arith.constant 0 : i32
      %dma_wait3A_700 = arith.constant 0 : i32
      %dma_wait3A_701 = tpu.memref_slice %arg3[%run_scoped3A_552, %add3A, %run_scoped3A_553, %dma_wait3A_699, %dma_wait3A_700] : memref<2x32x5x25x80xi32, #tpu.memory_space<hbm>> -> memref<1x1x1x25x80xi32, #tpu.memory_space<hbm>>
      %dma_wait3A_702 = tpu.memref_squeeze %dma_wait3A_701 : memref<1x1x1x25x80xi32, #tpu.memory_space<hbm>> -> memref<25x80xi32, #tpu.memory_space<hbm>>
      tpu.wait_dma2 semaphore(%run_scoped3A_686 : memref<!tpu.dma_semaphore, #tpu.memory_space<semaphore_mem>>) src(%dma_wait3A_702 : memref<25x80xi32, #tpu.memory_space<hbm>>) dst(%arg5 : memref<25x80xi32, #tpu.memory_space<vmem>>)
      tpu.yield
    }) : () -> ()
    %run_scoped3A_554 = arith.constant 1 : i32
    %run_scoped3A_555 = arith.constant 4 : i32
    "tpu.region"() ({
      %run_scoped3A_686 = tpu.sem_alloc : memref<!tpu.dma_semaphore, #tpu.memory_space<semaphore_mem>>
      %dma_start3A_687 = arith.constant 0 : i32
      %dma_start3A_688 = arith.constant 0 : i32
      %dma_start3A_689 = tpu.memref_slice %arg3[%run_scoped3A_554, %add3A, %run_scoped3A_555, %dma_start3A_687, %dma_start3A_688] : memref<2x32x5x25x80xi32, #tpu.memory_space<hbm>> -> memref<1x1x1x25x80xi32, #tpu.memory_space<hbm>>
      %dma_start3A_690 = tpu.memref_squeeze %dma_start3A_689 : memref<1x1x1x25x80xi32, #tpu.memory_space<hbm>> -> memref<25x80xi32, #tpu.memory_space<hbm>>
      %dma_start3A_691 = arith.constant 0 : i32
      %dma_start3A_692 = arith.constant 0 : i32
      %dma_start3A_693 = tpu.memref_slice %arg3[%run_scoped3A_554, %add3A, %run_scoped3A_555, %dma_start3A_691, %dma_start3A_692] : memref<2x32x5x25x80xi32, #tpu.memory_space<hbm>> -> memref<1x1x1x25x80xi32, #tpu.memory_space<hbm>>
      %dma_start3A_694 = tpu.memref_squeeze %dma_start3A_693 : memref<1x1x1x25x80xi32, #tpu.memory_space<hbm>> -> memref<25x80xi32, #tpu.memory_space<hbm>>
      tpu.enqueue_dma source(%dma_start3A_694 : memref<25x80xi32, #tpu.memory_space<hbm>>) target(%arg6 : memref<25x80xi32, #tpu.memory_space<vmem>>) target_semaphore(%run_scoped3A_686 : memref<!tpu.dma_semaphore, #tpu.memory_space<semaphore_mem>>)
      %dma_wait3A_695 = arith.constant 0 : i32
      %dma_wait3A_696 = arith.constant 0 : i32
      %dma_wait3A_697 = tpu.memref_slice %arg3[%run_scoped3A_554, %add3A, %run_scoped3A_555, %dma_wait3A_695, %dma_wait3A_696] : memref<2x32x5x25x80xi32, #tpu.memory_space<hbm>> -> memref<1x1x1x25x80xi32, #tpu.memory_space<hbm>>
      %dma_wait3A_698 = tpu.memref_squeeze %dma_wait3A_697 : memref<1x1x1x25x80xi32, #tpu.memory_space<hbm>> -> memref<25x80xi32, #tpu.memory_space<hbm>>
      %dma_wait3A_699 = arith.constant 0 : i32
      %dma_wait3A_700 = arith.constant 0 : i32
      %dma_wait3A_701 = tpu.memref_slice %arg3[%run_scoped3A_554, %add3A, %run_scoped3A_555, %dma_wait3A_699, %dma_wait3A_700] : memref<2x32x5x25x80xi32, #tpu.memory_space<hbm>> -> memref<1x1x1x25x80xi32, #tpu.memory_space<hbm>>
      %dma_wait3A_702 = tpu.memref_squeeze %dma_wait3A_701 : memref<1x1x1x25x80xi32, #tpu.memory_space<hbm>> -> memref<25x80xi32, #tpu.memory_space<hbm>>
      tpu.wait_dma2 semaphore(%run_scoped3A_686 : memref<!tpu.dma_semaphore, #tpu.memory_space<semaphore_mem>>) src(%dma_wait3A_702 : memref<25x80xi32, #tpu.memory_space<hbm>>) dst(%arg6 : memref<25x80xi32, #tpu.memory_space<vmem>>)
      tpu.yield
    }) : () -> ()
    %dma_start3A_556 = arith.constant 0 : i32
    %dma_start3A_557 = arith.constant 0 : i32
    %dma_start3A_558 = tpu.memref_slice %arg5[%dma_start3A_556, %dma_start3A_557] : memref<25x80xi32, #tpu.memory_space<vmem>> -> memref<1x80xi32, #tpu.memory_space<vmem>>
    %dma_start3A_559 = tpu.memref_squeeze %dma_start3A_558 : memref<1x80xi32, #tpu.memory_space<vmem>> -> memref<80xi32, #tpu.memory_space<vmem>>
    %dma_start3A_560 = arith.constant 0 : i32
    %dma_start3A_561 = arith.constant 0 : i32
    %dma_start3A_562 = tpu.memref_slice %arg2[%dma_start3A_560, %dma_start3A_561] : memref<10000x128xf32, #tpu.memory_space<hbm>> -> memref<10000x128xf32, #tpu.memory_space<hbm>>
    tpu.enqueue_indirect_dma source(%dma_start3A_562 : memref<10000x128xf32, #tpu.memory_space<hbm>>) target(%arg7 : memref<80x128xf32, #tpu.memory_space<vmem>>) offsets(%dma_start3A_559 : memref<80xi32, #tpu.memory_space<vmem>>) semaphore(%arg11 : memref<!tpu.dma_semaphore, #tpu.memory_space<semaphore_mem>>)
    %dma_start3A_563 = arith.constant 1 : i32
    %dma_start3A_564 = arith.constant 0 : i32
    %dma_start3A_565 = tpu.memref_slice %arg5[%dma_start3A_563, %dma_start3A_564] : memref<25x80xi32, #tpu.memory_space<vmem>> -> memref<1x80xi32, #tpu.memory_space<vmem>>
    %dma_start3A_566 = tpu.memref_squeeze %dma_start3A_565 : memref<1x80xi32, #tpu.memory_space<vmem>> -> memref<80xi32, #tpu.memory_space<vmem>>
    %dma_start3A_567 = arith.constant 0 : i32
    %dma_start3A_568 = arith.constant 0 : i32
    %dma_start3A_569 = tpu.memref_slice %arg2[%dma_start3A_567, %dma_start3A_568] : memref<10000x128xf32, #tpu.memory_space<hbm>> -> memref<10000x128xf32, #tpu.memory_space<hbm>>
    tpu.enqueue_indirect_dma source(%dma_start3A_569 : memref<10000x128xf32, #tpu.memory_space<hbm>>) target(%arg8 : memref<80x128xf32, #tpu.memory_space<vmem>>) offsets(%dma_start3A_566 : memref<80xi32, #tpu.memory_space<vmem>>) semaphore(%arg12 : memref<!tpu.dma_semaphore, #tpu.memory_space<semaphore_mem>>)
    %scan3A_570 = arith.constant 0 : i32
    %scan3A_571 = arith.constant 0 : i32
    %scan3A_572 = arith.constant 7 : i32
    %scan3A_573 = arith.addi %scan3A_571, %scan3A_572 : i32
    %scan3A_574 = arith.constant 1 : i32
    scf.for %scan3A_686 = %scan3A_571 to %scan3A_573 step %scan3A_574  : i32 {
      %mul3A_687 = arith.constant 3 : i32
      %mul3A_688 = arith.muli %mul3A_687, %scan3A_686 : i32
      %add3A_689 = arith.constant 0 : i32
      %add3A_690 = arith.addi %mul3A_688, %add3A_689 : i32
      %dma_wait3A_691 = arith.constant 0 : i32
      %dma_wait3A_692 = tpu.memref_slice %arg5[%add3A_690, %dma_wait3A_691] : memref<25x80xi32, #tpu.memory_space<vmem>> -> memref<1x80xi32, #tpu.memory_space<vmem>>
      %dma_wait3A_693 = tpu.memref_squeeze %dma_wait3A_692 : memref<1x80xi32, #tpu.memory_space<vmem>> -> memref<80xi32, #tpu.memory_space<vmem>>
      %dma_wait3A_694 = arith.constant 0 : i32
      %dma_wait3A_695 = arith.constant 0 : i32
      %dma_wait3A_696 = tpu.memref_slice %arg2[%dma_wait3A_694, %dma_wait3A_695] : memref<10000x128xf32, #tpu.memory_space<hbm>> -> memref<10000x128xf32, #tpu.memory_space<hbm>>
      tpu.wait_indirect_dma semaphore(%arg11 : memref<!tpu.dma_semaphore, #tpu.memory_space<semaphore_mem>>) src(%dma_wait3A_696 : memref<10000x128xf32, #tpu.memory_space<hbm>>) dst(%arg7 : memref<80x128xf32, #tpu.memory_space<vmem>>)
      %dma_start3A_697 = arith.constant 0 : i32
      %dma_start3A_698 = tpu.memref_slice %arg6[%add3A_690, %dma_start3A_697] : memref<25x80xi32, #tpu.memory_space<vmem>> -> memref<1x80xi32, #tpu.memory_space<vmem>>
      %dma_start3A_699 = tpu.memref_squeeze %dma_start3A_698 : memref<1x80xi32, #tpu.memory_space<vmem>> -> memref<80xi32, #tpu.memory_space<vmem>>
      %dma_start3A_700 = arith.constant 0 : i32
      %dma_start3A_701 = arith.constant 0 : i32
      %dma_start3A_702 = tpu.memref_slice %arg10[%dma_start3A_700, %dma_start3A_701] : memref<10240x128xf32, #tpu.memory_space<vmem_shared>> -> memref<10240x128xf32, #tpu.memory_space<vmem_shared>>
      tpu.enqueue_indirect_dma source(%arg7 : memref<80x128xf32, #tpu.memory_space<vmem>>) target(%dma_start3A_702 : memref<10240x128xf32, #tpu.memory_space<vmem_shared>>) offsets(%dma_start3A_699 : memref<80xi32, #tpu.memory_space<vmem>>) semaphore(%arg14 : memref<!tpu.dma_semaphore, #tpu.memory_space<semaphore_mem>>) {add = true}
      %gt3A = arith.constant 0 : i32
      %gt3A_703 = arith.cmpi sgt, %scan3A_686, %gt3A : i32
      %convert_element_type3A = arith.extui %gt3A_703 : i1 to i32
      %cond3A = arith.constant 0 : i32
      %cond3A_704 = arith.cmpi ne, %convert_element_type3A, %cond3A : i32
      scf.if %cond3A_704 {
        %sub3A_776 = arith.constant 1 : i32
        %sub3A_777 = arith.subi %add3A_690, %sub3A_776 : i32
        %dma_wait3A_778 = arith.constant 0 : i32
        %dma_wait3A_779 = tpu.memref_slice %arg6[%sub3A_777, %dma_wait3A_778] : memref<25x80xi32, #tpu.memory_space<vmem>> -> memref<1x80xi32, #tpu.memory_space<vmem>>
        %dma_wait3A_780 = tpu.memref_squeeze %dma_wait3A_779 : memref<1x80xi32, #tpu.memory_space<vmem>> -> memref<80xi32, #tpu.memory_space<vmem>>
        %dma_wait3A_781 = arith.constant 0 : i32
        %dma_wait3A_782 = arith.constant 0 : i32
        %dma_wait3A_783 = tpu.memref_slice %arg10[%dma_wait3A_781, %dma_wait3A_782] : memref<10240x128xf32, #tpu.memory_space<vmem_shared>> -> memref<10240x128xf32, #tpu.memory_space<vmem_shared>>
        tpu.wait_indirect_dma semaphore(%arg16 : memref<!tpu.dma_semaphore, #tpu.memory_space<semaphore_mem>>) src(%arg9 : memref<80x128xf32, #tpu.memory_space<vmem>>) dst(%dma_wait3A_783 : memref<10240x128xf32, #tpu.memory_space<vmem_shared>>)
      } else {
      }
      %add3A_705 = arith.constant 2 : i32
      %add3A_706 = arith.addi %add3A_690, %add3A_705 : i32
      %dma_start3A_707 = arith.constant 0 : i32
      %dma_start3A_708 = tpu.memref_slice %arg5[%add3A_706, %dma_start3A_707] : memref<25x80xi32, #tpu.memory_space<vmem>> -> memref<1x80xi32, #tpu.memory_space<vmem>>
      %dma_start3A_709 = tpu.memref_squeeze %dma_start3A_708 : memref<1x80xi32, #tpu.memory_space<vmem>> -> memref<80xi32, #tpu.memory_space<vmem>>
      %dma_start3A_710 = arith.constant 0 : i32
      %dma_start3A_711 = arith.constant 0 : i32
      %dma_start3A_712 = tpu.memref_slice %arg2[%dma_start3A_710, %dma_start3A_711] : memref<10000x128xf32, #tpu.memory_space<hbm>> -> memref<10000x128xf32, #tpu.memory_space<hbm>>
      tpu.enqueue_indirect_dma source(%dma_start3A_712 : memref<10000x128xf32, #tpu.memory_space<hbm>>) target(%arg9 : memref<80x128xf32, #tpu.memory_space<vmem>>) offsets(%dma_start3A_709 : memref<80xi32, #tpu.memory_space<vmem>>) semaphore(%arg13 : memref<!tpu.dma_semaphore, #tpu.memory_space<semaphore_mem>>)
      %mul3A_713 = arith.constant 3 : i32
      %mul3A_714 = arith.muli %mul3A_713, %scan3A_686 : i32
      %add3A_715 = arith.constant 1 : i32
      %add3A_716 = arith.addi %mul3A_714, %add3A_715 : i32
      %dma_wait3A_717 = arith.constant 0 : i32
      %dma_wait3A_718 = tpu.memref_slice %arg5[%add3A_716, %dma_wait3A_717] : memref<25x80xi32, #tpu.memory_space<vmem>> -> memref<1x80xi32, #tpu.memory_space<vmem>>
      %dma_wait3A_719 = tpu.memref_squeeze %dma_wait3A_718 : memref<1x80xi32, #tpu.memory_space<vmem>> -> memref<80xi32, #tpu.memory_space<vmem>>
      %dma_wait3A_720 = arith.constant 0 : i32
      %dma_wait3A_721 = arith.constant 0 : i32
      %dma_wait3A_722 = tpu.memref_slice %arg2[%dma_wait3A_720, %dma_wait3A_721] : memref<10000x128xf32, #tpu.memory_space<hbm>> -> memref<10000x128xf32, #tpu.memory_space<hbm>>
      tpu.wait_indirect_dma semaphore(%arg12 : memref<!tpu.dma_semaphore, #tpu.memory_space<semaphore_mem>>) src(%dma_wait3A_722 : memref<10000x128xf32, #tpu.memory_space<hbm>>) dst(%arg8 : memref<80x128xf32, #tpu.memory_space<vmem>>)
      %dma_start3A_723 = arith.constant 0 : i32
      %dma_start3A_724 = tpu.memref_slice %arg6[%add3A_716, %dma_start3A_723] : memref<25x80xi32, #tpu.memory_space<vmem>> -> memref<1x80xi32, #tpu.memory_space<vmem>>
      %dma_start3A_725 = tpu.memref_squeeze %dma_start3A_724 : memref<1x80xi32, #tpu.memory_space<vmem>> -> memref<80xi32, #tpu.memory_space<vmem>>
      %dma_start3A_726 = arith.constant 0 : i32
      %dma_start3A_727 = arith.constant 0 : i32
      %dma_start3A_728 = tpu.memref_slice %arg10[%dma_start3A_726, %dma_start3A_727] : memref<10240x128xf32, #tpu.memory_space<vmem_shared>> -> memref<10240x128xf32, #tpu.memory_space<vmem_shared>>
      tpu.enqueue_indirect_dma source(%arg8 : memref<80x128xf32, #tpu.memory_space<vmem>>) target(%dma_start3A_728 : memref<10240x128xf32, #tpu.memory_space<vmem_shared>>) offsets(%dma_start3A_725 : memref<80xi32, #tpu.memory_space<vmem>>) semaphore(%arg15 : memref<!tpu.dma_semaphore, #tpu.memory_space<semaphore_mem>>) {add = true}
      %sub3A = arith.constant 1 : i32
      %sub3A_729 = arith.subi %add3A_716, %sub3A : i32
      %dma_wait3A_730 = arith.constant 0 : i32
      %dma_wait3A_731 = tpu.memref_slice %arg6[%sub3A_729, %dma_wait3A_730] : memref<25x80xi32, #tpu.memory_space<vmem>> -> memref<1x80xi32, #tpu.memory_space<vmem>>
      %dma_wait3A_732 = tpu.memref_squeeze %dma_wait3A_731 : memref<1x80xi32, #tpu.memory_space<vmem>> -> memref<80xi32, #tpu.memory_space<vmem>>
      %dma_wait3A_733 = arith.constant 0 : i32
      %dma_wait3A_734 = arith.constant 0 : i32
      %dma_wait3A_735 = tpu.memref_slice %arg10[%dma_wait3A_733, %dma_wait3A_734] : memref<10240x128xf32, #tpu.memory_space<vmem_shared>> -> memref<10240x128xf32, #tpu.memory_space<vmem_shared>>
      tpu.wait_indirect_dma semaphore(%arg14 : memref<!tpu.dma_semaphore, #tpu.memory_space<semaphore_mem>>) src(%arg7 : memref<80x128xf32, #tpu.memory_space<vmem>>) dst(%dma_wait3A_735 : memref<10240x128xf32, #tpu.memory_space<vmem_shared>>)
      %add3A_736 = arith.constant 2 : i32
      %add3A_737 = arith.addi %add3A_716, %add3A_736 : i32
      %dma_start3A_738 = arith.constant 0 : i32
      %dma_start3A_739 = tpu.memref_slice %arg5[%add3A_737, %dma_start3A_738] : memref<25x80xi32, #tpu.memory_space<vmem>> -> memref<1x80xi32, #tpu.memory_space<vmem>>
      %dma_start3A_740 = tpu.memref_squeeze %dma_start3A_739 : memref<1x80xi32, #tpu.memory_space<vmem>> -> memref<80xi32, #tpu.memory_space<vmem>>
      %dma_start3A_741 = arith.constant 0 : i32
      %dma_start3A_742 = arith.constant 0 : i32
      %dma_start3A_743 = tpu.memref_slice %arg2[%dma_start3A_741, %dma_start3A_742] : memref<10000x128xf32, #tpu.memory_space<hbm>> -> memref<10000x128xf32, #tpu.memory_space<hbm>>
      tpu.enqueue_indirect_dma source(%dma_start3A_743 : memref<10000x128xf32, #tpu.memory_space<hbm>>) target(%arg7 : memref<80x128xf32, #tpu.memory_space<vmem>>) offsets(%dma_start3A_740 : memref<80xi32, #tpu.memory_space<vmem>>) semaphore(%arg11 : memref<!tpu.dma_semaphore, #tpu.memory_space<semaphore_mem>>)
      %mul3A_744 = arith.constant 3 : i32
      %mul3A_745 = arith.muli %mul3A_744, %scan3A_686 : i32
      %add3A_746 = arith.constant 2 : i32
      %add3A_747 = arith.addi %mul3A_745, %add3A_746 : i32
      %dma_wait3A_748 = arith.constant 0 : i32
      %dma_wait3A_749 = tpu.memref_slice %arg5[%add3A_747, %dma_wait3A_748] : memref<25x80xi32, #tpu.memory_space<vmem>> -> memref<1x80xi32, #tpu.memory_space<vmem>>
      %dma_wait3A_750 = tpu.memref_squeeze %dma_wait3A_749 : memref<1x80xi32, #tpu.memory_space<vmem>> -> memref<80xi32, #tpu.memory_space<vmem>>
      %dma_wait3A_751 = arith.constant 0 : i32
      %dma_wait3A_752 = arith.constant 0 : i32
      %dma_wait3A_753 = tpu.memref_slice %arg2[%dma_wait3A_751, %dma_wait3A_752] : memref<10000x128xf32, #tpu.memory_space<hbm>> -> memref<10000x128xf32, #tpu.memory_space<hbm>>
      tpu.wait_indirect_dma semaphore(%arg13 : memref<!tpu.dma_semaphore, #tpu.memory_space<semaphore_mem>>) src(%dma_wait3A_753 : memref<10000x128xf32, #tpu.memory_space<hbm>>) dst(%arg9 : memref<80x128xf32, #tpu.memory_space<vmem>>)
      %dma_start3A_754 = arith.constant 0 : i32
      %dma_start3A_755 = tpu.memref_slice %arg6[%add3A_747, %dma_start3A_754] : memref<25x80xi32, #tpu.memory_space<vmem>> -> memref<1x80xi32, #tpu.memory_space<vmem>>
      %dma_start3A_756 = tpu.memref_squeeze %dma_start3A_755 : memref<1x80xi32, #tpu.memory_space<vmem>> -> memref<80xi32, #tpu.memory_space<vmem>>
      %dma_start3A_757 = arith.constant 0 : i32
      %dma_start3A_758 = arith.constant 0 : i32
      %dma_start3A_759 = tpu.memref_slice %arg10[%dma_start3A_757, %dma_start3A_758] : memref<10240x128xf32, #tpu.memory_space<vmem_shared>> -> memref<10240x128xf32, #tpu.memory_space<vmem_shared>>
      tpu.enqueue_indirect_dma source(%arg9 : memref<80x128xf32, #tpu.memory_space<vmem>>) target(%dma_start3A_759 : memref<10240x128xf32, #tpu.memory_space<vmem_shared>>) offsets(%dma_start3A_756 : memref<80xi32, #tpu.memory_space<vmem>>) semaphore(%arg16 : memref<!tpu.dma_semaphore, #tpu.memory_space<semaphore_mem>>) {add = true}
      %sub3A_760 = arith.constant 1 : i32
      %sub3A_761 = arith.subi %add3A_747, %sub3A_760 : i32
      %dma_wait3A_762 = arith.constant 0 : i32
      %dma_wait3A_763 = tpu.memref_slice %arg6[%sub3A_761, %dma_wait3A_762] : memref<25x80xi32, #tpu.memory_space<vmem>> -> memref<1x80xi32, #tpu.memory_space<vmem>>
      %dma_wait3A_764 = tpu.memref_squeeze %dma_wait3A_763 : memref<1x80xi32, #tpu.memory_space<vmem>> -> memref<80xi32, #tpu.memory_space<vmem>>
      %dma_wait3A_765 = arith.constant 0 : i32
      %dma_wait3A_766 = arith.constant 0 : i32
      %dma_wait3A_767 = tpu.memref_slice %arg10[%dma_wait3A_765, %dma_wait3A_766] : memref<10240x128xf32, #tpu.memory_space<vmem_shared>> -> memref<10240x128xf32, #tpu.memory_space<vmem_shared>>
      tpu.wait_indirect_dma semaphore(%arg15 : memref<!tpu.dma_semaphore, #tpu.memory_space<semaphore_mem>>) src(%arg8 : memref<80x128xf32, #tpu.memory_space<vmem>>) dst(%dma_wait3A_767 : memref<10240x128xf32, #tpu.memory_space<vmem_shared>>)
      %add3A_768 = arith.constant 2 : i32
      %add3A_769 = arith.addi %add3A_747, %add3A_768 : i32
      %dma_start3A_770 = arith.constant 0 : i32
      %dma_start3A_771 = tpu.memref_slice %arg5[%add3A_769, %dma_start3A_770] : memref<25x80xi32, #tpu.memory_space<vmem>> -> memref<1x80xi32, #tpu.memory_space<vmem>>
      %dma_start3A_772 = tpu.memref_squeeze %dma_start3A_771 : memref<1x80xi32, #tpu.memory_space<vmem>> -> memref<80xi32, #tpu.memory_space<vmem>>
      %dma_start3A_773 = arith.constant 0 : i32
      %dma_start3A_774 = arith.constant 0 : i32
      %dma_start3A_775 = tpu.memref_slice %arg2[%dma_start3A_773, %dma_start3A_774] : memref<10000x128xf32, #tpu.memory_space<hbm>> -> memref<10000x128xf32, #tpu.memory_space<hbm>>
      tpu.enqueue_indirect_dma source(%dma_start3A_775 : memref<10000x128xf32, #tpu.memory_space<hbm>>) target(%arg8 : memref<80x128xf32, #tpu.memory_space<vmem>>) offsets(%dma_start3A_772 : memref<80xi32, #tpu.memory_space<vmem>>) semaphore(%arg12 : memref<!tpu.dma_semaphore, #tpu.memory_space<semaphore_mem>>)
    }
    %scan3A_575 = arith.constant 7 : i32
    %dma_wait3A_576 = arith.constant 21 : i32
    %dma_wait3A_577 = arith.constant 0 : i32
    %dma_wait3A_578 = tpu.memref_slice %arg5[%dma_wait3A_576, %dma_wait3A_577] : memref<25x80xi32, #tpu.memory_space<vmem>> -> memref<1x80xi32, #tpu.memory_space<vmem>>
    %dma_wait3A_579 = tpu.memref_squeeze %dma_wait3A_578 : memref<1x80xi32, #tpu.memory_space<vmem>> -> memref<80xi32, #tpu.memory_space<vmem>>
    %dma_wait3A_580 = arith.constant 0 : i32
    %dma_wait3A_581 = arith.constant 0 : i32
    %dma_wait3A_582 = tpu.memref_slice %arg2[%dma_wait3A_580, %dma_wait3A_581] : memref<10000x128xf32, #tpu.memory_space<hbm>> -> memref<10000x128xf32, #tpu.memory_space<hbm>>
    tpu.wait_indirect_dma semaphore(%arg11 : memref<!tpu.dma_semaphore, #tpu.memory_space<semaphore_mem>>) src(%dma_wait3A_582 : memref<10000x128xf32, #tpu.memory_space<hbm>>) dst(%arg7 : memref<80x128xf32, #tpu.memory_space<vmem>>)
    %dma_start3A_583 = arith.constant 21 : i32
    %dma_start3A_584 = arith.constant 0 : i32
    %dma_start3A_585 = tpu.memref_slice %arg6[%dma_start3A_583, %dma_start3A_584] : memref<25x80xi32, #tpu.memory_space<vmem>> -> memref<1x80xi32, #tpu.memory_space<vmem>>
    %dma_start3A_586 = tpu.memref_squeeze %dma_start3A_585 : memref<1x80xi32, #tpu.memory_space<vmem>> -> memref<80xi32, #tpu.memory_space<vmem>>
    %dma_start3A_587 = arith.constant 0 : i32
    %dma_start3A_588 = arith.constant 0 : i32
    %dma_start3A_589 = tpu.memref_slice %arg10[%dma_start3A_587, %dma_start3A_588] : memref<10240x128xf32, #tpu.memory_space<vmem_shared>> -> memref<10240x128xf32, #tpu.memory_space<vmem_shared>>
    tpu.enqueue_indirect_dma source(%arg7 : memref<80x128xf32, #tpu.memory_space<vmem>>) target(%dma_start3A_589 : memref<10240x128xf32, #tpu.memory_space<vmem_shared>>) offsets(%dma_start3A_586 : memref<80xi32, #tpu.memory_space<vmem>>) semaphore(%arg14 : memref<!tpu.dma_semaphore, #tpu.memory_space<semaphore_mem>>) {add = true}
    %dma_wait3A_590 = arith.constant 20 : i32
    %dma_wait3A_591 = arith.constant 0 : i32
    %dma_wait3A_592 = tpu.memref_slice %arg6[%dma_wait3A_590, %dma_wait3A_591] : memref<25x80xi32, #tpu.memory_space<vmem>> -> memref<1x80xi32, #tpu.memory_space<vmem>>
    %dma_wait3A_593 = tpu.memref_squeeze %dma_wait3A_592 : memref<1x80xi32, #tpu.memory_space<vmem>> -> memref<80xi32, #tpu.memory_space<vmem>>
    %dma_wait3A_594 = arith.constant 0 : i32
    %dma_wait3A_595 = arith.constant 0 : i32
    %dma_wait3A_596 = tpu.memref_slice %arg10[%dma_wait3A_594, %dma_wait3A_595] : memref<10240x128xf32, #tpu.memory_space<vmem_shared>> -> memref<10240x128xf32, #tpu.memory_space<vmem_shared>>
    tpu.wait_indirect_dma semaphore(%arg16 : memref<!tpu.dma_semaphore, #tpu.memory_space<semaphore_mem>>) src(%arg9 : memref<80x128xf32, #tpu.memory_space<vmem>>) dst(%dma_wait3A_596 : memref<10240x128xf32, #tpu.memory_space<vmem_shared>>)
    %dma_start3A_597 = arith.constant 23 : i32
    %dma_start3A_598 = arith.constant 0 : i32
    %dma_start3A_599 = tpu.memref_slice %arg5[%dma_start3A_597, %dma_start3A_598] : memref<25x80xi32, #tpu.memory_space<vmem>> -> memref<1x80xi32, #tpu.memory_space<vmem>>
    %dma_start3A_600 = tpu.memref_squeeze %dma_start3A_599 : memref<1x80xi32, #tpu.memory_space<vmem>> -> memref<80xi32, #tpu.memory_space<vmem>>
    %dma_start3A_601 = arith.constant 0 : i32
    %dma_start3A_602 = arith.constant 0 : i32
    %dma_start3A_603 = tpu.memref_slice %arg2[%dma_start3A_601, %dma_start3A_602] : memref<10000x128xf32, #tpu.memory_space<hbm>> -> memref<10000x128xf32, #tpu.memory_space<hbm>>
    tpu.enqueue_indirect_dma source(%dma_start3A_603 : memref<10000x128xf32, #tpu.memory_space<hbm>>) target(%arg9 : memref<80x128xf32, #tpu.memory_space<vmem>>) offsets(%dma_start3A_600 : memref<80xi32, #tpu.memory_space<vmem>>) semaphore(%arg13 : memref<!tpu.dma_semaphore, #tpu.memory_space<semaphore_mem>>)
    %dma_wait3A_604 = arith.constant 22 : i32
    %dma_wait3A_605 = arith.constant 0 : i32
    %dma_wait3A_606 = tpu.memref_slice %arg5[%dma_wait3A_604, %dma_wait3A_605] : memref<25x80xi32, #tpu.memory_space<vmem>> -> memref<1x80xi32, #tpu.memory_space<vmem>>
    %dma_wait3A_607 = tpu.memref_squeeze %dma_wait3A_606 : memref<1x80xi32, #tpu.memory_space<vmem>> -> memref<80xi32, #tpu.memory_space<vmem>>
    %dma_wait3A_608 = arith.constant 0 : i32
    %dma_wait3A_609 = arith.constant 0 : i32
    %dma_wait3A_610 = tpu.memref_slice %arg2[%dma_wait3A_608, %dma_wait3A_609] : memref<10000x128xf32, #tpu.memory_space<hbm>> -> memref<10000x128xf32, #tpu.memory_space<hbm>>
    tpu.wait_indirect_dma semaphore(%arg12 : memref<!tpu.dma_semaphore, #tpu.memory_space<semaphore_mem>>) src(%dma_wait3A_610 : memref<10000x128xf32, #tpu.memory_space<hbm>>) dst(%arg8 : memref<80x128xf32, #tpu.memory_space<vmem>>)
    %dma_start3A_611 = arith.constant 22 : i32
    %dma_start3A_612 = arith.constant 0 : i32
    %dma_start3A_613 = tpu.memref_slice %arg6[%dma_start3A_611, %dma_start3A_612] : memref<25x80xi32, #tpu.memory_space<vmem>> -> memref<1x80xi32, #tpu.memory_space<vmem>>
    %dma_start3A_614 = tpu.memref_squeeze %dma_start3A_613 : memref<1x80xi32, #tpu.memory_space<vmem>> -> memref<80xi32, #tpu.memory_space<vmem>>
    %dma_start3A_615 = arith.constant 0 : i32
    %dma_start3A_616 = arith.constant 0 : i32
    %dma_start3A_617 = tpu.memref_slice %arg10[%dma_start3A_615, %dma_start3A_616] : memref<10240x128xf32, #tpu.memory_space<vmem_shared>> -> memref<10240x128xf32, #tpu.memory_space<vmem_shared>>
    tpu.enqueue_indirect_dma source(%arg8 : memref<80x128xf32, #tpu.memory_space<vmem>>) target(%dma_start3A_617 : memref<10240x128xf32, #tpu.memory_space<vmem_shared>>) offsets(%dma_start3A_614 : memref<80xi32, #tpu.memory_space<vmem>>) semaphore(%arg15 : memref<!tpu.dma_semaphore, #tpu.memory_space<semaphore_mem>>) {add = true}
    %dma_wait3A_618 = arith.constant 21 : i32
    %dma_wait3A_619 = arith.constant 0 : i32
    %dma_wait3A_620 = tpu.memref_slice %arg6[%dma_wait3A_618, %dma_wait3A_619] : memref<25x80xi32, #tpu.memory_space<vmem>> -> memref<1x80xi32, #tpu.memory_space<vmem>>
    %dma_wait3A_621 = tpu.memref_squeeze %dma_wait3A_620 : memref<1x80xi32, #tpu.memory_space<vmem>> -> memref<80xi32, #tpu.memory_space<vmem>>
    %dma_wait3A_622 = arith.constant 0 : i32
    %dma_wait3A_623 = arith.constant 0 : i32
    %dma_wait3A_624 = tpu.memref_slice %arg10[%dma_wait3A_622, %dma_wait3A_623] : memref<10240x128xf32, #tpu.memory_space<vmem_shared>> -> memref<10240x128xf32, #tpu.memory_space<vmem_shared>>
    tpu.wait_indirect_dma semaphore(%arg14 : memref<!tpu.dma_semaphore, #tpu.memory_space<semaphore_mem>>) src(%arg7 : memref<80x128xf32, #tpu.memory_space<vmem>>) dst(%dma_wait3A_624 : memref<10240x128xf32, #tpu.memory_space<vmem_shared>>)
    %dma_start3A_625 = arith.constant 24 : i32
    %dma_start3A_626 = arith.constant 0 : i32
    %dma_start3A_627 = tpu.memref_slice %arg5[%dma_start3A_625, %dma_start3A_626] : memref<25x80xi32, #tpu.memory_space<vmem>> -> memref<1x80xi32, #tpu.memory_space<vmem>>
    %dma_start3A_628 = tpu.memref_squeeze %dma_start3A_627 : memref<1x80xi32, #tpu.memory_space<vmem>> -> memref<80xi32, #tpu.memory_space<vmem>>
    %dma_start3A_629 = arith.constant 0 : i32
    %dma_start3A_630 = arith.constant 0 : i32
    %dma_start3A_631 = tpu.memref_slice %arg2[%dma_start3A_629, %dma_start3A_630] : memref<10000x128xf32, #tpu.memory_space<hbm>> -> memref<10000x128xf32, #tpu.memory_space<hbm>>
    tpu.enqueue_indirect_dma source(%dma_start3A_631 : memref<10000x128xf32, #tpu.memory_space<hbm>>) target(%arg7 : memref<80x128xf32, #tpu.memory_space<vmem>>) offsets(%dma_start3A_628 : memref<80xi32, #tpu.memory_space<vmem>>) semaphore(%arg11 : memref<!tpu.dma_semaphore, #tpu.memory_space<semaphore_mem>>)
    %dma_wait3A_632 = arith.constant 23 : i32
    %dma_wait3A_633 = arith.constant 0 : i32
    %dma_wait3A_634 = tpu.memref_slice %arg5[%dma_wait3A_632, %dma_wait3A_633] : memref<25x80xi32, #tpu.memory_space<vmem>> -> memref<1x80xi32, #tpu.memory_space<vmem>>
    %dma_wait3A_635 = tpu.memref_squeeze %dma_wait3A_634 : memref<1x80xi32, #tpu.memory_space<vmem>> -> memref<80xi32, #tpu.memory_space<vmem>>
    %dma_wait3A_636 = arith.constant 0 : i32
    %dma_wait3A_637 = arith.constant 0 : i32
    %dma_wait3A_638 = tpu.memref_slice %arg2[%dma_wait3A_636, %dma_wait3A_637] : memref<10000x128xf32, #tpu.memory_space<hbm>> -> memref<10000x128xf32, #tpu.memory_space<hbm>>
    tpu.wait_indirect_dma semaphore(%arg13 : memref<!tpu.dma_semaphore, #tpu.memory_space<semaphore_mem>>) src(%dma_wait3A_638 : memref<10000x128xf32, #tpu.memory_space<hbm>>) dst(%arg9 : memref<80x128xf32, #tpu.memory_space<vmem>>)
    %dma_start3A_639 = arith.constant 23 : i32
    %dma_start3A_640 = arith.constant 0 : i32
    %dma_start3A_641 = tpu.memref_slice %arg6[%dma_start3A_639, %dma_start3A_640] : memref<25x80xi32, #tpu.memory_space<vmem>> -> memref<1x80xi32, #tpu.memory_space<vmem>>
    %dma_start3A_642 = tpu.memref_squeeze %dma_start3A_641 : memref<1x80xi32, #tpu.memory_space<vmem>> -> memref<80xi32, #tpu.memory_space<vmem>>
    %dma_start3A_643 = arith.constant 0 : i32
    %dma_start3A_644 = arith.constant 0 : i32
    %dma_start3A_645 = tpu.memref_slice %arg10[%dma_start3A_643, %dma_start3A_644] : memref<10240x128xf32, #tpu.memory_space<vmem_shared>> -> memref<10240x128xf32, #tpu.memory_space<vmem_shared>>
    tpu.enqueue_indirect_dma source(%arg9 : memref<80x128xf32, #tpu.memory_space<vmem>>) target(%dma_start3A_645 : memref<10240x128xf32, #tpu.memory_space<vmem_shared>>) offsets(%dma_start3A_642 : memref<80xi32, #tpu.memory_space<vmem>>) semaphore(%arg16 : memref<!tpu.dma_semaphore, #tpu.memory_space<semaphore_mem>>) {add = true}
    %dma_wait3A_646 = arith.constant 22 : i32
    %dma_wait3A_647 = arith.constant 0 : i32
    %dma_wait3A_648 = tpu.memref_slice %arg6[%dma_wait3A_646, %dma_wait3A_647] : memref<25x80xi32, #tpu.memory_space<vmem>> -> memref<1x80xi32, #tpu.memory_space<vmem>>
    %dma_wait3A_649 = tpu.memref_squeeze %dma_wait3A_648 : memref<1x80xi32, #tpu.memory_space<vmem>> -> memref<80xi32, #tpu.memory_space<vmem>>
    %dma_wait3A_650 = arith.constant 0 : i32
    %dma_wait3A_651 = arith.constant 0 : i32
    %dma_wait3A_652 = tpu.memref_slice %arg10[%dma_wait3A_650, %dma_wait3A_651] : memref<10240x128xf32, #tpu.memory_space<vmem_shared>> -> memref<10240x128xf32, #tpu.memory_space<vmem_shared>>
    tpu.wait_indirect_dma semaphore(%arg15 : memref<!tpu.dma_semaphore, #tpu.memory_space<semaphore_mem>>) src(%arg8 : memref<80x128xf32, #tpu.memory_space<vmem>>) dst(%dma_wait3A_652 : memref<10240x128xf32, #tpu.memory_space<vmem_shared>>)
    %dma_wait3A_653 = arith.constant 24 : i32
    %dma_wait3A_654 = arith.constant 0 : i32
    %dma_wait3A_655 = tpu.memref_slice %arg5[%dma_wait3A_653, %dma_wait3A_654] : memref<25x80xi32, #tpu.memory_space<vmem>> -> memref<1x80xi32, #tpu.memory_space<vmem>>
    %dma_wait3A_656 = tpu.memref_squeeze %dma_wait3A_655 : memref<1x80xi32, #tpu.memory_space<vmem>> -> memref<80xi32, #tpu.memory_space<vmem>>
    %dma_wait3A_657 = arith.constant 0 : i32
    %dma_wait3A_658 = arith.constant 0 : i32
    %dma_wait3A_659 = tpu.memref_slice %arg2[%dma_wait3A_657, %dma_wait3A_658] : memref<10000x128xf32, #tpu.memory_space<hbm>> -> memref<10000x128xf32, #tpu.memory_space<hbm>>
    tpu.wait_indirect_dma semaphore(%arg11 : memref<!tpu.dma_semaphore, #tpu.memory_space<semaphore_mem>>) src(%dma_wait3A_659 : memref<10000x128xf32, #tpu.memory_space<hbm>>) dst(%arg7 : memref<80x128xf32, #tpu.memory_space<vmem>>)
    %dma_start3A_660 = arith.constant 24 : i32
    %dma_start3A_661 = arith.constant 0 : i32
    %dma_start3A_662 = tpu.memref_slice %arg6[%dma_start3A_660, %dma_start3A_661] : memref<25x80xi32, #tpu.memory_space<vmem>> -> memref<1x80xi32, #tpu.memory_space<vmem>>
    %dma_start3A_663 = tpu.memref_squeeze %dma_start3A_662 : memref<1x80xi32, #tpu.memory_space<vmem>> -> memref<80xi32, #tpu.memory_space<vmem>>
    %dma_start3A_664 = arith.constant 0 : i32
    %dma_start3A_665 = arith.constant 0 : i32
    %dma_start3A_666 = tpu.memref_slice %arg10[%dma_start3A_664, %dma_start3A_665] : memref<10240x128xf32, #tpu.memory_space<vmem_shared>> -> memref<10240x128xf32, #tpu.memory_space<vmem_shared>>
    tpu.enqueue_indirect_dma source(%arg7 : memref<80x128xf32, #tpu.memory_space<vmem>>) target(%dma_start3A_666 : memref<10240x128xf32, #tpu.memory_space<vmem_shared>>) offsets(%dma_start3A_663 : memref<80xi32, #tpu.memory_space<vmem>>) semaphore(%arg14 : memref<!tpu.dma_semaphore, #tpu.memory_space<semaphore_mem>>) {add = true}
    %dma_wait3A_667 = arith.constant 23 : i32
    %dma_wait3A_668 = arith.constant 0 : i32
    %dma_wait3A_669 = tpu.memref_slice %arg6[%dma_wait3A_667, %dma_wait3A_668] : memref<25x80xi32, #tpu.memory_space<vmem>> -> memref<1x80xi32, #tpu.memory_space<vmem>>
    %dma_wait3A_670 = tpu.memref_squeeze %dma_wait3A_669 : memref<1x80xi32, #tpu.memory_space<vmem>> -> memref<80xi32, #tpu.memory_space<vmem>>
    %dma_wait3A_671 = arith.constant 0 : i32
    %dma_wait3A_672 = arith.constant 0 : i32
    %dma_wait3A_673 = tpu.memref_slice %arg10[%dma_wait3A_671, %dma_wait3A_672] : memref<10240x128xf32, #tpu.memory_space<vmem_shared>> -> memref<10240x128xf32, #tpu.memory_space<vmem_shared>>
    tpu.wait_indirect_dma semaphore(%arg16 : memref<!tpu.dma_semaphore, #tpu.memory_space<semaphore_mem>>) src(%arg9 : memref<80x128xf32, #tpu.memory_space<vmem>>) dst(%dma_wait3A_673 : memref<10240x128xf32, #tpu.memory_space<vmem_shared>>)
    %dma_wait3A_674 = arith.constant 24 : i32
    %dma_wait3A_675 = arith.constant 0 : i32
    %dma_wait3A_676 = tpu.memref_slice %arg6[%dma_wait3A_674, %dma_wait3A_675] : memref<25x80xi32, #tpu.memory_space<vmem>> -> memref<1x80xi32, #tpu.memory_space<vmem>>
    %dma_wait3A_677 = tpu.memref_squeeze %dma_wait3A_676 : memref<1x80xi32, #tpu.memory_space<vmem>> -> memref<80xi32, #tpu.memory_space<vmem>>
    %dma_wait3A_678 = arith.constant 0 : i32
    %dma_wait3A_679 = arith.constant 0 : i32
    %dma_wait3A_680 = tpu.memref_slice %arg10[%dma_wait3A_678, %dma_wait3A_679] : memref<10240x128xf32, #tpu.memory_space<vmem_shared>> -> memref<10240x128xf32, #tpu.memory_space<vmem_shared>>
    tpu.wait_indirect_dma semaphore(%arg14 : memref<!tpu.dma_semaphore, #tpu.memory_space<semaphore_mem>>) src(%arg7 : memref<80x128xf32, #tpu.memory_space<vmem>>) dst(%dma_wait3A_680 : memref<10240x128xf32, #tpu.memory_space<vmem_shared>>)
    %barrier3A_681 = arith.constant 0 : index
    tpu.barrier barrier_id(%barrier3A_681)
    %mul3A_682 = arith.constant 640 : i32
    %mul3A_683 = arith.muli %arg1, %mul3A_682 : i32
    %mul3A_684 = arith.constant 640 : i32
    %mul3A_685 = arith.muli %arg1, %mul3A_684 : i32
    "tpu.region"() ({
      %run_scoped3A_686 = tpu.sem_alloc : memref<!tpu.dma_semaphore, #tpu.memory_space<semaphore_mem>>
      %dma_start3A_687 = arith.constant 0 : i32
      %dma_start3A_688 = tpu.memref_slice %arg4[%arg0, %mul3A_685, %dma_start3A_687] : memref<2x10240x128xf32, #tpu.memory_space<hbm>> -> memref<1x640x128xf32, #tpu.memory_space<hbm>>
      %dma_start3A_689 = tpu.memref_squeeze %dma_start3A_688 : memref<1x640x128xf32, #tpu.memory_space<hbm>> -> memref<640x128xf32, #tpu.memory_space<hbm>>
      %dma_start3A_690 = arith.constant 0 : i32
      %dma_start3A_691 = tpu.memref_slice %arg10[%mul3A_683, %dma_start3A_690] : memref<10240x128xf32, #tpu.memory_space<vmem_shared>> -> memref<640x128xf32, #tpu.memory_space<vmem_shared>>
      tpu.enqueue_dma source(%dma_start3A_691 : memref<640x128xf32, #tpu.memory_space<vmem_shared>>) target(%dma_start3A_689 : memref<640x128xf32, #tpu.memory_space<hbm>>) target_semaphore(%run_scoped3A_686 : memref<!tpu.dma_semaphore, #tpu.memory_space<semaphore_mem>>)
      %dma_wait3A_692 = arith.constant 0 : i32
      %dma_wait3A_693 = tpu.memref_slice %arg4[%arg0, %mul3A_685, %dma_wait3A_692] : memref<2x10240x128xf32, #tpu.memory_space<hbm>> -> memref<1x640x128xf32, #tpu.memory_space<hbm>>
      %dma_wait3A_694 = tpu.memref_squeeze %dma_wait3A_693 : memref<1x640x128xf32, #tpu.memory_space<hbm>> -> memref<640x128xf32, #tpu.memory_space<hbm>>
      %dma_wait3A_695 = arith.constant 0 : i32
      %dma_wait3A_696 = tpu.memref_slice %arg10[%mul3A_683, %dma_wait3A_695] : memref<10240x128xf32, #tpu.memory_space<vmem_shared>> -> memref<640x128xf32, #tpu.memory_space<vmem_shared>>
      tpu.wait_dma2 semaphore(%run_scoped3A_686 : memref<!tpu.dma_semaphore, #tpu.memory_space<semaphore_mem>>) src(%dma_wait3A_696 : memref<640x128xf32, #tpu.memory_space<vmem_shared>>) dst(%dma_wait3A_694 : memref<640x128xf32, #tpu.memory_space<hbm>>)
      tpu.yield
    }) : () -> ()
    return
  }
}

#map = affine_map<(d0, d1) -> (0, 0, 0)>
#map1 = affine_map<(d0, d1) -> (0, 0)>
module attributes {stable_mosaic.version = 14 : i64} {
  func.func @k(%arg0: i32, %arg1: i32, %arg2: memref<2x10240x128xf32, #tpu.memory_space<hbm>>, %arg3: memref<10000x128xf32, #tpu.memory_space<hbm>>, %arg4: memref<320x128xf32, #tpu.memory_space<vmem>>, %arg5: memref<320x128xf32, #tpu.memory_space<vmem>>, %arg6: memref<!tpu.dma_semaphore, #tpu.memory_space<semaphore_mem>>, %arg7: memref<!tpu.dma_semaphore, #tpu.memory_space<semaphore_mem>>, %arg8: memref<!tpu.dma_semaphore, #tpu.memory_space<semaphore_mem>>) attributes {dimension_semantics = [#tpu.dimension_semantics<core_parallel>, #tpu.dimension_semantics<subcore_parallel>], iteration_bounds = array<i64: 2, 16>, scalar_prefetch = 0 : i64, scratch_operands = 5 : i64, tpu.core_type = #tpu.core_type<sc_vector_subcore>, window_params = [{transform_indices = #map}, {transform_indices = #map1}]} {
    %mul3A = arith.constant 2 : i32
    %mul3A_0 = arith.muli %arg1, %mul3A : i32
    %add3A = arith.addi %mul3A_0, %arg0 : i32
    %mul3A_1 = arith.constant 320 : i32
    %mul3A_2 = arith.muli %add3A, %mul3A_1 : i32
    %eq3A = arith.constant 31 : i32
    %eq3A_3 = arith.cmpi eq, %add3A, %eq3A : i32
    %add3A_4 = arith.constant 0 : i32
    %add3A_5 = arith.addi %mul3A_2, %add3A_4 : i32
    %dma_start3A = arith.constant 0 : i32
    %dma_start3A_6 = arith.constant 0 : i32
    %dma_start3A_7 = arith.constant 0 : i32
    %dma_start3A_8 = tpu.memref_slice %arg4[%dma_start3A_6, %dma_start3A_7] : memref<320x128xf32, #tpu.memory_space<vmem>> -> memref<80x128xf32, #tpu.memory_space<vmem>>
    %dma_start3A_9 = arith.constant 0 : i32
    %dma_start3A_10 = tpu.memref_slice %arg2[%dma_start3A, %add3A_5, %dma_start3A_9] : memref<2x10240x128xf32, #tpu.memory_space<hbm>> -> memref<1x80x128xf32, #tpu.memory_space<hbm>>
    %dma_start3A_11 = tpu.memref_squeeze %dma_start3A_10 : memref<1x80x128xf32, #tpu.memory_space<hbm>> -> memref<80x128xf32, #tpu.memory_space<hbm>>
    %dma_start3A_12 = arith.constant 0 : i32
    %dma_start3A_13 = arith.constant 0 : i32
    %dma_start3A_14 = tpu.memref_slice %arg4[%dma_start3A_12, %dma_start3A_13] : memref<320x128xf32, #tpu.memory_space<vmem>> -> memref<80x128xf32, #tpu.memory_space<vmem>>
    %dma_start3A_15 = arith.constant 0 : i32
    %dma_start3A_16 = tpu.memref_slice %arg2[%dma_start3A, %add3A_5, %dma_start3A_15] : memref<2x10240x128xf32, #tpu.memory_space<hbm>> -> memref<1x80x128xf32, #tpu.memory_space<hbm>>
    %dma_start3A_17 = tpu.memref_squeeze %dma_start3A_16 : memref<1x80x128xf32, #tpu.memory_space<hbm>> -> memref<80x128xf32, #tpu.memory_space<hbm>>
    tpu.enqueue_dma source(%dma_start3A_17 : memref<80x128xf32, #tpu.memory_space<hbm>>) target(%dma_start3A_14 : memref<80x128xf32, #tpu.memory_space<vmem>>) target_semaphore(%arg6 : memref<!tpu.dma_semaphore, #tpu.memory_space<semaphore_mem>>)
    %dma_start3A_18 = arith.constant 1 : i32
    %dma_start3A_19 = arith.constant 0 : i32
    %dma_start3A_20 = arith.constant 0 : i32
    %dma_start3A_21 = tpu.memref_slice %arg5[%dma_start3A_19, %dma_start3A_20] : memref<320x128xf32, #tpu.memory_space<vmem>> -> memref<80x128xf32, #tpu.memory_space<vmem>>
    %dma_start3A_22 = arith.constant 0 : i32
    %dma_start3A_23 = tpu.memref_slice %arg2[%dma_start3A_18, %add3A_5, %dma_start3A_22] : memref<2x10240x128xf32, #tpu.memory_space<hbm>> -> memref<1x80x128xf32, #tpu.memory_space<hbm>>
    %dma_start3A_24 = tpu.memref_squeeze %dma_start3A_23 : memref<1x80x128xf32, #tpu.memory_space<hbm>> -> memref<80x128xf32, #tpu.memory_space<hbm>>
    %dma_start3A_25 = arith.constant 0 : i32
    %dma_start3A_26 = arith.constant 0 : i32
    %dma_start3A_27 = tpu.memref_slice %arg5[%dma_start3A_25, %dma_start3A_26] : memref<320x128xf32, #tpu.memory_space<vmem>> -> memref<80x128xf32, #tpu.memory_space<vmem>>
    %dma_start3A_28 = arith.constant 0 : i32
    %dma_start3A_29 = tpu.memref_slice %arg2[%dma_start3A_18, %add3A_5, %dma_start3A_28] : memref<2x10240x128xf32, #tpu.memory_space<hbm>> -> memref<1x80x128xf32, #tpu.memory_space<hbm>>
    %dma_start3A_30 = tpu.memref_squeeze %dma_start3A_29 : memref<1x80x128xf32, #tpu.memory_space<hbm>> -> memref<80x128xf32, #tpu.memory_space<hbm>>
    tpu.enqueue_dma source(%dma_start3A_30 : memref<80x128xf32, #tpu.memory_space<hbm>>) target(%dma_start3A_27 : memref<80x128xf32, #tpu.memory_space<vmem>>) target_semaphore(%arg7 : memref<!tpu.dma_semaphore, #tpu.memory_space<semaphore_mem>>)
    %add3A_31 = arith.constant 80 : i32
    %add3A_32 = arith.addi %mul3A_2, %add3A_31 : i32
    %dma_start3A_33 = arith.constant 0 : i32
    %dma_start3A_34 = arith.constant 80 : i32
    %dma_start3A_35 = arith.constant 0 : i32
    %dma_start3A_36 = tpu.memref_slice %arg4[%dma_start3A_34, %dma_start3A_35] : memref<320x128xf32, #tpu.memory_space<vmem>> -> memref<80x128xf32, #tpu.memory_space<vmem>>
    %dma_start3A_37 = arith.constant 0 : i32
    %dma_start3A_38 = tpu.memref_slice %arg2[%dma_start3A_33, %add3A_32, %dma_start3A_37] : memref<2x10240x128xf32, #tpu.memory_space<hbm>> -> memref<1x80x128xf32, #tpu.memory_space<hbm>>
    %dma_start3A_39 = tpu.memref_squeeze %dma_start3A_38 : memref<1x80x128xf32, #tpu.memory_space<hbm>> -> memref<80x128xf32, #tpu.memory_space<hbm>>
    %dma_start3A_40 = arith.constant 80 : i32
    %dma_start3A_41 = arith.constant 0 : i32
    %dma_start3A_42 = tpu.memref_slice %arg4[%dma_start3A_40, %dma_start3A_41] : memref<320x128xf32, #tpu.memory_space<vmem>> -> memref<80x128xf32, #tpu.memory_space<vmem>>
    %dma_start3A_43 = arith.constant 0 : i32
    %dma_start3A_44 = tpu.memref_slice %arg2[%dma_start3A_33, %add3A_32, %dma_start3A_43] : memref<2x10240x128xf32, #tpu.memory_space<hbm>> -> memref<1x80x128xf32, #tpu.memory_space<hbm>>
    %dma_start3A_45 = tpu.memref_squeeze %dma_start3A_44 : memref<1x80x128xf32, #tpu.memory_space<hbm>> -> memref<80x128xf32, #tpu.memory_space<hbm>>
    tpu.enqueue_dma source(%dma_start3A_45 : memref<80x128xf32, #tpu.memory_space<hbm>>) target(%dma_start3A_42 : memref<80x128xf32, #tpu.memory_space<vmem>>) target_semaphore(%arg6 : memref<!tpu.dma_semaphore, #tpu.memory_space<semaphore_mem>>)
    %dma_start3A_46 = arith.constant 1 : i32
    %dma_start3A_47 = arith.constant 80 : i32
    %dma_start3A_48 = arith.constant 0 : i32
    %dma_start3A_49 = tpu.memref_slice %arg5[%dma_start3A_47, %dma_start3A_48] : memref<320x128xf32, #tpu.memory_space<vmem>> -> memref<80x128xf32, #tpu.memory_space<vmem>>
    %dma_start3A_50 = arith.constant 0 : i32
    %dma_start3A_51 = tpu.memref_slice %arg2[%dma_start3A_46, %add3A_32, %dma_start3A_50] : memref<2x10240x128xf32, #tpu.memory_space<hbm>> -> memref<1x80x128xf32, #tpu.memory_space<hbm>>
    %dma_start3A_52 = tpu.memref_squeeze %dma_start3A_51 : memref<1x80x128xf32, #tpu.memory_space<hbm>> -> memref<80x128xf32, #tpu.memory_space<hbm>>
    %dma_start3A_53 = arith.constant 80 : i32
    %dma_start3A_54 = arith.constant 0 : i32
    %dma_start3A_55 = tpu.memref_slice %arg5[%dma_start3A_53, %dma_start3A_54] : memref<320x128xf32, #tpu.memory_space<vmem>> -> memref<80x128xf32, #tpu.memory_space<vmem>>
    %dma_start3A_56 = arith.constant 0 : i32
    %dma_start3A_57 = tpu.memref_slice %arg2[%dma_start3A_46, %add3A_32, %dma_start3A_56] : memref<2x10240x128xf32, #tpu.memory_space<hbm>> -> memref<1x80x128xf32, #tpu.memory_space<hbm>>
    %dma_start3A_58 = tpu.memref_squeeze %dma_start3A_57 : memref<1x80x128xf32, #tpu.memory_space<hbm>> -> memref<80x128xf32, #tpu.memory_space<hbm>>
    tpu.enqueue_dma source(%dma_start3A_58 : memref<80x128xf32, #tpu.memory_space<hbm>>) target(%dma_start3A_55 : memref<80x128xf32, #tpu.memory_space<vmem>>) target_semaphore(%arg7 : memref<!tpu.dma_semaphore, #tpu.memory_space<semaphore_mem>>)
    %add3A_59 = arith.constant 160 : i32
    %add3A_60 = arith.addi %mul3A_2, %add3A_59 : i32
    %dma_start3A_61 = arith.constant 0 : i32
    %dma_start3A_62 = arith.constant 160 : i32
    %dma_start3A_63 = arith.constant 0 : i32
    %dma_start3A_64 = tpu.memref_slice %arg4[%dma_start3A_62, %dma_start3A_63] : memref<320x128xf32, #tpu.memory_space<vmem>> -> memref<80x128xf32, #tpu.memory_space<vmem>>
    %dma_start3A_65 = arith.constant 0 : i32
    %dma_start3A_66 = tpu.memref_slice %arg2[%dma_start3A_61, %add3A_60, %dma_start3A_65] : memref<2x10240x128xf32, #tpu.memory_space<hbm>> -> memref<1x80x128xf32, #tpu.memory_space<hbm>>
    %dma_start3A_67 = tpu.memref_squeeze %dma_start3A_66 : memref<1x80x128xf32, #tpu.memory_space<hbm>> -> memref<80x128xf32, #tpu.memory_space<hbm>>
    %dma_start3A_68 = arith.constant 160 : i32
    %dma_start3A_69 = arith.constant 0 : i32
    %dma_start3A_70 = tpu.memref_slice %arg4[%dma_start3A_68, %dma_start3A_69] : memref<320x128xf32, #tpu.memory_space<vmem>> -> memref<80x128xf32, #tpu.memory_space<vmem>>
    %dma_start3A_71 = arith.constant 0 : i32
    %dma_start3A_72 = tpu.memref_slice %arg2[%dma_start3A_61, %add3A_60, %dma_start3A_71] : memref<2x10240x128xf32, #tpu.memory_space<hbm>> -> memref<1x80x128xf32, #tpu.memory_space<hbm>>
    %dma_start3A_73 = tpu.memref_squeeze %dma_start3A_72 : memref<1x80x128xf32, #tpu.memory_space<hbm>> -> memref<80x128xf32, #tpu.memory_space<hbm>>
    tpu.enqueue_dma source(%dma_start3A_73 : memref<80x128xf32, #tpu.memory_space<hbm>>) target(%dma_start3A_70 : memref<80x128xf32, #tpu.memory_space<vmem>>) target_semaphore(%arg6 : memref<!tpu.dma_semaphore, #tpu.memory_space<semaphore_mem>>)
    %dma_start3A_74 = arith.constant 1 : i32
    %dma_start3A_75 = arith.constant 160 : i32
    %dma_start3A_76 = arith.constant 0 : i32
    %dma_start3A_77 = tpu.memref_slice %arg5[%dma_start3A_75, %dma_start3A_76] : memref<320x128xf32, #tpu.memory_space<vmem>> -> memref<80x128xf32, #tpu.memory_space<vmem>>
    %dma_start3A_78 = arith.constant 0 : i32
    %dma_start3A_79 = tpu.memref_slice %arg2[%dma_start3A_74, %add3A_60, %dma_start3A_78] : memref<2x10240x128xf32, #tpu.memory_space<hbm>> -> memref<1x80x128xf32, #tpu.memory_space<hbm>>
    %dma_start3A_80 = tpu.memref_squeeze %dma_start3A_79 : memref<1x80x128xf32, #tpu.memory_space<hbm>> -> memref<80x128xf32, #tpu.memory_space<hbm>>
    %dma_start3A_81 = arith.constant 160 : i32
    %dma_start3A_82 = arith.constant 0 : i32
    %dma_start3A_83 = tpu.memref_slice %arg5[%dma_start3A_81, %dma_start3A_82] : memref<320x128xf32, #tpu.memory_space<vmem>> -> memref<80x128xf32, #tpu.memory_space<vmem>>
    %dma_start3A_84 = arith.constant 0 : i32
    %dma_start3A_85 = tpu.memref_slice %arg2[%dma_start3A_74, %add3A_60, %dma_start3A_84] : memref<2x10240x128xf32, #tpu.memory_space<hbm>> -> memref<1x80x128xf32, #tpu.memory_space<hbm>>
    %dma_start3A_86 = tpu.memref_squeeze %dma_start3A_85 : memref<1x80x128xf32, #tpu.memory_space<hbm>> -> memref<80x128xf32, #tpu.memory_space<hbm>>
    tpu.enqueue_dma source(%dma_start3A_86 : memref<80x128xf32, #tpu.memory_space<hbm>>) target(%dma_start3A_83 : memref<80x128xf32, #tpu.memory_space<vmem>>) target_semaphore(%arg7 : memref<!tpu.dma_semaphore, #tpu.memory_space<semaphore_mem>>)
    %add3A_87 = arith.constant 240 : i32
    %add3A_88 = arith.addi %mul3A_2, %add3A_87 : i32
    %dma_start3A_89 = arith.constant 0 : i32
    %dma_start3A_90 = arith.constant 240 : i32
    %dma_start3A_91 = arith.constant 0 : i32
    %dma_start3A_92 = tpu.memref_slice %arg4[%dma_start3A_90, %dma_start3A_91] : memref<320x128xf32, #tpu.memory_space<vmem>> -> memref<80x128xf32, #tpu.memory_space<vmem>>
    %dma_start3A_93 = arith.constant 0 : i32
    %dma_start3A_94 = tpu.memref_slice %arg2[%dma_start3A_89, %add3A_88, %dma_start3A_93] : memref<2x10240x128xf32, #tpu.memory_space<hbm>> -> memref<1x80x128xf32, #tpu.memory_space<hbm>>
    %dma_start3A_95 = tpu.memref_squeeze %dma_start3A_94 : memref<1x80x128xf32, #tpu.memory_space<hbm>> -> memref<80x128xf32, #tpu.memory_space<hbm>>
    %dma_start3A_96 = arith.constant 240 : i32
    %dma_start3A_97 = arith.constant 0 : i32
    %dma_start3A_98 = tpu.memref_slice %arg4[%dma_start3A_96, %dma_start3A_97] : memref<320x128xf32, #tpu.memory_space<vmem>> -> memref<80x128xf32, #tpu.memory_space<vmem>>
    %dma_start3A_99 = arith.constant 0 : i32
    %dma_start3A_100 = tpu.memref_slice %arg2[%dma_start3A_89, %add3A_88, %dma_start3A_99] : memref<2x10240x128xf32, #tpu.memory_space<hbm>> -> memref<1x80x128xf32, #tpu.memory_space<hbm>>
    %dma_start3A_101 = tpu.memref_squeeze %dma_start3A_100 : memref<1x80x128xf32, #tpu.memory_space<hbm>> -> memref<80x128xf32, #tpu.memory_space<hbm>>
    tpu.enqueue_dma source(%dma_start3A_101 : memref<80x128xf32, #tpu.memory_space<hbm>>) target(%dma_start3A_98 : memref<80x128xf32, #tpu.memory_space<vmem>>) target_semaphore(%arg6 : memref<!tpu.dma_semaphore, #tpu.memory_space<semaphore_mem>>)
    %dma_start3A_102 = arith.constant 1 : i32
    %dma_start3A_103 = arith.constant 240 : i32
    %dma_start3A_104 = arith.constant 0 : i32
    %dma_start3A_105 = tpu.memref_slice %arg5[%dma_start3A_103, %dma_start3A_104] : memref<320x128xf32, #tpu.memory_space<vmem>> -> memref<80x128xf32, #tpu.memory_space<vmem>>
    %dma_start3A_106 = arith.constant 0 : i32
    %dma_start3A_107 = tpu.memref_slice %arg2[%dma_start3A_102, %add3A_88, %dma_start3A_106] : memref<2x10240x128xf32, #tpu.memory_space<hbm>> -> memref<1x80x128xf32, #tpu.memory_space<hbm>>
    %dma_start3A_108 = tpu.memref_squeeze %dma_start3A_107 : memref<1x80x128xf32, #tpu.memory_space<hbm>> -> memref<80x128xf32, #tpu.memory_space<hbm>>
    %dma_start3A_109 = arith.constant 240 : i32
    %dma_start3A_110 = arith.constant 0 : i32
    %dma_start3A_111 = tpu.memref_slice %arg5[%dma_start3A_109, %dma_start3A_110] : memref<320x128xf32, #tpu.memory_space<vmem>> -> memref<80x128xf32, #tpu.memory_space<vmem>>
    %dma_start3A_112 = arith.constant 0 : i32
    %dma_start3A_113 = tpu.memref_slice %arg2[%dma_start3A_102, %add3A_88, %dma_start3A_112] : memref<2x10240x128xf32, #tpu.memory_space<hbm>> -> memref<1x80x128xf32, #tpu.memory_space<hbm>>
    %dma_start3A_114 = tpu.memref_squeeze %dma_start3A_113 : memref<1x80x128xf32, #tpu.memory_space<hbm>> -> memref<80x128xf32, #tpu.memory_space<hbm>>
    tpu.enqueue_dma source(%dma_start3A_114 : memref<80x128xf32, #tpu.memory_space<hbm>>) target(%dma_start3A_111 : memref<80x128xf32, #tpu.memory_space<vmem>>) target_semaphore(%arg7 : memref<!tpu.dma_semaphore, #tpu.memory_space<semaphore_mem>>)
    %add3A_115 = arith.constant 0 : i32
    %add3A_116 = arith.addi %mul3A_2, %add3A_115 : i32
    %dma_wait3A = arith.constant 0 : i32
    %dma_wait3A_117 = arith.constant 0 : i32
    %dma_wait3A_118 = arith.constant 0 : i32
    %dma_wait3A_119 = tpu.memref_slice %arg4[%dma_wait3A_117, %dma_wait3A_118] : memref<320x128xf32, #tpu.memory_space<vmem>> -> memref<80x128xf32, #tpu.memory_space<vmem>>
    %dma_wait3A_120 = arith.constant 0 : i32
    %dma_wait3A_121 = tpu.memref_slice %arg2[%dma_wait3A, %add3A_116, %dma_wait3A_120] : memref<2x10240x128xf32, #tpu.memory_space<hbm>> -> memref<1x80x128xf32, #tpu.memory_space<hbm>>
    %dma_wait3A_122 = tpu.memref_squeeze %dma_wait3A_121 : memref<1x80x128xf32, #tpu.memory_space<hbm>> -> memref<80x128xf32, #tpu.memory_space<hbm>>
    %dma_wait3A_123 = arith.constant 0 : i32
    %dma_wait3A_124 = arith.constant 0 : i32
    %dma_wait3A_125 = tpu.memref_slice %arg4[%dma_wait3A_123, %dma_wait3A_124] : memref<320x128xf32, #tpu.memory_space<vmem>> -> memref<80x128xf32, #tpu.memory_space<vmem>>
    %dma_wait3A_126 = arith.constant 0 : i32
    %dma_wait3A_127 = tpu.memref_slice %arg2[%dma_wait3A, %add3A_116, %dma_wait3A_126] : memref<2x10240x128xf32, #tpu.memory_space<hbm>> -> memref<1x80x128xf32, #tpu.memory_space<hbm>>
    %dma_wait3A_128 = tpu.memref_squeeze %dma_wait3A_127 : memref<1x80x128xf32, #tpu.memory_space<hbm>> -> memref<80x128xf32, #tpu.memory_space<hbm>>
    tpu.wait_dma2 semaphore(%arg6 : memref<!tpu.dma_semaphore, #tpu.memory_space<semaphore_mem>>) src(%dma_wait3A_128 : memref<80x128xf32, #tpu.memory_space<hbm>>) dst(%dma_wait3A_125 : memref<80x128xf32, #tpu.memory_space<vmem>>)
    %dma_wait3A_129 = arith.constant 1 : i32
    %dma_wait3A_130 = arith.constant 0 : i32
    %dma_wait3A_131 = arith.constant 0 : i32
    %dma_wait3A_132 = tpu.memref_slice %arg5[%dma_wait3A_130, %dma_wait3A_131] : memref<320x128xf32, #tpu.memory_space<vmem>> -> memref<80x128xf32, #tpu.memory_space<vmem>>
    %dma_wait3A_133 = arith.constant 0 : i32
    %dma_wait3A_134 = tpu.memref_slice %arg2[%dma_wait3A_129, %add3A_116, %dma_wait3A_133] : memref<2x10240x128xf32, #tpu.memory_space<hbm>> -> memref<1x80x128xf32, #tpu.memory_space<hbm>>
    %dma_wait3A_135 = tpu.memref_squeeze %dma_wait3A_134 : memref<1x80x128xf32, #tpu.memory_space<hbm>> -> memref<80x128xf32, #tpu.memory_space<hbm>>
    %dma_wait3A_136 = arith.constant 0 : i32
    %dma_wait3A_137 = arith.constant 0 : i32
    %dma_wait3A_138 = tpu.memref_slice %arg5[%dma_wait3A_136, %dma_wait3A_137] : memref<320x128xf32, #tpu.memory_space<vmem>> -> memref<80x128xf32, #tpu.memory_space<vmem>>
    %dma_wait3A_139 = arith.constant 0 : i32
    %dma_wait3A_140 = tpu.memref_slice %arg2[%dma_wait3A_129, %add3A_116, %dma_wait3A_139] : memref<2x10240x128xf32, #tpu.memory_space<hbm>> -> memref<1x80x128xf32, #tpu.memory_space<hbm>>
    %dma_wait3A_141 = tpu.memref_squeeze %dma_wait3A_140 : memref<1x80x128xf32, #tpu.memory_space<hbm>> -> memref<80x128xf32, #tpu.memory_space<hbm>>
    tpu.wait_dma2 semaphore(%arg7 : memref<!tpu.dma_semaphore, #tpu.memory_space<semaphore_mem>>) src(%dma_wait3A_141 : memref<80x128xf32, #tpu.memory_space<hbm>>) dst(%dma_wait3A_138 : memref<80x128xf32, #tpu.memory_space<vmem>>)
    %scan3A = arith.constant 0 : i32
    %scan3A_142 = arith.constant 0 : i32
    %scan3A_143 = arith.constant 80 : i32
    %scan3A_144 = arith.addi %scan3A_142, %scan3A_143 : i32
    %scan3A_145 = arith.constant 1 : i32
    scf.for %scan3A_304 = %scan3A_142 to %scan3A_144 step %scan3A_145  : i32 {
      %add3A_305 = arith.constant 0 : i32
      %add3A_306 = arith.addi %add3A_305, %scan3A_304 : i32
      %get3A = arith.index_cast %add3A_306 : i32 to index
      %get3A_307 = arith.constant 0 : index
      %get3A_308 = tpu.vector_load %arg4[%get3A, %get3A_307] {strides = array<i32>} : memref<320x128xf32, #tpu.memory_space<vmem>>, vector<1x16xf32>,
      %get3A_309 = vector.shape_cast %get3A_308 : vector<1x16xf32> to vector<16xf32>
      %get3A_310 = arith.index_cast %add3A_306 : i32 to index
      %get3A_311 = arith.constant 0 : index
      %get3A_312 = tpu.vector_load %arg5[%get3A_310, %get3A_311] {strides = array<i32>} : memref<320x128xf32, #tpu.memory_space<vmem>>, vector<1x16xf32>,
      %get3A_313 = vector.shape_cast %get3A_312 : vector<1x16xf32> to vector<16xf32>
      %add3A_314 = arith.addf %get3A_309, %get3A_313 : vector<16xf32>
      %swap3A = arith.index_cast %add3A_306 : i32 to index
      %swap3A_315 = arith.constant 0 : index
      %swap3A_316 = tpu.vector_load %arg4[%swap3A, %swap3A_315] {strides = array<i32>} : memref<320x128xf32, #tpu.memory_space<vmem>>, vector<1x16xf32>,
      %swap3A_317 = vector.shape_cast %swap3A_316 : vector<1x16xf32> to vector<16xf32>
      %swap3A_318 = vector.shape_cast %add3A_314 : vector<16xf32> to vector<1x16xf32>
      tpu.vector_store %arg4[%swap3A, %swap3A_315], %swap3A_318 {strides = array<i32>} : memref<320x128xf32, #tpu.memory_space<vmem>>, vector<1x16xf32>,
      %add3A_319 = arith.constant 0 : i32
      %add3A_320 = arith.addi %add3A_319, %scan3A_304 : i32
      %get3A_321 = arith.index_cast %add3A_320 : i32 to index
      %get3A_322 = arith.constant 16 : index
      %get3A_323 = tpu.vector_load %arg4[%get3A_321, %get3A_322] {strides = array<i32>} : memref<320x128xf32, #tpu.memory_space<vmem>>, vector<1x16xf32>,
      %get3A_324 = vector.shape_cast %get3A_323 : vector<1x16xf32> to vector<16xf32>
      %get3A_325 = arith.index_cast %add3A_320 : i32 to index
      %get3A_326 = arith.constant 16 : index
      %get3A_327 = tpu.vector_load %arg5[%get3A_325, %get3A_326] {strides = array<i32>} : memref<320x128xf32, #tpu.memory_space<vmem>>, vector<1x16xf32>,
      %get3A_328 = vector.shape_cast %get3A_327 : vector<1x16xf32> to vector<16xf32>
      %add3A_329 = arith.addf %get3A_324, %get3A_328 : vector<16xf32>
      %swap3A_330 = arith.index_cast %add3A_320 : i32 to index
      %swap3A_331 = arith.constant 16 : index
      %swap3A_332 = tpu.vector_load %arg4[%swap3A_330, %swap3A_331] {strides = array<i32>} : memref<320x128xf32, #tpu.memory_space<vmem>>, vector<1x16xf32>,
      %swap3A_333 = vector.shape_cast %swap3A_332 : vector<1x16xf32> to vector<16xf32>
      %swap3A_334 = vector.shape_cast %add3A_329 : vector<16xf32> to vector<1x16xf32>
      tpu.vector_store %arg4[%swap3A_330, %swap3A_331], %swap3A_334 {strides = array<i32>} : memref<320x128xf32, #tpu.memory_space<vmem>>, vector<1x16xf32>,
      %add3A_335 = arith.constant 0 : i32
      %add3A_336 = arith.addi %add3A_335, %scan3A_304 : i32
      %get3A_337 = arith.index_cast %add3A_336 : i32 to index
      %get3A_338 = arith.constant 32 : index
      %get3A_339 = tpu.vector_load %arg4[%get3A_337, %get3A_338] {strides = array<i32>} : memref<320x128xf32, #tpu.memory_space<vmem>>, vector<1x16xf32>,
      %get3A_340 = vector.shape_cast %get3A_339 : vector<1x16xf32> to vector<16xf32>
      %get3A_341 = arith.index_cast %add3A_336 : i32 to index
      %get3A_342 = arith.constant 32 : index
      %get3A_343 = tpu.vector_load %arg5[%get3A_341, %get3A_342] {strides = array<i32>} : memref<320x128xf32, #tpu.memory_space<vmem>>, vector<1x16xf32>,
      %get3A_344 = vector.shape_cast %get3A_343 : vector<1x16xf32> to vector<16xf32>
      %add3A_345 = arith.addf %get3A_340, %get3A_344 : vector<16xf32>
      %swap3A_346 = arith.index_cast %add3A_336 : i32 to index
      %swap3A_347 = arith.constant 32 : index
      %swap3A_348 = tpu.vector_load %arg4[%swap3A_346, %swap3A_347] {strides = array<i32>} : memref<320x128xf32, #tpu.memory_space<vmem>>, vector<1x16xf32>,
      %swap3A_349 = vector.shape_cast %swap3A_348 : vector<1x16xf32> to vector<16xf32>
      %swap3A_350 = vector.shape_cast %add3A_345 : vector<16xf32> to vector<1x16xf32>
      tpu.vector_store %arg4[%swap3A_346, %swap3A_347], %swap3A_350 {strides = array<i32>} : memref<320x128xf32, #tpu.memory_space<vmem>>, vector<1x16xf32>,
      %add3A_351 = arith.constant 0 : i32
      %add3A_352 = arith.addi %add3A_351, %scan3A_304 : i32
      %get3A_353 = arith.index_cast %add3A_352 : i32 to index
      %get3A_354 = arith.constant 48 : index
      %get3A_355 = tpu.vector_load %arg4[%get3A_353, %get3A_354] {strides = array<i32>} : memref<320x128xf32, #tpu.memory_space<vmem>>, vector<1x16xf32>,
      %get3A_356 = vector.shape_cast %get3A_355 : vector<1x16xf32> to vector<16xf32>
      %get3A_357 = arith.index_cast %add3A_352 : i32 to index
      %get3A_358 = arith.constant 48 : index
      %get3A_359 = tpu.vector_load %arg5[%get3A_357, %get3A_358] {strides = array<i32>} : memref<320x128xf32, #tpu.memory_space<vmem>>, vector<1x16xf32>,
      %get3A_360 = vector.shape_cast %get3A_359 : vector<1x16xf32> to vector<16xf32>
      %add3A_361 = arith.addf %get3A_356, %get3A_360 : vector<16xf32>
      %swap3A_362 = arith.index_cast %add3A_352 : i32 to index
      %swap3A_363 = arith.constant 48 : index
      %swap3A_364 = tpu.vector_load %arg4[%swap3A_362, %swap3A_363] {strides = array<i32>} : memref<320x128xf32, #tpu.memory_space<vmem>>, vector<1x16xf32>,
      %swap3A_365 = vector.shape_cast %swap3A_364 : vector<1x16xf32> to vector<16xf32>
      %swap3A_366 = vector.shape_cast %add3A_361 : vector<16xf32> to vector<1x16xf32>
      tpu.vector_store %arg4[%swap3A_362, %swap3A_363], %swap3A_366 {strides = array<i32>} : memref<320x128xf32, #tpu.memory_space<vmem>>, vector<1x16xf32>,
      %add3A_367 = arith.constant 0 : i32
      %add3A_368 = arith.addi %add3A_367, %scan3A_304 : i32
      %get3A_369 = arith.index_cast %add3A_368 : i32 to index
      %get3A_370 = arith.constant 64 : index
      %get3A_371 = tpu.vector_load %arg4[%get3A_369, %get3A_370] {strides = array<i32>} : memref<320x128xf32, #tpu.memory_space<vmem>>, vector<1x16xf32>,
      %get3A_372 = vector.shape_cast %get3A_371 : vector<1x16xf32> to vector<16xf32>
      %get3A_373 = arith.index_cast %add3A_368 : i32 to index
      %get3A_374 = arith.constant 64 : index
      %get3A_375 = tpu.vector_load %arg5[%get3A_373, %get3A_374] {strides = array<i32>} : memref<320x128xf32, #tpu.memory_space<vmem>>, vector<1x16xf32>,
      %get3A_376 = vector.shape_cast %get3A_375 : vector<1x16xf32> to vector<16xf32>
      %add3A_377 = arith.addf %get3A_372, %get3A_376 : vector<16xf32>
      %swap3A_378 = arith.index_cast %add3A_368 : i32 to index
      %swap3A_379 = arith.constant 64 : index
      %swap3A_380 = tpu.vector_load %arg4[%swap3A_378, %swap3A_379] {strides = array<i32>} : memref<320x128xf32, #tpu.memory_space<vmem>>, vector<1x16xf32>,
      %swap3A_381 = vector.shape_cast %swap3A_380 : vector<1x16xf32> to vector<16xf32>
      %swap3A_382 = vector.shape_cast %add3A_377 : vector<16xf32> to vector<1x16xf32>
      tpu.vector_store %arg4[%swap3A_378, %swap3A_379], %swap3A_382 {strides = array<i32>} : memref<320x128xf32, #tpu.memory_space<vmem>>, vector<1x16xf32>,
      %add3A_383 = arith.constant 0 : i32
      %add3A_384 = arith.addi %add3A_383, %scan3A_304 : i32
      %get3A_385 = arith.index_cast %add3A_384 : i32 to index
      %get3A_386 = arith.constant 80 : index
      %get3A_387 = tpu.vector_load %arg4[%get3A_385, %get3A_386] {strides = array<i32>} : memref<320x128xf32, #tpu.memory_space<vmem>>, vector<1x16xf32>,
      %get3A_388 = vector.shape_cast %get3A_387 : vector<1x16xf32> to vector<16xf32>
      %get3A_389 = arith.index_cast %add3A_384 : i32 to index
      %get3A_390 = arith.constant 80 : index
      %get3A_391 = tpu.vector_load %arg5[%get3A_389, %get3A_390] {strides = array<i32>} : memref<320x128xf32, #tpu.memory_space<vmem>>, vector<1x16xf32>,
      %get3A_392 = vector.shape_cast %get3A_391 : vector<1x16xf32> to vector<16xf32>
      %add3A_393 = arith.addf %get3A_388, %get3A_392 : vector<16xf32>
      %swap3A_394 = arith.index_cast %add3A_384 : i32 to index
      %swap3A_395 = arith.constant 80 : index
      %swap3A_396 = tpu.vector_load %arg4[%swap3A_394, %swap3A_395] {strides = array<i32>} : memref<320x128xf32, #tpu.memory_space<vmem>>, vector<1x16xf32>,
      %swap3A_397 = vector.shape_cast %swap3A_396 : vector<1x16xf32> to vector<16xf32>
      %swap3A_398 = vector.shape_cast %add3A_393 : vector<16xf32> to vector<1x16xf32>
      tpu.vector_store %arg4[%swap3A_394, %swap3A_395], %swap3A_398 {strides = array<i32>} : memref<320x128xf32, #tpu.memory_space<vmem>>, vector<1x16xf32>,
      %add3A_399 = arith.constant 0 : i32
      %add3A_400 = arith.addi %add3A_399, %scan3A_304 : i32
      %get3A_401 = arith.index_cast %add3A_400 : i32 to index
      %get3A_402 = arith.constant 96 : index
      %get3A_403 = tpu.vector_load %arg4[%get3A_401, %get3A_402] {strides = array<i32>} : memref<320x128xf32, #tpu.memory_space<vmem>>, vector<1x16xf32>,
      %get3A_404 = vector.shape_cast %get3A_403 : vector<1x16xf32> to vector<16xf32>
      %get3A_405 = arith.index_cast %add3A_400 : i32 to index
      %get3A_406 = arith.constant 96 : index
      %get3A_407 = tpu.vector_load %arg5[%get3A_405, %get3A_406] {strides = array<i32>} : memref<320x128xf32, #tpu.memory_space<vmem>>, vector<1x16xf32>,
      %get3A_408 = vector.shape_cast %get3A_407 : vector<1x16xf32> to vector<16xf32>
      %add3A_409 = arith.addf %get3A_404, %get3A_408 : vector<16xf32>
      %swap3A_410 = arith.index_cast %add3A_400 : i32 to index
      %swap3A_411 = arith.constant 96 : index
      %swap3A_412 = tpu.vector_load %arg4[%swap3A_410, %swap3A_411] {strides = array<i32>} : memref<320x128xf32, #tpu.memory_space<vmem>>, vector<1x16xf32>,
      %swap3A_413 = vector.shape_cast %swap3A_412 : vector<1x16xf32> to vector<16xf32>
      %swap3A_414 = vector.shape_cast %add3A_409 : vector<16xf32> to vector<1x16xf32>
      tpu.vector_store %arg4[%swap3A_410, %swap3A_411], %swap3A_414 {strides = array<i32>} : memref<320x128xf32, #tpu.memory_space<vmem>>, vector<1x16xf32>,
      %add3A_415 = arith.constant 0 : i32
      %add3A_416 = arith.addi %add3A_415, %scan3A_304 : i32
      %get3A_417 = arith.index_cast %add3A_416 : i32 to index
      %get3A_418 = arith.constant 112 : index
      %get3A_419 = tpu.vector_load %arg4[%get3A_417, %get3A_418] {strides = array<i32>} : memref<320x128xf32, #tpu.memory_space<vmem>>, vector<1x16xf32>,
      %get3A_420 = vector.shape_cast %get3A_419 : vector<1x16xf32> to vector<16xf32>
      %get3A_421 = arith.index_cast %add3A_416 : i32 to index
      %get3A_422 = arith.constant 112 : index
      %get3A_423 = tpu.vector_load %arg5[%get3A_421, %get3A_422] {strides = array<i32>} : memref<320x128xf32, #tpu.memory_space<vmem>>, vector<1x16xf32>,
      %get3A_424 = vector.shape_cast %get3A_423 : vector<1x16xf32> to vector<16xf32>
      %add3A_425 = arith.addf %get3A_420, %get3A_424 : vector<16xf32>
      %swap3A_426 = arith.index_cast %add3A_416 : i32 to index
      %swap3A_427 = arith.constant 112 : index
      %swap3A_428 = tpu.vector_load %arg4[%swap3A_426, %swap3A_427] {strides = array<i32>} : memref<320x128xf32, #tpu.memory_space<vmem>>, vector<1x16xf32>,
      %swap3A_429 = vector.shape_cast %swap3A_428 : vector<1x16xf32> to vector<16xf32>
      %swap3A_430 = vector.shape_cast %add3A_425 : vector<16xf32> to vector<1x16xf32>
      tpu.vector_store %arg4[%swap3A_426, %swap3A_427], %swap3A_430 {strides = array<i32>} : memref<320x128xf32, #tpu.memory_space<vmem>>, vector<1x16xf32>,
    }
    %scan3A_146 = arith.constant 80 : i32
    %dma_start3A_147 = arith.constant 0 : i32
    %dma_start3A_148 = arith.constant 0 : i32
    %dma_start3A_149 = tpu.memref_slice %arg4[%dma_start3A_147, %dma_start3A_148] : memref<320x128xf32, #tpu.memory_space<vmem>> -> memref<80x128xf32, #tpu.memory_space<vmem>>
    %dma_start3A_150 = arith.constant 0 : i32
    %dma_start3A_151 = tpu.memref_slice %arg3[%add3A_116, %dma_start3A_150] : memref<10000x128xf32, #tpu.memory_space<hbm>> -> memref<80x128xf32, #tpu.memory_space<hbm>>
    %dma_start3A_152 = arith.constant 0 : i32
    %dma_start3A_153 = tpu.memref_slice %arg3[%add3A_116, %dma_start3A_152] : memref<10000x128xf32, #tpu.memory_space<hbm>> -> memref<80x128xf32, #tpu.memory_space<hbm>>
    %dma_start3A_154 = arith.constant 0 : i32
    %dma_start3A_155 = arith.constant 0 : i32
    %dma_start3A_156 = tpu.memref_slice %arg4[%dma_start3A_154, %dma_start3A_155] : memref<320x128xf32, #tpu.memory_space<vmem>> -> memref<80x128xf32, #tpu.memory_space<vmem>>
    tpu.enqueue_dma source(%dma_start3A_156 : memref<80x128xf32, #tpu.memory_space<vmem>>) target(%dma_start3A_153 : memref<80x128xf32, #tpu.memory_space<hbm>>) target_semaphore(%arg8 : memref<!tpu.dma_semaphore, #tpu.memory_space<semaphore_mem>>)
    %add3A_157 = arith.constant 80 : i32
    %add3A_158 = arith.addi %mul3A_2, %add3A_157 : i32
    %dma_wait3A_159 = arith.constant 0 : i32
    %dma_wait3A_160 = arith.constant 80 : i32
    %dma_wait3A_161 = arith.constant 0 : i32
    %dma_wait3A_162 = tpu.memref_slice %arg4[%dma_wait3A_160, %dma_wait3A_161] : memref<320x128xf32, #tpu.memory_space<vmem>> -> memref<80x128xf32, #tpu.memory_space<vmem>>
    %dma_wait3A_163 = arith.constant 0 : i32
    %dma_wait3A_164 = tpu.memref_slice %arg2[%dma_wait3A_159, %add3A_158, %dma_wait3A_163] : memref<2x10240x128xf32, #tpu.memory_space<hbm>> -> memref<1x80x128xf32, #tpu.memory_space<hbm>>
    %dma_wait3A_165 = tpu.memref_squeeze %dma_wait3A_164 : memref<1x80x128xf32, #tpu.memory_space<hbm>> -> memref<80x128xf32, #tpu.memory_space<hbm>>
    %dma_wait3A_166 = arith.constant 80 : i32
    %dma_wait3A_167 = arith.constant 0 : i32
    %dma_wait3A_168 = tpu.memref_slice %arg4[%dma_wait3A_166, %dma_wait3A_167] : memref<320x128xf32, #tpu.memory_space<vmem>> -> memref<80x128xf32, #tpu.memory_space<vmem>>
    %dma_wait3A_169 = arith.constant 0 : i32
    %dma_wait3A_170 = tpu.memref_slice %arg2[%dma_wait3A_159, %add3A_158, %dma_wait3A_169] : memref<2x10240x128xf32, #tpu.memory_space<hbm>> -> memref<1x80x128xf32, #tpu.memory_space<hbm>>
    %dma_wait3A_171 = tpu.memref_squeeze %dma_wait3A_170 : memref<1x80x128xf32, #tpu.memory_space<hbm>> -> memref<80x128xf32, #tpu.memory_space<hbm>>
    tpu.wait_dma2 semaphore(%arg6 : memref<!tpu.dma_semaphore, #tpu.memory_space<semaphore_mem>>) src(%dma_wait3A_171 : memref<80x128xf32, #tpu.memory_space<hbm>>) dst(%dma_wait3A_168 : memref<80x128xf32, #tpu.memory_space<vmem>>)
    %dma_wait3A_172 = arith.constant 1 : i32
    %dma_wait3A_173 = arith.constant 80 : i32
    %dma_wait3A_174 = arith.constant 0 : i32
    %dma_wait3A_175 = tpu.memref_slice %arg5[%dma_wait3A_173, %dma_wait3A_174] : memref<320x128xf32, #tpu.memory_space<vmem>> -> memref<80x128xf32, #tpu.memory_space<vmem>>
    %dma_wait3A_176 = arith.constant 0 : i32
    %dma_wait3A_177 = tpu.memref_slice %arg2[%dma_wait3A_172, %add3A_158, %dma_wait3A_176] : memref<2x10240x128xf32, #tpu.memory_space<hbm>> -> memref<1x80x128xf32, #tpu.memory_space<hbm>>
    %dma_wait3A_178 = tpu.memref_squeeze %dma_wait3A_177 : memref<1x80x128xf32, #tpu.memory_space<hbm>> -> memref<80x128xf32, #tpu.memory_space<hbm>>
    %dma_wait3A_179 = arith.constant 80 : i32
    %dma_wait3A_180 = arith.constant 0 : i32
    %dma_wait3A_181 = tpu.memref_slice %arg5[%dma_wait3A_179, %dma_wait3A_180] : memref<320x128xf32, #tpu.memory_space<vmem>> -> memref<80x128xf32, #tpu.memory_space<vmem>>
    %dma_wait3A_182 = arith.constant 0 : i32
    %dma_wait3A_183 = tpu.memref_slice %arg2[%dma_wait3A_172, %add3A_158, %dma_wait3A_182] : memref<2x10240x128xf32, #tpu.memory_space<hbm>> -> memref<1x80x128xf32, #tpu.memory_space<hbm>>
    %dma_wait3A_184 = tpu.memref_squeeze %dma_wait3A_183 : memref<1x80x128xf32, #tpu.memory_space<hbm>> -> memref<80x128xf32, #tpu.memory_space<hbm>>
    tpu.wait_dma2 semaphore(%arg7 : memref<!tpu.dma_semaphore, #tpu.memory_space<semaphore_mem>>) src(%dma_wait3A_184 : memref<80x128xf32, #tpu.memory_space<hbm>>) dst(%dma_wait3A_181 : memref<80x128xf32, #tpu.memory_space<vmem>>)
    %scan3A_185 = arith.constant 0 : i32
    %scan3A_186 = arith.constant 0 : i32
    %scan3A_187 = arith.constant 80 : i32
    %scan3A_188 = arith.addi %scan3A_186, %scan3A_187 : i32
    %scan3A_189 = arith.constant 1 : i32
    scf.for %scan3A_304 = %scan3A_186 to %scan3A_188 step %scan3A_189  : i32 {
      %add3A_305 = arith.constant 80 : i32
      %add3A_306 = arith.addi %add3A_305, %scan3A_304 : i32
      %get3A = arith.index_cast %add3A_306 : i32 to index
      %get3A_307 = arith.constant 0 : index
      %get3A_308 = tpu.vector_load %arg4[%get3A, %get3A_307] {strides = array<i32>} : memref<320x128xf32, #tpu.memory_space<vmem>>, vector<1x16xf32>,
      %get3A_309 = vector.shape_cast %get3A_308 : vector<1x16xf32> to vector<16xf32>
      %get3A_310 = arith.index_cast %add3A_306 : i32 to index
      %get3A_311 = arith.constant 0 : index
      %get3A_312 = tpu.vector_load %arg5[%get3A_310, %get3A_311] {strides = array<i32>} : memref<320x128xf32, #tpu.memory_space<vmem>>, vector<1x16xf32>,
      %get3A_313 = vector.shape_cast %get3A_312 : vector<1x16xf32> to vector<16xf32>
      %add3A_314 = arith.addf %get3A_309, %get3A_313 : vector<16xf32>
      %swap3A = arith.index_cast %add3A_306 : i32 to index
      %swap3A_315 = arith.constant 0 : index
      %swap3A_316 = tpu.vector_load %arg4[%swap3A, %swap3A_315] {strides = array<i32>} : memref<320x128xf32, #tpu.memory_space<vmem>>, vector<1x16xf32>,
      %swap3A_317 = vector.shape_cast %swap3A_316 : vector<1x16xf32> to vector<16xf32>
      %swap3A_318 = vector.shape_cast %add3A_314 : vector<16xf32> to vector<1x16xf32>
      tpu.vector_store %arg4[%swap3A, %swap3A_315], %swap3A_318 {strides = array<i32>} : memref<320x128xf32, #tpu.memory_space<vmem>>, vector<1x16xf32>,
      %add3A_319 = arith.constant 80 : i32
      %add3A_320 = arith.addi %add3A_319, %scan3A_304 : i32
      %get3A_321 = arith.index_cast %add3A_320 : i32 to index
      %get3A_322 = arith.constant 16 : index
      %get3A_323 = tpu.vector_load %arg4[%get3A_321, %get3A_322] {strides = array<i32>} : memref<320x128xf32, #tpu.memory_space<vmem>>, vector<1x16xf32>,
      %get3A_324 = vector.shape_cast %get3A_323 : vector<1x16xf32> to vector<16xf32>
      %get3A_325 = arith.index_cast %add3A_320 : i32 to index
      %get3A_326 = arith.constant 16 : index
      %get3A_327 = tpu.vector_load %arg5[%get3A_325, %get3A_326] {strides = array<i32>} : memref<320x128xf32, #tpu.memory_space<vmem>>, vector<1x16xf32>,
      %get3A_328 = vector.shape_cast %get3A_327 : vector<1x16xf32> to vector<16xf32>
      %add3A_329 = arith.addf %get3A_324, %get3A_328 : vector<16xf32>
      %swap3A_330 = arith.index_cast %add3A_320 : i32 to index
      %swap3A_331 = arith.constant 16 : index
      %swap3A_332 = tpu.vector_load %arg4[%swap3A_330, %swap3A_331] {strides = array<i32>} : memref<320x128xf32, #tpu.memory_space<vmem>>, vector<1x16xf32>,
      %swap3A_333 = vector.shape_cast %swap3A_332 : vector<1x16xf32> to vector<16xf32>
      %swap3A_334 = vector.shape_cast %add3A_329 : vector<16xf32> to vector<1x16xf32>
      tpu.vector_store %arg4[%swap3A_330, %swap3A_331], %swap3A_334 {strides = array<i32>} : memref<320x128xf32, #tpu.memory_space<vmem>>, vector<1x16xf32>,
      %add3A_335 = arith.constant 80 : i32
      %add3A_336 = arith.addi %add3A_335, %scan3A_304 : i32
      %get3A_337 = arith.index_cast %add3A_336 : i32 to index
      %get3A_338 = arith.constant 32 : index
      %get3A_339 = tpu.vector_load %arg4[%get3A_337, %get3A_338] {strides = array<i32>} : memref<320x128xf32, #tpu.memory_space<vmem>>, vector<1x16xf32>,
      %get3A_340 = vector.shape_cast %get3A_339 : vector<1x16xf32> to vector<16xf32>
      %get3A_341 = arith.index_cast %add3A_336 : i32 to index
      %get3A_342 = arith.constant 32 : index
      %get3A_343 = tpu.vector_load %arg5[%get3A_341, %get3A_342] {strides = array<i32>} : memref<320x128xf32, #tpu.memory_space<vmem>>, vector<1x16xf32>,
      %get3A_344 = vector.shape_cast %get3A_343 : vector<1x16xf32> to vector<16xf32>
      %add3A_345 = arith.addf %get3A_340, %get3A_344 : vector<16xf32>
      %swap3A_346 = arith.index_cast %add3A_336 : i32 to index
      %swap3A_347 = arith.constant 32 : index
      %swap3A_348 = tpu.vector_load %arg4[%swap3A_346, %swap3A_347] {strides = array<i32>} : memref<320x128xf32, #tpu.memory_space<vmem>>, vector<1x16xf32>,
      %swap3A_349 = vector.shape_cast %swap3A_348 : vector<1x16xf32> to vector<16xf32>
      %swap3A_350 = vector.shape_cast %add3A_345 : vector<16xf32> to vector<1x16xf32>
      tpu.vector_store %arg4[%swap3A_346, %swap3A_347], %swap3A_350 {strides = array<i32>} : memref<320x128xf32, #tpu.memory_space<vmem>>, vector<1x16xf32>,
      %add3A_351 = arith.constant 80 : i32
      %add3A_352 = arith.addi %add3A_351, %scan3A_304 : i32
      %get3A_353 = arith.index_cast %add3A_352 : i32 to index
      %get3A_354 = arith.constant 48 : index
      %get3A_355 = tpu.vector_load %arg4[%get3A_353, %get3A_354] {strides = array<i32>} : memref<320x128xf32, #tpu.memory_space<vmem>>, vector<1x16xf32>,
      %get3A_356 = vector.shape_cast %get3A_355 : vector<1x16xf32> to vector<16xf32>
      %get3A_357 = arith.index_cast %add3A_352 : i32 to index
      %get3A_358 = arith.constant 48 : index
      %get3A_359 = tpu.vector_load %arg5[%get3A_357, %get3A_358] {strides = array<i32>} : memref<320x128xf32, #tpu.memory_space<vmem>>, vector<1x16xf32>,
      %get3A_360 = vector.shape_cast %get3A_359 : vector<1x16xf32> to vector<16xf32>
      %add3A_361 = arith.addf %get3A_356, %get3A_360 : vector<16xf32>
      %swap3A_362 = arith.index_cast %add3A_352 : i32 to index
      %swap3A_363 = arith.constant 48 : index
      %swap3A_364 = tpu.vector_load %arg4[%swap3A_362, %swap3A_363] {strides = array<i32>} : memref<320x128xf32, #tpu.memory_space<vmem>>, vector<1x16xf32>,
      %swap3A_365 = vector.shape_cast %swap3A_364 : vector<1x16xf32> to vector<16xf32>
      %swap3A_366 = vector.shape_cast %add3A_361 : vector<16xf32> to vector<1x16xf32>
      tpu.vector_store %arg4[%swap3A_362, %swap3A_363], %swap3A_366 {strides = array<i32>} : memref<320x128xf32, #tpu.memory_space<vmem>>, vector<1x16xf32>,
      %add3A_367 = arith.constant 80 : i32
      %add3A_368 = arith.addi %add3A_367, %scan3A_304 : i32
      %get3A_369 = arith.index_cast %add3A_368 : i32 to index
      %get3A_370 = arith.constant 64 : index
      %get3A_371 = tpu.vector_load %arg4[%get3A_369, %get3A_370] {strides = array<i32>} : memref<320x128xf32, #tpu.memory_space<vmem>>, vector<1x16xf32>,
      %get3A_372 = vector.shape_cast %get3A_371 : vector<1x16xf32> to vector<16xf32>
      %get3A_373 = arith.index_cast %add3A_368 : i32 to index
      %get3A_374 = arith.constant 64 : index
      %get3A_375 = tpu.vector_load %arg5[%get3A_373, %get3A_374] {strides = array<i32>} : memref<320x128xf32, #tpu.memory_space<vmem>>, vector<1x16xf32>,
      %get3A_376 = vector.shape_cast %get3A_375 : vector<1x16xf32> to vector<16xf32>
      %add3A_377 = arith.addf %get3A_372, %get3A_376 : vector<16xf32>
      %swap3A_378 = arith.index_cast %add3A_368 : i32 to index
      %swap3A_379 = arith.constant 64 : index
      %swap3A_380 = tpu.vector_load %arg4[%swap3A_378, %swap3A_379] {strides = array<i32>} : memref<320x128xf32, #tpu.memory_space<vmem>>, vector<1x16xf32>,
      %swap3A_381 = vector.shape_cast %swap3A_380 : vector<1x16xf32> to vector<16xf32>
      %swap3A_382 = vector.shape_cast %add3A_377 : vector<16xf32> to vector<1x16xf32>
      tpu.vector_store %arg4[%swap3A_378, %swap3A_379], %swap3A_382 {strides = array<i32>} : memref<320x128xf32, #tpu.memory_space<vmem>>, vector<1x16xf32>,
      %add3A_383 = arith.constant 80 : i32
      %add3A_384 = arith.addi %add3A_383, %scan3A_304 : i32
      %get3A_385 = arith.index_cast %add3A_384 : i32 to index
      %get3A_386 = arith.constant 80 : index
      %get3A_387 = tpu.vector_load %arg4[%get3A_385, %get3A_386] {strides = array<i32>} : memref<320x128xf32, #tpu.memory_space<vmem>>, vector<1x16xf32>,
      %get3A_388 = vector.shape_cast %get3A_387 : vector<1x16xf32> to vector<16xf32>
      %get3A_389 = arith.index_cast %add3A_384 : i32 to index
      %get3A_390 = arith.constant 80 : index
      %get3A_391 = tpu.vector_load %arg5[%get3A_389, %get3A_390] {strides = array<i32>} : memref<320x128xf32, #tpu.memory_space<vmem>>, vector<1x16xf32>,
      %get3A_392 = vector.shape_cast %get3A_391 : vector<1x16xf32> to vector<16xf32>
      %add3A_393 = arith.addf %get3A_388, %get3A_392 : vector<16xf32>
      %swap3A_394 = arith.index_cast %add3A_384 : i32 to index
      %swap3A_395 = arith.constant 80 : index
      %swap3A_396 = tpu.vector_load %arg4[%swap3A_394, %swap3A_395] {strides = array<i32>} : memref<320x128xf32, #tpu.memory_space<vmem>>, vector<1x16xf32>,
      %swap3A_397 = vector.shape_cast %swap3A_396 : vector<1x16xf32> to vector<16xf32>
      %swap3A_398 = vector.shape_cast %add3A_393 : vector<16xf32> to vector<1x16xf32>
      tpu.vector_store %arg4[%swap3A_394, %swap3A_395], %swap3A_398 {strides = array<i32>} : memref<320x128xf32, #tpu.memory_space<vmem>>, vector<1x16xf32>,
      %add3A_399 = arith.constant 80 : i32
      %add3A_400 = arith.addi %add3A_399, %scan3A_304 : i32
      %get3A_401 = arith.index_cast %add3A_400 : i32 to index
      %get3A_402 = arith.constant 96 : index
      %get3A_403 = tpu.vector_load %arg4[%get3A_401, %get3A_402] {strides = array<i32>} : memref<320x128xf32, #tpu.memory_space<vmem>>, vector<1x16xf32>,
      %get3A_404 = vector.shape_cast %get3A_403 : vector<1x16xf32> to vector<16xf32>
      %get3A_405 = arith.index_cast %add3A_400 : i32 to index
      %get3A_406 = arith.constant 96 : index
      %get3A_407 = tpu.vector_load %arg5[%get3A_405, %get3A_406] {strides = array<i32>} : memref<320x128xf32, #tpu.memory_space<vmem>>, vector<1x16xf32>,
      %get3A_408 = vector.shape_cast %get3A_407 : vector<1x16xf32> to vector<16xf32>
      %add3A_409 = arith.addf %get3A_404, %get3A_408 : vector<16xf32>
      %swap3A_410 = arith.index_cast %add3A_400 : i32 to index
      %swap3A_411 = arith.constant 96 : index
      %swap3A_412 = tpu.vector_load %arg4[%swap3A_410, %swap3A_411] {strides = array<i32>} : memref<320x128xf32, #tpu.memory_space<vmem>>, vector<1x16xf32>,
      %swap3A_413 = vector.shape_cast %swap3A_412 : vector<1x16xf32> to vector<16xf32>
      %swap3A_414 = vector.shape_cast %add3A_409 : vector<16xf32> to vector<1x16xf32>
      tpu.vector_store %arg4[%swap3A_410, %swap3A_411], %swap3A_414 {strides = array<i32>} : memref<320x128xf32, #tpu.memory_space<vmem>>, vector<1x16xf32>,
      %add3A_415 = arith.constant 80 : i32
      %add3A_416 = arith.addi %add3A_415, %scan3A_304 : i32
      %get3A_417 = arith.index_cast %add3A_416 : i32 to index
      %get3A_418 = arith.constant 112 : index
      %get3A_419 = tpu.vector_load %arg4[%get3A_417, %get3A_418] {strides = array<i32>} : memref<320x128xf32, #tpu.memory_space<vmem>>, vector<1x16xf32>,
      %get3A_420 = vector.shape_cast %get3A_419 : vector<1x16xf32> to vector<16xf32>
      %get3A_421 = arith.index_cast %add3A_416 : i32 to index
      %get3A_422 = arith.constant 112 : index
      %get3A_423 = tpu.vector_load %arg5[%get3A_421, %get3A_422] {strides = array<i32>} : memref<320x128xf32, #tpu.memory_space<vmem>>, vector<1x16xf32>,
      %get3A_424 = vector.shape_cast %get3A_423 : vector<1x16xf32> to vector<16xf32>
      %add3A_425 = arith.addf %get3A_420, %get3A_424 : vector<16xf32>
      %swap3A_426 = arith.index_cast %add3A_416 : i32 to index
      %swap3A_427 = arith.constant 112 : index
      %swap3A_428 = tpu.vector_load %arg4[%swap3A_426, %swap3A_427] {strides = array<i32>} : memref<320x128xf32, #tpu.memory_space<vmem>>, vector<1x16xf32>,
      %swap3A_429 = vector.shape_cast %swap3A_428 : vector<1x16xf32> to vector<16xf32>
      %swap3A_430 = vector.shape_cast %add3A_425 : vector<16xf32> to vector<1x16xf32>
      tpu.vector_store %arg4[%swap3A_426, %swap3A_427], %swap3A_430 {strides = array<i32>} : memref<320x128xf32, #tpu.memory_space<vmem>>, vector<1x16xf32>,
    }
    %scan3A_190 = arith.constant 80 : i32
    %not3A = arith.constant true
    %not3A_191 = arith.xori %eq3A_3, %not3A : i1
    %convert_element_type3A = arith.extui %not3A_191 : i1 to i32
    %cond3A = arith.constant 0 : i32
    %cond3A_192 = arith.cmpi ne, %convert_element_type3A, %cond3A : i32
    scf.if %cond3A_192 {
      %dma_start3A_304 = arith.constant 80 : i32
      %dma_start3A_305 = arith.constant 0 : i32
      %dma_start3A_306 = tpu.memref_slice %arg4[%dma_start3A_304, %dma_start3A_305] : memref<320x128xf32, #tpu.memory_space<vmem>> -> memref<80x128xf32, #tpu.memory_space<vmem>>
      %dma_start3A_307 = arith.constant 0 : i32
      %dma_start3A_308 = tpu.memref_slice %arg3[%add3A_158, %dma_start3A_307] : memref<10000x128xf32, #tpu.memory_space<hbm>> -> memref<80x128xf32, #tpu.memory_space<hbm>>
      %dma_start3A_309 = arith.constant 0 : i32
      %dma_start3A_310 = tpu.memref_slice %arg3[%add3A_158, %dma_start3A_309] : memref<10000x128xf32, #tpu.memory_space<hbm>> -> memref<80x128xf32, #tpu.memory_space<hbm>>
      %dma_start3A_311 = arith.constant 80 : i32
      %dma_start3A_312 = arith.constant 0 : i32
      %dma_start3A_313 = tpu.memref_slice %arg4[%dma_start3A_311, %dma_start3A_312] : memref<320x128xf32, #tpu.memory_space<vmem>> -> memref<80x128xf32, #tpu.memory_space<vmem>>
      tpu.enqueue_dma source(%dma_start3A_313 : memref<80x128xf32, #tpu.memory_space<vmem>>) target(%dma_start3A_310 : memref<80x128xf32, #tpu.memory_space<hbm>>) target_semaphore(%arg8 : memref<!tpu.dma_semaphore, #tpu.memory_space<semaphore_mem>>)
    } else {
    }
    %add3A_193 = arith.constant 160 : i32
    %add3A_194 = arith.addi %mul3A_2, %add3A_193 : i32
    %dma_wait3A_195 = arith.constant 0 : i32
    %dma_wait3A_196 = arith.constant 160 : i32
    %dma_wait3A_197 = arith.constant 0 : i32
    %dma_wait3A_198 = tpu.memref_slice %arg4[%dma_wait3A_196, %dma_wait3A_197] : memref<320x128xf32, #tpu.memory_space<vmem>> -> memref<80x128xf32, #tpu.memory_space<vmem>>
    %dma_wait3A_199 = arith.constant 0 : i32
    %dma_wait3A_200 = tpu.memref_slice %arg2[%dma_wait3A_195, %add3A_194, %dma_wait3A_199] : memref<2x10240x128xf32, #tpu.memory_space<hbm>> -> memref<1x80x128xf32, #tpu.memory_space<hbm>>
    %dma_wait3A_201 = tpu.memref_squeeze %dma_wait3A_200 : memref<1x80x128xf32, #tpu.memory_space<hbm>> -> memref<80x128xf32, #tpu.memory_space<hbm>>
    %dma_wait3A_202 = arith.constant 160 : i32
    %dma_wait3A_203 = arith.constant 0 : i32
    %dma_wait3A_204 = tpu.memref_slice %arg4[%dma_wait3A_202, %dma_wait3A_203] : memref<320x128xf32, #tpu.memory_space<vmem>> -> memref<80x128xf32, #tpu.memory_space<vmem>>
    %dma_wait3A_205 = arith.constant 0 : i32
    %dma_wait3A_206 = tpu.memref_slice %arg2[%dma_wait3A_195, %add3A_194, %dma_wait3A_205] : memref<2x10240x128xf32, #tpu.memory_space<hbm>> -> memref<1x80x128xf32, #tpu.memory_space<hbm>>
    %dma_wait3A_207 = tpu.memref_squeeze %dma_wait3A_206 : memref<1x80x128xf32, #tpu.memory_space<hbm>> -> memref<80x128xf32, #tpu.memory_space<hbm>>
    tpu.wait_dma2 semaphore(%arg6 : memref<!tpu.dma_semaphore, #tpu.memory_space<semaphore_mem>>) src(%dma_wait3A_207 : memref<80x128xf32, #tpu.memory_space<hbm>>) dst(%dma_wait3A_204 : memref<80x128xf32, #tpu.memory_space<vmem>>)
    %dma_wait3A_208 = arith.constant 1 : i32
    %dma_wait3A_209 = arith.constant 160 : i32
    %dma_wait3A_210 = arith.constant 0 : i32
    %dma_wait3A_211 = tpu.memref_slice %arg5[%dma_wait3A_209, %dma_wait3A_210] : memref<320x128xf32, #tpu.memory_space<vmem>> -> memref<80x128xf32, #tpu.memory_space<vmem>>
    %dma_wait3A_212 = arith.constant 0 : i32
    %dma_wait3A_213 = tpu.memref_slice %arg2[%dma_wait3A_208, %add3A_194, %dma_wait3A_212] : memref<2x10240x128xf32, #tpu.memory_space<hbm>> -> memref<1x80x128xf32, #tpu.memory_space<hbm>>
    %dma_wait3A_214 = tpu.memref_squeeze %dma_wait3A_213 : memref<1x80x128xf32, #tpu.memory_space<hbm>> -> memref<80x128xf32, #tpu.memory_space<hbm>>
    %dma_wait3A_215 = arith.constant 160 : i32
    %dma_wait3A_216 = arith.constant 0 : i32
    %dma_wait3A_217 = tpu.memref_slice %arg5[%dma_wait3A_215, %dma_wait3A_216] : memref<320x128xf32, #tpu.memory_space<vmem>> -> memref<80x128xf32, #tpu.memory_space<vmem>>
    %dma_wait3A_218 = arith.constant 0 : i32
    %dma_wait3A_219 = tpu.memref_slice %arg2[%dma_wait3A_208, %add3A_194, %dma_wait3A_218] : memref<2x10240x128xf32, #tpu.memory_space<hbm>> -> memref<1x80x128xf32, #tpu.memory_space<hbm>>
    %dma_wait3A_220 = tpu.memref_squeeze %dma_wait3A_219 : memref<1x80x128xf32, #tpu.memory_space<hbm>> -> memref<80x128xf32, #tpu.memory_space<hbm>>
    tpu.wait_dma2 semaphore(%arg7 : memref<!tpu.dma_semaphore, #tpu.memory_space<semaphore_mem>>) src(%dma_wait3A_220 : memref<80x128xf32, #tpu.memory_space<hbm>>) dst(%dma_wait3A_217 : memref<80x128xf32, #tpu.memory_space<vmem>>)
    %scan3A_221 = arith.constant 0 : i32
    %scan3A_222 = arith.constant 0 : i32
    %scan3A_223 = arith.constant 80 : i32
    %scan3A_224 = arith.addi %scan3A_222, %scan3A_223 : i32
    %scan3A_225 = arith.constant 1 : i32
    scf.for %scan3A_304 = %scan3A_222 to %scan3A_224 step %scan3A_225  : i32 {
      %add3A_305 = arith.constant 160 : i32
      %add3A_306 = arith.addi %add3A_305, %scan3A_304 : i32
      %get3A = arith.index_cast %add3A_306 : i32 to index
      %get3A_307 = arith.constant 0 : index
      %get3A_308 = tpu.vector_load %arg4[%get3A, %get3A_307] {strides = array<i32>} : memref<320x128xf32, #tpu.memory_space<vmem>>, vector<1x16xf32>,
      %get3A_309 = vector.shape_cast %get3A_308 : vector<1x16xf32> to vector<16xf32>
      %get3A_310 = arith.index_cast %add3A_306 : i32 to index
      %get3A_311 = arith.constant 0 : index
      %get3A_312 = tpu.vector_load %arg5[%get3A_310, %get3A_311] {strides = array<i32>} : memref<320x128xf32, #tpu.memory_space<vmem>>, vector<1x16xf32>,
      %get3A_313 = vector.shape_cast %get3A_312 : vector<1x16xf32> to vector<16xf32>
      %add3A_314 = arith.addf %get3A_309, %get3A_313 : vector<16xf32>
      %swap3A = arith.index_cast %add3A_306 : i32 to index
      %swap3A_315 = arith.constant 0 : index
      %swap3A_316 = tpu.vector_load %arg4[%swap3A, %swap3A_315] {strides = array<i32>} : memref<320x128xf32, #tpu.memory_space<vmem>>, vector<1x16xf32>,
      %swap3A_317 = vector.shape_cast %swap3A_316 : vector<1x16xf32> to vector<16xf32>
      %swap3A_318 = vector.shape_cast %add3A_314 : vector<16xf32> to vector<1x16xf32>
      tpu.vector_store %arg4[%swap3A, %swap3A_315], %swap3A_318 {strides = array<i32>} : memref<320x128xf32, #tpu.memory_space<vmem>>, vector<1x16xf32>,
      %add3A_319 = arith.constant 160 : i32
      %add3A_320 = arith.addi %add3A_319, %scan3A_304 : i32
      %get3A_321 = arith.index_cast %add3A_320 : i32 to index
      %get3A_322 = arith.constant 16 : index
      %get3A_323 = tpu.vector_load %arg4[%get3A_321, %get3A_322] {strides = array<i32>} : memref<320x128xf32, #tpu.memory_space<vmem>>, vector<1x16xf32>,
      %get3A_324 = vector.shape_cast %get3A_323 : vector<1x16xf32> to vector<16xf32>
      %get3A_325 = arith.index_cast %add3A_320 : i32 to index
      %get3A_326 = arith.constant 16 : index
      %get3A_327 = tpu.vector_load %arg5[%get3A_325, %get3A_326] {strides = array<i32>} : memref<320x128xf32, #tpu.memory_space<vmem>>, vector<1x16xf32>,
      %get3A_328 = vector.shape_cast %get3A_327 : vector<1x16xf32> to vector<16xf32>
      %add3A_329 = arith.addf %get3A_324, %get3A_328 : vector<16xf32>
      %swap3A_330 = arith.index_cast %add3A_320 : i32 to index
      %swap3A_331 = arith.constant 16 : index
      %swap3A_332 = tpu.vector_load %arg4[%swap3A_330, %swap3A_331] {strides = array<i32>} : memref<320x128xf32, #tpu.memory_space<vmem>>, vector<1x16xf32>,
      %swap3A_333 = vector.shape_cast %swap3A_332 : vector<1x16xf32> to vector<16xf32>
      %swap3A_334 = vector.shape_cast %add3A_329 : vector<16xf32> to vector<1x16xf32>
      tpu.vector_store %arg4[%swap3A_330, %swap3A_331], %swap3A_334 {strides = array<i32>} : memref<320x128xf32, #tpu.memory_space<vmem>>, vector<1x16xf32>,
      %add3A_335 = arith.constant 160 : i32
      %add3A_336 = arith.addi %add3A_335, %scan3A_304 : i32
      %get3A_337 = arith.index_cast %add3A_336 : i32 to index
      %get3A_338 = arith.constant 32 : index
      %get3A_339 = tpu.vector_load %arg4[%get3A_337, %get3A_338] {strides = array<i32>} : memref<320x128xf32, #tpu.memory_space<vmem>>, vector<1x16xf32>,
      %get3A_340 = vector.shape_cast %get3A_339 : vector<1x16xf32> to vector<16xf32>
      %get3A_341 = arith.index_cast %add3A_336 : i32 to index
      %get3A_342 = arith.constant 32 : index
      %get3A_343 = tpu.vector_load %arg5[%get3A_341, %get3A_342] {strides = array<i32>} : memref<320x128xf32, #tpu.memory_space<vmem>>, vector<1x16xf32>,
      %get3A_344 = vector.shape_cast %get3A_343 : vector<1x16xf32> to vector<16xf32>
      %add3A_345 = arith.addf %get3A_340, %get3A_344 : vector<16xf32>
      %swap3A_346 = arith.index_cast %add3A_336 : i32 to index
      %swap3A_347 = arith.constant 32 : index
      %swap3A_348 = tpu.vector_load %arg4[%swap3A_346, %swap3A_347] {strides = array<i32>} : memref<320x128xf32, #tpu.memory_space<vmem>>, vector<1x16xf32>,
      %swap3A_349 = vector.shape_cast %swap3A_348 : vector<1x16xf32> to vector<16xf32>
      %swap3A_350 = vector.shape_cast %add3A_345 : vector<16xf32> to vector<1x16xf32>
      tpu.vector_store %arg4[%swap3A_346, %swap3A_347], %swap3A_350 {strides = array<i32>} : memref<320x128xf32, #tpu.memory_space<vmem>>, vector<1x16xf32>,
      %add3A_351 = arith.constant 160 : i32
      %add3A_352 = arith.addi %add3A_351, %scan3A_304 : i32
      %get3A_353 = arith.index_cast %add3A_352 : i32 to index
      %get3A_354 = arith.constant 48 : index
      %get3A_355 = tpu.vector_load %arg4[%get3A_353, %get3A_354] {strides = array<i32>} : memref<320x128xf32, #tpu.memory_space<vmem>>, vector<1x16xf32>,
      %get3A_356 = vector.shape_cast %get3A_355 : vector<1x16xf32> to vector<16xf32>
      %get3A_357 = arith.index_cast %add3A_352 : i32 to index
      %get3A_358 = arith.constant 48 : index
      %get3A_359 = tpu.vector_load %arg5[%get3A_357, %get3A_358] {strides = array<i32>} : memref<320x128xf32, #tpu.memory_space<vmem>>, vector<1x16xf32>,
      %get3A_360 = vector.shape_cast %get3A_359 : vector<1x16xf32> to vector<16xf32>
      %add3A_361 = arith.addf %get3A_356, %get3A_360 : vector<16xf32>
      %swap3A_362 = arith.index_cast %add3A_352 : i32 to index
      %swap3A_363 = arith.constant 48 : index
      %swap3A_364 = tpu.vector_load %arg4[%swap3A_362, %swap3A_363] {strides = array<i32>} : memref<320x128xf32, #tpu.memory_space<vmem>>, vector<1x16xf32>,
      %swap3A_365 = vector.shape_cast %swap3A_364 : vector<1x16xf32> to vector<16xf32>
      %swap3A_366 = vector.shape_cast %add3A_361 : vector<16xf32> to vector<1x16xf32>
      tpu.vector_store %arg4[%swap3A_362, %swap3A_363], %swap3A_366 {strides = array<i32>} : memref<320x128xf32, #tpu.memory_space<vmem>>, vector<1x16xf32>,
      %add3A_367 = arith.constant 160 : i32
      %add3A_368 = arith.addi %add3A_367, %scan3A_304 : i32
      %get3A_369 = arith.index_cast %add3A_368 : i32 to index
      %get3A_370 = arith.constant 64 : index
      %get3A_371 = tpu.vector_load %arg4[%get3A_369, %get3A_370] {strides = array<i32>} : memref<320x128xf32, #tpu.memory_space<vmem>>, vector<1x16xf32>,
      %get3A_372 = vector.shape_cast %get3A_371 : vector<1x16xf32> to vector<16xf32>
      %get3A_373 = arith.index_cast %add3A_368 : i32 to index
      %get3A_374 = arith.constant 64 : index
      %get3A_375 = tpu.vector_load %arg5[%get3A_373, %get3A_374] {strides = array<i32>} : memref<320x128xf32, #tpu.memory_space<vmem>>, vector<1x16xf32>,
      %get3A_376 = vector.shape_cast %get3A_375 : vector<1x16xf32> to vector<16xf32>
      %add3A_377 = arith.addf %get3A_372, %get3A_376 : vector<16xf32>
      %swap3A_378 = arith.index_cast %add3A_368 : i32 to index
      %swap3A_379 = arith.constant 64 : index
      %swap3A_380 = tpu.vector_load %arg4[%swap3A_378, %swap3A_379] {strides = array<i32>} : memref<320x128xf32, #tpu.memory_space<vmem>>, vector<1x16xf32>,
      %swap3A_381 = vector.shape_cast %swap3A_380 : vector<1x16xf32> to vector<16xf32>
      %swap3A_382 = vector.shape_cast %add3A_377 : vector<16xf32> to vector<1x16xf32>
      tpu.vector_store %arg4[%swap3A_378, %swap3A_379], %swap3A_382 {strides = array<i32>} : memref<320x128xf32, #tpu.memory_space<vmem>>, vector<1x16xf32>,
      %add3A_383 = arith.constant 160 : i32
      %add3A_384 = arith.addi %add3A_383, %scan3A_304 : i32
      %get3A_385 = arith.index_cast %add3A_384 : i32 to index
      %get3A_386 = arith.constant 80 : index
      %get3A_387 = tpu.vector_load %arg4[%get3A_385, %get3A_386] {strides = array<i32>} : memref<320x128xf32, #tpu.memory_space<vmem>>, vector<1x16xf32>,
      %get3A_388 = vector.shape_cast %get3A_387 : vector<1x16xf32> to vector<16xf32>
      %get3A_389 = arith.index_cast %add3A_384 : i32 to index
      %get3A_390 = arith.constant 80 : index
      %get3A_391 = tpu.vector_load %arg5[%get3A_389, %get3A_390] {strides = array<i32>} : memref<320x128xf32, #tpu.memory_space<vmem>>, vector<1x16xf32>,
      %get3A_392 = vector.shape_cast %get3A_391 : vector<1x16xf32> to vector<16xf32>
      %add3A_393 = arith.addf %get3A_388, %get3A_392 : vector<16xf32>
      %swap3A_394 = arith.index_cast %add3A_384 : i32 to index
      %swap3A_395 = arith.constant 80 : index
      %swap3A_396 = tpu.vector_load %arg4[%swap3A_394, %swap3A_395] {strides = array<i32>} : memref<320x128xf32, #tpu.memory_space<vmem>>, vector<1x16xf32>,
      %swap3A_397 = vector.shape_cast %swap3A_396 : vector<1x16xf32> to vector<16xf32>
      %swap3A_398 = vector.shape_cast %add3A_393 : vector<16xf32> to vector<1x16xf32>
      tpu.vector_store %arg4[%swap3A_394, %swap3A_395], %swap3A_398 {strides = array<i32>} : memref<320x128xf32, #tpu.memory_space<vmem>>, vector<1x16xf32>,
      %add3A_399 = arith.constant 160 : i32
      %add3A_400 = arith.addi %add3A_399, %scan3A_304 : i32
      %get3A_401 = arith.index_cast %add3A_400 : i32 to index
      %get3A_402 = arith.constant 96 : index
      %get3A_403 = tpu.vector_load %arg4[%get3A_401, %get3A_402] {strides = array<i32>} : memref<320x128xf32, #tpu.memory_space<vmem>>, vector<1x16xf32>,
      %get3A_404 = vector.shape_cast %get3A_403 : vector<1x16xf32> to vector<16xf32>
      %get3A_405 = arith.index_cast %add3A_400 : i32 to index
      %get3A_406 = arith.constant 96 : index
      %get3A_407 = tpu.vector_load %arg5[%get3A_405, %get3A_406] {strides = array<i32>} : memref<320x128xf32, #tpu.memory_space<vmem>>, vector<1x16xf32>,
      %get3A_408 = vector.shape_cast %get3A_407 : vector<1x16xf32> to vector<16xf32>
      %add3A_409 = arith.addf %get3A_404, %get3A_408 : vector<16xf32>
      %swap3A_410 = arith.index_cast %add3A_400 : i32 to index
      %swap3A_411 = arith.constant 96 : index
      %swap3A_412 = tpu.vector_load %arg4[%swap3A_410, %swap3A_411] {strides = array<i32>} : memref<320x128xf32, #tpu.memory_space<vmem>>, vector<1x16xf32>,
      %swap3A_413 = vector.shape_cast %swap3A_412 : vector<1x16xf32> to vector<16xf32>
      %swap3A_414 = vector.shape_cast %add3A_409 : vector<16xf32> to vector<1x16xf32>
      tpu.vector_store %arg4[%swap3A_410, %swap3A_411], %swap3A_414 {strides = array<i32>} : memref<320x128xf32, #tpu.memory_space<vmem>>, vector<1x16xf32>,
      %add3A_415 = arith.constant 160 : i32
      %add3A_416 = arith.addi %add3A_415, %scan3A_304 : i32
      %get3A_417 = arith.index_cast %add3A_416 : i32 to index
      %get3A_418 = arith.constant 112 : index
      %get3A_419 = tpu.vector_load %arg4[%get3A_417, %get3A_418] {strides = array<i32>} : memref<320x128xf32, #tpu.memory_space<vmem>>, vector<1x16xf32>,
      %get3A_420 = vector.shape_cast %get3A_419 : vector<1x16xf32> to vector<16xf32>
      %get3A_421 = arith.index_cast %add3A_416 : i32 to index
      %get3A_422 = arith.constant 112 : index
      %get3A_423 = tpu.vector_load %arg5[%get3A_421, %get3A_422] {strides = array<i32>} : memref<320x128xf32, #tpu.memory_space<vmem>>, vector<1x16xf32>,
      %get3A_424 = vector.shape_cast %get3A_423 : vector<1x16xf32> to vector<16xf32>
      %add3A_425 = arith.addf %get3A_420, %get3A_424 : vector<16xf32>
      %swap3A_426 = arith.index_cast %add3A_416 : i32 to index
      %swap3A_427 = arith.constant 112 : index
      %swap3A_428 = tpu.vector_load %arg4[%swap3A_426, %swap3A_427] {strides = array<i32>} : memref<320x128xf32, #tpu.memory_space<vmem>>, vector<1x16xf32>,
      %swap3A_429 = vector.shape_cast %swap3A_428 : vector<1x16xf32> to vector<16xf32>
      %swap3A_430 = vector.shape_cast %add3A_425 : vector<16xf32> to vector<1x16xf32>
      tpu.vector_store %arg4[%swap3A_426, %swap3A_427], %swap3A_430 {strides = array<i32>} : memref<320x128xf32, #tpu.memory_space<vmem>>, vector<1x16xf32>,
    }
    %scan3A_226 = arith.constant 80 : i32
    %not3A_227 = arith.constant true
    %not3A_228 = arith.xori %eq3A_3, %not3A_227 : i1
    %convert_element_type3A_229 = arith.extui %not3A_228 : i1 to i32
    %cond3A_230 = arith.constant 0 : i32
    %cond3A_231 = arith.cmpi ne, %convert_element_type3A_229, %cond3A_230 : i32
    scf.if %cond3A_231 {
      %dma_start3A_304 = arith.constant 160 : i32
      %dma_start3A_305 = arith.constant 0 : i32
      %dma_start3A_306 = tpu.memref_slice %arg4[%dma_start3A_304, %dma_start3A_305] : memref<320x128xf32, #tpu.memory_space<vmem>> -> memref<80x128xf32, #tpu.memory_space<vmem>>
      %dma_start3A_307 = arith.constant 0 : i32
      %dma_start3A_308 = tpu.memref_slice %arg3[%add3A_194, %dma_start3A_307] : memref<10000x128xf32, #tpu.memory_space<hbm>> -> memref<80x128xf32, #tpu.memory_space<hbm>>
      %dma_start3A_309 = arith.constant 0 : i32
      %dma_start3A_310 = tpu.memref_slice %arg3[%add3A_194, %dma_start3A_309] : memref<10000x128xf32, #tpu.memory_space<hbm>> -> memref<80x128xf32, #tpu.memory_space<hbm>>
      %dma_start3A_311 = arith.constant 160 : i32
      %dma_start3A_312 = arith.constant 0 : i32
      %dma_start3A_313 = tpu.memref_slice %arg4[%dma_start3A_311, %dma_start3A_312] : memref<320x128xf32, #tpu.memory_space<vmem>> -> memref<80x128xf32, #tpu.memory_space<vmem>>
      tpu.enqueue_dma source(%dma_start3A_313 : memref<80x128xf32, #tpu.memory_space<vmem>>) target(%dma_start3A_310 : memref<80x128xf32, #tpu.memory_space<hbm>>) target_semaphore(%arg8 : memref<!tpu.dma_semaphore, #tpu.memory_space<semaphore_mem>>)
    } else {
    }
    %add3A_232 = arith.constant 240 : i32
    %add3A_233 = arith.addi %mul3A_2, %add3A_232 : i32
    %dma_wait3A_234 = arith.constant 0 : i32
    %dma_wait3A_235 = arith.constant 240 : i32
    %dma_wait3A_236 = arith.constant 0 : i32
    %dma_wait3A_237 = tpu.memref_slice %arg4[%dma_wait3A_235, %dma_wait3A_236] : memref<320x128xf32, #tpu.memory_space<vmem>> -> memref<80x128xf32, #tpu.memory_space<vmem>>
    %dma_wait3A_238 = arith.constant 0 : i32
    %dma_wait3A_239 = tpu.memref_slice %arg2[%dma_wait3A_234, %add3A_233, %dma_wait3A_238] : memref<2x10240x128xf32, #tpu.memory_space<hbm>> -> memref<1x80x128xf32, #tpu.memory_space<hbm>>
    %dma_wait3A_240 = tpu.memref_squeeze %dma_wait3A_239 : memref<1x80x128xf32, #tpu.memory_space<hbm>> -> memref<80x128xf32, #tpu.memory_space<hbm>>
    %dma_wait3A_241 = arith.constant 240 : i32
    %dma_wait3A_242 = arith.constant 0 : i32
    %dma_wait3A_243 = tpu.memref_slice %arg4[%dma_wait3A_241, %dma_wait3A_242] : memref<320x128xf32, #tpu.memory_space<vmem>> -> memref<80x128xf32, #tpu.memory_space<vmem>>
    %dma_wait3A_244 = arith.constant 0 : i32
    %dma_wait3A_245 = tpu.memref_slice %arg2[%dma_wait3A_234, %add3A_233, %dma_wait3A_244] : memref<2x10240x128xf32, #tpu.memory_space<hbm>> -> memref<1x80x128xf32, #tpu.memory_space<hbm>>
    %dma_wait3A_246 = tpu.memref_squeeze %dma_wait3A_245 : memref<1x80x128xf32, #tpu.memory_space<hbm>> -> memref<80x128xf32, #tpu.memory_space<hbm>>
    tpu.wait_dma2 semaphore(%arg6 : memref<!tpu.dma_semaphore, #tpu.memory_space<semaphore_mem>>) src(%dma_wait3A_246 : memref<80x128xf32, #tpu.memory_space<hbm>>) dst(%dma_wait3A_243 : memref<80x128xf32, #tpu.memory_space<vmem>>)
    %dma_wait3A_247 = arith.constant 1 : i32
    %dma_wait3A_248 = arith.constant 240 : i32
    %dma_wait3A_249 = arith.constant 0 : i32
    %dma_wait3A_250 = tpu.memref_slice %arg5[%dma_wait3A_248, %dma_wait3A_249] : memref<320x128xf32, #tpu.memory_space<vmem>> -> memref<80x128xf32, #tpu.memory_space<vmem>>
    %dma_wait3A_251 = arith.constant 0 : i32
    %dma_wait3A_252 = tpu.memref_slice %arg2[%dma_wait3A_247, %add3A_233, %dma_wait3A_251] : memref<2x10240x128xf32, #tpu.memory_space<hbm>> -> memref<1x80x128xf32, #tpu.memory_space<hbm>>
    %dma_wait3A_253 = tpu.memref_squeeze %dma_wait3A_252 : memref<1x80x128xf32, #tpu.memory_space<hbm>> -> memref<80x128xf32, #tpu.memory_space<hbm>>
    %dma_wait3A_254 = arith.constant 240 : i32
    %dma_wait3A_255 = arith.constant 0 : i32
    %dma_wait3A_256 = tpu.memref_slice %arg5[%dma_wait3A_254, %dma_wait3A_255] : memref<320x128xf32, #tpu.memory_space<vmem>> -> memref<80x128xf32, #tpu.memory_space<vmem>>
    %dma_wait3A_257 = arith.constant 0 : i32
    %dma_wait3A_258 = tpu.memref_slice %arg2[%dma_wait3A_247, %add3A_233, %dma_wait3A_257] : memref<2x10240x128xf32, #tpu.memory_space<hbm>> -> memref<1x80x128xf32, #tpu.memory_space<hbm>>
    %dma_wait3A_259 = tpu.memref_squeeze %dma_wait3A_258 : memref<1x80x128xf32, #tpu.memory_space<hbm>> -> memref<80x128xf32, #tpu.memory_space<hbm>>
    tpu.wait_dma2 semaphore(%arg7 : memref<!tpu.dma_semaphore, #tpu.memory_space<semaphore_mem>>) src(%dma_wait3A_259 : memref<80x128xf32, #tpu.memory_space<hbm>>) dst(%dma_wait3A_256 : memref<80x128xf32, #tpu.memory_space<vmem>>)
    %scan3A_260 = arith.constant 0 : i32
    %scan3A_261 = arith.constant 0 : i32
    %scan3A_262 = arith.constant 80 : i32
    %scan3A_263 = arith.addi %scan3A_261, %scan3A_262 : i32
    %scan3A_264 = arith.constant 1 : i32
    scf.for %scan3A_304 = %scan3A_261 to %scan3A_263 step %scan3A_264  : i32 {
      %add3A_305 = arith.constant 240 : i32
      %add3A_306 = arith.addi %add3A_305, %scan3A_304 : i32
      %get3A = arith.index_cast %add3A_306 : i32 to index
      %get3A_307 = arith.constant 0 : index
      %get3A_308 = tpu.vector_load %arg4[%get3A, %get3A_307] {strides = array<i32>} : memref<320x128xf32, #tpu.memory_space<vmem>>, vector<1x16xf32>,
      %get3A_309 = vector.shape_cast %get3A_308 : vector<1x16xf32> to vector<16xf32>
      %get3A_310 = arith.index_cast %add3A_306 : i32 to index
      %get3A_311 = arith.constant 0 : index
      %get3A_312 = tpu.vector_load %arg5[%get3A_310, %get3A_311] {strides = array<i32>} : memref<320x128xf32, #tpu.memory_space<vmem>>, vector<1x16xf32>,
      %get3A_313 = vector.shape_cast %get3A_312 : vector<1x16xf32> to vector<16xf32>
      %add3A_314 = arith.addf %get3A_309, %get3A_313 : vector<16xf32>
      %swap3A = arith.index_cast %add3A_306 : i32 to index
      %swap3A_315 = arith.constant 0 : index
      %swap3A_316 = tpu.vector_load %arg4[%swap3A, %swap3A_315] {strides = array<i32>} : memref<320x128xf32, #tpu.memory_space<vmem>>, vector<1x16xf32>,
      %swap3A_317 = vector.shape_cast %swap3A_316 : vector<1x16xf32> to vector<16xf32>
      %swap3A_318 = vector.shape_cast %add3A_314 : vector<16xf32> to vector<1x16xf32>
      tpu.vector_store %arg4[%swap3A, %swap3A_315], %swap3A_318 {strides = array<i32>} : memref<320x128xf32, #tpu.memory_space<vmem>>, vector<1x16xf32>,
      %add3A_319 = arith.constant 240 : i32
      %add3A_320 = arith.addi %add3A_319, %scan3A_304 : i32
      %get3A_321 = arith.index_cast %add3A_320 : i32 to index
      %get3A_322 = arith.constant 16 : index
      %get3A_323 = tpu.vector_load %arg4[%get3A_321, %get3A_322] {strides = array<i32>} : memref<320x128xf32, #tpu.memory_space<vmem>>, vector<1x16xf32>,
      %get3A_324 = vector.shape_cast %get3A_323 : vector<1x16xf32> to vector<16xf32>
      %get3A_325 = arith.index_cast %add3A_320 : i32 to index
      %get3A_326 = arith.constant 16 : index
      %get3A_327 = tpu.vector_load %arg5[%get3A_325, %get3A_326] {strides = array<i32>} : memref<320x128xf32, #tpu.memory_space<vmem>>, vector<1x16xf32>,
      %get3A_328 = vector.shape_cast %get3A_327 : vector<1x16xf32> to vector<16xf32>
      %add3A_329 = arith.addf %get3A_324, %get3A_328 : vector<16xf32>
      %swap3A_330 = arith.index_cast %add3A_320 : i32 to index
      %swap3A_331 = arith.constant 16 : index
      %swap3A_332 = tpu.vector_load %arg4[%swap3A_330, %swap3A_331] {strides = array<i32>} : memref<320x128xf32, #tpu.memory_space<vmem>>, vector<1x16xf32>,
      %swap3A_333 = vector.shape_cast %swap3A_332 : vector<1x16xf32> to vector<16xf32>
      %swap3A_334 = vector.shape_cast %add3A_329 : vector<16xf32> to vector<1x16xf32>
      tpu.vector_store %arg4[%swap3A_330, %swap3A_331], %swap3A_334 {strides = array<i32>} : memref<320x128xf32, #tpu.memory_space<vmem>>, vector<1x16xf32>,
      %add3A_335 = arith.constant 240 : i32
      %add3A_336 = arith.addi %add3A_335, %scan3A_304 : i32
      %get3A_337 = arith.index_cast %add3A_336 : i32 to index
      %get3A_338 = arith.constant 32 : index
      %get3A_339 = tpu.vector_load %arg4[%get3A_337, %get3A_338] {strides = array<i32>} : memref<320x128xf32, #tpu.memory_space<vmem>>, vector<1x16xf32>,
      %get3A_340 = vector.shape_cast %get3A_339 : vector<1x16xf32> to vector<16xf32>
      %get3A_341 = arith.index_cast %add3A_336 : i32 to index
      %get3A_342 = arith.constant 32 : index
      %get3A_343 = tpu.vector_load %arg5[%get3A_341, %get3A_342] {strides = array<i32>} : memref<320x128xf32, #tpu.memory_space<vmem>>, vector<1x16xf32>,
      %get3A_344 = vector.shape_cast %get3A_343 : vector<1x16xf32> to vector<16xf32>
      %add3A_345 = arith.addf %get3A_340, %get3A_344 : vector<16xf32>
      %swap3A_346 = arith.index_cast %add3A_336 : i32 to index
      %swap3A_347 = arith.constant 32 : index
      %swap3A_348 = tpu.vector_load %arg4[%swap3A_346, %swap3A_347] {strides = array<i32>} : memref<320x128xf32, #tpu.memory_space<vmem>>, vector<1x16xf32>,
      %swap3A_349 = vector.shape_cast %swap3A_348 : vector<1x16xf32> to vector<16xf32>
      %swap3A_350 = vector.shape_cast %add3A_345 : vector<16xf32> to vector<1x16xf32>
      tpu.vector_store %arg4[%swap3A_346, %swap3A_347], %swap3A_350 {strides = array<i32>} : memref<320x128xf32, #tpu.memory_space<vmem>>, vector<1x16xf32>,
      %add3A_351 = arith.constant 240 : i32
      %add3A_352 = arith.addi %add3A_351, %scan3A_304 : i32
      %get3A_353 = arith.index_cast %add3A_352 : i32 to index
      %get3A_354 = arith.constant 48 : index
      %get3A_355 = tpu.vector_load %arg4[%get3A_353, %get3A_354] {strides = array<i32>} : memref<320x128xf32, #tpu.memory_space<vmem>>, vector<1x16xf32>,
      %get3A_356 = vector.shape_cast %get3A_355 : vector<1x16xf32> to vector<16xf32>
      %get3A_357 = arith.index_cast %add3A_352 : i32 to index
      %get3A_358 = arith.constant 48 : index
      %get3A_359 = tpu.vector_load %arg5[%get3A_357, %get3A_358] {strides = array<i32>} : memref<320x128xf32, #tpu.memory_space<vmem>>, vector<1x16xf32>,
      %get3A_360 = vector.shape_cast %get3A_359 : vector<1x16xf32> to vector<16xf32>
      %add3A_361 = arith.addf %get3A_356, %get3A_360 : vector<16xf32>
      %swap3A_362 = arith.index_cast %add3A_352 : i32 to index
      %swap3A_363 = arith.constant 48 : index
      %swap3A_364 = tpu.vector_load %arg4[%swap3A_362, %swap3A_363] {strides = array<i32>} : memref<320x128xf32, #tpu.memory_space<vmem>>, vector<1x16xf32>,
      %swap3A_365 = vector.shape_cast %swap3A_364 : vector<1x16xf32> to vector<16xf32>
      %swap3A_366 = vector.shape_cast %add3A_361 : vector<16xf32> to vector<1x16xf32>
      tpu.vector_store %arg4[%swap3A_362, %swap3A_363], %swap3A_366 {strides = array<i32>} : memref<320x128xf32, #tpu.memory_space<vmem>>, vector<1x16xf32>,
      %add3A_367 = arith.constant 240 : i32
      %add3A_368 = arith.addi %add3A_367, %scan3A_304 : i32
      %get3A_369 = arith.index_cast %add3A_368 : i32 to index
      %get3A_370 = arith.constant 64 : index
      %get3A_371 = tpu.vector_load %arg4[%get3A_369, %get3A_370] {strides = array<i32>} : memref<320x128xf32, #tpu.memory_space<vmem>>, vector<1x16xf32>,
      %get3A_372 = vector.shape_cast %get3A_371 : vector<1x16xf32> to vector<16xf32>
      %get3A_373 = arith.index_cast %add3A_368 : i32 to index
      %get3A_374 = arith.constant 64 : index
      %get3A_375 = tpu.vector_load %arg5[%get3A_373, %get3A_374] {strides = array<i32>} : memref<320x128xf32, #tpu.memory_space<vmem>>, vector<1x16xf32>,
      %get3A_376 = vector.shape_cast %get3A_375 : vector<1x16xf32> to vector<16xf32>
      %add3A_377 = arith.addf %get3A_372, %get3A_376 : vector<16xf32>
      %swap3A_378 = arith.index_cast %add3A_368 : i32 to index
      %swap3A_379 = arith.constant 64 : index
      %swap3A_380 = tpu.vector_load %arg4[%swap3A_378, %swap3A_379] {strides = array<i32>} : memref<320x128xf32, #tpu.memory_space<vmem>>, vector<1x16xf32>,
      %swap3A_381 = vector.shape_cast %swap3A_380 : vector<1x16xf32> to vector<16xf32>
      %swap3A_382 = vector.shape_cast %add3A_377 : vector<16xf32> to vector<1x16xf32>
      tpu.vector_store %arg4[%swap3A_378, %swap3A_379], %swap3A_382 {strides = array<i32>} : memref<320x128xf32, #tpu.memory_space<vmem>>, vector<1x16xf32>,
      %add3A_383 = arith.constant 240 : i32
      %add3A_384 = arith.addi %add3A_383, %scan3A_304 : i32
      %get3A_385 = arith.index_cast %add3A_384 : i32 to index
      %get3A_386 = arith.constant 80 : index
      %get3A_387 = tpu.vector_load %arg4[%get3A_385, %get3A_386] {strides = array<i32>} : memref<320x128xf32, #tpu.memory_space<vmem>>, vector<1x16xf32>,
      %get3A_388 = vector.shape_cast %get3A_387 : vector<1x16xf32> to vector<16xf32>
      %get3A_389 = arith.index_cast %add3A_384 : i32 to index
      %get3A_390 = arith.constant 80 : index
      %get3A_391 = tpu.vector_load %arg5[%get3A_389, %get3A_390] {strides = array<i32>} : memref<320x128xf32, #tpu.memory_space<vmem>>, vector<1x16xf32>,
      %get3A_392 = vector.shape_cast %get3A_391 : vector<1x16xf32> to vector<16xf32>
      %add3A_393 = arith.addf %get3A_388, %get3A_392 : vector<16xf32>
      %swap3A_394 = arith.index_cast %add3A_384 : i32 to index
      %swap3A_395 = arith.constant 80 : index
      %swap3A_396 = tpu.vector_load %arg4[%swap3A_394, %swap3A_395] {strides = array<i32>} : memref<320x128xf32, #tpu.memory_space<vmem>>, vector<1x16xf32>,
      %swap3A_397 = vector.shape_cast %swap3A_396 : vector<1x16xf32> to vector<16xf32>
      %swap3A_398 = vector.shape_cast %add3A_393 : vector<16xf32> to vector<1x16xf32>
      tpu.vector_store %arg4[%swap3A_394, %swap3A_395], %swap3A_398 {strides = array<i32>} : memref<320x128xf32, #tpu.memory_space<vmem>>, vector<1x16xf32>,
      %add3A_399 = arith.constant 240 : i32
      %add3A_400 = arith.addi %add3A_399, %scan3A_304 : i32
      %get3A_401 = arith.index_cast %add3A_400 : i32 to index
      %get3A_402 = arith.constant 96 : index
      %get3A_403 = tpu.vector_load %arg4[%get3A_401, %get3A_402] {strides = array<i32>} : memref<320x128xf32, #tpu.memory_space<vmem>>, vector<1x16xf32>,
      %get3A_404 = vector.shape_cast %get3A_403 : vector<1x16xf32> to vector<16xf32>
      %get3A_405 = arith.index_cast %add3A_400 : i32 to index
      %get3A_406 = arith.constant 96 : index
      %get3A_407 = tpu.vector_load %arg5[%get3A_405, %get3A_406] {strides = array<i32>} : memref<320x128xf32, #tpu.memory_space<vmem>>, vector<1x16xf32>,
      %get3A_408 = vector.shape_cast %get3A_407 : vector<1x16xf32> to vector<16xf32>
      %add3A_409 = arith.addf %get3A_404, %get3A_408 : vector<16xf32>
      %swap3A_410 = arith.index_cast %add3A_400 : i32 to index
      %swap3A_411 = arith.constant 96 : index
      %swap3A_412 = tpu.vector_load %arg4[%swap3A_410, %swap3A_411] {strides = array<i32>} : memref<320x128xf32, #tpu.memory_space<vmem>>, vector<1x16xf32>,
      %swap3A_413 = vector.shape_cast %swap3A_412 : vector<1x16xf32> to vector<16xf32>
      %swap3A_414 = vector.shape_cast %add3A_409 : vector<16xf32> to vector<1x16xf32>
      tpu.vector_store %arg4[%swap3A_410, %swap3A_411], %swap3A_414 {strides = array<i32>} : memref<320x128xf32, #tpu.memory_space<vmem>>, vector<1x16xf32>,
      %add3A_415 = arith.constant 240 : i32
      %add3A_416 = arith.addi %add3A_415, %scan3A_304 : i32
      %get3A_417 = arith.index_cast %add3A_416 : i32 to index
      %get3A_418 = arith.constant 112 : index
      %get3A_419 = tpu.vector_load %arg4[%get3A_417, %get3A_418] {strides = array<i32>} : memref<320x128xf32, #tpu.memory_space<vmem>>, vector<1x16xf32>,
      %get3A_420 = vector.shape_cast %get3A_419 : vector<1x16xf32> to vector<16xf32>
      %get3A_421 = arith.index_cast %add3A_416 : i32 to index
      %get3A_422 = arith.constant 112 : index
      %get3A_423 = tpu.vector_load %arg5[%get3A_421, %get3A_422] {strides = array<i32>} : memref<320x128xf32, #tpu.memory_space<vmem>>, vector<1x16xf32>,
      %get3A_424 = vector.shape_cast %get3A_423 : vector<1x16xf32> to vector<16xf32>
      %add3A_425 = arith.addf %get3A_420, %get3A_424 : vector<16xf32>
      %swap3A_426 = arith.index_cast %add3A_416 : i32 to index
      %swap3A_427 = arith.constant 112 : index
      %swap3A_428 = tpu.vector_load %arg4[%swap3A_426, %swap3A_427] {strides = array<i32>} : memref<320x128xf32, #tpu.memory_space<vmem>>, vector<1x16xf32>,
      %swap3A_429 = vector.shape_cast %swap3A_428 : vector<1x16xf32> to vector<16xf32>
      %swap3A_430 = vector.shape_cast %add3A_425 : vector<16xf32> to vector<1x16xf32>
      tpu.vector_store %arg4[%swap3A_426, %swap3A_427], %swap3A_430 {strides = array<i32>} : memref<320x128xf32, #tpu.memory_space<vmem>>, vector<1x16xf32>,
    }
    %scan3A_265 = arith.constant 80 : i32
    %not3A_266 = arith.constant true
    %not3A_267 = arith.xori %eq3A_3, %not3A_266 : i1
    %convert_element_type3A_268 = arith.extui %not3A_267 : i1 to i32
    %cond3A_269 = arith.constant 0 : i32
    %cond3A_270 = arith.cmpi ne, %convert_element_type3A_268, %cond3A_269 : i32
    scf.if %cond3A_270 {
      %dma_start3A_304 = arith.constant 240 : i32
      %dma_start3A_305 = arith.constant 0 : i32
      %dma_start3A_306 = tpu.memref_slice %arg4[%dma_start3A_304, %dma_start3A_305] : memref<320x128xf32, #tpu.memory_space<vmem>> -> memref<80x128xf32, #tpu.memory_space<vmem>>
      %dma_start3A_307 = arith.constant 0 : i32
      %dma_start3A_308 = tpu.memref_slice %arg3[%add3A_233, %dma_start3A_307] : memref<10000x128xf32, #tpu.memory_space<hbm>> -> memref<80x128xf32, #tpu.memory_space<hbm>>
      %dma_start3A_309 = arith.constant 0 : i32
      %dma_start3A_310 = tpu.memref_slice %arg3[%add3A_233, %dma_start3A_309] : memref<10000x128xf32, #tpu.memory_space<hbm>> -> memref<80x128xf32, #tpu.memory_space<hbm>>
      %dma_start3A_311 = arith.constant 240 : i32
      %dma_start3A_312 = arith.constant 0 : i32
      %dma_start3A_313 = tpu.memref_slice %arg4[%dma_start3A_311, %dma_start3A_312] : memref<320x128xf32, #tpu.memory_space<vmem>> -> memref<80x128xf32, #tpu.memory_space<vmem>>
      tpu.enqueue_dma source(%dma_start3A_313 : memref<80x128xf32, #tpu.memory_space<vmem>>) target(%dma_start3A_310 : memref<80x128xf32, #tpu.memory_space<hbm>>) target_semaphore(%arg8 : memref<!tpu.dma_semaphore, #tpu.memory_space<semaphore_mem>>)
    } else {
    }
    %add3A_271 = arith.constant 0 : i32
    %add3A_272 = arith.addi %mul3A_2, %add3A_271 : i32
    %dma_wait3A_273 = arith.constant 0 : i32
    %dma_wait3A_274 = arith.constant 0 : i32
    %dma_wait3A_275 = tpu.memref_slice %arg4[%dma_wait3A_273, %dma_wait3A_274] : memref<320x128xf32, #tpu.memory_space<vmem>> -> memref<80x128xf32, #tpu.memory_space<vmem>>
    %dma_wait3A_276 = arith.constant 0 : i32
    %dma_wait3A_277 = tpu.memref_slice %arg3[%add3A_272, %dma_wait3A_276] : memref<10000x128xf32, #tpu.memory_space<hbm>> -> memref<80x128xf32, #tpu.memory_space<hbm>>
    %dma_wait3A_278 = arith.constant 0 : i32
    %dma_wait3A_279 = tpu.memref_slice %arg3[%add3A_272, %dma_wait3A_278] : memref<10000x128xf32, #tpu.memory_space<hbm>> -> memref<80x128xf32, #tpu.memory_space<hbm>>
    %dma_wait3A_280 = arith.constant 0 : i32
    %dma_wait3A_281 = arith.constant 0 : i32
    %dma_wait3A_282 = tpu.memref_slice %arg4[%dma_wait3A_280, %dma_wait3A_281] : memref<320x128xf32, #tpu.memory_space<vmem>> -> memref<80x128xf32, #tpu.memory_space<vmem>>
    tpu.wait_dma2 semaphore(%arg8 : memref<!tpu.dma_semaphore, #tpu.memory_space<semaphore_mem>>) src(%dma_wait3A_282 : memref<80x128xf32, #tpu.memory_space<vmem>>) dst(%dma_wait3A_279 : memref<80x128xf32, #tpu.memory_space<hbm>>)
    %add3A_283 = arith.constant 80 : i32
    %add3A_284 = arith.addi %mul3A_2, %add3A_283 : i32
    %not3A_285 = arith.constant true
    %not3A_286 = arith.xori %eq3A_3, %not3A_285 : i1
    %convert_element_type3A_287 = arith.extui %not3A_286 : i1 to i32
    %cond3A_288 = arith.constant 0 : i32
    %cond3A_289 = arith.cmpi ne, %convert_element_type3A_287, %cond3A_288 : i32
    scf.if %cond3A_289 {
      %dma_wait3A_304 = arith.constant 80 : i32
      %dma_wait3A_305 = arith.constant 0 : i32
      %dma_wait3A_306 = tpu.memref_slice %arg4[%dma_wait3A_304, %dma_wait3A_305] : memref<320x128xf32, #tpu.memory_space<vmem>> -> memref<80x128xf32, #tpu.memory_space<vmem>>
      %dma_wait3A_307 = arith.constant 0 : i32
      %dma_wait3A_308 = tpu.memref_slice %arg3[%add3A_284, %dma_wait3A_307] : memref<10000x128xf32, #tpu.memory_space<hbm>> -> memref<80x128xf32, #tpu.memory_space<hbm>>
      %dma_wait3A_309 = arith.constant 0 : i32
      %dma_wait3A_310 = tpu.memref_slice %arg3[%add3A_284, %dma_wait3A_309] : memref<10000x128xf32, #tpu.memory_space<hbm>> -> memref<80x128xf32, #tpu.memory_space<hbm>>
      %dma_wait3A_311 = arith.constant 80 : i32
      %dma_wait3A_312 = arith.constant 0 : i32
      %dma_wait3A_313 = tpu.memref_slice %arg4[%dma_wait3A_311, %dma_wait3A_312] : memref<320x128xf32, #tpu.memory_space<vmem>> -> memref<80x128xf32, #tpu.memory_space<vmem>>
      tpu.wait_dma2 semaphore(%arg8 : memref<!tpu.dma_semaphore, #tpu.memory_space<semaphore_mem>>) src(%dma_wait3A_313 : memref<80x128xf32, #tpu.memory_space<vmem>>) dst(%dma_wait3A_310 : memref<80x128xf32, #tpu.memory_space<hbm>>)
    } else {
    }
    %add3A_290 = arith.constant 160 : i32
    %add3A_291 = arith.addi %mul3A_2, %add3A_290 : i32
    %not3A_292 = arith.constant true
    %not3A_293 = arith.xori %eq3A_3, %not3A_292 : i1
    %convert_element_type3A_294 = arith.extui %not3A_293 : i1 to i32
    %cond3A_295 = arith.constant 0 : i32
    %cond3A_296 = arith.cmpi ne, %convert_element_type3A_294, %cond3A_295 : i32
    scf.if %cond3A_296 {
      %dma_wait3A_304 = arith.constant 160 : i32
      %dma_wait3A_305 = arith.constant 0 : i32
      %dma_wait3A_306 = tpu.memref_slice %arg4[%dma_wait3A_304, %dma_wait3A_305] : memref<320x128xf32, #tpu.memory_space<vmem>> -> memref<80x128xf32, #tpu.memory_space<vmem>>
      %dma_wait3A_307 = arith.constant 0 : i32
      %dma_wait3A_308 = tpu.memref_slice %arg3[%add3A_291, %dma_wait3A_307] : memref<10000x128xf32, #tpu.memory_space<hbm>> -> memref<80x128xf32, #tpu.memory_space<hbm>>
      %dma_wait3A_309 = arith.constant 0 : i32
      %dma_wait3A_310 = tpu.memref_slice %arg3[%add3A_291, %dma_wait3A_309] : memref<10000x128xf32, #tpu.memory_space<hbm>> -> memref<80x128xf32, #tpu.memory_space<hbm>>
      %dma_wait3A_311 = arith.constant 160 : i32
      %dma_wait3A_312 = arith.constant 0 : i32
      %dma_wait3A_313 = tpu.memref_slice %arg4[%dma_wait3A_311, %dma_wait3A_312] : memref<320x128xf32, #tpu.memory_space<vmem>> -> memref<80x128xf32, #tpu.memory_space<vmem>>
      tpu.wait_dma2 semaphore(%arg8 : memref<!tpu.dma_semaphore, #tpu.memory_space<semaphore_mem>>) src(%dma_wait3A_313 : memref<80x128xf32, #tpu.memory_space<vmem>>) dst(%dma_wait3A_310 : memref<80x128xf32, #tpu.memory_space<hbm>>)
    } else {
    }
    %add3A_297 = arith.constant 240 : i32
    %add3A_298 = arith.addi %mul3A_2, %add3A_297 : i32
    %not3A_299 = arith.constant true
    %not3A_300 = arith.xori %eq3A_3, %not3A_299 : i1
    %convert_element_type3A_301 = arith.extui %not3A_300 : i1 to i32
    %cond3A_302 = arith.constant 0 : i32
    %cond3A_303 = arith.cmpi ne, %convert_element_type3A_301, %cond3A_302 : i32
    scf.if %cond3A_303 {
      %dma_wait3A_304 = arith.constant 240 : i32
      %dma_wait3A_305 = arith.constant 0 : i32
      %dma_wait3A_306 = tpu.memref_slice %arg4[%dma_wait3A_304, %dma_wait3A_305] : memref<320x128xf32, #tpu.memory_space<vmem>> -> memref<80x128xf32, #tpu.memory_space<vmem>>
      %dma_wait3A_307 = arith.constant 0 : i32
      %dma_wait3A_308 = tpu.memref_slice %arg3[%add3A_298, %dma_wait3A_307] : memref<10000x128xf32, #tpu.memory_space<hbm>> -> memref<80x128xf32, #tpu.memory_space<hbm>>
      %dma_wait3A_309 = arith.constant 0 : i32
      %dma_wait3A_310 = tpu.memref_slice %arg3[%add3A_298, %dma_wait3A_309] : memref<10000x128xf32, #tpu.memory_space<hbm>> -> memref<80x128xf32, #tpu.memory_space<hbm>>
      %dma_wait3A_311 = arith.constant 240 : i32
      %dma_wait3A_312 = arith.constant 0 : i32
      %dma_wait3A_313 = tpu.memref_slice %arg4[%dma_wait3A_311, %dma_wait3A_312] : memref<320x128xf32, #tpu.memory_space<vmem>> -> memref<80x128xf32, #tpu.memory_space<vmem>>
      tpu.wait_dma2 semaphore(%arg8 : memref<!tpu.dma_semaphore, #tpu.memory_space<semaphore_mem>>) src(%dma_wait3A_313 : memref<80x128xf32, #tpu.memory_space<vmem>>) dst(%dma_wait3A_310 : memref<80x128xf32, #tpu.memory_space<hbm>>)
    } else {
    }
    return
  }
}

</mosaic_0001>

<sc_bundles>
// kernel: kernel.4.cloned.1.call-start
scs
__scs_entry_jumppad:
0x0: {  	(pc) =	sbr.rel $0x88, $3  }
0x1: {  	(tag) =	ssettag $0x0;
	lr =	simm.s32 $0x1  }
0x2: {  	[smem:$0x3F9F] =	sst lr;
	_ =	strace $0xD0000000  }
0x3: {  	_ = 	snop  }
0x4: {  	_ = 	snop  }
0x5: {  	_ = 	snop  }
0x6: {  	_ = 	snop  }
0x7: {  	_ = 	snop  }
__scs_overlays_trampoline_lowered:
0x8: {  	[smem:$0x3FAE] =	sst s0  }
0x9: {  	[smem:$0x3FAF] =	sst s1  }
0xa: {  	[smem:$0x3FB0] =	sst s2  }
0xb: {  	[smem:$0x3FB1] =	sst s3  }
0xc: {  	[smem:$0x3FB2] =	sst s4  }
0xd: {  	[smem:$0x3FB3] =	sst s5  }
0xe: {  	[smem:$0x3FB4] =	sst s6  }
0xf: {  	[smem:$0x3FB5] =	sst s7  }
0x10: {  	[smem:$0x3FB6] =	sst s8  }
0x11: {  	[smem:$0x3FB7] =	sst s9;
	s0 =	simm.s32 @!p0 $0x0  }
0x12: {  	s1 =	sld [smem:$0x3F9D];
	s0 =	simm.s32 @p0 $0x1  }
0x13: {  	[smem:$0x3FB8] =	sst s0;
	s0 =	simm.s32 @!p1 $0x0  }
0x14: {  	s2 =	sld [smem:$0x3F9C];
	s0 =	simm.s32 @p1 $0x1  }
0x15: {  	[smem:$0x3FB9] =	sst s0;
	s0 =	simm.s32 @!p2 $0x0  }
0x16: {  	s3 =	sld [smem:$0x3FDB];
	s0 =	simm.s32 @p2 $0x1  }
0x17: {  	s4 =	simm.s32 $0x1BF5;
	[smem:$0x3FBB] =	sst s0  }
0x18: {  	s0 =	sld [smem:$0x3F9E];
	_ =	swait.ge [sflag:s4], $0x0  }
0x19: {  	s7 =	sld [smem:$0x3F9F]  }
0x1a: {  	s8 =	sadd.s32 $0xFFFFE003, lr  }
0x1b: {  	s9 =	sadd.s32 $0xFFFFFEF7, lr;
	s5 =	simm.s32 $0xFFFFFFFF;
	p2 =	slt.u32 s8, $0xFFFFF086  }
0x1c: {  	p1 =	slt.u32 s9, $0xF7A;
	s5 =	simm.s32 @!p2 $0x0  }
0x1d: {  	s5 =	simm.s32 @p1 $0x1;
	p0 =	seq.s32 s7, s2  }
0x1e: {  	s7 =	smul.u32 @!p0 $0xF7A, s2;
	p2 =	seq.s32 @!p0 s5, $0x0  }
0x1f: {  	s9 =	smul.u32 $0xF7A, s1;
	s8 =	simm.s32 @!p0 $0x1BF5;
	p2 =	por !p2, p0  }
0x20: {  	[sflag:s8] =	ssyncset.s32 @!p0 $0xFFFFF086;
	s6 =	sadd.s32 @!p0 s3, s7;
	s7 =	simm.s32 @!p0 $0x108  }
0x21: {  	s3 =	sadd.s32 s3, s9;
	s6 =	sadd.s32 @!p0 $0x88, s6;
	s7 =	simm.s32 @p2 $0x1082  }
0x22: {  	[simem:s7], [sflag:s8] =	dma.local @!p0 [hbm:s6], $0xF7A  }
0x23: {  	s9 =	sor.u32 $0xD0000000, s2;
	s6 =	simm.s32 $0x108;
	_ =	swait.ge @!p0 [sflag:s8], $0x0  }
0x24: {  	s3 =	sadd.s32 $0x88, s3;
	s6 =	simm.s32 @!p1 $0x1082;
	[sflag:s4] =	ssyncset.s32 $0xFFFFF086  }
0x25: {  	[simem:s6], [sflag:s4] =	dma.local [hbm:s3], $0xF7A  }
0x26: {  	[smem:$0x3F9F] =	sst s1;
	(tag) =	ssettag s2;
	_ =	strace s9  }
0x27: {  	s1 =	sld [smem:$0x3FAF]  }
0x28: {  	s2 =	sld [smem:$0x3FB0]  }
0x29: {  	s4 =	sld [smem:$0x3FB2]  }
0x2a: {  	p0 =	seq.s32 s5, $0x0;
	s5 =	sld [smem:$0x3FB3]  }
0x2b: {  	s6 =	sld [smem:$0x3FB4]  }
0x2c: {  	s7 =	sld [smem:$0x3FB5]  }
0x2d: {  	s3 =	simm.s32 $0x108;
	s8 =	sld [smem:$0x3FB6]  }
0x2e: {  	s3 =	simm.s32 @!p0 $0x1082;
	s9 =	sld [smem:$0x3FB7]  }
0x2f: {  	lr =	sadd.s32 s0, s3;
	s0 =	sld [smem:$0x3FAE]  }
0x30: {  	s3 =	sld [smem:$0x3FB1]  }
0x31: {  	[smem:$0x3FBA] =	sst s10  }
0x32: {  	s10 =	sld [smem:$0x3FB8];
	_ =	sdelay $0x3  }
0x33: {  	p0 =	seq.s32 s10, $0x1;
	s10 =	sld [smem:$0x3FBA];
	_ =	sdelay $0x3  }
0x34: {  	[smem:$0x3FBA] =	sst s10  }
0x35: {  	s10 =	sld [smem:$0x3FB9];
	_ =	sdelay $0x3  }
0x36: {  	p1 =	seq.s32 s10, $0x1;
	s10 =	sld [smem:$0x3FBA];
	_ =	sdelay $0x3  }
0x37: {  	[smem:$0x3FBA] =	sst s10  }
0x38: {  	s10 =	sld [smem:$0x3FBB]  }
0x39: {  	_ = 	snop;
	(pc) =	sbr.ind lr, $3  }
0x3a: {  	_ = 	snop  }
0x3b: {  	_ = 	snop  }
0x3c: {  	p2 =	seq.s32 s10, $0x1;
	s10 =	sld [smem:$0x3FBA]  }
0x3d: {  	_ =	shalt  }
0x3e: {  	_ =	shalt  }
0x3f: {  	_ =	shalt  }
0x40: {  	_ =	shalt  }
0x41: {  	_ =	shalt  }
0x42: {  	_ =	shalt  }
0x43: {  	_ =	shalt  }
0x44: {  	_ =	shalt  }
0x45: {  	_ =	shalt  }
0x46: {  	_ =	shalt  }
0x47: {  	_ =	shalt  }
0x48: {  	_ =	shalt  }
0x49: {  	_ =	shalt  }
0x4a: {  	_ =	shalt  }
0x4b: {  	_ =	shalt  }
0x4c: {  	_ =	shalt  }
0x4d: {  	_ =	shalt  }
0x4e: {  	_ =	shalt  }
0x4f: {  	_ =	shalt  }
0x50: {  	_ =	shalt  }
0x51: {  	_ =	shalt  }
0x52: {  	_ =	shalt  }
0x53: {  	_ =	shalt  }
0x54: {  	_ =	shalt  }
0x55: {  	_ =	shalt  }
0x56: {  	_ =	shalt  }
0x57: {  	_ =	shalt  }
0x58: {  	_ =	shalt  }
0x59: {  	_ =	shalt  }
0x5a: {  	_ =	shalt  }
0x5b: {  	_ =	shalt  }
0x5c: {  	_ =	shalt  }
0x5d: {  	_ =	shalt  }
0x5e: {  	_ =	shalt  }
0x5f: {  	_ =	shalt  }
0x60: {  	_ =	shalt  }
0x61: {  	_ =	shalt  }
0x62: {  	_ =	shalt  }
0x63: {  	_ =	shalt  }
0x64: {  	_ =	shalt  }
0x65: {  	_ =	shalt  }
0x66: {  	_ =	shalt  }
0x67: {  	_ =	shalt  }
0x68: {  	_ =	shalt  }
0x69: {  	_ =	shalt  }
0x6a: {  	_ =	shalt  }
0x6b: {  	_ =	shalt  }
0x6c: {  	_ =	shalt  }
0x6d: {  	_ =	shalt  }
0x6e: {  	_ =	shalt  }
0x6f: {  	_ =	shalt  }
0x70: {  	_ =	shalt  }
0x71: {  	_ =	shalt  }
0x72: {  	_ =	shalt  }
0x73: {  	_ =	shalt  }
0x74: {  	_ =	shalt  }
0x75: {  	_ =	shalt  }
0x76: {  	_ =	shalt  }
0x77: {  	_ =	shalt  }
0x78: {  	_ =	shalt  }
0x79: {  	_ =	shalt  }
0x7a: {  	_ =	shalt  }
0x7b: {  	_ =	shalt  }
0x7c: {  	_ =	shalt  }
0x7d: {  	_ =	shalt  }
0x7e: {  	_ =	shalt  }
0x7f: {  	_ =	shalt  }
0x80: {  	_ =	shalt  }
0x81: {  	_ =	shalt  }
0x82: {  	_ =	shalt  }
0x83: {  	_ =	shalt  }
0x84: {  	_ =	shalt  }
0x85: {  	_ =	shalt  }
0x86: {  	_ =	shalt  }
0x87: {  	_ =	shalt  }
.Lfunc_end0:
.L_simem_size_0:
called_computation_lowered:
.L_overlay_start_0:
0x88: {  	s2 =	sld [smem:$0x3FD9]  }
0x89: {  	s3 =	sld [smem:$0x3FFE];
	_ =	sdelay $0x1  }
0x8a: {  	s1 =	srdreg.scid  }
0x8b: {  	s0 =	sand.u32 $0x1, s1  }
0x8c: {  	s17 =	sshll.u32 s0, $0xA;
	s2 =	sadd.s32 s3, s2  }
0x8d: {  	s2 =	sadd.s32 s2, s17  }
0x8e: {  	[smem:$0x3FC6] =	sst s2  }
0x8f: {  	_ = 	snop  }
0x90: {  	s2 =	sld [smem:$0x3FC9];
	(tm) =	ssettm $0x1  }
0x91: {  	s18 =	sld [smem:$0x3FFB];
	_ =	sdelay $0x3  }
0x92: {  	_ =	strace s18  }
0x93: {  	s3 =	sld [smem:$0x3FFC];
	_ =	sdelay $0x3  }
0x94: {  	_ =	strace s3  }
0x95: {  	s3 =	sld [smem:$0x3FFD];
	_ =	sdelay $0x3  }
0x96: {  	_ =	strace s3  }
0x97: {  	_ =	strace $0x8FFFFFFF  }
0x98: {  	s19 =	sld [smem:$0x3FDB];
	_ =	sdelay $0x1  }
0x99: {  	s4 =	simm.s32 $_scs_section_size  }
0x9a: {  	s5 =	simm.s32 $_size__tile_overlayer_lowered;
	s6 =	simm.s32 $_tile_overlayer_lowered  }
0x9b: {  	s22 =	simm.s32 $0x1BFF;
	s21 =	sshll.u32 s6, $0x1;
	s3 =	sadd.s32 s4, s19  }
0x9c: {  	s7 =	simm.s32 $0x0;
	s20 =	sshll.u32 s5, $0x1;
	s5 =	sadd.s32 s21, s3  }
0x9d: {  	[timem:s7], [sflag:s22] =	dma.local [hbm:s5], s20  }
0x9e: {  	_ =	swait.ge [sflag:s22], s20  }
0x9f: {  	s4 =	ssub.s32 $0x0, s20;
	[sflag:s22] =	ssyncset.done $0x0  }
0xa0: {  	[sflag:s22] =	ssyncadd.s32 s4;
	_ =	sdelay $0x1  }
0xa1: {  	s23 =	simm.s32 $0x1B8B  }
0xa2: {  	_ =	swait.ge [sflag:s23], $0x1  }
0xa3: {  	[sflag:s23] =	ssyncset.done $0x0  }
0xa4: {  	s25 =	simm.s32 $0x1B8E;
	s24 =	sld [smem:$0x3FFE];
	[sflag:s23] =	ssyncadd.s32 $0xFFFFFFFF  }
0xa5: {  	s26 =	simm.s32 $execute0_lowered;
	[smem:$0x3FD2] =	sst s25  }
0xa6: {  	s5 =	sshll.u32 s26, $0x1;
	_ =	strace $0x80000046;
	[dreg:$0x1] =	wrdreg $0xFFFFFFFF  }
0xa7: {  	s28 =	simm.s32 $_size_execute0_lowered;
	s3 =	sadd.s32 s3, s5;
	[dreg:$0x0] =	wrdreg $0x0  }
0xa8: {  	s5 =	sshll.u32 s28, $0x1;
	[dreg:$0x2] =	wrdreg s3  }
0xa9: {  	[dreg:$0x3] =	wrdreg s5  }
0xaa: {  	[dreg:$0x4] =	wrdreg $0xC0  }
0xab: {  	_ =	task [dreg:s7], $0x5FFFF  }
0xac: {  	[dreg:$0x1] =	wrdreg $0xFFFFFFFF  }
0xad: {  	[dreg:$0x0] =	wrdreg $0x60  }
0xae: {  	[dreg:$0x2] =	wrdreg s2  }
0xaf: {  	[dreg:$0x3] =	wrdreg s24  }
0xb0: {  	[dreg:$0x4] =	wrdreg $0x98000  }
0xb1: {  	[dreg:$0x5] =	wrdreg $0x9  }
0xb2: {  	_ =	task.clear_ibuf [dreg:s7], $0x6FFFF;
	_ =	strace $0x90000046  }
0xb3: {  	s29 =	simm.s32 $0x9;
	_ =	strace $0x80000048  }
0xb4: {  	_ =	swait.ge [sflag:s29], $0x1  }
0xb5: {  	[sflag:s29] =	ssyncadd.s32 $0xFFFFFFFF  }
0xb6: {  	_ =	strace $0x90000048  }
0xb7: {  	_ =	sfence  }
0xb8: {  	s30 =	sld [smem:$0x0];
	_ =	sdelay $0x2  }
0xb9: {  	s31 =	sshll.u32 s1, $0xD;
	s1 =	sshrl.u32 s1, $0x2  }
0xba: {  	s3 =	sand.u32 $0x4000, s31;
	s1 =	sadd.s32 s1, s30  }
0xbb: {  	s0 =	sor.u32 s3, s0;
	s1 =	sshll.u32 s1, $0x11  }
0xbc: {  	s0 =	sor.u32 s1, s0  }
0xbd: {  	s0 =	sadd.s32 $0x8F2B, s0  }
0xbe: {  	[sflag:s0] =	ssyncadd.remote.s32 $0x1  }
0xbf: {  	_ =	sfence.sel $0xFFFF  }
0xc0: {  	[dreg:$0x0] =	wrdreg $0xFFFFFFFF;
	(pc) =	sbr.abs _section_cstart, $3  }
0xc1: {  	[dreg:$0x1] =	wrdreg $0xFFFFFFFF  }
0xc2: {  	_ =	task.clear_ibuf [dreg:s7], $0x2FFFF;
	_ =	strace $0x9FFFFFFF  }
0xc3: {  	(tm) =	ssettm $0x7FFFFFFF  }
tec
execute0_lowered:
.L_overlay_start_1:
0x0: {  	(tag) =	ssettag $0x1  }
0x1: {  	s0 =	srdreg.scid;
	s1 =	rddreg [dreg:$0x0]  }
0x2: {  	s8 =	stileid.u32;
	s5 =	rddreg [dreg:$0x1]  }
0x3: {  	s3 =	rddreg [dreg:$0x2];
	s7 =	smul.u32 $0x14000, s8  }
0x4: {  	s0 =	sand.u32 $0x1, s0;
	s2 =	sshll.u32 s8, $0x1;
	s4 =	smul.u32 $0x50000, s8  }
0x5: {  	s12 =	simm.s32 $0x0;
	s2 =	sor.u32 s0, s2;
	s6 =	smul.u32 $0x140000, s0  }
0x6: {  	[smem:$0x7FF] =	sst s12;
	s0 =	ssub.s32 $0x2, s0;
	s2 =	smul.u32 $0x5000, s2  }
0x7: {  	_ =	strace $0x80000047;
	s9 =	sshrl.u32 s0, $0x1;
	s10 =	sshrl.u32 s4, $0x2  }
0x8: {  	s6 =	sadd.s32 s7, s6;
	s0 =	ssub.s32 s0, s9;
	s2 =	sshrl.u32 s2, $0x3  }
0x9: {  	s6 =	sshrl.u32 s6, $0x3;
	s0 =	smax.u32 s0, $0x1;
	s2 =	sadd.s32 s2, s5  }
0xa: {  	s5 =	sadd.s32 s6, s5;
	s6 =	sadd.s32 s10, s3;
	[dreg:$0x17] =	wrdreg s0  }
0xb: {  	s11 =	sadd.s32 $0x800, s2;
	[dreg:$0x6] =	wrdreg s6  }
0xc: {  	s13 =	sadd.s32 $0x14800, s2;
	[dreg:$0x4] =	wrdreg s11  }
0xd: {  	s14 =	sadd.s32 $0x2800, s6;
	[dreg:$0x5] =	wrdreg s13  }
0xe: {  	s15 =	sadd.s32 $0x5000, s6;
	[dreg:$0x7] =	wrdreg s14  }
0xf: {  	s16 =	sadd.s32 $0x7800, s6;
	[dreg:$0x8] =	wrdreg s15  }
0x10: {  	s17 =	sadd.s32 $0xA000, s6;
	[dreg:$0x9] =	wrdreg s16  }
0x11: {  	s18 =	sadd.s32 $0xC800, s6;
	[dreg:$0xa] =	wrdreg s17  }
0x12: {  	s19 =	sadd.s32 $0xF000, s6;
	[dreg:$0xb] =	wrdreg s18  }
0x13: {  	s6 =	sadd.s32 $0x11800, s6;
	[dreg:$0xc] =	wrdreg s19  }
0x14: {  	s20 =	sadd.s32 $0xA00, s2;
	[dreg:$0xd] =	wrdreg s6  }
0x15: {  	s21 =	sadd.s32 $0x14A00, s2;
	[dreg:$0xe] =	wrdreg s20  }
0x16: {  	s22 =	sadd.s32 $0xC00, s2;
	[dreg:$0xf] =	wrdreg s21  }
0x17: {  	s28 =	simm.s32 $0x50;
	s23 =	sadd.s32 $0x14C00, s2;
	[dreg:$0x10] =	wrdreg s22  }
0x18: {  	s29 =	simm.s32 $0x2000;
	s24 =	sadd.s32 $0xE00, s2;
	[dreg:$0x11] =	wrdreg s23  }
0x19: {  	s31 =	simm.s32 $0x4800;
	s25 =	sadd.s32 $0x14E00, s2;
	[dreg:$0x12] =	wrdreg s24  }
0x1a: {  	s4 =	simm.s32 $0x0;
	s26 =	sadd.s32 $0x1000, s2;
	[dreg:$0x13] =	wrdreg s25  }
0x1b: {  	s9 =	simm.s32 $0x4;
	s2 =	sadd.s32 $0x15000, s2;
	[dreg:$0x14] =	wrdreg s26  }
0x1c: {  	s10 =	simm.s32 $0x80;
	s30 =	sadd.s32 $0x28800, s5;
	[dreg:$0x15] =	wrdreg s2  }
0x1d: {  	s0 =	simm.s32 $0x1;
	[dreg:$0x16] =	wrdreg s30;
	s25 =	simm.s32 $0x7  }
0x1e: {  	s26 =	simm.s32 $0x1000;
	s2 =	simm.s32 $0x7000;
	s6 =	simm.s32 $0x2  }
0x1f: {  	v0 =	vimm.f32 $0.0e+00;
	s11 =	simm.s32 $0x3;
	s13 =	simm.s32 $0x5;
	s16 =	simm.s32 $0x6  }
.LBB2_1:
0x20: {  	[dreg:$0x18] =	wrdreg s4  }
0x21: {  	s5 =	rddreg [dreg:$0x4]  }
0x22: {  	[tilespmem:s12], [sflag:$0x7] =	stream.linear.gather [hbm4b:s5+s12], $0xC80, $0x38;
	[tilespmem:$0x1D800] =	vst v63  }
0x23: {  	_ =	swait.ge [sflag:s25], $0xC80  }
0x24: {  	[sflag:s25] =	ssyncset.done $0x0  }
0x25: {  	s30 =	rddreg [dreg:$0x5];
	[sflag:s25] =	ssyncadd.s32 $0xFFFFF380  }
0x26: {  	[tilespmem:s26], [sflag:$0x7] =	stream.linear.gather [hbm4b:s30+s12], $0xC80, $0x38;
	[tilespmem:$0x1D800] =	vst v63  }
0x27: {  	_ =	swait.ge [sflag:s25], $0xC80  }
0x28: {  	[sflag:s25] =	ssyncset.done $0x0  }
0x29: {  	[sflag:s25] =	ssyncadd.s32 $0xFFFFF380  }
0x2a: {  	[tilespmem:s29], [sflag:$0x1] =	stream.indirect.gather [hbm4b:s1+s28], $0x80, s12, s28, $0xb8;
	[tilespmem:$0x1D800] =	vst v63  }
0x2b: {  	s8 =	simm.s32 $0x200;
	s5 =	simm.s32 $0x0  }
0x2c: {  	[tilespmem:s31], [sflag:$0x2] =	stream.indirect.gather [hbm4b:s1+s28], $0x80, s10, s28, $0xb8;
	[tilespmem:$0x1D800] =	vst v63  }
.LBB2_2:
0x2d: {  	p0 =	sne.s32 s8, $0x9E00;
	[tilespmem:s5+$0x7070] =	vst v0  }
0x2e: {  	[tilespmem:s5+$0x7000] =	vst v0  }
0x2f: {  	[tilespmem:s5+$0x7010] =	vst v0  }
.Ltmp0:
0x30: {  	[tilespmem:s5+$0x7020] =	vst v0;
	(pc) =	sbr.rel @p0 .LBB2_2-.Ltmp0, $4  }
0x31: {  	[tilespmem:s5+$0x7030] =	vst v0  }
0x32: {  	[tilespmem:s5+$0x7040] =	vst v0  }
0x33: {  	[tilespmem:s5+$0x7050] =	vst v0  }
0x34: {  	[tilespmem:s5+$0x7060] =	vst v0;
	s5 =	sshra.s32 s8, $0x2;
	s8 =	sadd.s32 $0x200, s8  }
0x35: {  	[tilespmem:s5+$0x7070] =	vst v0  }
0x36: {  	[tilespmem:s5+$0x7000] =	vst v0  }
0x37: {  	[tilespmem:s5+$0x7010] =	vst v0  }
0x38: {  	[tilespmem:s5+$0x7020] =	vst v0  }
0x39: {  	[tilespmem:s5+$0x7030] =	vst v0  }
0x3a: {  	[tilespmem:s5+$0x7040] =	vst v0  }
0x3b: {  	[tilespmem:s5+$0x7050] =	vst v0  }
0x3c: {  	[tilespmem:s5+$0x7060] =	vst v0;
	s21 =	rddreg [dreg:$0x6]  }
0x3d: {  	[spmem:s21] =	stream.linear.scatter [tilespmem:s2], [sflag:$0x7], $0x2800, $0x38;
	[tilespmem:$0x1D800] =	vst v63  }
0x3e: {  	_ =	swait.ge [sflag:s25], $0x2800  }
0x3f: {  	[sflag:s25] =	ssyncset.done $0x0  }
0x40: {  	s22 =	rddreg [dreg:$0x7];
	[sflag:s25] =	ssyncadd.s32 $0xFFFFD800  }
0x41: {  	[spmem:s22] =	stream.linear.scatter [tilespmem:s2], [sflag:$0x7], $0x2800, $0x38;
	[tilespmem:$0x1D800] =	vst v63  }
0x42: {  	_ =	swait.ge [sflag:s25], $0x2800  }
0x43: {  	[sflag:s25] =	ssyncset.done $0x0  }
0x44: {  	s23 =	rddreg [dreg:$0x8];
	[sflag:s25] =	ssyncadd.s32 $0xFFFFD800  }
0x45: {  	[spmem:s23] =	stream.linear.scatter [tilespmem:s2], [sflag:$0x7], $0x2800, $0x38;
	[tilespmem:$0x1D800] =	vst v63  }
0x46: {  	_ =	swait.ge [sflag:s25], $0x2800  }
0x47: {  	[sflag:s25] =	ssyncset.done $0x0  }
0x48: {  	s24 =	rddreg [dreg:$0x9];
	[sflag:s25] =	ssyncadd.s32 $0xFFFFD800  }
0x49: {  	[spmem:s24] =	stream.linear.scatter [tilespmem:s2], [sflag:$0x7], $0x2800, $0x38;
	[tilespmem:$0x1D800] =	vst v63  }
0x4a: {  	_ =	swait.ge [sflag:s25], $0x2800  }
0x4b: {  	[sflag:s25] =	ssyncset.done $0x0  }
0x4c: {  	s30 =	rddreg [dreg:$0xa];
	[sflag:s25] =	ssyncadd.s32 $0xFFFFD800  }
0x4d: {  	[spmem:s30] =	stream.linear.scatter [tilespmem:s2], [sflag:$0x7], $0x2800, $0x38;
	[tilespmem:$0x1D800] =	vst v63  }
0x4e: {  	_ =	swait.ge [sflag:s25], $0x2800  }
0x4f: {  	[sflag:s25] =	ssyncset.done $0x0  }
0x50: {  	s4 =	rddreg [dreg:$0xb];
	[sflag:s25] =	ssyncadd.s32 $0xFFFFD800  }
0x51: {  	[spmem:s4] =	stream.linear.scatter [tilespmem:s2], [sflag:$0x7], $0x2800, $0x38;
	[tilespmem:$0x1D800] =	vst v63  }
0x52: {  	_ =	swait.ge [sflag:s25], $0x2800  }
0x53: {  	[sflag:s25] =	ssyncset.done $0x0  }
0x54: {  	s7 =	rddreg [dreg:$0xc];
	[sflag:s25] =	ssyncadd.s32 $0xFFFFD800  }
0x55: {  	[spmem:s7] =	stream.linear.scatter [tilespmem:s2], [sflag:$0x7], $0x2800, $0x38;
	[tilespmem:$0x1D800] =	vst v63  }
0x56: {  	_ =	swait.ge [sflag:s25], $0x2800  }
0x57: {  	[sflag:s25] =	ssyncset.done $0x0  }
0x58: {  	s8 =	rddreg [dreg:$0xd];
	[sflag:s25] =	ssyncadd.s32 $0xFFFFD800  }
0x59: {  	[spmem:s8] =	stream.linear.scatter [tilespmem:s2], [sflag:$0x7], $0x2800, $0x38;
	[tilespmem:$0x1D800] =	vst v63  }
0x5a: {  	_ =	swait.ge [sflag:s25], $0x2800  }
0x5b: {  	[sflag:s25] =	ssyncset.done $0x0  }
0x5c: {  	[sflag:s25] =	ssyncadd.s32 $0xFFFFD800  }
0x5d: {  	[bflag:$0x0] =	sbarrier.arrive $0xFFFF  }
0x5e: {  	_ =	swait.ge [sflag:s0], $0x2800  }
0x5f: {  	[sflag:s0] =	ssyncset.done $0x0  }
0x60: {  	[sflag:s0] =	ssyncadd.s32 $0xFFFFD800  }
0x61: {  	[spmem:s3] =	stream.indirect.scatter.add.f32 [tilespmem:s29], [sflag:$0x4], $0x80, s26, s28, $0xb8;
	[tilespmem:$0x1D800] =	vst v63  }
0x62: {  	s14 =	simm.s32 $0x100  }
0x63: {  	[tilespmem:s2], [sflag:$0x3] =	stream.indirect.gather [hbm4b:s1+s28], $0x80, s14, s28, $0xb8;
	[tilespmem:$0x1D800] =	vst v63  }
0x64: {  	_ =	swait.ge [sflag:s6], $0x2800  }
0x65: {  	[sflag:s6] =	ssyncset.done $0x0  }
0x66: {  	s15 =	simm.s32 $0x1080;
	[sflag:s6] =	ssyncadd.s32 $0xFFFFD800  }
0x67: {  	[spmem:s3] =	stream.indirect.scatter.add.f32 [tilespmem:s31], [sflag:$0x5], $0x80, s15, s28, $0xb8;
	[tilespmem:$0x1D800] =	vst v63  }
0x68: {  	_ =	swait.ge [sflag:s9], $0x2800  }
0x69: {  	[sflag:s9] =	ssyncset.done $0x0  }
0x6a: {  	s17 =	simm.s32 $0x180;
	[sflag:s9] =	ssyncadd.s32 $0xFFFFD800  }
0x6b: {  	[tilespmem:s29], [sflag:$0x1] =	stream.indirect.gather [hbm4b:s1+s28], $0x80, s17, s28, $0xb8;
	[tilespmem:$0x1D800] =	vst v63  }
0x6c: {  	_ =	swait.ge [sflag:s11], $0x2800  }
0x6d: {  	[sflag:s11] =	ssyncset.done $0x0  }
0x6e: {  	s18 =	simm.s32 $0x1100;
	[sflag:s11] =	ssyncadd.s32 $0xFFFFD800  }
0x6f: {  	[spmem:s3] =	stream.indirect.scatter.add.f32 [tilespmem:s2], [sflag:$0x6], $0x80, s18, s28, $0xb8;
	[tilespmem:$0x1D800] =	vst v63  }
0x70: {  	_ =	swait.ge [sflag:s13], $0x2800  }
0x71: {  	[sflag:s13] =	ssyncset.done $0x0  }
0x72: {  	s19 =	simm.s32 $0x200;
	[sflag:s13] =	ssyncadd.s32 $0xFFFFD800  }
0x73: {  	[tilespmem:s31], [sflag:$0x2] =	stream.indirect.gather [hbm4b:s1+s28], $0x80, s19, s28, $0xb8;
	[tilespmem:$0x1D800] =	vst v63  }
0x74: {  	_ =	swait.ge [sflag:s0], $0x2800  }
0x75: {  	[sflag:s0] =	ssyncset.done $0x0  }
0x76: {  	s20 =	simm.s32 $0x1180;
	[sflag:s0] =	ssyncadd.s32 $0xFFFFD800  }
0x77: {  	[spmem:s3] =	stream.indirect.scatter.add.f32 [tilespmem:s29], [sflag:$0x4], $0x80, s20, s28, $0xb8;
	[tilespmem:$0x1D800] =	vst v63  }
0x78: {  	_ =	swait.ge [sflag:s16], $0x2800  }
0x79: {  	[sflag:s16] =	ssyncset.done $0x0  }
0x7a: {  	s21 =	simm.s32 $0x280;
	[sflag:s16] =	ssyncadd.s32 $0xFFFFD800  }
0x7b: {  	[tilespmem:s2], [sflag:$0x3] =	stream.indirect.gather [hbm4b:s1+s28], $0x80, s21, s28, $0xb8;
	[tilespmem:$0x1D800] =	vst v63  }
0x7c: {  	_ =	swait.ge [sflag:s6], $0x2800  }
0x7d: {  	[sflag:s6] =	ssyncset.done $0x0  }
0x7e: {  	s22 =	simm.s32 $0x1200;
	[sflag:s6] =	ssyncadd.s32 $0xFFFFD800  }
0x7f: {  	[spmem:s3] =	stream.indirect.scatter.add.f32 [tilespmem:s31], [sflag:$0x5], $0x80, s22, s28, $0xb8;
	[tilespmem:$0x1D800] =	vst v63  }
0x80: {  	_ =	swait.ge [sflag:s9], $0x2800  }
0x81: {  	[sflag:s9] =	ssyncset.done $0x0  }
0x82: {  	s23 =	simm.s32 $0x300;
	[sflag:s9] =	ssyncadd.s32 $0xFFFFD800  }
0x83: {  	[tilespmem:s29], [sflag:$0x1] =	stream.indirect.gather [hbm4b:s1+s28], $0x80, s23, s28, $0xb8;
	[tilespmem:$0x1D800] =	vst v63  }
0x84: {  	_ =	swait.ge [sflag:s11], $0x2800  }
0x85: {  	[sflag:s11] =	ssyncset.done $0x0  }
0x86: {  	s24 =	simm.s32 $0x1280;
	[sflag:s11] =	ssyncadd.s32 $0xFFFFD800  }
0x87: {  	[spmem:s3] =	stream.indirect.scatter.add.f32 [tilespmem:s2], [sflag:$0x6], $0x80, s24, s28, $0xb8;
	[tilespmem:$0x1D800] =	vst v63  }
0x88: {  	_ =	swait.ge [sflag:s13], $0x2800  }
0x89: {  	[sflag:s13] =	ssyncset.done $0x0  }
0x8a: {  	s26 =	simm.s32 $0x380;
	[sflag:s13] =	ssyncadd.s32 $0xFFFFD800  }
0x8b: {  	[tilespmem:s31], [sflag:$0x2] =	stream.indirect.gather [hbm4b:s1+s28], $0x80, s26, s28, $0xb8;
	[tilespmem:$0x1D800] =	vst v63  }
0x8c: {  	_ =	swait.ge [sflag:s0], $0x2800  }
0x8d: {  	[sflag:s0] =	ssyncset.done $0x0  }
0x8e: {  	s30 =	simm.s32 $0x1300;
	[sflag:s0] =	ssyncadd.s32 $0xFFFFD800  }
0x8f: {  	[spmem:s3] =	stream.indirect.scatter.add.f32 [tilespmem:s29], [sflag:$0x4], $0x80, s30, s28, $0xb8;
	[tilespmem:$0x1D800] =	vst v63  }
0x90: {  	_ =	swait.ge [sflag:s16], $0x2800  }
0x91: {  	[sflag:s16] =	ssyncset.done $0x0  }
0x92: {  	s4 =	simm.s32 $0x400;
	[sflag:s16] =	ssyncadd.s32 $0xFFFFD800  }
0x93: {  	[tilespmem:s2], [sflag:$0x3] =	stream.indirect.gather [hbm4b:s1+s28], $0x80, s4, s28, $0xb8;
	[tilespmem:$0x1D800] =	vst v63  }
0x94: {  	_ =	swait.ge [sflag:s6], $0x2800  }
0x95: {  	[sflag:s6] =	ssyncset.done $0x0  }
0x96: {  	s7 =	simm.s32 $0x1380;
	[sflag:s6] =	ssyncadd.s32 $0xFFFFD800  }
0x97: {  	[spmem:s3] =	stream.indirect.scatter.add.f32 [tilespmem:s31], [sflag:$0x5], $0x80, s7, s28, $0xb8;
	[tilespmem:$0x1D800] =	vst v63  }
0x98: {  	_ =	swait.ge [sflag:s9], $0x2800  }
0x99: {  	[sflag:s9] =	ssyncset.done $0x0  }
0x9a: {  	s8 =	simm.s32 $0x480;
	[sflag:s9] =	ssyncadd.s32 $0xFFFFD800  }
0x9b: {  	[tilespmem:s29], [sflag:$0x1] =	stream.indirect.gather [hbm4b:s1+s28], $0x80, s8, s28, $0xb8;
	[tilespmem:$0x1D800] =	vst v63  }
0x9c: {  	_ =	swait.ge [sflag:s11], $0x2800  }
0x9d: {  	[sflag:s11] =	ssyncset.done $0x0  }
0x9e: {  	s14 =	simm.s32 $0x1400;
	[sflag:s11] =	ssyncadd.s32 $0xFFFFD800  }
0x9f: {  	[spmem:s3] =	stream.indirect.scatter.add.f32 [tilespmem:s2], [sflag:$0x6], $0x80, s14, s28, $0xb8;
	[tilespmem:$0x1D800] =	vst v63  }
0xa0: {  	_ =	swait.ge [sflag:s13], $0x2800  }
0xa1: {  	[sflag:s13] =	ssyncset.done $0x0  }
0xa2: {  	s15 =	simm.s32 $0x500;
	[sflag:s13] =	ssyncadd.s32 $0xFFFFD800  }
0xa3: {  	[tilespmem:s31], [sflag:$0x2] =	stream.indirect.gather [hbm4b:s1+s28], $0x80, s15, s28, $0xb8;
	[tilespmem:$0x1D800] =	vst v63  }
0xa4: {  	_ =	swait.ge [sflag:s0], $0x2800  }
0xa5: {  	[sflag:s0] =	ssyncset.done $0x0  }
0xa6: {  	s17 =	simm.s32 $0x1480;
	[sflag:s0] =	ssyncadd.s32 $0xFFFFD800  }
0xa7: {  	[spmem:s3] =	stream.indirect.scatter.add.f32 [tilespmem:s29], [sflag:$0x4], $0x80, s17, s28, $0xb8;
	[tilespmem:$0x1D800] =	vst v63  }
0xa8: {  	_ =	swait.ge [sflag:s16], $0x2800  }
0xa9: {  	[sflag:s16] =	ssyncset.done $0x0  }
0xaa: {  	s18 =	simm.s32 $0x580;
	[sflag:s16] =	ssyncadd.s32 $0xFFFFD800  }
0xab: {  	[tilespmem:s2], [sflag:$0x3] =	stream.indirect.gather [hbm4b:s1+s28], $0x80, s18, s28, $0xb8;
	[tilespmem:$0x1D800] =	vst v63  }
0xac: {  	_ =	swait.ge [sflag:s6], $0x2800  }
0xad: {  	[sflag:s6] =	ssyncset.done $0x0  }
0xae: {  	s19 =	simm.s32 $0x1500;
	[sflag:s6] =	ssyncadd.s32 $0xFFFFD800  }
0xaf: {  	[spmem:s3] =	stream.indirect.scatter.add.f32 [tilespmem:s31], [sflag:$0x5], $0x80, s19, s28, $0xb8;
	[tilespmem:$0x1D800] =	vst v63  }
0xb0: {  	_ =	swait.ge [sflag:s9], $0x2800  }
0xb1: {  	[sflag:s9] =	ssyncset.done $0x0  }
0xb2: {  	s20 =	simm.s32 $0x600;
	[sflag:s9] =	ssyncadd.s32 $0xFFFFD800  }
0xb3: {  	[tilespmem:s29], [sflag:$0x1] =	stream.indirect.gather [hbm4b:s1+s28], $0x80, s20, s28, $0xb8;
	[tilespmem:$0x1D800] =	vst v63  }
0xb4: {  	_ =	swait.ge [sflag:s11], $0x2800  }
0xb5: {  	[sflag:s11] =	ssyncset.done $0x0  }
0xb6: {  	s21 =	simm.s32 $0x1580;
	[sflag:s11] =	ssyncadd.s32 $0xFFFFD800  }
0xb7: {  	[spmem:s3] =	stream.indirect.scatter.add.f32 [tilespmem:s2], [sflag:$0x6], $0x80, s21, s28, $0xb8;
	[tilespmem:$0x1D800] =	vst v63  }
0xb8: {  	_ =	swait.ge [sflag:s13], $0x2800  }
0xb9: {  	[sflag:s13] =	ssyncset.done $0x0  }
0xba: {  	s22 =	simm.s32 $0x680;
	[sflag:s13] =	ssyncadd.s32 $0xFFFFD800  }
0xbb: {  	[tilespmem:s31], [sflag:$0x2] =	stream.indirect.gather [hbm4b:s1+s28], $0x80, s22, s28, $0xb8;
	[tilespmem:$0x1D800] =	vst v63  }
0xbc: {  	_ =	swait.ge [sflag:s0], $0x2800  }
0xbd: {  	[sflag:s0] =	ssyncset.done $0x0  }
0xbe: {  	s23 =	simm.s32 $0x1600;
	[sflag:s0] =	ssyncadd.s32 $0xFFFFD800  }
0xbf: {  	[spmem:s3] =	stream.indirect.scatter.add.f32 [tilespmem:s29], [sflag:$0x4], $0x80, s23, s28, $0xb8;
	[tilespmem:$0x1D800] =	vst v63  }
0xc0: {  	_ =	swait.ge [sflag:s16], $0x2800  }
0xc1: {  	[sflag:s16] =	ssyncset.done $0x0  }
0xc2: {  	s24 =	simm.s32 $0x700;
	[sflag:s16] =	ssyncadd.s32 $0xFFFFD800  }
0xc3: {  	[tilespmem:s2], [sflag:$0x3] =	stream.indirect.gather [hbm4b:s1+s28], $0x80, s24, s28, $0xb8;
	[tilespmem:$0x1D800] =	vst v63  }
0xc4: {  	_ =	swait.ge [sflag:s6], $0x2800  }
0xc5: {  	[sflag:s6] =	ssyncset.done $0x0  }
0xc6: {  	s26 =	simm.s32 $0x1680;
	[sflag:s6] =	ssyncadd.s32 $0xFFFFD800  }
0xc7: {  	[spmem:s3] =	stream.indirect.scatter.add.f32 [tilespmem:s31], [sflag:$0x5], $0x80, s26, s28, $0xb8;
	[tilespmem:$0x1D800] =	vst v63  }
0xc8: {  	_ =	swait.ge [sflag:s9], $0x2800  }
0xc9: {  	[sflag:s9] =	ssyncset.done $0x0  }
0xca: {  	s4 =	simm.s32 $0x780;
	[sflag:s9] =	ssyncadd.s32 $0xFFFFD800  }
0xcb: {  	[tilespmem:s29], [sflag:$0x1] =	stream.indirect.gather [hbm4b:s1+s28], $0x80, s4, s28, $0xb8;
	[tilespmem:$0x1D800] =	vst v63  }
0xcc: {  	_ =	swait.ge [sflag:s11], $0x2800  }
0xcd: {  	[sflag:s11] =	ssyncset.done $0x0  }
0xce: {  	s5 =	simm.s32 $0x1700;
	[sflag:s11] =	ssyncadd.s32 $0xFFFFD800  }
0xcf: {  	[spmem:s3] =	stream.indirect.scatter.add.f32 [tilespmem:s2], [sflag:$0x6], $0x80, s5, s28, $0xb8;
	[tilespmem:$0x1D800] =	vst v63  }
0xd0: {  	_ =	swait.ge [sflag:s13], $0x2800  }
0xd1: {  	[sflag:s13] =	ssyncset.done $0x0  }
0xd2: {  	s5 =	simm.s32 $0x800;
	[sflag:s13] =	ssyncadd.s32 $0xFFFFD800  }
0xd3: {  	[tilespmem:s31], [sflag:$0x2] =	stream.indirect.gather [hbm4b:s1+s28], $0x80, s5, s28, $0xb8;
	[tilespmem:$0x1D800] =	vst v63  }
0xd4: {  	_ =	swait.ge [sflag:s0], $0x2800  }
0xd5: {  	[sflag:s0] =	ssyncset.done $0x0  }
0xd6: {  	s5 =	simm.s32 $0x1780;
	[sflag:s0] =	ssyncadd.s32 $0xFFFFD800  }
0xd7: {  	[spmem:s3] =	stream.indirect.scatter.add.f32 [tilespmem:s29], [sflag:$0x4], $0x80, s5, s28, $0xb8;
	[tilespmem:$0x1D800] =	vst v63  }
0xd8: {  	_ =	swait.ge [sflag:s16], $0x2800  }
0xd9: {  	[sflag:s16] =	ssyncset.done $0x0  }
0xda: {  	s5 =	simm.s32 $0x880;
	[sflag:s16] =	ssyncadd.s32 $0xFFFFD800  }
0xdb: {  	[tilespmem:s2], [sflag:$0x3] =	stream.indirect.gather [hbm4b:s1+s28], $0x80, s5, s28, $0xb8;
	[tilespmem:$0x1D800] =	vst v63  }
0xdc: {  	_ =	swait.ge [sflag:s6], $0x2800  }
0xdd: {  	[sflag:s6] =	ssyncset.done $0x0  }
0xde: {  	s5 =	simm.s32 $0x1800;
	[sflag:s6] =	ssyncadd.s32 $0xFFFFD800  }
0xdf: {  	[spmem:s3] =	stream.indirect.scatter.add.f32 [tilespmem:s31], [sflag:$0x5], $0x80, s5, s28, $0xb8;
	[tilespmem:$0x1D800] =	vst v63  }
0xe0: {  	_ =	swait.ge [sflag:s9], $0x2800  }
0xe1: {  	[sflag:s9] =	ssyncset.done $0x0  }
0xe2: {  	s5 =	simm.s32 $0x900;
	[sflag:s9] =	ssyncadd.s32 $0xFFFFD800  }
0xe3: {  	[tilespmem:s29], [sflag:$0x1] =	stream.indirect.gather [hbm4b:s1+s28], $0x80, s5, s28, $0xb8;
	[tilespmem:$0x1D800] =	vst v63  }
0xe4: {  	_ =	swait.ge [sflag:s11], $0x2800  }
0xe5: {  	[sflag:s11] =	ssyncset.done $0x0  }
0xe6: {  	s5 =	simm.s32 $0x1880;
	[sflag:s11] =	ssyncadd.s32 $0xFFFFD800  }
0xe7: {  	[spmem:s3] =	stream.indirect.scatter.add.f32 [tilespmem:s2], [sflag:$0x6], $0x80, s5, s28, $0xb8;
	[tilespmem:$0x1D800] =	vst v63  }
0xe8: {  	_ =	swait.ge [sflag:s13], $0x2800  }
0xe9: {  	[sflag:s13] =	ssyncset.done $0x0  }
0xea: {  	s5 =	simm.s32 $0x980;
	[sflag:s13] =	ssyncadd.s32 $0xFFFFD800  }
0xeb: {  	[tilespmem:s31], [sflag:$0x2] =	stream.indirect.gather [hbm4b:s1+s28], $0x80, s5, s28, $0xb8;
	[tilespmem:$0x1D800] =	vst v63  }
0xec: {  	_ =	swait.ge [sflag:s0], $0x2800  }
0xed: {  	[sflag:s0] =	ssyncset.done $0x0  }
0xee: {  	s5 =	simm.s32 $0x1900;
	[sflag:s0] =	ssyncadd.s32 $0xFFFFD800  }
0xef: {  	[spmem:s3] =	stream.indirect.scatter.add.f32 [tilespmem:s29], [sflag:$0x4], $0x80, s5, s28, $0xb8;
	[tilespmem:$0x1D800] =	vst v63  }
0xf0: {  	_ =	swait.ge [sflag:s16], $0x2800  }
0xf1: {  	[sflag:s16] =	ssyncset.done $0x0  }
0xf2: {  	s5 =	simm.s32 $0xA00;
	[sflag:s16] =	ssyncadd.s32 $0xFFFFD800  }
0xf3: {  	[tilespmem:s2], [sflag:$0x3] =	stream.indirect.gather [hbm4b:s1+s28], $0x80, s5, s28, $0xb8;
	[tilespmem:$0x1D800] =	vst v63  }
0xf4: {  	_ =	swait.ge [sflag:s6], $0x2800  }
0xf5: {  	[sflag:s6] =	ssyncset.done $0x0  }
0xf6: {  	s5 =	simm.s32 $0x1980;
	[sflag:s6] =	ssyncadd.s32 $0xFFFFD800  }
0xf7: {  	[spmem:s3] =	stream.indirect.scatter.add.f32 [tilespmem:s31], [sflag:$0x5], $0x80, s5, s28, $0xb8;
	[tilespmem:$0x1D800] =	vst v63  }
0xf8: {  	_ =	swait.ge [sflag:s9], $0x2800  }
0xf9: {  	[sflag:s9] =	ssyncset.done $0x0  }
0xfa: {  	s5 =	simm.s32 $0xA80;
	[sflag:s9] =	ssyncadd.s32 $0xFFFFD800  }
0xfb: {  	[tilespmem:s29], [sflag:$0x1] =	stream.indirect.gather [hbm4b:s1+s28], $0x80, s5, s28, $0xb8;
	[tilespmem:$0x1D800] =	vst v63  }
0xfc: {  	_ =	swait.ge [sflag:s11], $0x2800  }
0xfd: {  	[sflag:s11] =	ssyncset.done $0x0  }
0xfe: {  	s5 =	simm.s32 $0x1A00;
	[sflag:s11] =	ssyncadd.s32 $0xFFFFD800  }
0xff: {  	[spmem:s3] =	stream.indirect.scatter.add.f32 [tilespmem:s2], [sflag:$0x6], $0x80, s5, s28, $0xb8;
	[tilespmem:$0x1D800] =	vst v63  }
0x100: {  	_ =	swait.ge [sflag:s13], $0x2800  }
0x101: {  	[sflag:s13] =	ssyncset.done $0x0  }
0x102: {  	s5 =	simm.s32 $0xB00;
	[sflag:s13] =	ssyncadd.s32 $0xFFFFD800  }
0x103: {  	[tilespmem:s31], [sflag:$0x2] =	stream.indirect.gather [hbm4b:s1+s28], $0x80, s5, s28, $0xb8;
	[tilespmem:$0x1D800] =	vst v63  }
0x104: {  	_ =	swait.ge [sflag:s0], $0x2800  }
0x105: {  	[sflag:s0] =	ssyncset.done $0x0  }
0x106: {  	s5 =	simm.s32 $0x1A80;
	[sflag:s0] =	ssyncadd.s32 $0xFFFFD800  }
0x107: {  	[spmem:s3] =	stream.indirect.scatter.add.f32 [tilespmem:s29], [sflag:$0x4], $0x80, s5, s28, $0xb8;
	[tilespmem:$0x1D800] =	vst v63  }
0x108: {  	_ =	swait.ge [sflag:s16], $0x2800  }
0x109: {  	[sflag:s16] =	ssyncset.done $0x0  }
0x10a: {  	s5 =	simm.s32 $0xB80;
	[sflag:s16] =	ssyncadd.s32 $0xFFFFD800  }
0x10b: {  	[tilespmem:s2], [sflag:$0x3] =	stream.indirect.gather [hbm4b:s1+s28], $0x80, s5, s28, $0xb8;
	[tilespmem:$0x1D800] =	vst v63  }
0x10c: {  	_ =	swait.ge [sflag:s6], $0x2800  }
0x10d: {  	[sflag:s6] =	ssyncset.done $0x0  }
0x10e: {  	s5 =	simm.s32 $0x1B00;
	[sflag:s6] =	ssyncadd.s32 $0xFFFFD800  }
0x10f: {  	[spmem:s3] =	stream.indirect.scatter.add.f32 [tilespmem:s31], [sflag:$0x5], $0x80, s5, s28, $0xb8;
	[tilespmem:$0x1D800] =	vst v63  }
0x110: {  	_ =	swait.ge [sflag:s9], $0x2800  }
0x111: {  	[sflag:s9] =	ssyncset.done $0x0  }
0x112: {  	s5 =	simm.s32 $0xC00;
	[sflag:s9] =	ssyncadd.s32 $0xFFFFD800  }
0x113: {  	[tilespmem:s29], [sflag:$0x1] =	stream.indirect.gather [hbm4b:s1+s28], $0x80, s5, s28, $0xb8;
	[tilespmem:$0x1D800] =	vst v63  }
0x114: {  	_ =	swait.ge [sflag:s11], $0x2800  }
0x115: {  	[sflag:s11] =	ssyncset.done $0x0  }
0x116: {  	s5 =	simm.s32 $0x1B80;
	[sflag:s11] =	ssyncadd.s32 $0xFFFFD800  }
0x117: {  	[spmem:s3] =	stream.indirect.scatter.add.f32 [tilespmem:s2], [sflag:$0x6], $0x80, s5, s28, $0xb8;
	[tilespmem:$0x1D800] =	vst v63  }
0x118: {  	_ =	swait.ge [sflag:s13], $0x2800  }
0x119: {  	[sflag:s13] =	ssyncset.done $0x0  }
0x11a: {  	[sflag:s13] =	ssyncadd.s32 $0xFFFFD800  }
0x11b: {  	_ =	swait.ge [sflag:s0], $0x2800  }
0x11c: {  	[sflag:s0] =	ssyncset.done $0x0  }
0x11d: {  	s5 =	simm.s32 $0x1C00;
	[sflag:s0] =	ssyncadd.s32 $0xFFFFD800  }
0x11e: {  	[spmem:s3] =	stream.indirect.scatter.add.f32 [tilespmem:s29], [sflag:$0x4], $0x80, s5, s28, $0xb8;
	[tilespmem:$0x1D800] =	vst v63  }
0x11f: {  	_ =	swait.ge [sflag:s16], $0x2800  }
0x120: {  	[sflag:s16] =	ssyncset.done $0x0  }
0x121: {  	[sflag:s16] =	ssyncadd.s32 $0xFFFFD800  }
0x122: {  	_ =	swait.ge [sflag:s9], $0x2800  }
0x123: {  	[sflag:s9] =	ssyncset.done $0x0  }
0x124: {  	s5 =	rddreg [dreg:$0xe];
	[sflag:s9] =	ssyncadd.s32 $0xFFFFD800  }
0x125: {  	[tilespmem:s12], [sflag:$0x7] =	stream.linear.gather [hbm4b:s5+s12], $0xC80, $0x38;
	[tilespmem:$0x1D800] =	vst v63  }
0x126: {  	_ =	swait.ge [sflag:s25], $0xC80  }
0x127: {  	[sflag:s25] =	ssyncset.done $0x0  }
0x128: {  	s4 =	simm.s32 $0x1000;
	s5 =	rddreg [dreg:$0xf];
	[sflag:s25] =	ssyncadd.s32 $0xFFFFF380  }
0x129: {  	[tilespmem:s4], [sflag:$0x7] =	stream.linear.gather [hbm4b:s5+s12], $0xC80, $0x38;
	[tilespmem:$0x1D800] =	vst v63  }
0x12a: {  	_ =	swait.ge [sflag:s25], $0xC80  }
0x12b: {  	[sflag:s25] =	ssyncset.done $0x0  }
0x12c: {  	[sflag:s25] =	ssyncadd.s32 $0xFFFFF380  }
0x12d: {  	[tilespmem:s29], [sflag:$0x1] =	stream.indirect.gather [hbm4b:s1+s28], $0x80, s12, s28, $0xb8;
	[tilespmem:$0x1D800] =	vst v63  }
0x12e: {  	_ = 	snop  }
0x12f: {  	[tilespmem:s31], [sflag:$0x2] =	stream.indirect.gather [hbm4b:s1+s28], $0x80, s10, s28, $0xb8;
	[tilespmem:$0x1D800] =	vst v63  }
0x130: {  	_ =	swait.ge [sflag:s0], $0x2800  }
0x131: {  	[sflag:s0] =	ssyncset.done $0x0  }
0x132: {  	[sflag:s0] =	ssyncadd.s32 $0xFFFFD800  }
0x133: {  	[spmem:s3] =	stream.indirect.scatter.add.f32 [tilespmem:s29], [sflag:$0x4], $0x80, s4, s28, $0xb8;
	[tilespmem:$0x1D800] =	vst v63  }
0x134: {  	s12 =	simm.s32 $0x100  }
0x135: {  	[tilespmem:s2], [sflag:$0x3] =	stream.indirect.gather [hbm4b:s1+s28], $0x80, s12, s28, $0xb8;
	[tilespmem:$0x1D800] =	vst v63  }
0x136: {  	_ =	swait.ge [sflag:s6], $0x2800  }
0x137: {  	[sflag:s6] =	ssyncset.done $0x0  }
0x138: {  	s5 =	simm.s32 $0x1080;
	[sflag:s6] =	ssyncadd.s32 $0xFFFFD800  }
0x139: {  	[spmem:s3] =	stream.indirect.scatter.add.f32 [tilespmem:s31], [sflag:$0x5], $0x80, s5, s28, $0xb8;
	[tilespmem:$0x1D800] =	vst v63  }
0x13a: {  	_ =	swait.ge [sflag:s9], $0x2800  }
0x13b: {  	[sflag:s9] =	ssyncset.done $0x0  }
0x13c: {  	s12 =	simm.s32 $0x180;
	[sflag:s9] =	ssyncadd.s32 $0xFFFFD800  }
0x13d: {  	[tilespmem:s29], [sflag:$0x1] =	stream.indirect.gather [hbm4b:s1+s28], $0x80, s12, s28, $0xb8;
	[tilespmem:$0x1D800] =	vst v63  }
0x13e: {  	_ =	swait.ge [sflag:s11], $0x2800  }
0x13f: {  	[sflag:s11] =	ssyncset.done $0x0  }
0x140: {  	s5 =	simm.s32 $0x1100;
	[sflag:s11] =	ssyncadd.s32 $0xFFFFD800  }
0x141: {  	[spmem:s3] =	stream.indirect.scatter.add.f32 [tilespmem:s2], [sflag:$0x6], $0x80, s5, s28, $0xb8;
	[tilespmem:$0x1D800] =	vst v63  }
0x142: {  	_ =	swait.ge [sflag:s13], $0x2800  }
0x143: {  	[sflag:s13] =	ssyncset.done $0x0  }
0x144: {  	s12 =	simm.s32 $0x200;
	[sflag:s13] =	ssyncadd.s32 $0xFFFFD800  }
0x145: {  	[tilespmem:s31], [sflag:$0x2] =	stream.indirect.gather [hbm4b:s1+s28], $0x80, s12, s28, $0xb8;
	[tilespmem:$0x1D800] =	vst v63  }
0x146: {  	_ =	swait.ge [sflag:s0], $0x2800  }
0x147: {  	[sflag:s0] =	ssyncset.done $0x0  }
0x148: {  	s5 =	simm.s32 $0x1180;
	[sflag:s0] =	ssyncadd.s32 $0xFFFFD800  }
0x149: {  	[spmem:s3] =	stream.indirect.scatter.add.f32 [tilespmem:s29], [sflag:$0x4], $0x80, s5, s28, $0xb8;
	[tilespmem:$0x1D800] =	vst v63  }
0x14a: {  	_ =	swait.ge [sflag:s16], $0x2800  }
0x14b: {  	[sflag:s16] =	ssyncset.done $0x0  }
0x14c: {  	s12 =	simm.s32 $0x280;
	[sflag:s16] =	ssyncadd.s32 $0xFFFFD800  }
0x14d: {  	[tilespmem:s2], [sflag:$0x3] =	stream.indirect.gather [hbm4b:s1+s28], $0x80, s12, s28, $0xb8;
	[tilespmem:$0x1D800] =	vst v63  }
0x14e: {  	_ =	swait.ge [sflag:s6], $0x2800  }
0x14f: {  	[sflag:s6] =	ssyncset.done $0x0  }
0x150: {  	s5 =	simm.s32 $0x1200;
	[sflag:s6] =	ssyncadd.s32 $0xFFFFD800  }
0x151: {  	[spmem:s3] =	stream.indirect.scatter.add.f32 [tilespmem:s31], [sflag:$0x5], $0x80, s5, s28, $0xb8;
	[tilespmem:$0x1D800] =	vst v63  }
0x152: {  	_ =	swait.ge [sflag:s9], $0x2800  }
0x153: {  	[sflag:s9] =	ssyncset.done $0x0  }
0x154: {  	s12 =	simm.s32 $0x300;
	[sflag:s9] =	ssyncadd.s32 $0xFFFFD800  }
0x155: {  	[tilespmem:s29], [sflag:$0x1] =	stream.indirect.gather [hbm4b:s1+s28], $0x80, s12, s28, $0xb8;
	[tilespmem:$0x1D800] =	vst v63  }
0x156: {  	_ =	swait.ge [sflag:s11], $0x2800  }
0x157: {  	[sflag:s11] =	ssyncset.done $0x0  }
0x158: {  	s5 =	simm.s32 $0x1280;
	[sflag:s11] =	ssyncadd.s32 $0xFFFFD800  }
0x159: {  	[spmem:s3] =	stream.indirect.scatter.add.f32 [tilespmem:s2], [sflag:$0x6], $0x80, s5, s28, $0xb8;
	[tilespmem:$0x1D800] =	vst v63  }
0x15a: {  	_ =	swait.ge [sflag:s13], $0x2800  }
0x15b: {  	[sflag:s13] =	ssyncset.done $0x0  }
0x15c: {  	s12 =	simm.s32 $0x380;
	[sflag:s13] =	ssyncadd.s32 $0xFFFFD800  }
0x15d: {  	[tilespmem:s31], [sflag:$0x2] =	stream.indirect.gather [hbm4b:s1+s28], $0x80, s12, s28, $0xb8;
	[tilespmem:$0x1D800] =	vst v63  }
0x15e: {  	_ =	swait.ge [sflag:s0], $0x2800  }
0x15f: {  	[sflag:s0] =	ssyncset.done $0x0  }
0x160: {  	s30 =	simm.s32 $0x1300;
	[sflag:s0] =	ssyncadd.s32 $0xFFFFD800  }
0x161: {  	[spmem:s3] =	stream.indirect.scatter.add.f32 [tilespmem:s29], [sflag:$0x4], $0x80, s30, s28, $0xb8;
	[tilespmem:$0x1D800] =	vst v63  }
0x162: {  	_ =	swait.ge [sflag:s16], $0x2800  }
0x163: {  	[sflag:s16] =	ssyncset.done $0x0  }
0x164: {  	s5 =	simm.s32 $0x400;
	[sflag:s16] =	ssyncadd.s32 $0xFFFFD800  }
0x165: {  	[tilespmem:s2], [sflag:$0x3] =	stream.indirect.gather [hbm4b:s1+s28], $0x80, s5, s28, $0xb8;
	[tilespmem:$0x1D800] =	vst v63  }
0x166: {  	_ =	swait.ge [sflag:s6], $0x2800  }
0x167: {  	[sflag:s6] =	ssyncset.done $0x0  }
0x168: {  	s7 =	simm.s32 $0x1380;
	[sflag:s6] =	ssyncadd.s32 $0xFFFFD800  }
0x169: {  	[spmem:s3] =	stream.indirect.scatter.add.f32 [tilespmem:s31], [sflag:$0x5], $0x80, s7, s28, $0xb8;
	[tilespmem:$0x1D800] =	vst v63  }
0x16a: {  	_ =	swait.ge [sflag:s9], $0x2800  }
0x16b: {  	[sflag:s9] =	ssyncset.done $0x0  }
0x16c: {  	s8 =	simm.s32 $0x480;
	[sflag:s9] =	ssyncadd.s32 $0xFFFFD800  }
0x16d: {  	[tilespmem:s29], [sflag:$0x1] =	stream.indirect.gather [hbm4b:s1+s28], $0x80, s8, s28, $0xb8;
	[tilespmem:$0x1D800] =	vst v63  }
0x16e: {  	_ =	swait.ge [sflag:s11], $0x2800  }
0x16f: {  	[sflag:s11] =	ssyncset.done $0x0  }
0x170: {  	s12 =	simm.s32 $0x1400;
	[sflag:s11] =	ssyncadd.s32 $0xFFFFD800  }
0x171: {  	[spmem:s3] =	stream.indirect.scatter.add.f32 [tilespmem:s2], [sflag:$0x6], $0x80, s12, s28, $0xb8;
	[tilespmem:$0x1D800] =	vst v63  }
0x172: {  	_ =	swait.ge [sflag:s13], $0x2800  }
0x173: {  	[sflag:s13] =	ssyncset.done $0x0  }
0x174: {  	s14 =	simm.s32 $0x500;
	[sflag:s13] =	ssyncadd.s32 $0xFFFFD800  }
0x175: {  	[tilespmem:s31], [sflag:$0x2] =	stream.indirect.gather [hbm4b:s1+s28], $0x80, s14, s28, $0xb8;
	[tilespmem:$0x1D800] =	vst v63  }
0x176: {  	_ =	swait.ge [sflag:s0], $0x2800  }
0x177: {  	[sflag:s0] =	ssyncset.done $0x0  }
0x178: {  	s15 =	simm.s32 $0x1480;
	[sflag:s0] =	ssyncadd.s32 $0xFFFFD800  }
0x179: {  	[spmem:s3] =	stream.indirect.scatter.add.f32 [tilespmem:s29], [sflag:$0x4], $0x80, s15, s28, $0xb8;
	[tilespmem:$0x1D800] =	vst v63  }
0x17a: {  	_ =	swait.ge [sflag:s16], $0x2800  }
0x17b: {  	[sflag:s16] =	ssyncset.done $0x0  }
0x17c: {  	s17 =	simm.s32 $0x580;
	[sflag:s16] =	ssyncadd.s32 $0xFFFFD800  }
0x17d: {  	[tilespmem:s2], [sflag:$0x3] =	stream.indirect.gather [hbm4b:s1+s28], $0x80, s17, s28, $0xb8;
	[tilespmem:$0x1D800] =	vst v63  }
0x17e: {  	_ =	swait.ge [sflag:s6], $0x2800  }
0x17f: {  	[sflag:s6] =	ssyncset.done $0x0  }
0x180: {  	s18 =	simm.s32 $0x1500;
	[sflag:s6] =	ssyncadd.s32 $0xFFFFD800  }
0x181: {  	[spmem:s3] =	stream.indirect.scatter.add.f32 [tilespmem:s31], [sflag:$0x5], $0x80, s18, s28, $0xb8;
	[tilespmem:$0x1D800] =	vst v63  }
0x182: {  	_ =	swait.ge [sflag:s9], $0x2800  }
0x183: {  	[sflag:s9] =	ssyncset.done $0x0  }
0x184: {  	s19 =	simm.s32 $0x600;
	[sflag:s9] =	ssyncadd.s32 $0xFFFFD800  }
0x185: {  	[tilespmem:s29], [sflag:$0x1] =	stream.indirect.gather [hbm4b:s1+s28], $0x80, s19, s28, $0xb8;
	[tilespmem:$0x1D800] =	vst v63  }
0x186: {  	_ =	swait.ge [sflag:s11], $0x2800  }
0x187: {  	[sflag:s11] =	ssyncset.done $0x0  }
0x188: {  	s20 =	simm.s32 $0x1580;
	[sflag:s11] =	ssyncadd.s32 $0xFFFFD800  }
0x189: {  	[spmem:s3] =	stream.indirect.scatter.add.f32 [tilespmem:s2], [sflag:$0x6], $0x80, s20, s28, $0xb8;
	[tilespmem:$0x1D800] =	vst v63  }
0x18a: {  	_ =	swait.ge [sflag:s13], $0x2800  }
0x18b: {  	[sflag:s13] =	ssyncset.done $0x0  }
0x18c: {  	s21 =	simm.s32 $0x680;
	[sflag:s13] =	ssyncadd.s32 $0xFFFFD800  }
0x18d: {  	[tilespmem:s31], [sflag:$0x2] =	stream.indirect.gather [hbm4b:s1+s28], $0x80, s21, s28, $0xb8;
	[tilespmem:$0x1D800] =	vst v63  }
0x18e: {  	_ =	swait.ge [sflag:s0], $0x2800  }
0x18f: {  	[sflag:s0] =	ssyncset.done $0x0  }
0x190: {  	s22 =	simm.s32 $0x1600;
	[sflag:s0] =	ssyncadd.s32 $0xFFFFD800  }
0x191: {  	[spmem:s3] =	stream.indirect.scatter.add.f32 [tilespmem:s29], [sflag:$0x4], $0x80, s22, s28, $0xb8;
	[tilespmem:$0x1D800] =	vst v63  }
0x192: {  	_ =	swait.ge [sflag:s16], $0x2800  }
0x193: {  	[sflag:s16] =	ssyncset.done $0x0  }
0x194: {  	s23 =	simm.s32 $0x700;
	[sflag:s16] =	ssyncadd.s32 $0xFFFFD800  }
0x195: {  	[tilespmem:s2], [sflag:$0x3] =	stream.indirect.gather [hbm4b:s1+s28], $0x80, s23, s28, $0xb8;
	[tilespmem:$0x1D800] =	vst v63  }
0x196: {  	_ =	swait.ge [sflag:s6], $0x2800  }
0x197: {  	[sflag:s6] =	ssyncset.done $0x0  }
0x198: {  	s24 =	simm.s32 $0x1680;
	[sflag:s6] =	ssyncadd.s32 $0xFFFFD800  }
0x199: {  	[spmem:s3] =	stream.indirect.scatter.add.f32 [tilespmem:s31], [sflag:$0x5], $0x80, s24, s28, $0xb8;
	[tilespmem:$0x1D800] =	vst v63  }
0x19a: {  	_ =	swait.ge [sflag:s9], $0x2800  }
0x19b: {  	[sflag:s9] =	ssyncset.done $0x0  }
0x19c: {  	s26 =	simm.s32 $0x780;
	[sflag:s9] =	ssyncadd.s32 $0xFFFFD800  }
0x19d: {  	[tilespmem:s29], [sflag:$0x1] =	stream.indirect.gather [hbm4b:s1+s28], $0x80, s26, s28, $0xb8;
	[tilespmem:$0x1D800] =	vst v63  }
0x19e: {  	_ =	swait.ge [sflag:s11], $0x2800  }
0x19f: {  	[sflag:s11] =	ssyncset.done $0x0  }
0x1a0: {  	s4 =	simm.s32 $0x1700;
	[sflag:s11] =	ssyncadd.s32 $0xFFFFD800  }
0x1a1: {  	[spmem:s3] =	stream.indirect.scatter.add.f32 [tilespmem:s2], [sflag:$0x6], $0x80, s4, s28, $0xb8;
	[tilespmem:$0x1D800] =	vst v63  }
0x1a2: {  	_ =	swait.ge [sflag:s13], $0x2800  }
0x1a3: {  	[sflag:s13] =	ssyncset.done $0x0  }
0x1a4: {  	s7 =	simm.s32 $0x800;
	[sflag:s13] =	ssyncadd.s32 $0xFFFFD800  }
0x1a5: {  	[tilespmem:s31], [sflag:$0x2] =	stream.indirect.gather [hbm4b:s1+s28], $0x80, s7, s28, $0xb8;
	[tilespmem:$0x1D800] =	vst v63  }
0x1a6: {  	_ =	swait.ge [sflag:s0], $0x2800  }
0x1a7: {  	[sflag:s0] =	ssyncset.done $0x0  }
0x1a8: {  	s8 =	simm.s32 $0x1780;
	[sflag:s0] =	ssyncadd.s32 $0xFFFFD800  }
0x1a9: {  	[spmem:s3] =	stream.indirect.scatter.add.f32 [tilespmem:s29], [sflag:$0x4], $0x80, s8, s28, $0xb8;
	[tilespmem:$0x1D800] =	vst v63  }
0x1aa: {  	_ =	swait.ge [sflag:s16], $0x2800  }
0x1ab: {  	[sflag:s16] =	ssyncset.done $0x0  }
0x1ac: {  	s14 =	simm.s32 $0x880;
	[sflag:s16] =	ssyncadd.s32 $0xFFFFD800  }
0x1ad: {  	[tilespmem:s2], [sflag:$0x3] =	stream.indirect.gather [hbm4b:s1+s28], $0x80, s14, s28, $0xb8;
	[tilespmem:$0x1D800] =	vst v63  }
0x1ae: {  	_ =	swait.ge [sflag:s6], $0x2800  }
0x1af: {  	[sflag:s6] =	ssyncset.done $0x0  }
0x1b0: {  	s15 =	simm.s32 $0x1800;
	[sflag:s6] =	ssyncadd.s32 $0xFFFFD800  }
0x1b1: {  	[spmem:s3] =	stream.indirect.scatter.add.f32 [tilespmem:s31], [sflag:$0x5], $0x80, s15, s28, $0xb8;
	[tilespmem:$0x1D800] =	vst v63  }
0x1b2: {  	_ =	swait.ge [sflag:s9], $0x2800  }
0x1b3: {  	[sflag:s9] =	ssyncset.done $0x0  }
0x1b4: {  	s17 =	simm.s32 $0x900;
	[sflag:s9] =	ssyncadd.s32 $0xFFFFD800  }
0x1b5: {  	[tilespmem:s29], [sflag:$0x1] =	stream.indirect.gather [hbm4b:s1+s28], $0x80, s17, s28, $0xb8;
	[tilespmem:$0x1D800] =	vst v63  }
0x1b6: {  	_ =	swait.ge [sflag:s11], $0x2800  }
0x1b7: {  	[sflag:s11] =	ssyncset.done $0x0  }
0x1b8: {  	s18 =	simm.s32 $0x1880;
	[sflag:s11] =	ssyncadd.s32 $0xFFFFD800  }
0x1b9: {  	[spmem:s3] =	stream.indirect.scatter.add.f32 [tilespmem:s2], [sflag:$0x6], $0x80, s18, s28, $0xb8;
	[tilespmem:$0x1D800] =	vst v63  }
0x1ba: {  	_ =	swait.ge [sflag:s13], $0x2800  }
0x1bb: {  	[sflag:s13] =	ssyncset.done $0x0  }
0x1bc: {  	s19 =	simm.s32 $0x980;
	[sflag:s13] =	ssyncadd.s32 $0xFFFFD800  }
0x1bd: {  	[tilespmem:s31], [sflag:$0x2] =	stream.indirect.gather [hbm4b:s1+s28], $0x80, s19, s28, $0xb8;
	[tilespmem:$0x1D800] =	vst v63  }
0x1be: {  	_ =	swait.ge [sflag:s0], $0x2800  }
0x1bf: {  	[sflag:s0] =	ssyncset.done $0x0  }
0x1c0: {  	s20 =	simm.s32 $0x1900;
	[sflag:s0] =	ssyncadd.s32 $0xFFFFD800  }
0x1c1: {  	[spmem:s3] =	stream.indirect.scatter.add.f32 [tilespmem:s29], [sflag:$0x4], $0x80, s20, s28, $0xb8;
	[tilespmem:$0x1D800] =	vst v63  }
0x1c2: {  	_ =	swait.ge [sflag:s16], $0x2800  }
0x1c3: {  	[sflag:s16] =	ssyncset.done $0x0  }
0x1c4: {  	s21 =	simm.s32 $0xA00;
	[sflag:s16] =	ssyncadd.s32 $0xFFFFD800  }
0x1c5: {  	[tilespmem:s2], [sflag:$0x3] =	stream.indirect.gather [hbm4b:s1+s28], $0x80, s21, s28, $0xb8;
	[tilespmem:$0x1D800] =	vst v63  }
0x1c6: {  	_ =	swait.ge [sflag:s6], $0x2800  }
0x1c7: {  	[sflag:s6] =	ssyncset.done $0x0  }
0x1c8: {  	s22 =	simm.s32 $0x1980;
	[sflag:s6] =	ssyncadd.s32 $0xFFFFD800  }
0x1c9: {  	[spmem:s3] =	stream.indirect.scatter.add.f32 [tilespmem:s31], [sflag:$0x5], $0x80, s22, s28, $0xb8;
	[tilespmem:$0x1D800] =	vst v63  }
0x1ca: {  	_ =	swait.ge [sflag:s9], $0x2800  }
0x1cb: {  	[sflag:s9] =	ssyncset.done $0x0  }
0x1cc: {  	s23 =	simm.s32 $0xA80;
	[sflag:s9] =	ssyncadd.s32 $0xFFFFD800  }
0x1cd: {  	[tilespmem:s29], [sflag:$0x1] =	stream.indirect.gather [hbm4b:s1+s28], $0x80, s23, s28, $0xb8;
	[tilespmem:$0x1D800] =	vst v63  }
0x1ce: {  	_ =	swait.ge [sflag:s11], $0x2800  }
0x1cf: {  	[sflag:s11] =	ssyncset.done $0x0  }
0x1d0: {  	s24 =	simm.s32 $0x1A00;
	[sflag:s11] =	ssyncadd.s32 $0xFFFFD800  }
0x1d1: {  	[spmem:s3] =	stream.indirect.scatter.add.f32 [tilespmem:s2], [sflag:$0x6], $0x80, s24, s28, $0xb8;
	[tilespmem:$0x1D800] =	vst v63  }
0x1d2: {  	_ =	swait.ge [sflag:s13], $0x2800  }
0x1d3: {  	[sflag:s13] =	ssyncset.done $0x0  }
0x1d4: {  	s12 =	simm.s32 $0xB00;
	[sflag:s13] =	ssyncadd.s32 $0xFFFFD800  }
0x1d5: {  	[tilespmem:s31], [sflag:$0x2] =	stream.indirect.gather [hbm4b:s1+s28], $0x80, s12, s28, $0xb8;
	[tilespmem:$0x1D800] =	vst v63  }
0x1d6: {  	_ =	swait.ge [sflag:s0], $0x2800  }
0x1d7: {  	[sflag:s0] =	ssyncset.done $0x0  }
0x1d8: {  	s5 =	simm.s32 $0x1A80;
	[sflag:s0] =	ssyncadd.s32 $0xFFFFD800  }
0x1d9: {  	[spmem:s3] =	stream.indirect.scatter.add.f32 [tilespmem:s29], [sflag:$0x4], $0x80, s5, s28, $0xb8;
	[tilespmem:$0x1D800] =	vst v63  }
0x1da: {  	_ =	swait.ge [sflag:s16], $0x2800  }
0x1db: {  	[sflag:s16] =	ssyncset.done $0x0  }
0x1dc: {  	s5 =	simm.s32 $0xB80;
	[sflag:s16] =	ssyncadd.s32 $0xFFFFD800  }
0x1dd: {  	[tilespmem:s2], [sflag:$0x3] =	stream.indirect.gather [hbm4b:s1+s28], $0x80, s5, s28, $0xb8;
	[tilespmem:$0x1D800] =	vst v63  }
0x1de: {  	_ =	swait.ge [sflag:s6], $0x2800  }
0x1df: {  	[sflag:s6] =	ssyncset.done $0x0  }
0x1e0: {  	s5 =	simm.s32 $0x1B00;
	[sflag:s6] =	ssyncadd.s32 $0xFFFFD800  }
0x1e1: {  	[spmem:s3] =	stream.indirect.scatter.add.f32 [tilespmem:s31], [sflag:$0x5], $0x80, s5, s28, $0xb8;
	[tilespmem:$0x1D800] =	vst v63  }
0x1e2: {  	_ =	swait.ge [sflag:s9], $0x2800  }
0x1e3: {  	[sflag:s9] =	ssyncset.done $0x0  }
0x1e4: {  	s5 =	simm.s32 $0xC00;
	[sflag:s9] =	ssyncadd.s32 $0xFFFFD800  }
0x1e5: {  	[tilespmem:s29], [sflag:$0x1] =	stream.indirect.gather [hbm4b:s1+s28], $0x80, s5, s28, $0xb8;
	[tilespmem:$0x1D800] =	vst v63  }
0x1e6: {  	_ =	swait.ge [sflag:s11], $0x2800  }
0x1e7: {  	[sflag:s11] =	ssyncset.done $0x0  }
0x1e8: {  	s5 =	simm.s32 $0x1B80;
	[sflag:s11] =	ssyncadd.s32 $0xFFFFD800  }
0x1e9: {  	[spmem:s3] =	stream.indirect.scatter.add.f32 [tilespmem:s2], [sflag:$0x6], $0x80, s5, s28, $0xb8;
	[tilespmem:$0x1D800] =	vst v63  }
0x1ea: {  	_ =	swait.ge [sflag:s13], $0x2800  }
0x1eb: {  	[sflag:s13] =	ssyncset.done $0x0  }
0x1ec: {  	[sflag:s13] =	ssyncadd.s32 $0xFFFFD800  }
0x1ed: {  	_ =	swait.ge [sflag:s0], $0x2800  }
0x1ee: {  	[sflag:s0] =	ssyncset.done $0x0  }
0x1ef: {  	s5 =	simm.s32 $0x1C00;
	[sflag:s0] =	ssyncadd.s32 $0xFFFFD800  }
0x1f0: {  	[spmem:s3] =	stream.indirect.scatter.add.f32 [tilespmem:s29], [sflag:$0x4], $0x80, s5, s28, $0xb8;
	[tilespmem:$0x1D800] =	vst v63  }
0x1f1: {  	_ =	swait.ge [sflag:s16], $0x2800  }
0x1f2: {  	[sflag:s16] =	ssyncset.done $0x0  }
0x1f3: {  	[sflag:s16] =	ssyncadd.s32 $0xFFFFD800  }
0x1f4: {  	_ =	swait.ge [sflag:s9], $0x2800  }
0x1f5: {  	[sflag:s9] =	ssyncset.done $0x0  }
0x1f6: {  	s30 =	simm.s32 $0x0;
	s5 =	rddreg [dreg:$0x10];
	[sflag:s9] =	ssyncadd.s32 $0xFFFFD800  }
0x1f7: {  	[tilespmem:s30], [sflag:$0x7] =	stream.linear.gather [hbm4b:s5+s30], $0xC80, $0x38;
	[tilespmem:$0x1D800] =	vst v63  }
0x1f8: {  	_ =	swait.ge [sflag:s25], $0xC80  }
0x1f9: {  	[sflag:s25] =	ssyncset.done $0x0  }
0x1fa: {  	s26 =	simm.s32 $0x1000;
	s5 =	rddreg [dreg:$0x11];
	[sflag:s25] =	ssyncadd.s32 $0xFFFFF380  }
0x1fb: {  	[tilespmem:s26], [sflag:$0x7] =	stream.linear.gather [hbm4b:s5+s30], $0xC80, $0x38;
	[tilespmem:$0x1D800] =	vst v63  }
0x1fc: {  	_ =	swait.ge [sflag:s25], $0xC80  }
0x1fd: {  	[sflag:s25] =	ssyncset.done $0x0  }
0x1fe: {  	[sflag:s25] =	ssyncadd.s32 $0xFFFFF380  }
0x1ff: {  	[tilespmem:s29], [sflag:$0x1] =	stream.indirect.gather [hbm4b:s1+s28], $0x80, s30, s28, $0xb8;
	[tilespmem:$0x1D800] =	vst v63  }
0x200: {  	_ = 	snop  }
0x201: {  	[tilespmem:s31], [sflag:$0x2] =	stream.indirect.gather [hbm4b:s1+s28], $0x80, s10, s28, $0xb8;
	[tilespmem:$0x1D800] =	vst v63  }
0x202: {  	_ =	swait.ge [sflag:s0], $0x2800  }
0x203: {  	[sflag:s0] =	ssyncset.done $0x0  }
0x204: {  	[sflag:s0] =	ssyncadd.s32 $0xFFFFD800  }
0x205: {  	[spmem:s3] =	stream.indirect.scatter.add.f32 [tilespmem:s29], [sflag:$0x4], $0x80, s26, s28, $0xb8;
	[tilespmem:$0x1D800] =	vst v63  }
0x206: {  	s30 =	simm.s32 $0x100  }
0x207: {  	[tilespmem:s2], [sflag:$0x3] =	stream.indirect.gather [hbm4b:s1+s28], $0x80, s30, s28, $0xb8;
	[tilespmem:$0x1D800] =	vst v63  }
0x208: {  	_ =	swait.ge [sflag:s6], $0x2800  }
0x209: {  	[sflag:s6] =	ssyncset.done $0x0  }
0x20a: {  	s30 =	simm.s32 $0x1080;
	[sflag:s6] =	ssyncadd.s32 $0xFFFFD800  }
0x20b: {  	[spmem:s3] =	stream.indirect.scatter.add.f32 [tilespmem:s31], [sflag:$0x5], $0x80, s30, s28, $0xb8;
	[tilespmem:$0x1D800] =	vst v63  }
0x20c: {  	_ =	swait.ge [sflag:s9], $0x2800  }
0x20d: {  	[sflag:s9] =	ssyncset.done $0x0  }
0x20e: {  	s30 =	simm.s32 $0x180;
	[sflag:s9] =	ssyncadd.s32 $0xFFFFD800  }
0x20f: {  	[tilespmem:s29], [sflag:$0x1] =	stream.indirect.gather [hbm4b:s1+s28], $0x80, s30, s28, $0xb8;
	[tilespmem:$0x1D800] =	vst v63  }
0x210: {  	_ =	swait.ge [sflag:s11], $0x2800  }
0x211: {  	[sflag:s11] =	ssyncset.done $0x0  }
0x212: {  	s30 =	simm.s32 $0x1100;
	[sflag:s11] =	ssyncadd.s32 $0xFFFFD800  }
0x213: {  	[spmem:s3] =	stream.indirect.scatter.add.f32 [tilespmem:s2], [sflag:$0x6], $0x80, s30, s28, $0xb8;
	[tilespmem:$0x1D800] =	vst v63  }
0x214: {  	_ =	swait.ge [sflag:s13], $0x2800  }
0x215: {  	[sflag:s13] =	ssyncset.done $0x0  }
0x216: {  	s30 =	simm.s32 $0x200;
	[sflag:s13] =	ssyncadd.s32 $0xFFFFD800  }
0x217: {  	[tilespmem:s31], [sflag:$0x2] =	stream.indirect.gather [hbm4b:s1+s28], $0x80, s30, s28, $0xb8;
	[tilespmem:$0x1D800] =	vst v63  }
0x218: {  	_ =	swait.ge [sflag:s0], $0x2800  }
0x219: {  	[sflag:s0] =	ssyncset.done $0x0  }
0x21a: {  	s30 =	simm.s32 $0x1180;
	[sflag:s0] =	ssyncadd.s32 $0xFFFFD800  }
0x21b: {  	[spmem:s3] =	stream.indirect.scatter.add.f32 [tilespmem:s29], [sflag:$0x4], $0x80, s30, s28, $0xb8;
	[tilespmem:$0x1D800] =	vst v63  }
0x21c: {  	_ =	swait.ge [sflag:s16], $0x2800  }
0x21d: {  	[sflag:s16] =	ssyncset.done $0x0  }
0x21e: {  	s30 =	simm.s32 $0x280;
	[sflag:s16] =	ssyncadd.s32 $0xFFFFD800  }
0x21f: {  	[tilespmem:s2], [sflag:$0x3] =	stream.indirect.gather [hbm4b:s1+s28], $0x80, s30, s28, $0xb8;
	[tilespmem:$0x1D800] =	vst v63  }
0x220: {  	_ =	swait.ge [sflag:s6], $0x2800  }
0x221: {  	[sflag:s6] =	ssyncset.done $0x0  }
0x222: {  	s30 =	simm.s32 $0x1200;
	[sflag:s6] =	ssyncadd.s32 $0xFFFFD800  }
0x223: {  	[spmem:s3] =	stream.indirect.scatter.add.f32 [tilespmem:s31], [sflag:$0x5], $0x80, s30, s28, $0xb8;
	[tilespmem:$0x1D800] =	vst v63  }
0x224: {  	_ =	swait.ge [sflag:s9], $0x2800  }
0x225: {  	[sflag:s9] =	ssyncset.done $0x0  }
0x226: {  	s30 =	simm.s32 $0x300;
	[sflag:s9] =	ssyncadd.s32 $0xFFFFD800  }
0x227: {  	[tilespmem:s29], [sflag:$0x1] =	stream.indirect.gather [hbm4b:s1+s28], $0x80, s30, s28, $0xb8;
	[tilespmem:$0x1D800] =	vst v63  }
0x228: {  	_ =	swait.ge [sflag:s11], $0x2800  }
0x229: {  	[sflag:s11] =	ssyncset.done $0x0  }
0x22a: {  	s30 =	simm.s32 $0x1280;
	[sflag:s11] =	ssyncadd.s32 $0xFFFFD800  }
0x22b: {  	[spmem:s3] =	stream.indirect.scatter.add.f32 [tilespmem:s2], [sflag:$0x6], $0x80, s30, s28, $0xb8;
	[tilespmem:$0x1D800] =	vst v63  }
0x22c: {  	_ =	swait.ge [sflag:s13], $0x2800  }
0x22d: {  	[sflag:s13] =	ssyncset.done $0x0  }
0x22e: {  	s30 =	simm.s32 $0x380;
	[sflag:s13] =	ssyncadd.s32 $0xFFFFD800  }
0x22f: {  	[tilespmem:s31], [sflag:$0x2] =	stream.indirect.gather [hbm4b:s1+s28], $0x80, s30, s28, $0xb8;
	[tilespmem:$0x1D800] =	vst v63  }
0x230: {  	_ =	swait.ge [sflag:s0], $0x2800  }
0x231: {  	[sflag:s0] =	ssyncset.done $0x0  }
0x232: {  	s30 =	simm.s32 $0x1300;
	[sflag:s0] =	ssyncadd.s32 $0xFFFFD800  }
0x233: {  	[spmem:s3] =	stream.indirect.scatter.add.f32 [tilespmem:s29], [sflag:$0x4], $0x80, s30, s28, $0xb8;
	[tilespmem:$0x1D800] =	vst v63  }
0x234: {  	_ =	swait.ge [sflag:s16], $0x2800  }
0x235: {  	[sflag:s16] =	ssyncset.done $0x0  }
0x236: {  	s30 =	simm.s32 $0x400;
	[sflag:s16] =	ssyncadd.s32 $0xFFFFD800  }
0x237: {  	[tilespmem:s2], [sflag:$0x3] =	stream.indirect.gather [hbm4b:s1+s28], $0x80, s30, s28, $0xb8;
	[tilespmem:$0x1D800] =	vst v63  }
0x238: {  	_ =	swait.ge [sflag:s6], $0x2800  }
0x239: {  	[sflag:s6] =	ssyncset.done $0x0  }
0x23a: {  	s30 =	simm.s32 $0x1380;
	[sflag:s6] =	ssyncadd.s32 $0xFFFFD800  }
0x23b: {  	[spmem:s3] =	stream.indirect.scatter.add.f32 [tilespmem:s31], [sflag:$0x5], $0x80, s30, s28, $0xb8;
	[tilespmem:$0x1D800] =	vst v63  }
0x23c: {  	_ =	swait.ge [sflag:s9], $0x2800  }
0x23d: {  	[sflag:s9] =	ssyncset.done $0x0  }
0x23e: {  	s30 =	simm.s32 $0x480;
	[sflag:s9] =	ssyncadd.s32 $0xFFFFD800  }
0x23f: {  	[tilespmem:s29], [sflag:$0x1] =	stream.indirect.gather [hbm4b:s1+s28], $0x80, s30, s28, $0xb8;
	[tilespmem:$0x1D800] =	vst v63  }
0x240: {  	_ =	swait.ge [sflag:s11], $0x2800  }
0x241: {  	[sflag:s11] =	ssyncset.done $0x0  }
0x242: {  	s30 =	simm.s32 $0x1400;
	[sflag:s11] =	ssyncadd.s32 $0xFFFFD800  }
0x243: {  	[spmem:s3] =	stream.indirect.scatter.add.f32 [tilespmem:s2], [sflag:$0x6], $0x80, s30, s28, $0xb8;
	[tilespmem:$0x1D800] =	vst v63  }
0x244: {  	_ =	swait.ge [sflag:s13], $0x2800  }
0x245: {  	[sflag:s13] =	ssyncset.done $0x0  }
0x246: {  	s30 =	simm.s32 $0x500;
	[sflag:s13] =	ssyncadd.s32 $0xFFFFD800  }
0x247: {  	[tilespmem:s31], [sflag:$0x2] =	stream.indirect.gather [hbm4b:s1+s28], $0x80, s30, s28, $0xb8;
	[tilespmem:$0x1D800] =	vst v63  }
0x248: {  	_ =	swait.ge [sflag:s0], $0x2800  }
0x249: {  	[sflag:s0] =	ssyncset.done $0x0  }
0x24a: {  	s30 =	simm.s32 $0x1480;
	[sflag:s0] =	ssyncadd.s32 $0xFFFFD800  }
0x24b: {  	[spmem:s3] =	stream.indirect.scatter.add.f32 [tilespmem:s29], [sflag:$0x4], $0x80, s30, s28, $0xb8;
	[tilespmem:$0x1D800] =	vst v63  }
0x24c: {  	_ =	swait.ge [sflag:s16], $0x2800  }
0x24d: {  	[sflag:s16] =	ssyncset.done $0x0  }
0x24e: {  	s30 =	simm.s32 $0x580;
	[sflag:s16] =	ssyncadd.s32 $0xFFFFD800  }
0x24f: {  	[tilespmem:s2], [sflag:$0x3] =	stream.indirect.gather [hbm4b:s1+s28], $0x80, s30, s28, $0xb8;
	[tilespmem:$0x1D800] =	vst v63  }
0x250: {  	_ =	swait.ge [sflag:s6], $0x2800  }
0x251: {  	[sflag:s6] =	ssyncset.done $0x0  }
0x252: {  	s30 =	simm.s32 $0x1500;
	[sflag:s6] =	ssyncadd.s32 $0xFFFFD800  }
0x253: {  	[spmem:s3] =	stream.indirect.scatter.add.f32 [tilespmem:s31], [sflag:$0x5], $0x80, s30, s28, $0xb8;
	[tilespmem:$0x1D800] =	vst v63  }
0x254: {  	_ =	swait.ge [sflag:s9], $0x2800  }
0x255: {  	[sflag:s9] =	ssyncset.done $0x0  }
0x256: {  	s30 =	simm.s32 $0x600;
	[sflag:s9] =	ssyncadd.s32 $0xFFFFD800  }
0x257: {  	[tilespmem:s29], [sflag:$0x1] =	stream.indirect.gather [hbm4b:s1+s28], $0x80, s30, s28, $0xb8;
	[tilespmem:$0x1D800] =	vst v63  }
0x258: {  	_ =	swait.ge [sflag:s11], $0x2800  }
0x259: {  	[sflag:s11] =	ssyncset.done $0x0  }
0x25a: {  	s30 =	simm.s32 $0x1580;
	[sflag:s11] =	ssyncadd.s32 $0xFFFFD800  }
0x25b: {  	[spmem:s3] =	stream.indirect.scatter.add.f32 [tilespmem:s2], [sflag:$0x6], $0x80, s30, s28, $0xb8;
	[tilespmem:$0x1D800] =	vst v63  }
0x25c: {  	_ =	swait.ge [sflag:s13], $0x2800  }
0x25d: {  	[sflag:s13] =	ssyncset.done $0x0  }
0x25e: {  	s30 =	simm.s32 $0x680;
	[sflag:s13] =	ssyncadd.s32 $0xFFFFD800  }
0x25f: {  	[tilespmem:s31], [sflag:$0x2] =	stream.indirect.gather [hbm4b:s1+s28], $0x80, s30, s28, $0xb8;
	[tilespmem:$0x1D800] =	vst v63  }
0x260: {  	_ =	swait.ge [sflag:s0], $0x2800  }
0x261: {  	[sflag:s0] =	ssyncset.done $0x0  }
0x262: {  	s30 =	simm.s32 $0x1600;
	[sflag:s0] =	ssyncadd.s32 $0xFFFFD800  }
0x263: {  	[spmem:s3] =	stream.indirect.scatter.add.f32 [tilespmem:s29], [sflag:$0x4], $0x80, s30, s28, $0xb8;
	[tilespmem:$0x1D800] =	vst v63  }
0x264: {  	_ =	swait.ge [sflag:s16], $0x2800  }
0x265: {  	[sflag:s16] =	ssyncset.done $0x0  }
0x266: {  	s30 =	simm.s32 $0x700;
	[sflag:s16] =	ssyncadd.s32 $0xFFFFD800  }
0x267: {  	[tilespmem:s2], [sflag:$0x3] =	stream.indirect.gather [hbm4b:s1+s28], $0x80, s30, s28, $0xb8;
	[tilespmem:$0x1D800] =	vst v63  }
0x268: {  	_ =	swait.ge [sflag:s6], $0x2800  }
0x269: {  	[sflag:s6] =	ssyncset.done $0x0  }
0x26a: {  	s30 =	simm.s32 $0x1680;
	[sflag:s6] =	ssyncadd.s32 $0xFFFFD800  }
0x26b: {  	[spmem:s3] =	stream.indirect.scatter.add.f32 [tilespmem:s31], [sflag:$0x5], $0x80, s30, s28, $0xb8;
	[tilespmem:$0x1D800] =	vst v63  }
0x26c: {  	_ =	swait.ge [sflag:s9], $0x2800  }
0x26d: {  	[sflag:s9] =	ssyncset.done $0x0  }
0x26e: {  	s30 =	simm.s32 $0x780;
	[sflag:s9] =	ssyncadd.s32 $0xFFFFD800  }
0x26f: {  	[tilespmem:s29], [sflag:$0x1] =	stream.indirect.gather [hbm4b:s1+s28], $0x80, s30, s28, $0xb8;
	[tilespmem:$0x1D800] =	vst v63  }
0x270: {  	_ =	swait.ge [sflag:s11], $0x2800  }
0x271: {  	[sflag:s11] =	ssyncset.done $0x0  }
0x272: {  	[sflag:s11] =	ssyncadd.s32 $0xFFFFD800  }
0x273: {  	[spmem:s3] =	stream.indirect.scatter.add.f32 [tilespmem:s2], [sflag:$0x6], $0x80, s4, s28, $0xb8;
	[tilespmem:$0x1D800] =	vst v63  }
0x274: {  	_ =	swait.ge [sflag:s13], $0x2800  }
0x275: {  	[sflag:s13] =	ssyncset.done $0x0  }
0x276: {  	[sflag:s13] =	ssyncadd.s32 $0xFFFFD800  }
0x277: {  	[tilespmem:s31], [sflag:$0x2] =	stream.indirect.gather [hbm4b:s1+s28], $0x80, s7, s28, $0xb8;
	[tilespmem:$0x1D800] =	vst v63  }
0x278: {  	_ =	swait.ge [sflag:s0], $0x2800  }
0x279: {  	[sflag:s0] =	ssyncset.done $0x0  }
0x27a: {  	[sflag:s0] =	ssyncadd.s32 $0xFFFFD800  }
0x27b: {  	[spmem:s3] =	stream.indirect.scatter.add.f32 [tilespmem:s29], [sflag:$0x4], $0x80, s8, s28, $0xb8;
	[tilespmem:$0x1D800] =	vst v63  }
0x27c: {  	_ =	swait.ge [sflag:s16], $0x2800  }
0x27d: {  	[sflag:s16] =	ssyncset.done $0x0  }
0x27e: {  	[sflag:s16] =	ssyncadd.s32 $0xFFFFD800  }
0x27f: {  	[tilespmem:s2], [sflag:$0x3] =	stream.indirect.gather [hbm4b:s1+s28], $0x80, s14, s28, $0xb8;
	[tilespmem:$0x1D800] =	vst v63  }
0x280: {  	_ =	swait.ge [sflag:s6], $0x2800  }
0x281: {  	[sflag:s6] =	ssyncset.done $0x0  }
0x282: {  	[sflag:s6] =	ssyncadd.s32 $0xFFFFD800  }
0x283: {  	[spmem:s3] =	stream.indirect.scatter.add.f32 [tilespmem:s31], [sflag:$0x5], $0x80, s15, s28, $0xb8;
	[tilespmem:$0x1D800] =	vst v63  }
0x284: {  	_ =	swait.ge [sflag:s9], $0x2800  }
0x285: {  	[sflag:s9] =	ssyncset.done $0x0  }
0x286: {  	[sflag:s9] =	ssyncadd.s32 $0xFFFFD800  }
0x287: {  	[tilespmem:s29], [sflag:$0x1] =	stream.indirect.gather [hbm4b:s1+s28], $0x80, s17, s28, $0xb8;
	[tilespmem:$0x1D800] =	vst v63  }
0x288: {  	_ =	swait.ge [sflag:s11], $0x2800  }
0x289: {  	[sflag:s11] =	ssyncset.done $0x0  }
0x28a: {  	[sflag:s11] =	ssyncadd.s32 $0xFFFFD800  }
0x28b: {  	[spmem:s3] =	stream.indirect.scatter.add.f32 [tilespmem:s2], [sflag:$0x6], $0x80, s18, s28, $0xb8;
	[tilespmem:$0x1D800] =	vst v63  }
0x28c: {  	_ =	swait.ge [sflag:s13], $0x2800  }
0x28d: {  	[sflag:s13] =	ssyncset.done $0x0  }
0x28e: {  	[sflag:s13] =	ssyncadd.s32 $0xFFFFD800  }
0x28f: {  	[tilespmem:s31], [sflag:$0x2] =	stream.indirect.gather [hbm4b:s1+s28], $0x80, s19, s28, $0xb8;
	[tilespmem:$0x1D800] =	vst v63  }
0x290: {  	_ =	swait.ge [sflag:s0], $0x2800  }
0x291: {  	[sflag:s0] =	ssyncset.done $0x0  }
0x292: {  	[sflag:s0] =	ssyncadd.s32 $0xFFFFD800  }
0x293: {  	[spmem:s3] =	stream.indirect.scatter.add.f32 [tilespmem:s29], [sflag:$0x4], $0x80, s20, s28, $0xb8;
	[tilespmem:$0x1D800] =	vst v63  }
0x294: {  	_ =	swait.ge [sflag:s16], $0x2800  }
0x295: {  	[sflag:s16] =	ssyncset.done $0x0  }
0x296: {  	[sflag:s16] =	ssyncadd.s32 $0xFFFFD800  }
0x297: {  	[tilespmem:s2], [sflag:$0x3] =	stream.indirect.gather [hbm4b:s1+s28], $0x80, s21, s28, $0xb8;
	[tilespmem:$0x1D800] =	vst v63  }
0x298: {  	_ =	swait.ge [sflag:s6], $0x2800  }
0x299: {  	[sflag:s6] =	ssyncset.done $0x0  }
0x29a: {  	[sflag:s6] =	ssyncadd.s32 $0xFFFFD800  }
0x29b: {  	[spmem:s3] =	stream.indirect.scatter.add.f32 [tilespmem:s31], [sflag:$0x5], $0x80, s22, s28, $0xb8;
	[tilespmem:$0x1D800] =	vst v63  }
0x29c: {  	_ =	swait.ge [sflag:s9], $0x2800  }
0x29d: {  	[sflag:s9] =	ssyncset.done $0x0  }
0x29e: {  	[sflag:s9] =	ssyncadd.s32 $0xFFFFD800  }
0x29f: {  	[tilespmem:s29], [sflag:$0x1] =	stream.indirect.gather [hbm4b:s1+s28], $0x80, s23, s28, $0xb8;
	[tilespmem:$0x1D800] =	vst v63  }
0x2a0: {  	_ =	swait.ge [sflag:s11], $0x2800  }
0x2a1: {  	[sflag:s11] =	ssyncset.done $0x0  }
0x2a2: {  	[sflag:s11] =	ssyncadd.s32 $0xFFFFD800  }
0x2a3: {  	[spmem:s3] =	stream.indirect.scatter.add.f32 [tilespmem:s2], [sflag:$0x6], $0x80, s24, s28, $0xb8;
	[tilespmem:$0x1D800] =	vst v63  }
0x2a4: {  	_ =	swait.ge [sflag:s13], $0x2800  }
0x2a5: {  	[sflag:s13] =	ssyncset.done $0x0  }
0x2a6: {  	[sflag:s13] =	ssyncadd.s32 $0xFFFFD800  }
0x2a7: {  	[tilespmem:s31], [sflag:$0x2] =	stream.indirect.gather [hbm4b:s1+s28], $0x80, s12, s28, $0xb8;
	[tilespmem:$0x1D800] =	vst v63  }
0x2a8: {  	_ =	swait.ge [sflag:s0], $0x2800  }
0x2a9: {  	[sflag:s0] =	ssyncset.done $0x0  }
0x2aa: {  	s30 =	simm.s32 $0x1A80;
	[sflag:s0] =	ssyncadd.s32 $0xFFFFD800  }
0x2ab: {  	[spmem:s3] =	stream.indirect.scatter.add.f32 [tilespmem:s29], [sflag:$0x4], $0x80, s30, s28, $0xb8;
	[tilespmem:$0x1D800] =	vst v63  }
0x2ac: {  	_ =	swait.ge [sflag:s16], $0x2800  }
0x2ad: {  	[sflag:s16] =	ssyncset.done $0x0  }
0x2ae: {  	s4 =	simm.s32 $0xB80;
	[sflag:s16] =	ssyncadd.s32 $0xFFFFD800  }
0x2af: {  	[tilespmem:s2], [sflag:$0x3] =	stream.indirect.gather [hbm4b:s1+s28], $0x80, s4, s28, $0xb8;
	[tilespmem:$0x1D800] =	vst v63  }
0x2b0: {  	_ =	swait.ge [sflag:s6], $0x2800  }
0x2b1: {  	[sflag:s6] =	ssyncset.done $0x0  }
0x2b2: {  	s7 =	simm.s32 $0x1B00;
	[sflag:s6] =	ssyncadd.s32 $0xFFFFD800  }
0x2b3: {  	[spmem:s3] =	stream.indirect.scatter.add.f32 [tilespmem:s31], [sflag:$0x5], $0x80, s7, s28, $0xb8;
	[tilespmem:$0x1D800] =	vst v63  }
0x2b4: {  	_ =	swait.ge [sflag:s9], $0x2800  }
0x2b5: {  	[sflag:s9] =	ssyncset.done $0x0  }
0x2b6: {  	s8 =	simm.s32 $0xC00;
	[sflag:s9] =	ssyncadd.s32 $0xFFFFD800  }
0x2b7: {  	[tilespmem:s29], [sflag:$0x1] =	stream.indirect.gather [hbm4b:s1+s28], $0x80, s8, s28, $0xb8;
	[tilespmem:$0x1D800] =	vst v63  }
0x2b8: {  	_ =	swait.ge [sflag:s11], $0x2800  }
0x2b9: {  	[sflag:s11] =	ssyncset.done $0x0  }
0x2ba: {  	s14 =	simm.s32 $0x1B80;
	[sflag:s11] =	ssyncadd.s32 $0xFFFFD800  }
0x2bb: {  	[spmem:s3] =	stream.indirect.scatter.add.f32 [tilespmem:s2], [sflag:$0x6], $0x80, s14, s28, $0xb8;
	[tilespmem:$0x1D800] =	vst v63  }
0x2bc: {  	_ =	swait.ge [sflag:s13], $0x2800  }
0x2bd: {  	[sflag:s13] =	ssyncset.done $0x0  }
0x2be: {  	[sflag:s13] =	ssyncadd.s32 $0xFFFFD800  }
0x2bf: {  	_ =	swait.ge [sflag:s0], $0x2800  }
0x2c0: {  	[sflag:s0] =	ssyncset.done $0x0  }
0x2c1: {  	s15 =	simm.s32 $0x1C00;
	[sflag:s0] =	ssyncadd.s32 $0xFFFFD800  }
0x2c2: {  	[spmem:s3] =	stream.indirect.scatter.add.f32 [tilespmem:s29], [sflag:$0x4], $0x80, s15, s28, $0xb8;
	[tilespmem:$0x1D800] =	vst v63  }
0x2c3: {  	_ =	swait.ge [sflag:s16], $0x2800  }
0x2c4: {  	[sflag:s16] =	ssyncset.done $0x0  }
0x2c5: {  	[sflag:s16] =	ssyncadd.s32 $0xFFFFD800  }
0x2c6: {  	_ =	swait.ge [sflag:s9], $0x2800  }
0x2c7: {  	[sflag:s9] =	ssyncset.done $0x0  }
0x2c8: {  	s12 =	simm.s32 $0x0;
	s24 =	rddreg [dreg:$0x12];
	[sflag:s9] =	ssyncadd.s32 $0xFFFFD800  }
0x2c9: {  	[tilespmem:s12], [sflag:$0x7] =	stream.linear.gather [hbm4b:s24+s12], $0xC80, $0x38;
	[tilespmem:$0x1D800] =	vst v63  }
0x2ca: {  	_ =	swait.ge [sflag:s25], $0xC80  }
0x2cb: {  	[sflag:s25] =	ssyncset.done $0x0  }
0x2cc: {  	s17 =	rddreg [dreg:$0x13];
	[sflag:s25] =	ssyncadd.s32 $0xFFFFF380  }
0x2cd: {  	[tilespmem:s26], [sflag:$0x7] =	stream.linear.gather [hbm4b:s17+s12], $0xC80, $0x38;
	[tilespmem:$0x1D800] =	vst v63  }
0x2ce: {  	_ =	swait.ge [sflag:s25], $0xC80  }
0x2cf: {  	[sflag:s25] =	ssyncset.done $0x0  }
0x2d0: {  	[sflag:s25] =	ssyncadd.s32 $0xFFFFF380  }
0x2d1: {  	[tilespmem:s29], [sflag:$0x1] =	stream.indirect.gather [hbm4b:s1+s28], $0x80, s12, s28, $0xb8;
	[tilespmem:$0x1D800] =	vst v63  }
0x2d2: {  	_ = 	snop  }
0x2d3: {  	[tilespmem:s31], [sflag:$0x2] =	stream.indirect.gather [hbm4b:s1+s28], $0x80, s10, s28, $0xb8;
	[tilespmem:$0x1D800] =	vst v63  }
0x2d4: {  	_ =	swait.ge [sflag:s0], $0x2800  }
0x2d5: {  	[sflag:s0] =	ssyncset.done $0x0  }
0x2d6: {  	[sflag:s0] =	ssyncadd.s32 $0xFFFFD800  }
0x2d7: {  	[spmem:s3] =	stream.indirect.scatter.add.f32 [tilespmem:s29], [sflag:$0x4], $0x80, s26, s28, $0xb8;
	[tilespmem:$0x1D800] =	vst v63  }
0x2d8: {  	s18 =	simm.s32 $0x100  }
0x2d9: {  	[tilespmem:s2], [sflag:$0x3] =	stream.indirect.gather [hbm4b:s1+s28], $0x80, s18, s28, $0xb8;
	[tilespmem:$0x1D800] =	vst v63  }
0x2da: {  	_ =	swait.ge [sflag:s6], $0x2800  }
0x2db: {  	[sflag:s6] =	ssyncset.done $0x0  }
0x2dc: {  	s19 =	simm.s32 $0x1080;
	[sflag:s6] =	ssyncadd.s32 $0xFFFFD800  }
0x2dd: {  	[spmem:s3] =	stream.indirect.scatter.add.f32 [tilespmem:s31], [sflag:$0x5], $0x80, s19, s28, $0xb8;
	[tilespmem:$0x1D800] =	vst v63  }
0x2de: {  	_ =	swait.ge [sflag:s9], $0x2800  }
0x2df: {  	[sflag:s9] =	ssyncset.done $0x0  }
0x2e0: {  	s20 =	simm.s32 $0x180;
	[sflag:s9] =	ssyncadd.s32 $0xFFFFD800  }
0x2e1: {  	[tilespmem:s29], [sflag:$0x1] =	stream.indirect.gather [hbm4b:s1+s28], $0x80, s20, s28, $0xb8;
	[tilespmem:$0x1D800] =	vst v63  }
0x2e2: {  	_ =	swait.ge [sflag:s11], $0x2800  }
0x2e3: {  	[sflag:s11] =	ssyncset.done $0x0  }
0x2e4: {  	s21 =	simm.s32 $0x1100;
	[sflag:s11] =	ssyncadd.s32 $0xFFFFD800  }
0x2e5: {  	[spmem:s3] =	stream.indirect.scatter.add.f32 [tilespmem:s2], [sflag:$0x6], $0x80, s21, s28, $0xb8;
	[tilespmem:$0x1D800] =	vst v63  }
0x2e6: {  	_ =	swait.ge [sflag:s13], $0x2800  }
0x2e7: {  	[sflag:s13] =	ssyncset.done $0x0  }
0x2e8: {  	s22 =	simm.s32 $0x200;
	[sflag:s13] =	ssyncadd.s32 $0xFFFFD800  }
0x2e9: {  	[tilespmem:s31], [sflag:$0x2] =	stream.indirect.gather [hbm4b:s1+s28], $0x80, s22, s28, $0xb8;
	[tilespmem:$0x1D800] =	vst v63  }
0x2ea: {  	_ =	swait.ge [sflag:s0], $0x2800  }
0x2eb: {  	[sflag:s0] =	ssyncset.done $0x0  }
0x2ec: {  	s23 =	simm.s32 $0x1180;
	[sflag:s0] =	ssyncadd.s32 $0xFFFFD800  }
0x2ed: {  	[spmem:s3] =	stream.indirect.scatter.add.f32 [tilespmem:s29], [sflag:$0x4], $0x80, s23, s28, $0xb8;
	[tilespmem:$0x1D800] =	vst v63  }
0x2ee: {  	_ =	swait.ge [sflag:s16], $0x2800  }
0x2ef: {  	[sflag:s16] =	ssyncset.done $0x0  }
0x2f0: {  	s24 =	simm.s32 $0x280;
	[sflag:s16] =	ssyncadd.s32 $0xFFFFD800  }
0x2f1: {  	[tilespmem:s2], [sflag:$0x3] =	stream.indirect.gather [hbm4b:s1+s28], $0x80, s24, s28, $0xb8;
	[tilespmem:$0x1D800] =	vst v63  }
0x2f2: {  	_ =	swait.ge [sflag:s6], $0x2800  }
0x2f3: {  	[sflag:s6] =	ssyncset.done $0x0  }
0x2f4: {  	s17 =	simm.s32 $0x1200;
	[sflag:s6] =	ssyncadd.s32 $0xFFFFD800  }
0x2f5: {  	[spmem:s3] =	stream.indirect.scatter.add.f32 [tilespmem:s31], [sflag:$0x5], $0x80, s17, s28, $0xb8;
	[tilespmem:$0x1D800] =	vst v63  }
0x2f6: {  	_ =	swait.ge [sflag:s9], $0x2800  }
0x2f7: {  	[sflag:s9] =	ssyncset.done $0x0  }
0x2f8: {  	s17 =	simm.s32 $0x300;
	[sflag:s9] =	ssyncadd.s32 $0xFFFFD800  }
0x2f9: {  	[tilespmem:s29], [sflag:$0x1] =	stream.indirect.gather [hbm4b:s1+s28], $0x80, s17, s28, $0xb8;
	[tilespmem:$0x1D800] =	vst v63  }
0x2fa: {  	_ =	swait.ge [sflag:s11], $0x2800  }
0x2fb: {  	[sflag:s11] =	ssyncset.done $0x0  }
0x2fc: {  	s17 =	simm.s32 $0x1280;
	[sflag:s11] =	ssyncadd.s32 $0xFFFFD800  }
0x2fd: {  	[spmem:s3] =	stream.indirect.scatter.add.f32 [tilespmem:s2], [sflag:$0x6], $0x80, s17, s28, $0xb8;
	[tilespmem:$0x1D800] =	vst v63  }
0x2fe: {  	_ =	swait.ge [sflag:s13], $0x2800  }
0x2ff: {  	[sflag:s13] =	ssyncset.done $0x0  }
0x300: {  	s17 =	simm.s32 $0x380;
	[sflag:s13] =	ssyncadd.s32 $0xFFFFD800  }
0x301: {  	[tilespmem:s31], [sflag:$0x2] =	stream.indirect.gather [hbm4b:s1+s28], $0x80, s17, s28, $0xb8;
	[tilespmem:$0x1D800] =	vst v63  }
0x302: {  	_ =	swait.ge [sflag:s0], $0x2800  }
0x303: {  	[sflag:s0] =	ssyncset.done $0x0  }
0x304: {  	s17 =	simm.s32 $0x1300;
	[sflag:s0] =	ssyncadd.s32 $0xFFFFD800  }
0x305: {  	[spmem:s3] =	stream.indirect.scatter.add.f32 [tilespmem:s29], [sflag:$0x4], $0x80, s17, s28, $0xb8;
	[tilespmem:$0x1D800] =	vst v63  }
0x306: {  	_ =	swait.ge [sflag:s16], $0x2800  }
0x307: {  	[sflag:s16] =	ssyncset.done $0x0  }
0x308: {  	s17 =	simm.s32 $0x400;
	[sflag:s16] =	ssyncadd.s32 $0xFFFFD800  }
0x309: {  	[tilespmem:s2], [sflag:$0x3] =	stream.indirect.gather [hbm4b:s1+s28], $0x80, s17, s28, $0xb8;
	[tilespmem:$0x1D800] =	vst v63  }
0x30a: {  	_ =	swait.ge [sflag:s6], $0x2800  }
0x30b: {  	[sflag:s6] =	ssyncset.done $0x0  }
0x30c: {  	s5 =	simm.s32 $0x1380;
	[sflag:s6] =	ssyncadd.s32 $0xFFFFD800  }
0x30d: {  	[spmem:s3] =	stream.indirect.scatter.add.f32 [tilespmem:s31], [sflag:$0x5], $0x80, s5, s28, $0xb8;
	[tilespmem:$0x1D800] =	vst v63  }
0x30e: {  	_ =	swait.ge [sflag:s9], $0x2800  }
0x30f: {  	[sflag:s9] =	ssyncset.done $0x0  }
0x310: {  	s5 =	simm.s32 $0x480;
	[sflag:s9] =	ssyncadd.s32 $0xFFFFD800  }
0x311: {  	[tilespmem:s29], [sflag:$0x1] =	stream.indirect.gather [hbm4b:s1+s28], $0x80, s5, s28, $0xb8;
	[tilespmem:$0x1D800] =	vst v63  }
0x312: {  	_ =	swait.ge [sflag:s11], $0x2800  }
0x313: {  	[sflag:s11] =	ssyncset.done $0x0  }
0x314: {  	s5 =	simm.s32 $0x1400;
	[sflag:s11] =	ssyncadd.s32 $0xFFFFD800  }
0x315: {  	[spmem:s3] =	stream.indirect.scatter.add.f32 [tilespmem:s2], [sflag:$0x6], $0x80, s5, s28, $0xb8;
	[tilespmem:$0x1D800] =	vst v63  }
0x316: {  	_ =	swait.ge [sflag:s13], $0x2800  }
0x317: {  	[sflag:s13] =	ssyncset.done $0x0  }
0x318: {  	s5 =	simm.s32 $0x500;
	[sflag:s13] =	ssyncadd.s32 $0xFFFFD800  }
0x319: {  	[tilespmem:s31], [sflag:$0x2] =	stream.indirect.gather [hbm4b:s1+s28], $0x80, s5, s28, $0xb8;
	[tilespmem:$0x1D800] =	vst v63  }
0x31a: {  	_ =	swait.ge [sflag:s0], $0x2800  }
0x31b: {  	[sflag:s0] =	ssyncset.done $0x0  }
0x31c: {  	s5 =	simm.s32 $0x1480;
	[sflag:s0] =	ssyncadd.s32 $0xFFFFD800  }
0x31d: {  	[spmem:s3] =	stream.indirect.scatter.add.f32 [tilespmem:s29], [sflag:$0x4], $0x80, s5, s28, $0xb8;
	[tilespmem:$0x1D800] =	vst v63  }
0x31e: {  	_ =	swait.ge [sflag:s16], $0x2800  }
0x31f: {  	[sflag:s16] =	ssyncset.done $0x0  }
0x320: {  	s5 =	simm.s32 $0x580;
	[sflag:s16] =	ssyncadd.s32 $0xFFFFD800  }
0x321: {  	[tilespmem:s2], [sflag:$0x3] =	stream.indirect.gather [hbm4b:s1+s28], $0x80, s5, s28, $0xb8;
	[tilespmem:$0x1D800] =	vst v63  }
0x322: {  	_ =	swait.ge [sflag:s6], $0x2800  }
0x323: {  	[sflag:s6] =	ssyncset.done $0x0  }
0x324: {  	s5 =	simm.s32 $0x1500;
	[sflag:s6] =	ssyncadd.s32 $0xFFFFD800  }
0x325: {  	[spmem:s3] =	stream.indirect.scatter.add.f32 [tilespmem:s31], [sflag:$0x5], $0x80, s5, s28, $0xb8;
	[tilespmem:$0x1D800] =	vst v63  }
0x326: {  	_ =	swait.ge [sflag:s9], $0x2800  }
0x327: {  	[sflag:s9] =	ssyncset.done $0x0  }
0x328: {  	s5 =	simm.s32 $0x600;
	[sflag:s9] =	ssyncadd.s32 $0xFFFFD800  }
0x329: {  	[tilespmem:s29], [sflag:$0x1] =	stream.indirect.gather [hbm4b:s1+s28], $0x80, s5, s28, $0xb8;
	[tilespmem:$0x1D800] =	vst v63  }
0x32a: {  	_ =	swait.ge [sflag:s11], $0x2800  }
0x32b: {  	[sflag:s11] =	ssyncset.done $0x0  }
0x32c: {  	s5 =	simm.s32 $0x1580;
	[sflag:s11] =	ssyncadd.s32 $0xFFFFD800  }
0x32d: {  	[spmem:s3] =	stream.indirect.scatter.add.f32 [tilespmem:s2], [sflag:$0x6], $0x80, s5, s28, $0xb8;
	[tilespmem:$0x1D800] =	vst v63  }
0x32e: {  	_ =	swait.ge [sflag:s13], $0x2800  }
0x32f: {  	[sflag:s13] =	ssyncset.done $0x0  }
0x330: {  	s5 =	simm.s32 $0x680;
	[sflag:s13] =	ssyncadd.s32 $0xFFFFD800  }
0x331: {  	[tilespmem:s31], [sflag:$0x2] =	stream.indirect.gather [hbm4b:s1+s28], $0x80, s5, s28, $0xb8;
	[tilespmem:$0x1D800] =	vst v63  }
0x332: {  	_ =	swait.ge [sflag:s0], $0x2800  }
0x333: {  	[sflag:s0] =	ssyncset.done $0x0  }
0x334: {  	s5 =	simm.s32 $0x1600;
	[sflag:s0] =	ssyncadd.s32 $0xFFFFD800  }
0x335: {  	[spmem:s3] =	stream.indirect.scatter.add.f32 [tilespmem:s29], [sflag:$0x4], $0x80, s5, s28, $0xb8;
	[tilespmem:$0x1D800] =	vst v63  }
0x336: {  	_ =	swait.ge [sflag:s16], $0x2800  }
0x337: {  	[sflag:s16] =	ssyncset.done $0x0  }
0x338: {  	s5 =	simm.s32 $0x700;
	[sflag:s16] =	ssyncadd.s32 $0xFFFFD800  }
0x339: {  	[tilespmem:s2], [sflag:$0x3] =	stream.indirect.gather [hbm4b:s1+s28], $0x80, s5, s28, $0xb8;
	[tilespmem:$0x1D800] =	vst v63  }
0x33a: {  	_ =	swait.ge [sflag:s6], $0x2800  }
0x33b: {  	[sflag:s6] =	ssyncset.done $0x0  }
0x33c: {  	s5 =	simm.s32 $0x1680;
	[sflag:s6] =	ssyncadd.s32 $0xFFFFD800  }
0x33d: {  	[spmem:s3] =	stream.indirect.scatter.add.f32 [tilespmem:s31], [sflag:$0x5], $0x80, s5, s28, $0xb8;
	[tilespmem:$0x1D800] =	vst v63  }
0x33e: {  	_ =	swait.ge [sflag:s9], $0x2800  }
0x33f: {  	[sflag:s9] =	ssyncset.done $0x0  }
0x340: {  	s5 =	simm.s32 $0x780;
	[sflag:s9] =	ssyncadd.s32 $0xFFFFD800  }
0x341: {  	[tilespmem:s29], [sflag:$0x1] =	stream.indirect.gather [hbm4b:s1+s28], $0x80, s5, s28, $0xb8;
	[tilespmem:$0x1D800] =	vst v63  }
0x342: {  	_ =	swait.ge [sflag:s11], $0x2800  }
0x343: {  	[sflag:s11] =	ssyncset.done $0x0  }
0x344: {  	s5 =	simm.s32 $0x1700;
	[sflag:s11] =	ssyncadd.s32 $0xFFFFD800  }
0x345: {  	[spmem:s3] =	stream.indirect.scatter.add.f32 [tilespmem:s2], [sflag:$0x6], $0x80, s5, s28, $0xb8;
	[tilespmem:$0x1D800] =	vst v63  }
0x346: {  	_ =	swait.ge [sflag:s13], $0x2800  }
0x347: {  	[sflag:s13] =	ssyncset.done $0x0  }
0x348: {  	s5 =	simm.s32 $0x800;
	[sflag:s13] =	ssyncadd.s32 $0xFFFFD800  }
0x349: {  	[tilespmem:s31], [sflag:$0x2] =	stream.indirect.gather [hbm4b:s1+s28], $0x80, s5, s28, $0xb8;
	[tilespmem:$0x1D800] =	vst v63  }
0x34a: {  	_ =	swait.ge [sflag:s0], $0x2800  }
0x34b: {  	[sflag:s0] =	ssyncset.done $0x0  }
0x34c: {  	s5 =	simm.s32 $0x1780;
	[sflag:s0] =	ssyncadd.s32 $0xFFFFD800  }
0x34d: {  	[spmem:s3] =	stream.indirect.scatter.add.f32 [tilespmem:s29], [sflag:$0x4], $0x80, s5, s28, $0xb8;
	[tilespmem:$0x1D800] =	vst v63  }
0x34e: {  	_ =	swait.ge [sflag:s16], $0x2800  }
0x34f: {  	[sflag:s16] =	ssyncset.done $0x0  }
0x350: {  	s5 =	simm.s32 $0x880;
	[sflag:s16] =	ssyncadd.s32 $0xFFFFD800  }
0x351: {  	[tilespmem:s2], [sflag:$0x3] =	stream.indirect.gather [hbm4b:s1+s28], $0x80, s5, s28, $0xb8;
	[tilespmem:$0x1D800] =	vst v63  }
0x352: {  	_ =	swait.ge [sflag:s6], $0x2800  }
0x353: {  	[sflag:s6] =	ssyncset.done $0x0  }
0x354: {  	s5 =	simm.s32 $0x1800;
	[sflag:s6] =	ssyncadd.s32 $0xFFFFD800  }
0x355: {  	[spmem:s3] =	stream.indirect.scatter.add.f32 [tilespmem:s31], [sflag:$0x5], $0x80, s5, s28, $0xb8;
	[tilespmem:$0x1D800] =	vst v63  }
0x356: {  	_ =	swait.ge [sflag:s9], $0x2800  }
0x357: {  	[sflag:s9] =	ssyncset.done $0x0  }
0x358: {  	s5 =	simm.s32 $0x900;
	[sflag:s9] =	ssyncadd.s32 $0xFFFFD800  }
0x359: {  	[tilespmem:s29], [sflag:$0x1] =	stream.indirect.gather [hbm4b:s1+s28], $0x80, s5, s28, $0xb8;
	[tilespmem:$0x1D800] =	vst v63  }
0x35a: {  	_ =	swait.ge [sflag:s11], $0x2800  }
0x35b: {  	[sflag:s11] =	ssyncset.done $0x0  }
0x35c: {  	s5 =	simm.s32 $0x1880;
	[sflag:s11] =	ssyncadd.s32 $0xFFFFD800  }
0x35d: {  	[spmem:s3] =	stream.indirect.scatter.add.f32 [tilespmem:s2], [sflag:$0x6], $0x80, s5, s28, $0xb8;
	[tilespmem:$0x1D800] =	vst v63  }
0x35e: {  	_ =	swait.ge [sflag:s13], $0x2800  }
0x35f: {  	[sflag:s13] =	ssyncset.done $0x0  }
0x360: {  	s5 =	simm.s32 $0x980;
	[sflag:s13] =	ssyncadd.s32 $0xFFFFD800  }
0x361: {  	[tilespmem:s31], [sflag:$0x2] =	stream.indirect.gather [hbm4b:s1+s28], $0x80, s5, s28, $0xb8;
	[tilespmem:$0x1D800] =	vst v63  }
0x362: {  	_ =	swait.ge [sflag:s0], $0x2800  }
0x363: {  	[sflag:s0] =	ssyncset.done $0x0  }
0x364: {  	s5 =	simm.s32 $0x1900;
	[sflag:s0] =	ssyncadd.s32 $0xFFFFD800  }
0x365: {  	[spmem:s3] =	stream.indirect.scatter.add.f32 [tilespmem:s29], [sflag:$0x4], $0x80, s5, s28, $0xb8;
	[tilespmem:$0x1D800] =	vst v63  }
0x366: {  	_ =	swait.ge [sflag:s16], $0x2800  }
0x367: {  	[sflag:s16] =	ssyncset.done $0x0  }
0x368: {  	s5 =	simm.s32 $0xA00;
	[sflag:s16] =	ssyncadd.s32 $0xFFFFD800  }
0x369: {  	[tilespmem:s2], [sflag:$0x3] =	stream.indirect.gather [hbm4b:s1+s28], $0x80, s5, s28, $0xb8;
	[tilespmem:$0x1D800] =	vst v63  }
0x36a: {  	_ =	swait.ge [sflag:s6], $0x2800  }
0x36b: {  	[sflag:s6] =	ssyncset.done $0x0  }
0x36c: {  	s5 =	simm.s32 $0x1980;
	[sflag:s6] =	ssyncadd.s32 $0xFFFFD800  }
0x36d: {  	[spmem:s3] =	stream.indirect.scatter.add.f32 [tilespmem:s31], [sflag:$0x5], $0x80, s5, s28, $0xb8;
	[tilespmem:$0x1D800] =	vst v63  }
0x36e: {  	_ =	swait.ge [sflag:s9], $0x2800  }
0x36f: {  	[sflag:s9] =	ssyncset.done $0x0  }
0x370: {  	s5 =	simm.s32 $0xA80;
	[sflag:s9] =	ssyncadd.s32 $0xFFFFD800  }
0x371: {  	[tilespmem:s29], [sflag:$0x1] =	stream.indirect.gather [hbm4b:s1+s28], $0x80, s5, s28, $0xb8;
	[tilespmem:$0x1D800] =	vst v63  }
0x372: {  	_ =	swait.ge [sflag:s11], $0x2800  }
0x373: {  	[sflag:s11] =	ssyncset.done $0x0  }
0x374: {  	s5 =	simm.s32 $0x1A00;
	[sflag:s11] =	ssyncadd.s32 $0xFFFFD800  }
0x375: {  	[spmem:s3] =	stream.indirect.scatter.add.f32 [tilespmem:s2], [sflag:$0x6], $0x80, s5, s28, $0xb8;
	[tilespmem:$0x1D800] =	vst v63  }
0x376: {  	_ =	swait.ge [sflag:s13], $0x2800  }
0x377: {  	[sflag:s13] =	ssyncset.done $0x0  }
0x378: {  	s5 =	simm.s32 $0xB00;
	[sflag:s13] =	ssyncadd.s32 $0xFFFFD800  }
0x379: {  	[tilespmem:s31], [sflag:$0x2] =	stream.indirect.gather [hbm4b:s1+s28], $0x80, s5, s28, $0xb8;
	[tilespmem:$0x1D800] =	vst v63  }
0x37a: {  	_ =	swait.ge [sflag:s0], $0x2800  }
0x37b: {  	[sflag:s0] =	ssyncset.done $0x0  }
0x37c: {  	[sflag:s0] =	ssyncadd.s32 $0xFFFFD800  }
0x37d: {  	[spmem:s3] =	stream.indirect.scatter.add.f32 [tilespmem:s29], [sflag:$0x4], $0x80, s30, s28, $0xb8;
	[tilespmem:$0x1D800] =	vst v63  }
0x37e: {  	_ =	swait.ge [sflag:s16], $0x2800  }
0x37f: {  	[sflag:s16] =	ssyncset.done $0x0  }
0x380: {  	[sflag:s16] =	ssyncadd.s32 $0xFFFFD800  }
0x381: {  	[tilespmem:s2], [sflag:$0x3] =	stream.indirect.gather [hbm4b:s1+s28], $0x80, s4, s28, $0xb8;
	[tilespmem:$0x1D800] =	vst v63  }
0x382: {  	_ =	swait.ge [sflag:s6], $0x2800  }
0x383: {  	[sflag:s6] =	ssyncset.done $0x0  }
0x384: {  	[sflag:s6] =	ssyncadd.s32 $0xFFFFD800  }
0x385: {  	[spmem:s3] =	stream.indirect.scatter.add.f32 [tilespmem:s31], [sflag:$0x5], $0x80, s7, s28, $0xb8;
	[tilespmem:$0x1D800] =	vst v63  }
0x386: {  	_ =	swait.ge [sflag:s9], $0x2800  }
0x387: {  	[sflag:s9] =	ssyncset.done $0x0  }
0x388: {  	[sflag:s9] =	ssyncadd.s32 $0xFFFFD800  }
0x389: {  	[tilespmem:s29], [sflag:$0x1] =	stream.indirect.gather [hbm4b:s1+s28], $0x80, s8, s28, $0xb8;
	[tilespmem:$0x1D800] =	vst v63  }
0x38a: {  	_ =	swait.ge [sflag:s11], $0x2800  }
0x38b: {  	[sflag:s11] =	ssyncset.done $0x0  }
0x38c: {  	[sflag:s11] =	ssyncadd.s32 $0xFFFFD800  }
0x38d: {  	[spmem:s3] =	stream.indirect.scatter.add.f32 [tilespmem:s2], [sflag:$0x6], $0x80, s14, s28, $0xb8;
	[tilespmem:$0x1D800] =	vst v63  }
0x38e: {  	_ =	swait.ge [sflag:s13], $0x2800  }
0x38f: {  	[sflag:s13] =	ssyncset.done $0x0  }
0x390: {  	[sflag:s13] =	ssyncadd.s32 $0xFFFFD800  }
0x391: {  	_ =	swait.ge [sflag:s0], $0x2800  }
0x392: {  	[sflag:s0] =	ssyncset.done $0x0  }
0x393: {  	[sflag:s0] =	ssyncadd.s32 $0xFFFFD800  }
0x394: {  	[spmem:s3] =	stream.indirect.scatter.add.f32 [tilespmem:s29], [sflag:$0x4], $0x80, s15, s28, $0xb8;
	[tilespmem:$0x1D800] =	vst v63  }
0x395: {  	_ =	swait.ge [sflag:s16], $0x2800  }
0x396: {  	[sflag:s16] =	ssyncset.done $0x0  }
0x397: {  	[sflag:s16] =	ssyncadd.s32 $0xFFFFD800  }
0x398: {  	_ =	swait.ge [sflag:s9], $0x2800  }
0x399: {  	[sflag:s9] =	ssyncset.done $0x0  }
0x39a: {  	s5 =	rddreg [dreg:$0x14];
	[sflag:s9] =	ssyncadd.s32 $0xFFFFD800  }
0x39b: {  	[tilespmem:s12], [sflag:$0x7] =	stream.linear.gather [hbm4b:s5+s12], $0xC80, $0x38;
	[tilespmem:$0x1D800] =	vst v63  }
0x39c: {  	_ =	swait.ge [sflag:s25], $0xC80  }
0x39d: {  	[sflag:s25] =	ssyncset.done $0x0  }
0x39e: {  	s5 =	rddreg [dreg:$0x15];
	[sflag:s25] =	ssyncadd.s32 $0xFFFFF380  }
0x39f: {  	[tilespmem:s26], [sflag:$0x7] =	stream.linear.gather [hbm4b:s5+s12], $0xC80, $0x38;
	[tilespmem:$0x1D800] =	vst v63  }
0x3a0: {  	_ =	swait.ge [sflag:s25], $0xC80  }
0x3a1: {  	[sflag:s25] =	ssyncset.done $0x0  }
0x3a2: {  	[sflag:s25] =	ssyncadd.s32 $0xFFFFF380  }
0x3a3: {  	[tilespmem:s29], [sflag:$0x1] =	stream.indirect.gather [hbm4b:s1+s28], $0x80, s12, s28, $0xb8;
	[tilespmem:$0x1D800] =	vst v63  }
0x3a4: {  	_ = 	snop  }
0x3a5: {  	[tilespmem:s31], [sflag:$0x2] =	stream.indirect.gather [hbm4b:s1+s28], $0x80, s10, s28, $0xb8;
	[tilespmem:$0x1D800] =	vst v63  }
0x3a6: {  	_ =	swait.ge [sflag:s0], $0x2800  }
0x3a7: {  	[sflag:s0] =	ssyncset.done $0x0  }
0x3a8: {  	[sflag:s0] =	ssyncadd.s32 $0xFFFFD800  }
0x3a9: {  	[spmem:s3] =	stream.indirect.scatter.add.f32 [tilespmem:s29], [sflag:$0x4], $0x80, s26, s28, $0xb8;
	[tilespmem:$0x1D800] =	vst v63  }
0x3aa: {  	s18 =	simm.s32 $0x100  }
0x3ab: {  	[tilespmem:s2], [sflag:$0x3] =	stream.indirect.gather [hbm4b:s1+s28], $0x80, s18, s28, $0xb8;
	[tilespmem:$0x1D800] =	vst v63  }
0x3ac: {  	_ =	swait.ge [sflag:s6], $0x2800  }
0x3ad: {  	[sflag:s6] =	ssyncset.done $0x0  }
0x3ae: {  	s19 =	simm.s32 $0x1080;
	[sflag:s6] =	ssyncadd.s32 $0xFFFFD800  }
0x3af: {  	[spmem:s3] =	stream.indirect.scatter.add.f32 [tilespmem:s31], [sflag:$0x5], $0x80, s19, s28, $0xb8;
	[tilespmem:$0x1D800] =	vst v63  }
0x3b0: {  	_ =	swait.ge [sflag:s9], $0x2800  }
0x3b1: {  	[sflag:s9] =	ssyncset.done $0x0  }
0x3b2: {  	s20 =	simm.s32 $0x180;
	[sflag:s9] =	ssyncadd.s32 $0xFFFFD800  }
0x3b3: {  	[tilespmem:s29], [sflag:$0x1] =	stream.indirect.gather [hbm4b:s1+s28], $0x80, s20, s28, $0xb8;
	[tilespmem:$0x1D800] =	vst v63  }
0x3b4: {  	_ =	swait.ge [sflag:s11], $0x2800  }
0x3b5: {  	[sflag:s11] =	ssyncset.done $0x0  }
0x3b6: {  	s21 =	simm.s32 $0x1100;
	[sflag:s11] =	ssyncadd.s32 $0xFFFFD800  }
0x3b7: {  	[spmem:s3] =	stream.indirect.scatter.add.f32 [tilespmem:s2], [sflag:$0x6], $0x80, s21, s28, $0xb8;
	[tilespmem:$0x1D800] =	vst v63  }
0x3b8: {  	_ =	swait.ge [sflag:s13], $0x2800  }
0x3b9: {  	[sflag:s13] =	ssyncset.done $0x0  }
0x3ba: {  	s22 =	simm.s32 $0x200;
	[sflag:s13] =	ssyncadd.s32 $0xFFFFD800  }
0x3bb: {  	[tilespmem:s31], [sflag:$0x2] =	stream.indirect.gather [hbm4b:s1+s28], $0x80, s22, s28, $0xb8;
	[tilespmem:$0x1D800] =	vst v63  }
0x3bc: {  	_ =	swait.ge [sflag:s0], $0x2800  }
0x3bd: {  	[sflag:s0] =	ssyncset.done $0x0  }
0x3be: {  	s23 =	simm.s32 $0x1180;
	[sflag:s0] =	ssyncadd.s32 $0xFFFFD800  }
0x3bf: {  	[spmem:s3] =	stream.indirect.scatter.add.f32 [tilespmem:s29], [sflag:$0x4], $0x80, s23, s28, $0xb8;
	[tilespmem:$0x1D800] =	vst v63  }
0x3c0: {  	_ =	swait.ge [sflag:s16], $0x2800  }
0x3c1: {  	[sflag:s16] =	ssyncset.done $0x0  }
0x3c2: {  	s24 =	simm.s32 $0x280;
	[sflag:s16] =	ssyncadd.s32 $0xFFFFD800  }
0x3c3: {  	[tilespmem:s2], [sflag:$0x3] =	stream.indirect.gather [hbm4b:s1+s28], $0x80, s24, s28, $0xb8;
	[tilespmem:$0x1D800] =	vst v63  }
0x3c4: {  	_ =	swait.ge [sflag:s6], $0x2800  }
0x3c5: {  	[sflag:s6] =	ssyncset.done $0x0  }
0x3c6: {  	s22 =	simm.s32 $0x1200;
	[sflag:s6] =	ssyncadd.s32 $0xFFFFD800  }
0x3c7: {  	[spmem:s3] =	stream.indirect.scatter.add.f32 [tilespmem:s31], [sflag:$0x5], $0x80, s22, s28, $0xb8;
	[tilespmem:$0x1D800] =	vst v63  }
0x3c8: {  	_ =	swait.ge [sflag:s9], $0x2800  }
0x3c9: {  	[sflag:s9] =	ssyncset.done $0x0  }
0x3ca: {  	s23 =	simm.s32 $0x300;
	[sflag:s9] =	ssyncadd.s32 $0xFFFFD800  }
0x3cb: {  	[tilespmem:s29], [sflag:$0x1] =	stream.indirect.gather [hbm4b:s1+s28], $0x80, s23, s28, $0xb8;
	[tilespmem:$0x1D800] =	vst v63  }
0x3cc: {  	_ =	swait.ge [sflag:s11], $0x2800  }
0x3cd: {  	[sflag:s11] =	ssyncset.done $0x0  }
0x3ce: {  	s24 =	simm.s32 $0x1280;
	[sflag:s11] =	ssyncadd.s32 $0xFFFFD800  }
0x3cf: {  	[spmem:s3] =	stream.indirect.scatter.add.f32 [tilespmem:s2], [sflag:$0x6], $0x80, s24, s28, $0xb8;
	[tilespmem:$0x1D800] =	vst v63  }
0x3d0: {  	_ =	swait.ge [sflag:s13], $0x2800  }
0x3d1: {  	[sflag:s13] =	ssyncset.done $0x0  }
0x3d2: {  	s10 =	simm.s32 $0x380;
	[sflag:s13] =	ssyncadd.s32 $0xFFFFD800  }
0x3d3: {  	[tilespmem:s31], [sflag:$0x2] =	stream.indirect.gather [hbm4b:s1+s28], $0x80, s10, s28, $0xb8;
	[tilespmem:$0x1D800] =	vst v63  }
0x3d4: {  	_ =	swait.ge [sflag:s0], $0x2800  }
0x3d5: {  	[sflag:s0] =	ssyncset.done $0x0  }
0x3d6: {  	s18 =	simm.s32 $0x1300;
	[sflag:s0] =	ssyncadd.s32 $0xFFFFD800  }
0x3d7: {  	[spmem:s3] =	stream.indirect.scatter.add.f32 [tilespmem:s29], [sflag:$0x4], $0x80, s18, s28, $0xb8;
	[tilespmem:$0x1D800] =	vst v63  }
0x3d8: {  	_ =	swait.ge [sflag:s16], $0x2800  }
0x3d9: {  	[sflag:s16] =	ssyncset.done $0x0  }
0x3da: {  	s17 =	simm.s32 $0x400;
	[sflag:s16] =	ssyncadd.s32 $0xFFFFD800  }
0x3db: {  	[tilespmem:s2], [sflag:$0x3] =	stream.indirect.gather [hbm4b:s1+s28], $0x80, s17, s28, $0xb8;
	[tilespmem:$0x1D800] =	vst v63  }
0x3dc: {  	_ =	swait.ge [sflag:s6], $0x2800  }
0x3dd: {  	[sflag:s6] =	ssyncset.done $0x0  }
0x3de: {  	s19 =	simm.s32 $0x1380;
	[sflag:s6] =	ssyncadd.s32 $0xFFFFD800  }
0x3df: {  	[spmem:s3] =	stream.indirect.scatter.add.f32 [tilespmem:s31], [sflag:$0x5], $0x80, s19, s28, $0xb8;
	[tilespmem:$0x1D800] =	vst v63  }
0x3e0: {  	_ =	swait.ge [sflag:s9], $0x2800  }
0x3e1: {  	[sflag:s9] =	ssyncset.done $0x0  }
0x3e2: {  	s20 =	simm.s32 $0x480;
	[sflag:s9] =	ssyncadd.s32 $0xFFFFD800  }
0x3e3: {  	[tilespmem:s29], [sflag:$0x1] =	stream.indirect.gather [hbm4b:s1+s28], $0x80, s20, s28, $0xb8;
	[tilespmem:$0x1D800] =	vst v63  }
0x3e4: {  	_ =	swait.ge [sflag:s11], $0x2800  }
0x3e5: {  	[sflag:s11] =	ssyncset.done $0x0  }
0x3e6: {  	s21 =	simm.s32 $0x1400;
	[sflag:s11] =	ssyncadd.s32 $0xFFFFD800  }
0x3e7: {  	[spmem:s3] =	stream.indirect.scatter.add.f32 [tilespmem:s2], [sflag:$0x6], $0x80, s21, s28, $0xb8;
	[tilespmem:$0x1D800] =	vst v63  }
0x3e8: {  	_ =	swait.ge [sflag:s13], $0x2800  }
0x3e9: {  	[sflag:s13] =	ssyncset.done $0x0  }
0x3ea: {  	s22 =	simm.s32 $0x500;
	[sflag:s13] =	ssyncadd.s32 $0xFFFFD800  }
0x3eb: {  	[tilespmem:s31], [sflag:$0x2] =	stream.indirect.gather [hbm4b:s1+s28], $0x80, s22, s28, $0xb8;
	[tilespmem:$0x1D800] =	vst v63  }
0x3ec: {  	_ =	swait.ge [sflag:s0], $0x2800  }
0x3ed: {  	[sflag:s0] =	ssyncset.done $0x0  }
0x3ee: {  	s23 =	simm.s32 $0x1480;
	[sflag:s0] =	ssyncadd.s32 $0xFFFFD800  }
0x3ef: {  	[spmem:s3] =	stream.indirect.scatter.add.f32 [tilespmem:s29], [sflag:$0x4], $0x80, s23, s28, $0xb8;
	[tilespmem:$0x1D800] =	vst v63  }
0x3f0: {  	_ =	swait.ge [sflag:s16], $0x2800  }
0x3f1: {  	[sflag:s16] =	ssyncset.done $0x0  }
0x3f2: {  	s24 =	simm.s32 $0x580;
	[sflag:s16] =	ssyncadd.s32 $0xFFFFD800  }
0x3f3: {  	[tilespmem:s2], [sflag:$0x3] =	stream.indirect.gather [hbm4b:s1+s28], $0x80, s24, s28, $0xb8;
	[tilespmem:$0x1D800] =	vst v63  }
0x3f4: {  	_ =	swait.ge [sflag:s6], $0x2800  }
0x3f5: {  	[sflag:s6] =	ssyncset.done $0x0  }
0x3f6: {  	s10 =	simm.s32 $0x1500;
	[sflag:s6] =	ssyncadd.s32 $0xFFFFD800  }
0x3f7: {  	[spmem:s3] =	stream.indirect.scatter.add.f32 [tilespmem:s31], [sflag:$0x5], $0x80, s10, s28, $0xb8;
	[tilespmem:$0x1D800] =	vst v63  }
0x3f8: {  	_ =	swait.ge [sflag:s9], $0x2800  }
0x3f9: {  	[sflag:s9] =	ssyncset.done $0x0  }
0x3fa: {  	s17 =	simm.s32 $0x600;
	[sflag:s9] =	ssyncadd.s32 $0xFFFFD800  }
0x3fb: {  	[tilespmem:s29], [sflag:$0x1] =	stream.indirect.gather [hbm4b:s1+s28], $0x80, s17, s28, $0xb8;
	[tilespmem:$0x1D800] =	vst v63  }
0x3fc: {  	_ =	swait.ge [sflag:s11], $0x2800  }
0x3fd: {  	[sflag:s11] =	ssyncset.done $0x0  }
0x3fe: {  	s18 =	simm.s32 $0x1580;
	[sflag:s11] =	ssyncadd.s32 $0xFFFFD800  }
0x3ff: {  	[spmem:s3] =	stream.indirect.scatter.add.f32 [tilespmem:s2], [sflag:$0x6], $0x80, s18, s28, $0xb8;
	[tilespmem:$0x1D800] =	vst v63  }
0x400: {  	_ =	swait.ge [sflag:s13], $0x2800  }
0x401: {  	[sflag:s13] =	ssyncset.done $0x0  }
0x402: {  	s19 =	simm.s32 $0x680;
	[sflag:s13] =	ssyncadd.s32 $0xFFFFD800  }
0x403: {  	[tilespmem:s31], [sflag:$0x2] =	stream.indirect.gather [hbm4b:s1+s28], $0x80, s19, s28, $0xb8;
	[tilespmem:$0x1D800] =	vst v63  }
0x404: {  	_ =	swait.ge [sflag:s0], $0x2800  }
0x405: {  	[sflag:s0] =	ssyncset.done $0x0  }
0x406: {  	s20 =	simm.s32 $0x1600;
	[sflag:s0] =	ssyncadd.s32 $0xFFFFD800  }
0x407: {  	[spmem:s3] =	stream.indirect.scatter.add.f32 [tilespmem:s29], [sflag:$0x4], $0x80, s20, s28, $0xb8;
	[tilespmem:$0x1D800] =	vst v63  }
0x408: {  	_ =	swait.ge [sflag:s16], $0x2800  }
0x409: {  	[sflag:s16] =	ssyncset.done $0x0  }
0x40a: {  	s21 =	simm.s32 $0x700;
	[sflag:s16] =	ssyncadd.s32 $0xFFFFD800  }
0x40b: {  	[tilespmem:s2], [sflag:$0x3] =	stream.indirect.gather [hbm4b:s1+s28], $0x80, s21, s28, $0xb8;
	[tilespmem:$0x1D800] =	vst v63  }
0x40c: {  	_ =	swait.ge [sflag:s6], $0x2800  }
0x40d: {  	[sflag:s6] =	ssyncset.done $0x0  }
0x40e: {  	s22 =	simm.s32 $0x1680;
	[sflag:s6] =	ssyncadd.s32 $0xFFFFD800  }
0x40f: {  	[spmem:s3] =	stream.indirect.scatter.add.f32 [tilespmem:s31], [sflag:$0x5], $0x80, s22, s28, $0xb8;
	[tilespmem:$0x1D800] =	vst v63  }
0x410: {  	_ =	swait.ge [sflag:s9], $0x2800  }
0x411: {  	[sflag:s9] =	ssyncset.done $0x0  }
0x412: {  	s23 =	simm.s32 $0x780;
	[sflag:s9] =	ssyncadd.s32 $0xFFFFD800  }
0x413: {  	[tilespmem:s29], [sflag:$0x1] =	stream.indirect.gather [hbm4b:s1+s28], $0x80, s23, s28, $0xb8;
	[tilespmem:$0x1D800] =	vst v63  }
0x414: {  	_ =	swait.ge [sflag:s11], $0x2800  }
0x415: {  	[sflag:s11] =	ssyncset.done $0x0  }
0x416: {  	s24 =	simm.s32 $0x1700;
	[sflag:s11] =	ssyncadd.s32 $0xFFFFD800  }
0x417: {  	[spmem:s3] =	stream.indirect.scatter.add.f32 [tilespmem:s2], [sflag:$0x6], $0x80, s24, s28, $0xb8;
	[tilespmem:$0x1D800] =	vst v63  }
0x418: {  	_ =	swait.ge [sflag:s13], $0x2800  }
0x419: {  	[sflag:s13] =	ssyncset.done $0x0  }
0x41a: {  	s10 =	simm.s32 $0x800;
	[sflag:s13] =	ssyncadd.s32 $0xFFFFD800  }
0x41b: {  	[tilespmem:s31], [sflag:$0x2] =	stream.indirect.gather [hbm4b:s1+s28], $0x80, s10, s28, $0xb8;
	[tilespmem:$0x1D800] =	vst v63  }
0x41c: {  	_ =	swait.ge [sflag:s0], $0x2800  }
0x41d: {  	[sflag:s0] =	ssyncset.done $0x0  }
0x41e: {  	s17 =	simm.s32 $0x1780;
	[sflag:s0] =	ssyncadd.s32 $0xFFFFD800  }
0x41f: {  	[spmem:s3] =	stream.indirect.scatter.add.f32 [tilespmem:s29], [sflag:$0x4], $0x80, s17, s28, $0xb8;
	[tilespmem:$0x1D800] =	vst v63  }
0x420: {  	_ =	swait.ge [sflag:s16], $0x2800  }
0x421: {  	[sflag:s16] =	ssyncset.done $0x0  }
0x422: {  	s18 =	simm.s32 $0x880;
	[sflag:s16] =	ssyncadd.s32 $0xFFFFD800  }
0x423: {  	[tilespmem:s2], [sflag:$0x3] =	stream.indirect.gather [hbm4b:s1+s28], $0x80, s18, s28, $0xb8;
	[tilespmem:$0x1D800] =	vst v63  }
0x424: {  	_ =	swait.ge [sflag:s6], $0x2800  }
0x425: {  	[sflag:s6] =	ssyncset.done $0x0  }
0x426: {  	s19 =	simm.s32 $0x1800;
	[sflag:s6] =	ssyncadd.s32 $0xFFFFD800  }
0x427: {  	[spmem:s3] =	stream.indirect.scatter.add.f32 [tilespmem:s31], [sflag:$0x5], $0x80, s19, s28, $0xb8;
	[tilespmem:$0x1D800] =	vst v63  }
0x428: {  	_ =	swait.ge [sflag:s9], $0x2800  }
0x429: {  	[sflag:s9] =	ssyncset.done $0x0  }
0x42a: {  	s20 =	simm.s32 $0x900;
	[sflag:s9] =	ssyncadd.s32 $0xFFFFD800  }
0x42b: {  	[tilespmem:s29], [sflag:$0x1] =	stream.indirect.gather [hbm4b:s1+s28], $0x80, s20, s28, $0xb8;
	[tilespmem:$0x1D800] =	vst v63  }
0x42c: {  	_ =	swait.ge [sflag:s11], $0x2800  }
0x42d: {  	[sflag:s11] =	ssyncset.done $0x0  }
0x42e: {  	s21 =	simm.s32 $0x1880;
	[sflag:s11] =	ssyncadd.s32 $0xFFFFD800  }
0x42f: {  	[spmem:s3] =	stream.indirect.scatter.add.f32 [tilespmem:s2], [sflag:$0x6], $0x80, s21, s28, $0xb8;
	[tilespmem:$0x1D800] =	vst v63  }
0x430: {  	_ =	swait.ge [sflag:s13], $0x2800  }
0x431: {  	[sflag:s13] =	ssyncset.done $0x0  }
0x432: {  	s22 =	simm.s32 $0x980;
	[sflag:s13] =	ssyncadd.s32 $0xFFFFD800  }
0x433: {  	[tilespmem:s31], [sflag:$0x2] =	stream.indirect.gather [hbm4b:s1+s28], $0x80, s22, s28, $0xb8;
	[tilespmem:$0x1D800] =	vst v63  }
0x434: {  	_ =	swait.ge [sflag:s0], $0x2800  }
0x435: {  	[sflag:s0] =	ssyncset.done $0x0  }
0x436: {  	s23 =	simm.s32 $0x1900;
	[sflag:s0] =	ssyncadd.s32 $0xFFFFD800  }
0x437: {  	[spmem:s3] =	stream.indirect.scatter.add.f32 [tilespmem:s29], [sflag:$0x4], $0x80, s23, s28, $0xb8;
	[tilespmem:$0x1D800] =	vst v63  }
0x438: {  	_ =	swait.ge [sflag:s16], $0x2800  }
0x439: {  	[sflag:s16] =	ssyncset.done $0x0  }
0x43a: {  	s24 =	simm.s32 $0xA00;
	[sflag:s16] =	ssyncadd.s32 $0xFFFFD800  }
0x43b: {  	[tilespmem:s2], [sflag:$0x3] =	stream.indirect.gather [hbm4b:s1+s28], $0x80, s24, s28, $0xb8;
	[tilespmem:$0x1D800] =	vst v63  }
0x43c: {  	_ =	swait.ge [sflag:s6], $0x2800  }
0x43d: {  	[sflag:s6] =	ssyncset.done $0x0  }
0x43e: {  	s10 =	simm.s32 $0x1980;
	[sflag:s6] =	ssyncadd.s32 $0xFFFFD800  }
0x43f: {  	[spmem:s3] =	stream.indirect.scatter.add.f32 [tilespmem:s31], [sflag:$0x5], $0x80, s10, s28, $0xb8;
	[tilespmem:$0x1D800] =	vst v63  }
0x440: {  	_ =	swait.ge [sflag:s9], $0x2800  }
0x441: {  	[sflag:s9] =	ssyncset.done $0x0  }
0x442: {  	s17 =	simm.s32 $0xA80;
	[sflag:s9] =	ssyncadd.s32 $0xFFFFD800  }
0x443: {  	[tilespmem:s29], [sflag:$0x1] =	stream.indirect.gather [hbm4b:s1+s28], $0x80, s17, s28, $0xb8;
	[tilespmem:$0x1D800] =	vst v63  }
0x444: {  	_ =	swait.ge [sflag:s11], $0x2800  }
0x445: {  	[sflag:s11] =	ssyncset.done $0x0  }
0x446: {  	s18 =	simm.s32 $0x1A00;
	[sflag:s11] =	ssyncadd.s32 $0xFFFFD800  }
0x447: {  	[spmem:s3] =	stream.indirect.scatter.add.f32 [tilespmem:s2], [sflag:$0x6], $0x80, s18, s28, $0xb8;
	[tilespmem:$0x1D800] =	vst v63  }
0x448: {  	_ =	swait.ge [sflag:s13], $0x2800  }
0x449: {  	[sflag:s13] =	ssyncset.done $0x0  }
0x44a: {  	s19 =	simm.s32 $0xB00;
	[sflag:s13] =	ssyncadd.s32 $0xFFFFD800  }
0x44b: {  	[tilespmem:s31], [sflag:$0x2] =	stream.indirect.gather [hbm4b:s1+s28], $0x80, s19, s28, $0xb8;
	[tilespmem:$0x1D800] =	vst v63  }
0x44c: {  	_ =	swait.ge [sflag:s0], $0x2800  }
0x44d: {  	[sflag:s0] =	ssyncset.done $0x0  }
0x44e: {  	s30 =	simm.s32 $0x1A80;
	[sflag:s0] =	ssyncadd.s32 $0xFFFFD800  }
0x44f: {  	[spmem:s3] =	stream.indirect.scatter.add.f32 [tilespmem:s29], [sflag:$0x4], $0x80, s30, s28, $0xb8;
	[tilespmem:$0x1D800] =	vst v63  }
0x450: {  	_ =	swait.ge [sflag:s16], $0x2800  }
0x451: {  	[sflag:s16] =	ssyncset.done $0x0  }
0x452: {  	s4 =	simm.s32 $0xB80;
	[sflag:s16] =	ssyncadd.s32 $0xFFFFD800  }
0x453: {  	[tilespmem:s2], [sflag:$0x3] =	stream.indirect.gather [hbm4b:s1+s28], $0x80, s4, s28, $0xb8;
	[tilespmem:$0x1D800] =	vst v63  }
0x454: {  	_ =	swait.ge [sflag:s6], $0x2800  }
0x455: {  	[sflag:s6] =	ssyncset.done $0x0  }
0x456: {  	s7 =	simm.s32 $0x1B00;
	[sflag:s6] =	ssyncadd.s32 $0xFFFFD800  }
0x457: {  	[spmem:s3] =	stream.indirect.scatter.add.f32 [tilespmem:s31], [sflag:$0x5], $0x80, s7, s28, $0xb8;
	[tilespmem:$0x1D800] =	vst v63  }
0x458: {  	_ =	swait.ge [sflag:s9], $0x2800  }
0x459: {  	[sflag:s9] =	ssyncset.done $0x0  }
0x45a: {  	s8 =	simm.s32 $0xC00;
	[sflag:s9] =	ssyncadd.s32 $0xFFFFD800  }
0x45b: {  	[tilespmem:s29], [sflag:$0x1] =	stream.indirect.gather [hbm4b:s1+s28], $0x80, s8, s28, $0xb8;
	[tilespmem:$0x1D800] =	vst v63  }
0x45c: {  	_ =	swait.ge [sflag:s11], $0x2800  }
0x45d: {  	[sflag:s11] =	ssyncset.done $0x0  }
0x45e: {  	s14 =	simm.s32 $0x1B80;
	[sflag:s11] =	ssyncadd.s32 $0xFFFFD800  }
0x45f: {  	[spmem:s3] =	stream.indirect.scatter.add.f32 [tilespmem:s2], [sflag:$0x6], $0x80, s14, s28, $0xb8;
	[tilespmem:$0x1D800] =	vst v63  }
0x460: {  	_ =	swait.ge [sflag:s13], $0x2800  }
0x461: {  	[sflag:s13] =	ssyncset.done $0x0  }
0x462: {  	[sflag:s13] =	ssyncadd.s32 $0xFFFFD800  }
0x463: {  	_ =	swait.ge [sflag:s0], $0x2800  }
0x464: {  	[sflag:s0] =	ssyncset.done $0x0  }
0x465: {  	s15 =	simm.s32 $0x1C00;
	[sflag:s0] =	ssyncadd.s32 $0xFFFFD800  }
0x466: {  	[spmem:s3] =	stream.indirect.scatter.add.f32 [tilespmem:s29], [sflag:$0x4], $0x80, s15, s28, $0xb8;
	[tilespmem:$0x1D800] =	vst v63  }
0x467: {  	_ =	swait.ge [sflag:s16], $0x2800  }
0x468: {  	[sflag:s16] =	ssyncset.done $0x0  }
0x469: {  	[sflag:s16] =	ssyncadd.s32 $0xFFFFD800  }
0x46a: {  	_ =	swait.ge [sflag:s9], $0x2800  }
0x46b: {  	[sflag:s9] =	ssyncset.done $0x0  }
0x46c: {  	[sflag:s9] =	ssyncadd.s32 $0xFFFFD800  }
0x46d: {  	s20 =	stileid.u32;
	[bflag:$0x0] =	sbarrier.arrive $0xFFFF  }
0x46e: {  	s5 =	sshll.u32 s20, $0x6;
	s21 =	rddreg [dreg:$0x6]  }
0x46f: {  	s5 =	sor.u32 $0x1C07, s5;
	s23 =	rddreg [dreg:$0x16];
	s22 =	sshrl.u32 s21, $0x3  }
0x470: {  	[hbm:s23], [sflag:s5] =	dma.local [spmem:s22], $0x2800  }
0x471: {  	_ =	swait.ge [sflag:s25], $0x2800  }
0x472: {  	s24 =	rddreg [dreg:$0x18]  }
0x473: {  	s30 =	rddreg [dreg:$0x17];
	s4 =	sadd.s32 $0x1, s24  }
0x474: {  	p0 =	sne.s32 s4, s30  }
.Ltmp1:
0x475: {  	_ = 	snop;
	(pc) =	sbr.rel @p0 .LBB2_1-.Ltmp1, $3  }
0x476: {  	_ =	sdelay $0x1  }
0x477: {  	[sflag:s25] =	ssyncset.done $0x0  }
0x478: {  	s10 =	simm.s32 $0x80;
	[sflag:s25] =	ssyncadd.s32 $0xFFFFD800  }
0x479: {  	_ =	sfence.sel $0x180000  }
0x47a: {  	[bflag:$0x0] =	sbarrier.arrive $0xFFFF  }
0x47b: {  	_ =	strace $0x90000047  }
0x47c: {  	s0 =	stileid.u32;
	[bflag:$0x2] =	sbarrier.arrive $0xFFFF  }
0x47d: {  	p0 =	sne.s32 s0, $0x0;
	s0 =	rddreg [dreg:$0x3]  }
0x47e: {  	s0 =	sadd.s32 @!p0 $0x100000, s0  }
0x47f: {  	[sflag:s0] =	ssyncadd.tile.s32 @!p0 $0x1;
	_ =	shalt  }
.Lfunc_end2:
_tile_overlayer_lowered:
.L_overlay_start_2:
0x480: {  	(tag) =	ssettag $0x2  }
0x481: {  	s0 =	rddreg [dreg:$0x0];
	s2 =	stileid.u32  }
0x482: {  	s1 =	rddreg [dreg:$0x1];
	p0 =	sne.s32 s2, $0x0  }
0x483: {  	s3 =	rddreg [dreg:$0x2];
	[bflag:$0x3] =	sbarrier.arrive $0xFFFF;
	s2 =	simm.s32 @!p0 $0x1C07  }
0x484: {  	[timem:s3], [sflag:s2] =	dma.local @!p0 [hbm:s0], s1  }
0x485: {  	s0 =	simm.s32 @!p0 $0x7  }
0x486: {  	_ =	swait.ge @!p0 [sflag:s0], s1  }
0x487: {  	s1 =	ssub.s32 @!p0 $0x0, s1;
	[sflag:s0] =	ssyncset.done @!p0 $0x0  }
0x488: {  	[sflag:s0] =	ssyncadd.s32 @!p0 s1  }
0x489: {  	[bflag:$0x3] =	sbarrier.arrive $0xFFFF  }
0x48a: {  	_ =	shalt  }

// kernel: kernel.7.cloned.1.call-start
scs
__scs_entry_jumppad:
0x0: {  	(pc) =	sbr.rel $0x88, $3  }
0x1: {  	(tag) =	ssettag $0x0;
	lr =	simm.s32 $0x1  }
0x2: {  	[smem:$0x3F9F] =	sst lr;
	_ =	strace $0xD0000000  }
0x3: {  	_ = 	snop  }
0x4: {  	_ = 	snop  }
0x5: {  	_ = 	snop  }
0x6: {  	_ = 	snop  }
0x7: {  	_ = 	snop  }
__scs_overlays_trampoline_lowered:
0x8: {  	[smem:$0x3FAE] =	sst s0  }
0x9: {  	[smem:$0x3FAF] =	sst s1  }
0xa: {  	[smem:$0x3FB0] =	sst s2  }
0xb: {  	[smem:$0x3FB1] =	sst s3  }
0xc: {  	[smem:$0x3FB2] =	sst s4  }
0xd: {  	[smem:$0x3FB3] =	sst s5  }
0xe: {  	[smem:$0x3FB4] =	sst s6  }
0xf: {  	[smem:$0x3FB5] =	sst s7  }
0x10: {  	[smem:$0x3FB6] =	sst s8  }
0x11: {  	[smem:$0x3FB7] =	sst s9;
	s0 =	simm.s32 @!p0 $0x0  }
0x12: {  	s1 =	sld [smem:$0x3F9D];
	s0 =	simm.s32 @p0 $0x1  }
0x13: {  	[smem:$0x3FB8] =	sst s0;
	s0 =	simm.s32 @!p1 $0x0  }
0x14: {  	s2 =	sld [smem:$0x3F9C];
	s0 =	simm.s32 @p1 $0x1  }
0x15: {  	[smem:$0x3FB9] =	sst s0;
	s0 =	simm.s32 @!p2 $0x0  }
0x16: {  	s3 =	sld [smem:$0x3FDB];
	s0 =	simm.s32 @p2 $0x1  }
0x17: {  	s4 =	simm.s32 $0x1BF5;
	[smem:$0x3FBB] =	sst s0  }
0x18: {  	s0 =	sld [smem:$0x3F9E];
	_ =	swait.ge [sflag:s4], $0x0  }
0x19: {  	s7 =	sld [smem:$0x3F9F]  }
0x1a: {  	s8 =	sadd.s32 $0xFFFFE003, lr  }
0x1b: {  	s9 =	sadd.s32 $0xFFFFFEF7, lr;
	s5 =	simm.s32 $0xFFFFFFFF;
	p2 =	slt.u32 s8, $0xFFFFF086  }
0x1c: {  	p1 =	slt.u32 s9, $0xF7A;
	s5 =	simm.s32 @!p2 $0x0  }
0x1d: {  	s5 =	simm.s32 @p1 $0x1;
	p0 =	seq.s32 s7, s2  }
0x1e: {  	s7 =	smul.u32 @!p0 $0xF7A, s2;
	p2 =	seq.s32 @!p0 s5, $0x0  }
0x1f: {  	s9 =	smul.u32 $0xF7A, s1;
	s8 =	simm.s32 @!p0 $0x1BF5;
	p2 =	por !p2, p0  }
0x20: {  	[sflag:s8] =	ssyncset.s32 @!p0 $0xFFFFF086;
	s6 =	sadd.s32 @!p0 s3, s7;
	s7 =	simm.s32 @!p0 $0x108  }
0x21: {  	s3 =	sadd.s32 s3, s9;
	s6 =	sadd.s32 @!p0 $0x88, s6;
	s7 =	simm.s32 @p2 $0x1082  }
0x22: {  	[simem:s7], [sflag:s8] =	dma.local @!p0 [hbm:s6], $0xF7A  }
0x23: {  	s9 =	sor.u32 $0xD0000000, s2;
	s6 =	simm.s32 $0x108;
	_ =	swait.ge @!p0 [sflag:s8], $0x0  }
0x24: {  	s3 =	sadd.s32 $0x88, s3;
	s6 =	simm.s32 @!p1 $0x1082;
	[sflag:s4] =	ssyncset.s32 $0xFFFFF086  }
0x25: {  	[simem:s6], [sflag:s4] =	dma.local [hbm:s3], $0xF7A  }
0x26: {  	[smem:$0x3F9F] =	sst s1;
	(tag) =	ssettag s2;
	_ =	strace s9  }
0x27: {  	s1 =	sld [smem:$0x3FAF]  }
0x28: {  	s2 =	sld [smem:$0x3FB0]  }
0x29: {  	s4 =	sld [smem:$0x3FB2]  }
0x2a: {  	p0 =	seq.s32 s5, $0x0;
	s5 =	sld [smem:$0x3FB3]  }
0x2b: {  	s6 =	sld [smem:$0x3FB4]  }
0x2c: {  	s7 =	sld [smem:$0x3FB5]  }
0x2d: {  	s3 =	simm.s32 $0x108;
	s8 =	sld [smem:$0x3FB6]  }
0x2e: {  	s3 =	simm.s32 @!p0 $0x1082;
	s9 =	sld [smem:$0x3FB7]  }
0x2f: {  	lr =	sadd.s32 s0, s3;
	s0 =	sld [smem:$0x3FAE]  }
0x30: {  	s3 =	sld [smem:$0x3FB1]  }
0x31: {  	[smem:$0x3FBA] =	sst s10  }
0x32: {  	s10 =	sld [smem:$0x3FB8];
	_ =	sdelay $0x3  }
0x33: {  	p0 =	seq.s32 s10, $0x1;
	s10 =	sld [smem:$0x3FBA];
	_ =	sdelay $0x3  }
0x34: {  	[smem:$0x3FBA] =	sst s10  }
0x35: {  	s10 =	sld [smem:$0x3FB9];
	_ =	sdelay $0x3  }
0x36: {  	p1 =	seq.s32 s10, $0x1;
	s10 =	sld [smem:$0x3FBA];
	_ =	sdelay $0x3  }
0x37: {  	[smem:$0x3FBA] =	sst s10  }
0x38: {  	s10 =	sld [smem:$0x3FBB]  }
0x39: {  	_ = 	snop;
	(pc) =	sbr.ind lr, $3  }
0x3a: {  	_ = 	snop  }
0x3b: {  	_ = 	snop  }
0x3c: {  	p2 =	seq.s32 s10, $0x1;
	s10 =	sld [smem:$0x3FBA]  }
0x3d: {  	_ =	shalt  }
0x3e: {  	_ =	shalt  }
0x3f: {  	_ =	shalt  }
0x40: {  	_ =	shalt  }
0x41: {  	_ =	shalt  }
0x42: {  	_ =	shalt  }
0x43: {  	_ =	shalt  }
0x44: {  	_ =	shalt  }
0x45: {  	_ =	shalt  }
0x46: {  	_ =	shalt  }
0x47: {  	_ =	shalt  }
0x48: {  	_ =	shalt  }
0x49: {  	_ =	shalt  }
0x4a: {  	_ =	shalt  }
0x4b: {  	_ =	shalt  }
0x4c: {  	_ =	shalt  }
0x4d: {  	_ =	shalt  }
0x4e: {  	_ =	shalt  }
0x4f: {  	_ =	shalt  }
0x50: {  	_ =	shalt  }
0x51: {  	_ =	shalt  }
0x52: {  	_ =	shalt  }
0x53: {  	_ =	shalt  }
0x54: {  	_ =	shalt  }
0x55: {  	_ =	shalt  }
0x56: {  	_ =	shalt  }
0x57: {  	_ =	shalt  }
0x58: {  	_ =	shalt  }
0x59: {  	_ =	shalt  }
0x5a: {  	_ =	shalt  }
0x5b: {  	_ =	shalt  }
0x5c: {  	_ =	shalt  }
0x5d: {  	_ =	shalt  }
0x5e: {  	_ =	shalt  }
0x5f: {  	_ =	shalt  }
0x60: {  	_ =	shalt  }
0x61: {  	_ =	shalt  }
0x62: {  	_ =	shalt  }
0x63: {  	_ =	shalt  }
0x64: {  	_ =	shalt  }
0x65: {  	_ =	shalt  }
0x66: {  	_ =	shalt  }
0x67: {  	_ =	shalt  }
0x68: {  	_ =	shalt  }
0x69: {  	_ =	shalt  }
0x6a: {  	_ =	shalt  }
0x6b: {  	_ =	shalt  }
0x6c: {  	_ =	shalt  }
0x6d: {  	_ =	shalt  }
0x6e: {  	_ =	shalt  }
0x6f: {  	_ =	shalt  }
0x70: {  	_ =	shalt  }
0x71: {  	_ =	shalt  }
0x72: {  	_ =	shalt  }
0x73: {  	_ =	shalt  }
0x74: {  	_ =	shalt  }
0x75: {  	_ =	shalt  }
0x76: {  	_ =	shalt  }
0x77: {  	_ =	shalt  }
0x78: {  	_ =	shalt  }
0x79: {  	_ =	shalt  }
0x7a: {  	_ =	shalt  }
0x7b: {  	_ =	shalt  }
0x7c: {  	_ =	shalt  }
0x7d: {  	_ =	shalt  }
0x7e: {  	_ =	shalt  }
0x7f: {  	_ =	shalt  }
0x80: {  	_ =	shalt  }
0x81: {  	_ =	shalt  }
0x82: {  	_ =	shalt  }
0x83: {  	_ =	shalt  }
0x84: {  	_ =	shalt  }
0x85: {  	_ =	shalt  }
0x86: {  	_ =	shalt  }
0x87: {  	_ =	shalt  }
.Lfunc_end0:
.L_simem_size_0:
called_computation.1_lowered:
.L_overlay_start_0:
0x88: {  	s2 =	sld [smem:$0x3FD9]  }
0x89: {  	s3 =	sld [smem:$0x3FFE];
	_ =	sdelay $0x1  }
0x8a: {  	s1 =	srdreg.scid  }
0x8b: {  	s0 =	sand.u32 $0x1, s1  }
0x8c: {  	s17 =	sshll.u32 s0, $0xA;
	s2 =	sadd.s32 s3, s2  }
0x8d: {  	s2 =	sadd.s32 s2, s17  }
0x8e: {  	[smem:$0x3FC6] =	sst s2  }
0x8f: {  	_ = 	snop  }
0x90: {  	s2 =	sld [smem:$0x3FD0];
	(tm) =	ssettm $0x1  }
0x91: {  	s18 =	sld [smem:$0x3FFB];
	_ =	sdelay $0x3  }
0x92: {  	_ =	strace s18  }
0x93: {  	s3 =	sld [smem:$0x3FFC];
	_ =	sdelay $0x3  }
0x94: {  	_ =	strace s3  }
0x95: {  	s3 =	sld [smem:$0x3FFD];
	_ =	sdelay $0x3  }
0x96: {  	_ =	strace s3  }
0x97: {  	_ =	strace $0x8FFFFFFF  }
0x98: {  	s19 =	sld [smem:$0x3FDB];
	_ =	sdelay $0x1  }
0x99: {  	s4 =	simm.s32 $_scs_section_size  }
0x9a: {  	s5 =	simm.s32 $_size__tile_overlayer_lowered;
	s6 =	simm.s32 $_tile_overlayer_lowered  }
0x9b: {  	s22 =	simm.s32 $0x1BFF;
	s21 =	sshll.u32 s6, $0x1;
	s3 =	sadd.s32 s4, s19  }
0x9c: {  	s7 =	simm.s32 $0x0;
	s20 =	sshll.u32 s5, $0x1;
	s5 =	sadd.s32 s21, s3  }
0x9d: {  	[timem:s7], [sflag:s22] =	dma.local [hbm:s5], s20  }
0x9e: {  	_ =	swait.ge [sflag:s22], s20  }
0x9f: {  	s4 =	ssub.s32 $0x0, s20;
	[sflag:s22] =	ssyncset.done $0x0  }
0xa0: {  	[sflag:s22] =	ssyncadd.s32 s4;
	_ =	sdelay $0x1  }
0xa1: {  	s23 =	simm.s32 $0x1B8B  }
0xa2: {  	_ =	swait.ge [sflag:s23], $0x1  }
0xa3: {  	[sflag:s23] =	ssyncset.done $0x0  }
0xa4: {  	s25 =	simm.s32 $0x1B8E;
	s24 =	sld [smem:$0x3FFE];
	[sflag:s23] =	ssyncadd.s32 $0xFFFFFFFF  }
0xa5: {  	s26 =	simm.s32 $execute0_lowered;
	[smem:$0x3FD2] =	sst s25  }
0xa6: {  	s5 =	sshll.u32 s26, $0x1;
	_ =	strace $0x80000049;
	[dreg:$0x1] =	wrdreg $0xFFFFFFFF  }
0xa7: {  	s28 =	simm.s32 $_size_execute0_lowered;
	s3 =	sadd.s32 s3, s5;
	[dreg:$0x0] =	wrdreg $0x0  }
0xa8: {  	s5 =	sshll.u32 s28, $0x1;
	[dreg:$0x2] =	wrdreg s3  }
0xa9: {  	[dreg:$0x3] =	wrdreg s5  }
0xaa: {  	[dreg:$0x4] =	wrdreg $0xC0  }
0xab: {  	_ =	task [dreg:s7], $0x5FFFF  }
0xac: {  	[dreg:$0x1] =	wrdreg $0xFFFFFFFF  }
0xad: {  	[dreg:$0x0] =	wrdreg $0x60  }
0xae: {  	[dreg:$0x2] =	wrdreg s24  }
0xaf: {  	[dreg:$0x3] =	wrdreg s2  }
0xb0: {  	[dreg:$0x4] =	wrdreg $0x9  }
0xb1: {  	_ =	task.clear_ibuf [dreg:s7], $0x5FFFF;
	_ =	strace $0x90000049  }
0xb2: {  	s29 =	simm.s32 $0x9;
	_ =	strace $0x8000004B  }
0xb3: {  	_ =	swait.ge [sflag:s29], $0x1  }
0xb4: {  	[sflag:s29] =	ssyncadd.s32 $0xFFFFFFFF  }
0xb5: {  	_ =	strace $0x9000004B  }
0xb6: {  	_ =	sfence  }
0xb7: {  	s30 =	sld [smem:$0x0];
	_ =	sdelay $0x2  }
0xb8: {  	s31 =	sshll.u32 s1, $0xD;
	s1 =	sshrl.u32 s1, $0x2  }
0xb9: {  	s3 =	sand.u32 $0x4000, s31;
	s1 =	sadd.s32 s1, s30  }
0xba: {  	s0 =	sor.u32 s3, s0;
	s1 =	sshll.u32 s1, $0x11  }
0xbb: {  	s0 =	sor.u32 s1, s0  }
0xbc: {  	s0 =	sadd.s32 $0x8F2B, s0  }
0xbd: {  	[sflag:s0] =	ssyncadd.remote.s32 $0x1  }
0xbe: {  	_ =	sfence.sel $0xFFFF  }
0xbf: {  	[dreg:$0x0] =	wrdreg $0xFFFFFFFF;
	(pc) =	sbr.abs _section_cstart, $3  }
0xc0: {  	[dreg:$0x1] =	wrdreg $0xFFFFFFFF  }
0xc1: {  	_ =	task.clear_ibuf [dreg:s7], $0x2FFFF;
	_ =	strace $0x9FFFFFFF  }
0xc2: {  	(tm) =	ssettm $0x7FFFFFFF  }
0xc3: {  	_ =	shalt  }
tec
execute0_lowered:
.L_overlay_start_1:
0x0: {  	(tag) =	ssettag $0x1  }
0x1: {  	s3 =	rddreg [dreg:$0x0]  }
0x2: {  	s1 =	srdreg.scid;
	s0 =	stileid.u32  }
0x3: {  	s14 =	rddreg [dreg:$0x1];
	s2 =	simm.s32 $0x0;
	s17 =	simm.s32 $0x2800  }
0x4: {  	s18 =	simm.s32 $0xC800;
	s19 =	simm.s32 $0x5000;
	s20 =	simm.s32 $0xF000  }
0x5: {  	s21 =	simm.s32 $0x7800;
	s22 =	simm.s32 $0x11800;
	s23 =	simm.s32 $0x1  }
0x6: {  	s24 =	simm.s32 $0x2;
	s4 =	sand.u32 $0x1, s1;
	s5 =	sshll.u32 s0, $0x1  }
0x7: {  	s26 =	simm.s32 $0x0;
	s1 =	rddreg [dreg:$0x2];
	s25 =	sor.u32 s4, s5  }
0x8: {  	[smem:$0x7FF] =	sst s2;
	s4 =	ssub.s32 $0x2, s4;
	s5 =	smul.u32 $0xA000, s25  }
0x9: {  	s9 =	sadd.s32 $0x28800, s3;
	_ =	strace $0x8000004A;
	s31 =	sshrl.u32 s4, $0x1  }
0xa: {  	p0 =	seq.s32 s25, $0x1F;
	s15 =	ssub.s32 s4, s31;
	s11 =	sshrl.u32 s5, $0x3  }
0xb: {  	s25 =	simm.s32 $0x3;
	s15 =	smax.u32 s15, $0x1;
	s3 =	sadd.s32 s9, s11  }
0xc: {  	s12 =	sadd.s32 $0x500, s11;
	s13 =	sadd.s32 $0xA00, s11;
	s16 =	sadd.s32 $0xF00, s11  }
0xd: {  	s11 =	sadd.s32 s14, s11;
	s4 =	sadd.s32 $0x28000, s3;
	s5 =	sadd.s32 s9, s12  }
0xe: {  	s6 =	sadd.s32 $0x28500, s3;
	s7 =	sadd.s32 s9, s13;
	s8 =	sadd.s32 $0x28A00, s3  }
0xf: {  	s9 =	sadd.s32 s9, s16;
	s10 =	sadd.s32 $0x28F00, s3;
	s12 =	sadd.s32 s14, s12  }
0x10: {  	s13 =	sadd.s32 s14, s13;
	s14 =	sadd.s32 s14, s16;
	s16 =	simm.s32 $0xA000  }
.LBB2_1:
0x11: {  	[tilespmem:s2], [sflag:$0x1] =	stream.linear.gather [hbm4b:s3+s2], $0x2800, $0x38;
	[tilespmem:$0x14000] =	vst v63  }
0x12: {  	_ = 	snop  }
0x13: {  	[tilespmem:s16], [sflag:$0x2] =	stream.linear.gather [hbm4b:s4+s2], $0x2800, $0x38;
	[tilespmem:$0x14000] =	vst v63  }
0x14: {  	_ = 	snop  }
0x15: {  	[tilespmem:s17], [sflag:$0x1] =	stream.linear.gather [hbm4b:s5+s2], $0x2800, $0x38;
	[tilespmem:$0x14000] =	vst v63  }
0x16: {  	_ = 	snop  }
0x17: {  	[tilespmem:s18], [sflag:$0x2] =	stream.linear.gather [hbm4b:s6+s2], $0x2800, $0x38;
	[tilespmem:$0x14000] =	vst v63  }
0x18: {  	_ = 	snop  }
0x19: {  	[tilespmem:s19], [sflag:$0x1] =	stream.linear.gather [hbm4b:s7+s2], $0x2800, $0x38;
	[tilespmem:$0x14000] =	vst v63  }
0x1a: {  	_ = 	snop  }
0x1b: {  	[tilespmem:s20], [sflag:$0x2] =	stream.linear.gather [hbm4b:s8+s2], $0x2800, $0x38;
	[tilespmem:$0x14000] =	vst v63  }
0x1c: {  	_ = 	snop  }
0x1d: {  	[tilespmem:s21], [sflag:$0x1] =	stream.linear.gather [hbm4b:s9+s2], $0x2800, $0x38;
	[tilespmem:$0x14000] =	vst v63  }
0x1e: {  	_ = 	snop  }
0x1f: {  	[tilespmem:s22], [sflag:$0x2] =	stream.linear.gather [hbm4b:s10+s2], $0x2800, $0x38;
	[tilespmem:$0x14000] =	vst v63  }
0x20: {  	_ =	swait.ge [sflag:s23], $0x2800  }
0x21: {  	[sflag:s23] =	ssyncset.done $0x0  }
0x22: {  	[sflag:s23] =	ssyncadd.s32 $0xFFFFD800  }
0x23: {  	_ =	swait.ge [sflag:s24], $0x2800  }
0x24: {  	[sflag:s24] =	ssyncset.done $0x0  }
0x25: {  	s28 =	simm.s32 $0x0;
	[sflag:s24] =	ssyncadd.s32 $0xFFFFD800  }
0x26: {  	v7 =	vld [tilespmem:s28+$0xA000]  }
0x27: {  	v11 =	vld [tilespmem:s28+$0xA010]  }
0x28: {  	v5 =	vld [tilespmem:s28+$0xA020]  }
0x29: {  	v4 =	vld [tilespmem:s28+$0xA030]  }
0x2a: {  	v3 =	vld [tilespmem:s28+$0xA040]  }
0x2b: {  	v2 =	vld [tilespmem:s28+$0xA050]  }
0x2c: {  	v1 =	vld [tilespmem:s28+$0xA060]  }
0x2d: {  	v0 =	vld [tilespmem:s28+$0xA070]  }
0x2e: {  	v12 =	vld [tilespmem:s28+$0x0]  }
0x2f: {  	v13 =	vld [tilespmem:s28+$0x10]  }
0x30: {  	v10 =	vld [tilespmem:s28+$0x20]  }
0x31: {  	v9 =	vld [tilespmem:s28+$0x30]  }
0x32: {  	v8 =	vld [tilespmem:s28+$0x40]  }
0x33: {  	v6 =	vld [tilespmem:s28+$0x50];
	v12 =	vadd.f32 v7, v12  }
0x34: {  	s29 =	simm.s32 $0x200;
	v11 =	vadd.f32 v11, v13;
	v7 =	vld [tilespmem:s28+$0x60]  }
.LBB2_2:
0x35: {  	s30 =	sshra.s32 s29, $0x2;
	p1 =	sne.s32 s29, $0x9E00;
	[tilespmem:s28+$0x0] =	vst v12;
	v5 =	vadd.f32 v5, v10;
	v10 =	vld [tilespmem:s28+$0x70]  }
0x36: {  	v12 =	vld [tilespmem:s30+$0xA000];
	[tilespmem:s28+$0x10] =	vst v11;
	v4 =	vadd.f32 v4, v9  }
0x37: {  	v11 =	vld [tilespmem:s30+$0xA010];
	[tilespmem:s28+$0x20] =	vst v5;
	v3 =	vadd.f32 v3, v8  }
0x38: {  	v5 =	vld [tilespmem:s30+$0xA020];
	[tilespmem:s28+$0x30] =	vst v4;
	v2 =	vadd.f32 v2, v6  }
0x39: {  	v4 =	vld [tilespmem:s30+$0xA030];
	[tilespmem:s28+$0x40] =	vst v3;
	v1 =	vadd.f32 v1, v7  }
0x3a: {  	v3 =	vld [tilespmem:s30+$0xA040];
	[tilespmem:s28+$0x50] =	vst v2;
	v0 =	vadd.f32 v0, v10  }
0x3b: {  	v2 =	vld [tilespmem:s30+$0xA050];
	[tilespmem:s28+$0x60] =	vst v1  }
0x3c: {  	v1 =	vld [tilespmem:s30+$0xA060];
	[tilespmem:s28+$0x70] =	vst v0;
	s28 =	smov.u32 s30  }
0x3d: {  	v0 =	vld [tilespmem:s28+$0xA070]  }
0x3e: {  	v6 =	vld [tilespmem:s28+$0x0]  }
0x3f: {  	v7 =	vld [tilespmem:s28+$0x10]  }
.Ltmp0:
0x40: {  	v10 =	vld [tilespmem:s28+$0x20];
	(pc) =	sbr.rel @p1 .LBB2_2-.Ltmp0, $4  }
0x41: {  	v9 =	vld [tilespmem:s28+$0x30]  }
0x42: {  	v8 =	vld [tilespmem:s28+$0x40]  }
0x43: {  	v12 =	vadd.f32 v12, v6;
	v6 =	vld [tilespmem:s28+$0x50]  }
0x44: {  	s29 =	sadd.s32 $0x200, s29;
	v11 =	vadd.f32 v11, v7;
	v7 =	vld [tilespmem:s28+$0x60]  }
0x45: {  	[tilespmem:s28+$0x0] =	vst v12;
	v5 =	vadd.f32 v5, v10;
	v10 =	vld [tilespmem:s28+$0x70]  }
0x46: {  	[tilespmem:s28+$0x10] =	vst v11;
	v4 =	vadd.f32 v4, v9  }
0x47: {  	[tilespmem:s28+$0x20] =	vst v5;
	v3 =	vadd.f32 v3, v8  }
0x48: {  	[tilespmem:s28+$0x30] =	vst v4;
	v2 =	vadd.f32 v2, v6  }
0x49: {  	[tilespmem:s28+$0x40] =	vst v3;
	v1 =	vadd.f32 v1, v7  }
0x4a: {  	[tilespmem:s28+$0x50] =	vst v2;
	v0 =	vadd.f32 v0, v10  }
0x4b: {  	[tilespmem:s28+$0x60] =	vst v1  }
0x4c: {  	[tilespmem:s28+$0x70] =	vst v0;
	s28 =	simm.s32 $0x0  }
0x4d: {  	[hbm4b:s11+s28] =	stream.linear.scatter [tilespmem:s28], [sflag:$0x3], $0x2800, $0x38;
	[tilespmem:$0x14000] =	vst v63  }
0x4e: {  	_ =	swait.ge [sflag:s23], $0x2800  }
0x4f: {  	[sflag:s23] =	ssyncset.done $0x0  }
0x50: {  	[sflag:s23] =	ssyncadd.s32 $0xFFFFD800  }
0x51: {  	_ =	swait.ge [sflag:s24], $0x2800  }
0x52: {  	[sflag:s24] =	ssyncset.done $0x0  }
0x53: {  	s28 =	simm.s32 $0x0;
	[sflag:s24] =	ssyncadd.s32 $0xFFFFD800  }
0x54: {  	v7 =	vld [tilespmem:s28+$0xC800]  }
0x55: {  	v11 =	vld [tilespmem:s28+$0xC810]  }
0x56: {  	v5 =	vld [tilespmem:s28+$0xC820]  }
0x57: {  	v4 =	vld [tilespmem:s28+$0xC830]  }
0x58: {  	v3 =	vld [tilespmem:s28+$0xC840]  }
0x59: {  	v2 =	vld [tilespmem:s28+$0xC850]  }
0x5a: {  	v1 =	vld [tilespmem:s28+$0xC860]  }
0x5b: {  	v0 =	vld [tilespmem:s28+$0xC870]  }
0x5c: {  	v12 =	vld [tilespmem:s28+$0x2800]  }
0x5d: {  	v13 =	vld [tilespmem:s28+$0x2810]  }
0x5e: {  	v10 =	vld [tilespmem:s28+$0x2820]  }
0x5f: {  	v9 =	vld [tilespmem:s28+$0x2830]  }
0x60: {  	v8 =	vld [tilespmem:s28+$0x2840]  }
0x61: {  	v6 =	vld [tilespmem:s28+$0x2850];
	v12 =	vadd.f32 v7, v12  }
0x62: {  	s29 =	simm.s32 $0x200;
	v11 =	vadd.f32 v11, v13;
	v7 =	vld [tilespmem:s28+$0x2860]  }
.LBB2_4:
0x63: {  	s30 =	sshra.s32 s29, $0x2;
	p1 =	sne.s32 s29, $0x9E00;
	[tilespmem:s28+$0x2800] =	vst v12;
	v5 =	vadd.f32 v5, v10;
	v10 =	vld [tilespmem:s28+$0x2870]  }
0x64: {  	v12 =	vld [tilespmem:s30+$0xC800];
	[tilespmem:s28+$0x2810] =	vst v11;
	v4 =	vadd.f32 v4, v9  }
0x65: {  	v11 =	vld [tilespmem:s30+$0xC810];
	[tilespmem:s28+$0x2820] =	vst v5;
	v3 =	vadd.f32 v3, v8  }
0x66: {  	v5 =	vld [tilespmem:s30+$0xC820];
	[tilespmem:s28+$0x2830] =	vst v4;
	v2 =	vadd.f32 v2, v6  }
0x67: {  	v4 =	vld [tilespmem:s30+$0xC830];
	[tilespmem:s28+$0x2840] =	vst v3;
	v1 =	vadd.f32 v1, v7  }
0x68: {  	v3 =	vld [tilespmem:s30+$0xC840];
	[tilespmem:s28+$0x2850] =	vst v2;
	v0 =	vadd.f32 v0, v10  }
0x69: {  	v2 =	vld [tilespmem:s30+$0xC850];
	[tilespmem:s28+$0x2860] =	vst v1  }
0x6a: {  	v1 =	vld [tilespmem:s30+$0xC860];
	[tilespmem:s28+$0x2870] =	vst v0;
	s28 =	smov.u32 s30  }
0x6b: {  	v0 =	vld [tilespmem:s28+$0xC870]  }
0x6c: {  	v6 =	vld [tilespmem:s28+$0x2800]  }
0x6d: {  	v7 =	vld [tilespmem:s28+$0x2810]  }
.Ltmp1:
0x6e: {  	v10 =	vld [tilespmem:s28+$0x2820];
	(pc) =	sbr.rel @p1 .LBB2_4-.Ltmp1, $4  }
0x6f: {  	v9 =	vld [tilespmem:s28+$0x2830]  }
0x70: {  	v8 =	vld [tilespmem:s28+$0x2840]  }
0x71: {  	v12 =	vadd.f32 v12, v6;
	v6 =	vld [tilespmem:s28+$0x2850]  }
0x72: {  	s29 =	sadd.s32 $0x200, s29;
	v11 =	vadd.f32 v11, v7;
	v7 =	vld [tilespmem:s28+$0x2860]  }
0x73: {  	[tilespmem:s28+$0x2800] =	vst v12;
	v5 =	vadd.f32 v5, v10;
	v10 =	vld [tilespmem:s28+$0x2870]  }
0x74: {  	[tilespmem:s28+$0x2810] =	vst v11;
	v4 =	vadd.f32 v4, v9  }
0x75: {  	[tilespmem:s28+$0x2820] =	vst v5;
	v3 =	vadd.f32 v3, v8  }
0x76: {  	[tilespmem:s28+$0x2830] =	vst v4;
	v2 =	vadd.f32 v2, v6  }
0x77: {  	[tilespmem:s28+$0x2840] =	vst v3;
	v1 =	vadd.f32 v1, v7  }
0x78: {  	[tilespmem:s28+$0x2850] =	vst v2;
	v0 =	vadd.f32 v0, v10  }
0x79: {  	[tilespmem:s28+$0x2860] =	vst v1  }
0x7a: {  	s29 =	simm.s32 @!p0 $0x2800;
	[tilespmem:s28+$0x2870] =	vst v0;
	s28 =	simm.s32 @!p0 $0x0  }
0x7b: {  	[hbm4b:s12+s28] =	stream.linear.scatter @!p0 [tilespmem:s29], [sflag:$0x3], $0x2800, $0x38;
	[tilespmem:$0x14000] =	vst v63  }
0x7c: {  	_ =	swait.ge [sflag:s23], $0x2800  }
0x7d: {  	[sflag:s23] =	ssyncset.done $0x0  }
0x7e: {  	[sflag:s23] =	ssyncadd.s32 $0xFFFFD800  }
0x7f: {  	_ =	swait.ge [sflag:s24], $0x2800  }
0x80: {  	[sflag:s24] =	ssyncset.done $0x0  }
0x81: {  	s28 =	simm.s32 $0x0;
	[sflag:s24] =	ssyncadd.s32 $0xFFFFD800  }
0x82: {  	v7 =	vld [tilespmem:s28+$0xF000]  }
0x83: {  	v11 =	vld [tilespmem:s28+$0xF010]  }
0x84: {  	v5 =	vld [tilespmem:s28+$0xF020]  }
0x85: {  	v4 =	vld [tilespmem:s28+$0xF030]  }
0x86: {  	v3 =	vld [tilespmem:s28+$0xF040]  }
0x87: {  	v2 =	vld [tilespmem:s28+$0xF050]  }
0x88: {  	v1 =	vld [tilespmem:s28+$0xF060]  }
0x89: {  	v0 =	vld [tilespmem:s28+$0xF070]  }
0x8a: {  	v12 =	vld [tilespmem:s28+$0x5000]  }
0x8b: {  	v13 =	vld [tilespmem:s28+$0x5010]  }
0x8c: {  	v10 =	vld [tilespmem:s28+$0x5020]  }
0x8d: {  	v9 =	vld [tilespmem:s28+$0x5030]  }
0x8e: {  	v8 =	vld [tilespmem:s28+$0x5040]  }
0x8f: {  	v6 =	vld [tilespmem:s28+$0x5050];
	v12 =	vadd.f32 v7, v12  }
0x90: {  	s29 =	simm.s32 $0x200;
	v11 =	vadd.f32 v11, v13;
	v7 =	vld [tilespmem:s28+$0x5060]  }
.LBB2_6:
0x91: {  	s30 =	sshra.s32 s29, $0x2;
	p1 =	sne.s32 s29, $0x9E00;
	[tilespmem:s28+$0x5000] =	vst v12;
	v5 =	vadd.f32 v5, v10;
	v10 =	vld [tilespmem:s28+$0x5070]  }
0x92: {  	v12 =	vld [tilespmem:s30+$0xF000];
	[tilespmem:s28+$0x5010] =	vst v11;
	v4 =	vadd.f32 v4, v9  }
0x93: {  	v11 =	vld [tilespmem:s30+$0xF010];
	[tilespmem:s28+$0x5020] =	vst v5;
	v3 =	vadd.f32 v3, v8  }
0x94: {  	v5 =	vld [tilespmem:s30+$0xF020];
	[tilespmem:s28+$0x5030] =	vst v4;
	v2 =	vadd.f32 v2, v6  }
0x95: {  	v4 =	vld [tilespmem:s30+$0xF030];
	[tilespmem:s28+$0x5040] =	vst v3;
	v1 =	vadd.f32 v1, v7  }
0x96: {  	v3 =	vld [tilespmem:s30+$0xF040];
	[tilespmem:s28+$0x5050] =	vst v2;
	v0 =	vadd.f32 v0, v10  }
0x97: {  	v2 =	vld [tilespmem:s30+$0xF050];
	[tilespmem:s28+$0x5060] =	vst v1  }
0x98: {  	v1 =	vld [tilespmem:s30+$0xF060];
	[tilespmem:s28+$0x5070] =	vst v0;
	s28 =	smov.u32 s30  }
0x99: {  	v0 =	vld [tilespmem:s28+$0xF070]  }
0x9a: {  	v6 =	vld [tilespmem:s28+$0x5000]  }
0x9b: {  	v7 =	vld [tilespmem:s28+$0x5010]  }
.Ltmp2:
0x9c: {  	v10 =	vld [tilespmem:s28+$0x5020];
	(pc) =	sbr.rel @p1 .LBB2_6-.Ltmp2, $4  }
0x9d: {  	v9 =	vld [tilespmem:s28+$0x5030]  }
0x9e: {  	v8 =	vld [tilespmem:s28+$0x5040]  }
0x9f: {  	v12 =	vadd.f32 v12, v6;
	v6 =	vld [tilespmem:s28+$0x5050]  }
0xa0: {  	s29 =	sadd.s32 $0x200, s29;
	v11 =	vadd.f32 v11, v7;
	v7 =	vld [tilespmem:s28+$0x5060]  }
0xa1: {  	[tilespmem:s28+$0x5000] =	vst v12;
	v5 =	vadd.f32 v5, v10;
	v10 =	vld [tilespmem:s28+$0x5070]  }
0xa2: {  	[tilespmem:s28+$0x5010] =	vst v11;
	v4 =	vadd.f32 v4, v9  }
0xa3: {  	[tilespmem:s28+$0x5020] =	vst v5;
	v3 =	vadd.f32 v3, v8  }
0xa4: {  	[tilespmem:s28+$0x5030] =	vst v4;
	v2 =	vadd.f32 v2, v6  }
0xa5: {  	[tilespmem:s28+$0x5040] =	vst v3;
	v1 =	vadd.f32 v1, v7  }
0xa6: {  	[tilespmem:s28+$0x5050] =	vst v2;
	v0 =	vadd.f32 v0, v10  }
0xa7: {  	[tilespmem:s28+$0x5060] =	vst v1  }
0xa8: {  	s29 =	simm.s32 @!p0 $0x5000;
	[tilespmem:s28+$0x5070] =	vst v0;
	s28 =	simm.s32 @!p0 $0x0  }
0xa9: {  	[hbm4b:s13+s28] =	stream.linear.scatter @!p0 [tilespmem:s29], [sflag:$0x3], $0x2800, $0x38;
	[tilespmem:$0x14000] =	vst v63  }
0xaa: {  	_ =	swait.ge [sflag:s23], $0x2800  }
0xab: {  	[sflag:s23] =	ssyncset.done $0x0  }
0xac: {  	[sflag:s23] =	ssyncadd.s32 $0xFFFFD800  }
0xad: {  	_ =	swait.ge [sflag:s24], $0x2800  }
0xae: {  	[sflag:s24] =	ssyncset.done $0x0  }
0xaf: {  	s28 =	simm.s32 $0x0;
	[sflag:s24] =	ssyncadd.s32 $0xFFFFD800  }
0xb0: {  	v7 =	vld [tilespmem:s28+$0x11800]  }
0xb1: {  	v11 =	vld [tilespmem:s28+$0x11810]  }
0xb2: {  	v5 =	vld [tilespmem:s28+$0x11820]  }
0xb3: {  	v4 =	vld [tilespmem:s28+$0x11830]  }
0xb4: {  	v3 =	vld [tilespmem:s28+$0x11840]  }
0xb5: {  	v2 =	vld [tilespmem:s28+$0x11850]  }
0xb6: {  	v1 =	vld [tilespmem:s28+$0x11860]  }
0xb7: {  	v0 =	vld [tilespmem:s28+$0x11870]  }
0xb8: {  	v12 =	vld [tilespmem:s28+$0x7800]  }
0xb9: {  	v13 =	vld [tilespmem:s28+$0x7810]  }
0xba: {  	v10 =	vld [tilespmem:s28+$0x7820]  }
0xbb: {  	v9 =	vld [tilespmem:s28+$0x7830]  }
0xbc: {  	v8 =	vld [tilespmem:s28+$0x7840]  }
0xbd: {  	v6 =	vld [tilespmem:s28+$0x7850];
	v12 =	vadd.f32 v7, v12  }
0xbe: {  	s29 =	simm.s32 $0x200;
	v11 =	vadd.f32 v11, v13;
	v7 =	vld [tilespmem:s28+$0x7860]  }
.LBB2_8:
0xbf: {  	s30 =	sshra.s32 s29, $0x2;
	p1 =	sne.s32 s29, $0x9E00;
	[tilespmem:s28+$0x7800] =	vst v12;
	v5 =	vadd.f32 v5, v10;
	v10 =	vld [tilespmem:s28+$0x7870]  }
0xc0: {  	v12 =	vld [tilespmem:s30+$0x11800];
	[tilespmem:s28+$0x7810] =	vst v11;
	v4 =	vadd.f32 v4, v9  }
0xc1: {  	v11 =	vld [tilespmem:s30+$0x11810];
	[tilespmem:s28+$0x7820] =	vst v5;
	v3 =	vadd.f32 v3, v8  }
0xc2: {  	v5 =	vld [tilespmem:s30+$0x11820];
	[tilespmem:s28+$0x7830] =	vst v4;
	v2 =	vadd.f32 v2, v6  }
0xc3: {  	v4 =	vld [tilespmem:s30+$0x11830];
	[tilespmem:s28+$0x7840] =	vst v3;
	v1 =	vadd.f32 v1, v7  }
0xc4: {  	v3 =	vld [tilespmem:s30+$0x11840];
	[tilespmem:s28+$0x7850] =	vst v2;
	v0 =	vadd.f32 v0, v10  }
0xc5: {  	v2 =	vld [tilespmem:s30+$0x11850];
	[tilespmem:s28+$0x7860] =	vst v1  }
0xc6: {  	v1 =	vld [tilespmem:s30+$0x11860];
	[tilespmem:s28+$0x7870] =	vst v0;
	s28 =	smov.u32 s30  }
0xc7: {  	v0 =	vld [tilespmem:s28+$0x11870]  }
0xc8: {  	v6 =	vld [tilespmem:s28+$0x7800]  }
0xc9: {  	v7 =	vld [tilespmem:s28+$0x7810]  }
.Ltmp3:
0xca: {  	v10 =	vld [tilespmem:s28+$0x7820];
	(pc) =	sbr.rel @p1 .LBB2_8-.Ltmp3, $4  }
0xcb: {  	v9 =	vld [tilespmem:s28+$0x7830]  }
0xcc: {  	v8 =	vld [tilespmem:s28+$0x7840]  }
0xcd: {  	v12 =	vadd.f32 v12, v6;
	v6 =	vld [tilespmem:s28+$0x7850]  }
0xce: {  	s29 =	sadd.s32 $0x200, s29;
	v11 =	vadd.f32 v11, v7;
	v7 =	vld [tilespmem:s28+$0x7860]  }
0xcf: {  	[tilespmem:s28+$0x7800] =	vst v12;
	v5 =	vadd.f32 v5, v10;
	v63 =	vld [tilespmem:s28+$0x7870]  }
0xd0: {  	[tilespmem:s28+$0x7810] =	vst v11;
	v4 =	vadd.f32 v4, v9  }
0xd1: {  	[tilespmem:s28+$0x7820] =	vst v5;
	v3 =	vadd.f32 v3, v8  }
0xd2: {  	[tilespmem:s28+$0x7830] =	vst v4;
	v2 =	vadd.f32 v2, v6  }
0xd3: {  	[tilespmem:s28+$0x7840] =	vst v3;
	v1 =	vadd.f32 v1, v7  }
0xd4: {  	[tilespmem:s28+$0x7850] =	vst v2;
	v0 =	vadd.f32 v0, v63  }
0xd5: {  	[tilespmem:s28+$0x7860] =	vst v1  }
0xd6: {  	s29 =	simm.s32 @!p0 $0x7800;
	[tilespmem:s28+$0x7870] =	vst v0;
	s28 =	simm.s32 @!p0 $0x0  }
0xd7: {  	[hbm4b:s14+s28] =	stream.linear.scatter @!p0 [tilespmem:s29], [sflag:$0x3], $0x2800, $0x38;
	[tilespmem:$0x14000] =	vst v63  }
0xd8: {  	s28 =	simm.s32 @!p0 $0x3  }
0xd9: {  	_ =	swait.ge @!p0 [sflag:s28], $0x2800  }
0xda: {  	[sflag:s28] =	ssyncset.done @!p0 $0x0  }
0xdb: {  	[sflag:s28] =	ssyncadd.s32 @!p0 $0xFFFFD800  }
0xdc: {  	_ =	swait.ge @!p0 [sflag:s28], $0x2800  }
0xdd: {  	[sflag:s28] =	ssyncset.done @!p0 $0x0  }
0xde: {  	s26 =	sadd.s32 $0x1, s26;
	[sflag:s28] =	ssyncadd.s32 @!p0 $0xFFFFD800  }
0xdf: {  	p1 =	sne.s32 s26, s15;
	_ =	swait.ge @!p0 [sflag:s28], $0x2800  }
.Ltmp4:
0xe0: {  	[sflag:s28] =	ssyncset.done @!p0 $0x0;
	(pc) =	sbr.rel @p1 .LBB2_1-.Ltmp4, $4  }
0xe1: {  	[sflag:s28] =	ssyncadd.s32 @!p0 $0xFFFFD800  }
0xe2: {  	_ =	swait.ge [sflag:s25], $0x2800  }
0xe3: {  	[sflag:s25] =	ssyncset.done $0x0  }
0xe4: {  	[sflag:s25] =	ssyncadd.s32 $0xFFFFD800  }
0xe5: {  	_ =	sfence.sel $0x180000  }
0xe6: {  	[bflag:$0x0] =	sbarrier.arrive $0xFFFF  }
0xe7: {  	p0 =	sne.s32 s0, $0x0;
	_ =	strace $0x9000004A  }
0xe8: {  	s0 =	sadd.s32 @!p0 $0x100000, s1;
	[bflag:$0x2] =	sbarrier.arrive $0xFFFF  }
0xe9: {  	[sflag:s0] =	ssyncadd.tile.s32 @!p0 $0x1;
	_ =	shalt  }
.Lfunc_end2:
_tile_overlayer_lowered:
.L_overlay_start_2:
0xea: {  	(tag) =	ssettag $0x2  }
0xeb: {  	s0 =	rddreg [dreg:$0x0];
	s2 =	stileid.u32  }
0xec: {  	s1 =	rddreg [dreg:$0x1];
	p0 =	sne.s32 s2, $0x0  }
0xed: {  	s3 =	rddreg [dreg:$0x2];
	[bflag:$0x3] =	sbarrier.arrive $0xFFFF;
	s2 =	simm.s32 @!p0 $0x1C04  }
0xee: {  	[timem:s3], [sflag:s2] =	dma.local @!p0 [hbm:s0], s1  }
0xef: {  	s0 =	simm.s32 @!p0 $0x4  }
0xf0: {  	_ =	swait.ge @!p0 [sflag:s0], s1  }
0xf1: {  	s1 =	ssub.s32 @!p0 $0x0, s1;
	[sflag:s0] =	ssyncset.done @!p0 $0x0  }
0xf2: {  	[sflag:s0] =	ssyncadd.s32 @!p0 s1  }
0xf3: {  	[bflag:$0x3] =	sbarrier.arrive $0xFFFF  }
0xf4: {  	_ =	shalt  }

</sc_bundles>
